<compile_context>
chip_gen: v7x
topology: tpu7x:2x2x1
jax: 0.10.2.dev20260603
libtpu: 0.0.44.dev20260713+nightly
codegen_flags: <defaults>
</compile_context>

<pallas_src>
import dataclasses
import math

import jax
import jax.numpy as jnp
from jax import lax
from jax.experimental import pallas as pl
from jax.experimental.pallas import tpu as pltpu
from jax.experimental.pallas import tpu_sc as plsc

B = 4096
L = 200
D = 32
V = 1000000
N = B * L
SCALE = math.sqrt(D)

NW = 32
NG1 = 7812 // 4
VTAIL = V - 7812 * 128
K1_ITERS = 62
NG2 = (L * B // 128) // NW // 4

_mesh = plsc.VectorSubcoreMesh(core_axis_name="core", subcore_axis_name="subcore")


def _cp(**kw):
    cp = pltpu.CompilerParams(**kw)
    if "needs_layout_passes" in pltpu.CompilerParams.__dataclass_fields__:
        cp = dataclasses.replace(cp, needs_layout_passes=False)
    return cp


def _widx(c):
    return c + jnp.zeros((16,), jnp.int32)


def _sc_relayout(tabT, tail_rows):

    @pl.kernel(
        out_type=jax.ShapeDtypeStruct((V * D,), jnp.float32),
        mesh=_mesh,
        compiler_params=_cp(use_tc_tiling_on_sc=True),
        scratch_types=[
            pltpu.VMEM((32, 513), jnp.float32),
            pltpu.VMEM((32, 513), jnp.float32),
            pltpu.VMEM((128 * 128,), jnp.float32),
            pltpu.VMEM((128 * 128,), jnp.float32),
            pltpu.SemaphoreType.DMA((2,)),
            pltpu.SemaphoreType.DMA((2,)),
        ],
    )
    def k1(tabT_hbm, tail_hbm, s_hbm, in_v0, in_v1, s_v0, s_v1, isem, wsem):
        in_v = (in_v0, in_v1)
        s_v = (s_v0, s_v1)
        wid = lax.axis_index("subcore") * 2 + lax.axis_index("core")
        ii = lax.iota(jnp.int32, 16)
        rvec = (ii, 16 + ii)

        def start_in(kk, slot):
            @pl.when(wid + 32 * kk < NG1)
            def _():
                g = wid + 32 * kk
                pltpu.make_async_copy(
                    tabT_hbm.at[:, pl.ds(512 * g, 512)],
                    in_v[slot].at[:, pl.ds(0, 512)],
                    isem.at[slot],
                ).start()

        def wait_in(kk, slot):
            @pl.when(wid + 32 * kk < NG1)
            def _():
                g = wid + 32 * kk
                pltpu.make_async_copy(
                    tabT_hbm.at[:, pl.ds(512 * g, 512)],
                    in_v[slot].at[:, pl.ds(0, 512)],
                    isem.at[slot],
                ).wait()

        def start_write(kk, slot):
            @pl.when(wid + 32 * kk < NG1)
            def _():
                g = wid + 32 * kk
                pltpu.make_async_copy(
                    s_v[slot],
                    s_hbm.at[pl.ds((128 * 128) * g, 128 * 128)],
                    wsem.at[slot],
                ).start()

        def wait_write(kk, slot):
            @pl.when((kk >= 0) & (wid + 32 * kk < NG1))
            def _():
                g = wid + 32 * kk
                pltpu.make_async_copy(
                    s_v[slot],
                    s_hbm.at[pl.ds((128 * 128) * g, 128 * 128)],
                    wsem.at[slot],
                ).wait()

        def compute(kk, slot):
            @pl.when(wid + 32 * kk < NG1)
            def _():
                @plsc.parallel_loop(0, 512, unroll=4)
                def _(q):
                    cvec = _widx(q)
                    for h in range(2):
                        val = plsc.load_gather(in_v[slot], [rvec[h], cvec])
                        s_v[slot][pl.ds(32 * q + 16 * h, 16)] = val

        start_in(0, 0)
        start_in(1, 1)

        @pl.loop(0, K1_ITERS // 2)
        def _(i):
            kk = 2 * i
            for par in range(2):
                k = kk + par
                slot = par
                wait_in(k, slot)
                wait_write(k - 2, slot)
                compute(k, slot)
                start_in(k + 2, slot)
                start_write(k, slot)

        wait_write(K1_ITERS - 2, 0)
        wait_write(K1_ITERS - 1, 1)

        @pl.when(wid == 31)
        def _():
            pltpu.async_copy(
                tail_hbm, s_v0.at[pl.ds(0, VTAIL * D)], isem.at[0]
            ).wait()
            pltpu.async_copy(
                s_v0.at[pl.ds(0, VTAIL * D)],
                s_hbm.at[pl.ds(7812 * 128 * D, VTAIL * D)],
                isem.at[0],
            ).wait()

    return k1(tabT, tail_rows)


def _sc_gather(tab_lin, xv):

    @pl.kernel(
        out_type=jax.ShapeDtypeStruct((L, 4, 32, 8, 128), jnp.float32),
        mesh=_mesh,
        compiler_params=_cp(use_tc_tiling_on_sc=False),
        scratch_types=[
            pltpu.VMEM((4 * NG2, 1, 128), jnp.int32),
            pltpu.VMEM((512, 32), jnp.float32),
            pltpu.VMEM((512, 32), jnp.float32),
            pltpu.VMEM((4, 4, 8, 129), jnp.float32),
            pltpu.VMEM((4, 4, 8, 129), jnp.float32),
            pltpu.SemaphoreType.DMA,
            pltpu.SemaphoreType.DMA((2,)),
            pltpu.SemaphoreType.DMA((2,)),
        ],
    )
    def k2(tab_hbm, xv_hbm, o_hbm, idx_all, rows_v0, rows_v1, obuf0, obuf1, xsem, gsem, wsem):
        rows_v = (rows_v0, rows_v1)
        obuf = (obuf0, obuf1)
        wid = lax.axis_index("subcore") * 2 + lax.axis_index("core")
        ii = lax.iota(jnp.int32, 16)
        dtv = [(16 * h + ii) >> 3 for h in (0, 1)]
        div = [(16 * h + ii) & 7 for h in (0, 1)]

        @pl.loop(0, NG2)
        def _(gr):
            t0 = 200 * wid + 4 * gr
            pltpu.make_async_copy(
                xv_hbm.at[t0 // 256, pl.ds(t0 % 32, 4), pl.ds((t0 // 32) % 8, 1), :],
                idx_all.at[pl.ds(4 * gr, 4)],
                xsem,
            ).start()

        @pl.loop(0, NG2)
        def _(gr):
            t0 = 200 * wid + 4 * gr
            pltpu.make_async_copy(
                xv_hbm.at[t0 // 256, pl.ds(t0 % 32, 4), pl.ds((t0 // 32) % 8, 1), :],
                idx_all.at[pl.ds(4 * gr, 4)],
                xsem,
            ).wait()

        def start_gathers(g, slot):
            @pl.when(g < NG2)
            def _():
                for j in range(4):
                    pltpu.make_async_copy(
                        tab_hbm.at[idx_all.at[4 * g + j, 0]],
                        rows_v[slot].at[pl.ds(128 * j, 128), :],
                        gsem.at[slot],
                    ).start()

        def wait_gathers(g, slot):
            @pl.when(g < NG2)
            def _():
                for j in range(4):
                    pltpu.make_async_copy(
                        tab_hbm.at[idx_all.at[4 * g + j, 0]],
                        rows_v[slot].at[pl.ds(128 * j, 128), :],
                        gsem.at[slot],
                    ).wait()

        def start_writes(g, slot):
            @pl.when(g < NG2)
            def _():
                t0 = 200 * wid + 4 * g
                for dt in range(4):
                    pltpu.make_async_copy(
                        obuf[slot].at[:, dt, :, pl.ds(0, 128)],
                        o_hbm.at[t0 // 32, dt, pl.ds(t0 % 32, 4)],
                        wsem.at[slot],
                    ).start()

        def wait_writes(g, slot):
            @pl.when((g >= 0) & (g < NG2))
            def _():
                t0 = 200 * wid + 4 * g
                for dt in range(4):
                    pltpu.make_async_copy(
                        obuf[slot].at[:, dt, :, pl.ds(0, 128)],
                        o_hbm.at[t0 // 32, dt, pl.ds(t0 % 32, 4)],
                        wsem.at[slot],
                    ).wait()

        def compute(g, slot):
            @pl.when(g < NG2)
            def _():
                @plsc.parallel_loop(0, 512, unroll=4)
                def _(r):
                    bvec = _widx(r >> 7)
                    bjv = _widx(r & 127)
                    for h in (0, 1):
                        val = rows_v[slot][r, pl.ds(16 * h, 16)] * SCALE
                        plsc.store_scatter(
                            obuf[slot], [bvec, dtv[h], div[h], bjv], val
                        )

        start_gathers(0, 0)
        start_gathers(1, 1)

        @pl.loop(0, NG2 // 2)
        def _(i):
            g0 = 2 * i
            for par in range(2):
                g = g0 + par
                slot = par
                wait_gathers(g, slot)
                wait_writes(g - 2, slot)
                compute(g, slot)
                start_gathers(g + 2, slot)
                start_writes(g, slot)

        wait_writes(NG2 - 2, 0)
        wait_writes(NG2 - 1, 1)

    return k2(tab_lin, xv)


@jax.jit
def kernel(x, table):
    tabT = table.T
    tail_rows = table[7812 * 128:, :].reshape(VTAIL * D)
    s = _sc_relayout(tabT, tail_rows)
    tab_lin = s.reshape(V, D)
    xv = x.T.reshape(L // 8, 8, B // 128, 128).swapaxes(1, 2).astype(jnp.int32)
    o = _sc_gather(tab_lin, xv)
    return o.transpose(0, 2, 4, 1, 3).reshape(L, B, D)

# --- scband reference (transcript-rebuilt; emitter-appended) ---
"""Pipeline reference for scband-transformer-embedding-89867895701652 (READ-ONLY COPY).

The authoritative reference and input builder live on the scoring server;
editing this copy changes nothing except your own understanding.
"""

import jax, jax.numpy as jnp
import numpy as np
import math

N_TOKENS = 1000000
EMBED_DIM = 32

def setup_inputs(seed: int = 0) -> dict:
    key = jax.random.key(seed)
    k1, k2 = jax.random.split(key)
    x = jax.random.randint(k1, (4096, 200), 0, N_TOKENS, dtype=jnp.int64 if jax.config.jax_enable_x64 else jnp.int32)
    table = jax.random.normal(k2, (N_TOKENS, EMBED_DIM), dtype=jnp.float32)
    return {"x": x, "table": table}

def reference(x, table):
    # nn.Embedding lookup
    embedded = jnp.take(table, x, axis=0)  # [B, L, D]
    # scale_embeddings_realtime = True (scale_embeddings and not scale_embeddings_at_init)
    embedded = embedded * math.sqrt(EMBED_DIM)
    # transpose(0, 1) -> [L, B, D]
    return jnp.transpose(embedded, (1, 0, 2))

if __name__ == "__main__":
    import jax
    _d = setup_inputs()
    print(jax.jit(kernel)(*tuple(_d.values())))

</pallas_src>

<mosaic_0001>
#map = affine_map<(d0, d1) -> (0, 0)>
#map1 = affine_map<(d0, d1) -> (0, 0, 0, 0)>
#map2 = affine_map<(d0, d1) -> (0, 0, 0, 0, 0)>
module attributes {stable_mosaic.version = 14 : i64} {
  func.func @k2(%arg0: i32, %arg1: i32, %arg2: memref<1000000x32xf32, #tpu.memory_space<hbm>>, %arg3: memref<25x32x8x128xi32, #tpu.memory_space<hbm>>, %arg4: memref<200x4x32x8x128xf32, #tpu.memory_space<hbm>>, %arg5: memref<200x1x128xi32, #tpu.memory_space<vmem>>, %arg6: memref<512x32xf32, #tpu.memory_space<vmem>>, %arg7: memref<512x32xf32, #tpu.memory_space<vmem>>, %arg8: memref<4x4x8x129xf32, #tpu.memory_space<vmem>>, %arg9: memref<4x4x8x129xf32, #tpu.memory_space<vmem>>, %arg10: memref<!tpu.dma_semaphore, #tpu.memory_space<semaphore_mem>>, %arg11: memref<2x!tpu.dma_semaphore, #tpu.memory_space<semaphore_mem>>, %arg12: memref<2x!tpu.dma_semaphore, #tpu.memory_space<semaphore_mem>>) attributes {dimension_semantics = [#tpu.dimension_semantics<core_parallel>, #tpu.dimension_semantics<subcore_parallel>], iteration_bounds = array<i64: 2, 16>, scalar_prefetch = 0 : i64, scratch_operands = 8 : i64, tpu.core_type = #tpu.core_type<sc_vector_subcore>, window_params = [{transform_indices = #map}, {transform_indices = #map1}, {transform_indices = #map2}]} {
    %mul3A = arith.constant 2 : i32
    %mul3A_0 = arith.muli %arg1, %mul3A : i32
    %add3A = arith.addi %mul3A_0, %arg0 : i32
    %iota3A = tpu.iota {dimensions = array<i32: 0>} : vector<16xi32>
    %add3A_1 = arith.constant 0 : i32
    %add3A_2 = vector.broadcast %add3A_1 : i32 to vector<16xi32>
    %add3A_3 = arith.addi %add3A_2, %iota3A : vector<16xi32>
    %shift_right_arithmetic3A = arith.constant 3 : i32
    %shift_right_arithmetic3A_4 = vector.broadcast %shift_right_arithmetic3A : i32 to vector<16xi32>
    %shift_right_arithmetic3A_5 = arith.shrsi %add3A_3, %shift_right_arithmetic3A_4 : vector<16xi32>
    %add3A_6 = arith.constant 16 : i32
    %add3A_7 = vector.broadcast %add3A_6 : i32 to vector<16xi32>
    %add3A_8 = arith.addi %add3A_7, %iota3A : vector<16xi32>
    %shift_right_arithmetic3A_9 = arith.constant 3 : i32
    %shift_right_arithmetic3A_10 = vector.broadcast %shift_right_arithmetic3A_9 : i32 to vector<16xi32>
    %shift_right_arithmetic3A_11 = arith.shrsi %add3A_8, %shift_right_arithmetic3A_10 : vector<16xi32>
    %add3A_12 = arith.constant 0 : i32
    %add3A_13 = vector.broadcast %add3A_12 : i32 to vector<16xi32>
    %add3A_14 = arith.addi %add3A_13, %iota3A : vector<16xi32>
    %and3A = arith.constant 7 : i32
    %and3A_15 = vector.broadcast %and3A : i32 to vector<16xi32>
    %and3A_16 = arith.andi %add3A_14, %and3A_15 : vector<16xi32>
    %add3A_17 = arith.constant 16 : i32
    %add3A_18 = vector.broadcast %add3A_17 : i32 to vector<16xi32>
    %add3A_19 = arith.addi %add3A_18, %iota3A : vector<16xi32>
    %and3A_20 = arith.constant 7 : i32
    %and3A_21 = vector.broadcast %and3A_20 : i32 to vector<16xi32>
    %and3A_22 = arith.andi %add3A_19, %and3A_21 : vector<16xi32>
    %scan3A = arith.constant 0 : i32
    %scan3A_23 = arith.constant 50 : i32
    %scan3A_24 = arith.addi %scan3A, %scan3A_23 : i32
    %scan3A_25 = arith.constant 1 : i32
    scf.for %scan3A_650 = %scan3A to %scan3A_24 step %scan3A_25  : i32 {
      %mul3A_651 = arith.constant 1 : i32
      %mul3A_652 = arith.muli %scan3A_650, %mul3A_651 : i32
      %add3A_653 = arith.constant 0 : i32
      %add3A_654 = arith.addi %add3A_653, %mul3A_652 : i32
      %mul3A_655 = arith.constant 200 : i32
      %mul3A_656 = arith.muli %mul3A_655, %add3A : i32
      %mul3A_657 = arith.constant 4 : i32
      %mul3A_658 = arith.muli %mul3A_657, %add3A_654 : i32
      %add3A_659 = arith.addi %mul3A_656, %mul3A_658 : i32
      %jit3A_660 = arith.constant 256 : i32
      %div3A_661 = arith.divsi %add3A_659, %jit3A_660 : i32
      %sign3A_662 = arith.constant 0 : i32
      %sign3A_663 = arith.cmpi sgt, %add3A_659, %sign3A_662 : i32
      %sign3A_664 = arith.extui %sign3A_663 : i1 to i32
      %sign3A_665 = arith.constant 0 : i32
      %sign3A_666 = arith.cmpi slt, %add3A_659, %sign3A_665 : i32
      %sign3A_667 = arith.extui %sign3A_666 : i1 to i32
      %sign3A_668 = arith.subi %sign3A_664, %sign3A_667 : i32
      %sign3A_669 = arith.constant 0 : i32
      %sign3A_670 = arith.cmpi sgt, %jit3A_660, %sign3A_669 : i32
      %sign3A_671 = arith.extui %sign3A_670 : i1 to i32
      %sign3A_672 = arith.constant 0 : i32
      %sign3A_673 = arith.cmpi slt, %jit3A_660, %sign3A_672 : i32
      %sign3A_674 = arith.extui %sign3A_673 : i1 to i32
      %sign3A_675 = arith.subi %sign3A_671, %sign3A_674 : i32
      %ne3A_676 = arith.cmpi ne, %sign3A_668, %sign3A_675 : i32
      %rem3A_677 = arith.remsi %add3A_659, %jit3A_660 : i32
      %ne3A_678 = arith.constant 0 : i32
      %ne3A_679 = arith.cmpi ne, %rem3A_677, %ne3A_678 : i32
      %and3A_680 = arith.andi %ne3A_676, %ne3A_679 : i1
      %sub3A_681 = arith.constant 1 : i32
      %sub3A_682 = arith.subi %div3A_661, %sub3A_681 : i32
      %select_n3A_683 = arith.select %and3A_680, %sub3A_682, %div3A_661 : i32
      %jit3A_684 = arith.constant 32 : i32
      %eq3A_685 = arith.constant 0 : i32
      %eq3A_686 = arith.cmpi eq, %jit3A_684, %eq3A_685 : i32
      %jit3A_687 = arith.constant 1 : i32
      %select_n3A_688 = arith.select %eq3A_686, %jit3A_687, %jit3A_684 : i32
      %rem3A_689 = arith.remsi %add3A_659, %select_n3A_688 : i32
      %ne3A_690 = arith.constant 0 : i32
      %ne3A_691 = arith.cmpi ne, %rem3A_689, %ne3A_690 : i32
      %lt3A_692 = arith.constant 0 : i32
      %lt3A_693 = arith.cmpi slt, %rem3A_689, %lt3A_692 : i32
      %lt3A_694 = arith.constant 0 : i32
      %lt3A_695 = arith.cmpi slt, %select_n3A_688, %lt3A_694 : i32
      %ne3A_696 = arith.xori %lt3A_693, %lt3A_695 : i1
      %and3A_697 = arith.andi %ne3A_696, %ne3A_691 : i1
      %add3A_698 = arith.addi %rem3A_689, %select_n3A_688 : i32
      %select_n3A_699 = arith.select %and3A_697, %add3A_698, %rem3A_689 : i32
      %jit3A_700 = arith.constant 32 : i32
      %div3A_701 = arith.divsi %add3A_659, %jit3A_700 : i32
      %sign3A_702 = arith.constant 0 : i32
      %sign3A_703 = arith.cmpi sgt, %add3A_659, %sign3A_702 : i32
      %sign3A_704 = arith.extui %sign3A_703 : i1 to i32
      %sign3A_705 = arith.constant 0 : i32
      %sign3A_706 = arith.cmpi slt, %add3A_659, %sign3A_705 : i32
      %sign3A_707 = arith.extui %sign3A_706 : i1 to i32
      %sign3A_708 = arith.subi %sign3A_704, %sign3A_707 : i32
      %sign3A_709 = arith.constant 0 : i32
      %sign3A_710 = arith.cmpi sgt, %jit3A_700, %sign3A_709 : i32
      %sign3A_711 = arith.extui %sign3A_710 : i1 to i32
      %sign3A_712 = arith.constant 0 : i32
      %sign3A_713 = arith.cmpi slt, %jit3A_700, %sign3A_712 : i32
      %sign3A_714 = arith.extui %sign3A_713 : i1 to i32
      %sign3A_715 = arith.subi %sign3A_711, %sign3A_714 : i32
      %ne3A_716 = arith.cmpi ne, %sign3A_708, %sign3A_715 : i32
      %rem3A_717 = arith.remsi %add3A_659, %jit3A_700 : i32
      %ne3A_718 = arith.constant 0 : i32
      %ne3A_719 = arith.cmpi ne, %rem3A_717, %ne3A_718 : i32
      %and3A_720 = arith.andi %ne3A_716, %ne3A_719 : i1
      %sub3A_721 = arith.constant 1 : i32
      %sub3A_722 = arith.subi %div3A_701, %sub3A_721 : i32
      %select_n3A_723 = arith.select %and3A_720, %sub3A_722, %div3A_701 : i32
      %jit3A_724 = arith.constant 8 : i32
      %eq3A_725 = arith.constant 0 : i32
      %eq3A_726 = arith.cmpi eq, %jit3A_724, %eq3A_725 : i32
      %jit3A_727 = arith.constant 1 : i32
      %select_n3A_728 = arith.select %eq3A_726, %jit3A_727, %jit3A_724 : i32
      %rem3A_729 = arith.remsi %select_n3A_723, %select_n3A_728 : i32
      %ne3A_730 = arith.constant 0 : i32
      %ne3A_731 = arith.cmpi ne, %rem3A_729, %ne3A_730 : i32
      %lt3A_732 = arith.constant 0 : i32
      %lt3A_733 = arith.cmpi slt, %rem3A_729, %lt3A_732 : i32
      %lt3A_734 = arith.constant 0 : i32
      %lt3A_735 = arith.cmpi slt, %select_n3A_728, %lt3A_734 : i32
      %ne3A_736 = arith.xori %lt3A_733, %lt3A_735 : i1
      %and3A_737 = arith.andi %ne3A_736, %ne3A_731 : i1
      %add3A_738 = arith.addi %rem3A_729, %select_n3A_728 : i32
      %select_n3A_739 = arith.select %and3A_737, %add3A_738, %rem3A_729 : i32
      %mul3A_740 = arith.constant 4 : i32
      %mul3A_741 = arith.muli %mul3A_740, %add3A_654 : i32
      %dma_start3A_742 = arith.constant 0 : i32
      %dma_start3A_743 = arith.constant 0 : i32
      %dma_start3A_744 = tpu.memref_slice %arg5[%mul3A_741, %dma_start3A_742, %dma_start3A_743] : memref<200x1x128xi32, #tpu.memory_space<vmem>> -> memref<4x1x128xi32, #tpu.memory_space<vmem>>
      %dma_start3A_745 = arith.constant 0 : i32
      %dma_start3A_746 = tpu.memref_slice %arg3[%select_n3A_683, %select_n3A_699, %select_n3A_739, %dma_start3A_745] : memref<25x32x8x128xi32, #tpu.memory_space<hbm>> -> memref<1x4x1x128xi32, #tpu.memory_space<hbm>>
      %dma_start3A_747 = tpu.memref_squeeze %dma_start3A_746 : memref<1x4x1x128xi32, #tpu.memory_space<hbm>> -> memref<4x1x128xi32, #tpu.memory_space<hbm>>
      %dma_start3A_748 = arith.constant 0 : i32
      %dma_start3A_749 = arith.constant 0 : i32
      %dma_start3A_750 = tpu.memref_slice %arg5[%mul3A_741, %dma_start3A_748, %dma_start3A_749] : memref<200x1x128xi32, #tpu.memory_space<vmem>> -> memref<4x1x128xi32, #tpu.memory_space<vmem>>
      %dma_start3A_751 = arith.constant 0 : i32
      %dma_start3A_752 = tpu.memref_slice %arg3[%select_n3A_683, %select_n3A_699, %select_n3A_739, %dma_start3A_751] : memref<25x32x8x128xi32, #tpu.memory_space<hbm>> -> memref<1x4x1x128xi32, #tpu.memory_space<hbm>>
      %dma_start3A_753 = tpu.memref_squeeze %dma_start3A_752 : memref<1x4x1x128xi32, #tpu.memory_space<hbm>> -> memref<4x1x128xi32, #tpu.memory_space<hbm>>
      tpu.enqueue_dma source(%dma_start3A_753 : memref<4x1x128xi32, #tpu.memory_space<hbm>>) target(%dma_start3A_750 : memref<4x1x128xi32, #tpu.memory_space<vmem>>) target_semaphore(%arg10 : memref<!tpu.dma_semaphore, #tpu.memory_space<semaphore_mem>>)
    }
    %scan3A_26 = arith.constant 50 : i32
    %scan3A_27 = arith.constant 0 : i32
    %scan3A_28 = arith.constant 50 : i32
    %scan3A_29 = arith.addi %scan3A_27, %scan3A_28 : i32
    %scan3A_30 = arith.constant 1 : i32
    scf.for %scan3A_650 = %scan3A_27 to %scan3A_29 step %scan3A_30  : i32 {
      %mul3A_651 = arith.constant 1 : i32
      %mul3A_652 = arith.muli %scan3A_650, %mul3A_651 : i32
      %add3A_653 = arith.constant 0 : i32
      %add3A_654 = arith.addi %add3A_653, %mul3A_652 : i32
      %mul3A_655 = arith.constant 200 : i32
      %mul3A_656 = arith.muli %mul3A_655, %add3A : i32
      %mul3A_657 = arith.constant 4 : i32
      %mul3A_658 = arith.muli %mul3A_657, %add3A_654 : i32
      %add3A_659 = arith.addi %mul3A_656, %mul3A_658 : i32
      %jit3A_660 = arith.constant 256 : i32
      %div3A_661 = arith.divsi %add3A_659, %jit3A_660 : i32
      %sign3A_662 = arith.constant 0 : i32
      %sign3A_663 = arith.cmpi sgt, %add3A_659, %sign3A_662 : i32
      %sign3A_664 = arith.extui %sign3A_663 : i1 to i32
      %sign3A_665 = arith.constant 0 : i32
      %sign3A_666 = arith.cmpi slt, %add3A_659, %sign3A_665 : i32
      %sign3A_667 = arith.extui %sign3A_666 : i1 to i32
      %sign3A_668 = arith.subi %sign3A_664, %sign3A_667 : i32
      %sign3A_669 = arith.constant 0 : i32
      %sign3A_670 = arith.cmpi sgt, %jit3A_660, %sign3A_669 : i32
      %sign3A_671 = arith.extui %sign3A_670 : i1 to i32
      %sign3A_672 = arith.constant 0 : i32
      %sign3A_673 = arith.cmpi slt, %jit3A_660, %sign3A_672 : i32
      %sign3A_674 = arith.extui %sign3A_673 : i1 to i32
      %sign3A_675 = arith.subi %sign3A_671, %sign3A_674 : i32
      %ne3A_676 = arith.cmpi ne, %sign3A_668, %sign3A_675 : i32
      %rem3A_677 = arith.remsi %add3A_659, %jit3A_660 : i32
      %ne3A_678 = arith.constant 0 : i32
      %ne3A_679 = arith.cmpi ne, %rem3A_677, %ne3A_678 : i32
      %and3A_680 = arith.andi %ne3A_676, %ne3A_679 : i1
      %sub3A_681 = arith.constant 1 : i32
      %sub3A_682 = arith.subi %div3A_661, %sub3A_681 : i32
      %select_n3A_683 = arith.select %and3A_680, %sub3A_682, %div3A_661 : i32
      %jit3A_684 = arith.constant 32 : i32
      %eq3A_685 = arith.constant 0 : i32
      %eq3A_686 = arith.cmpi eq, %jit3A_684, %eq3A_685 : i32
      %jit3A_687 = arith.constant 1 : i32
      %select_n3A_688 = arith.select %eq3A_686, %jit3A_687, %jit3A_684 : i32
      %rem3A_689 = arith.remsi %add3A_659, %select_n3A_688 : i32
      %ne3A_690 = arith.constant 0 : i32
      %ne3A_691 = arith.cmpi ne, %rem3A_689, %ne3A_690 : i32
      %lt3A_692 = arith.constant 0 : i32
      %lt3A_693 = arith.cmpi slt, %rem3A_689, %lt3A_692 : i32
      %lt3A_694 = arith.constant 0 : i32
      %lt3A_695 = arith.cmpi slt, %select_n3A_688, %lt3A_694 : i32
      %ne3A_696 = arith.xori %lt3A_693, %lt3A_695 : i1
      %and3A_697 = arith.andi %ne3A_696, %ne3A_691 : i1
      %add3A_698 = arith.addi %rem3A_689, %select_n3A_688 : i32
      %select_n3A_699 = arith.select %and3A_697, %add3A_698, %rem3A_689 : i32
      %jit3A_700 = arith.constant 32 : i32
      %div3A_701 = arith.divsi %add3A_659, %jit3A_700 : i32
      %sign3A_702 = arith.constant 0 : i32
      %sign3A_703 = arith.cmpi sgt, %add3A_659, %sign3A_702 : i32
      %sign3A_704 = arith.extui %sign3A_703 : i1 to i32
      %sign3A_705 = arith.constant 0 : i32
      %sign3A_706 = arith.cmpi slt, %add3A_659, %sign3A_705 : i32
      %sign3A_707 = arith.extui %sign3A_706 : i1 to i32
      %sign3A_708 = arith.subi %sign3A_704, %sign3A_707 : i32
      %sign3A_709 = arith.constant 0 : i32
      %sign3A_710 = arith.cmpi sgt, %jit3A_700, %sign3A_709 : i32
      %sign3A_711 = arith.extui %sign3A_710 : i1 to i32
      %sign3A_712 = arith.constant 0 : i32
      %sign3A_713 = arith.cmpi slt, %jit3A_700, %sign3A_712 : i32
      %sign3A_714 = arith.extui %sign3A_713 : i1 to i32
      %sign3A_715 = arith.subi %sign3A_711, %sign3A_714 : i32
      %ne3A_716 = arith.cmpi ne, %sign3A_708, %sign3A_715 : i32
      %rem3A_717 = arith.remsi %add3A_659, %jit3A_700 : i32
      %ne3A_718 = arith.constant 0 : i32
      %ne3A_719 = arith.cmpi ne, %rem3A_717, %ne3A_718 : i32
      %and3A_720 = arith.andi %ne3A_716, %ne3A_719 : i1
      %sub3A_721 = arith.constant 1 : i32
      %sub3A_722 = arith.subi %div3A_701, %sub3A_721 : i32
      %select_n3A_723 = arith.select %and3A_720, %sub3A_722, %div3A_701 : i32
      %jit3A_724 = arith.constant 8 : i32
      %eq3A_725 = arith.constant 0 : i32
      %eq3A_726 = arith.cmpi eq, %jit3A_724, %eq3A_725 : i32
      %jit3A_727 = arith.constant 1 : i32
      %select_n3A_728 = arith.select %eq3A_726, %jit3A_727, %jit3A_724 : i32
      %rem3A_729 = arith.remsi %select_n3A_723, %select_n3A_728 : i32
      %ne3A_730 = arith.constant 0 : i32
      %ne3A_731 = arith.cmpi ne, %rem3A_729, %ne3A_730 : i32
      %lt3A_732 = arith.constant 0 : i32
      %lt3A_733 = arith.cmpi slt, %rem3A_729, %lt3A_732 : i32
      %lt3A_734 = arith.constant 0 : i32
      %lt3A_735 = arith.cmpi slt, %select_n3A_728, %lt3A_734 : i32
      %ne3A_736 = arith.xori %lt3A_733, %lt3A_735 : i1
      %and3A_737 = arith.andi %ne3A_736, %ne3A_731 : i1
      %add3A_738 = arith.addi %rem3A_729, %select_n3A_728 : i32
      %select_n3A_739 = arith.select %and3A_737, %add3A_738, %rem3A_729 : i32
      %mul3A_740 = arith.constant 4 : i32
      %mul3A_741 = arith.muli %mul3A_740, %add3A_654 : i32
      %dma_wait3A_742 = arith.constant 0 : i32
      %dma_wait3A_743 = arith.constant 0 : i32
      %dma_wait3A_744 = tpu.memref_slice %arg5[%mul3A_741, %dma_wait3A_742, %dma_wait3A_743] : memref<200x1x128xi32, #tpu.memory_space<vmem>> -> memref<4x1x128xi32, #tpu.memory_space<vmem>>
      %dma_wait3A_745 = arith.constant 0 : i32
      %dma_wait3A_746 = tpu.memref_slice %arg3[%select_n3A_683, %select_n3A_699, %select_n3A_739, %dma_wait3A_745] : memref<25x32x8x128xi32, #tpu.memory_space<hbm>> -> memref<1x4x1x128xi32, #tpu.memory_space<hbm>>
      %dma_wait3A_747 = tpu.memref_squeeze %dma_wait3A_746 : memref<1x4x1x128xi32, #tpu.memory_space<hbm>> -> memref<4x1x128xi32, #tpu.memory_space<hbm>>
      %dma_wait3A_748 = arith.constant 0 : i32
      %dma_wait3A_749 = arith.constant 0 : i32
      %dma_wait3A_750 = tpu.memref_slice %arg5[%mul3A_741, %dma_wait3A_748, %dma_wait3A_749] : memref<200x1x128xi32, #tpu.memory_space<vmem>> -> memref<4x1x128xi32, #tpu.memory_space<vmem>>
      %dma_wait3A_751 = arith.constant 0 : i32
      %dma_wait3A_752 = tpu.memref_slice %arg3[%select_n3A_683, %select_n3A_699, %select_n3A_739, %dma_wait3A_751] : memref<25x32x8x128xi32, #tpu.memory_space<hbm>> -> memref<1x4x1x128xi32, #tpu.memory_space<hbm>>
      %dma_wait3A_753 = tpu.memref_squeeze %dma_wait3A_752 : memref<1x4x1x128xi32, #tpu.memory_space<hbm>> -> memref<4x1x128xi32, #tpu.memory_space<hbm>>
      tpu.wait_dma2 semaphore(%arg10 : memref<!tpu.dma_semaphore, #tpu.memory_space<semaphore_mem>>) src(%dma_wait3A_753 : memref<4x1x128xi32, #tpu.memory_space<hbm>>) dst(%dma_wait3A_750 : memref<4x1x128xi32, #tpu.memory_space<vmem>>)
    }
    %scan3A_31 = arith.constant 50 : i32
    %dma_start3A = arith.constant 0 : i32
    %dma_start3A_32 = arith.constant 0 : i32
    %dma_start3A_33 = arith.constant 0 : i32
    %dma_start3A_34 = arith.constant 0 : i32
    %dma_start3A_35 = arith.constant 0 : i32
    %dma_start3A_36 = tpu.memref_slice %arg6[%dma_start3A_34, %dma_start3A_35] : memref<512x32xf32, #tpu.memory_space<vmem>> -> memref<128x32xf32, #tpu.memory_space<vmem>>
    %dma_start3A_37 = arith.constant 0 : i32
    %dma_start3A_38 = tpu.memref_slice %arg5[%dma_start3A, %dma_start3A_32, %dma_start3A_37] : memref<200x1x128xi32, #tpu.memory_space<vmem>> -> memref<1x1x128xi32, #tpu.memory_space<vmem>>
    %dma_start3A_39 = tpu.memref_squeeze %dma_start3A_38 : memref<1x1x128xi32, #tpu.memory_space<vmem>> -> memref<128xi32, #tpu.memory_space<vmem>>
    %dma_start3A_40 = arith.constant 0 : i32
    %dma_start3A_41 = arith.constant 0 : i32
    %dma_start3A_42 = tpu.memref_slice %arg2[%dma_start3A_40, %dma_start3A_41] : memref<1000000x32xf32, #tpu.memory_space<hbm>> -> memref<1000000x32xf32, #tpu.memory_space<hbm>>
    %dma_start3A_43 = tpu.memref_slice %arg11[%dma_start3A_33] : memref<2x!tpu.dma_semaphore, #tpu.memory_space<semaphore_mem>> -> memref<1x!tpu.dma_semaphore, #tpu.memory_space<semaphore_mem>>
    %dma_start3A_44 = tpu.memref_squeeze %dma_start3A_43 : memref<1x!tpu.dma_semaphore, #tpu.memory_space<semaphore_mem>> -> memref<!tpu.dma_semaphore, #tpu.memory_space<semaphore_mem>>
    tpu.enqueue_indirect_dma source(%dma_start3A_42 : memref<1000000x32xf32, #tpu.memory_space<hbm>>) target(%dma_start3A_36 : memref<128x32xf32, #tpu.memory_space<vmem>>) offsets(%dma_start3A_39 : memref<128xi32, #tpu.memory_space<vmem>>) semaphore(%dma_start3A_44 : memref<!tpu.dma_semaphore, #tpu.memory_space<semaphore_mem>>)
    %dma_start3A_45 = arith.constant 1 : i32
    %dma_start3A_46 = arith.constant 0 : i32
    %dma_start3A_47 = arith.constant 0 : i32
    %dma_start3A_48 = arith.constant 128 : i32
    %dma_start3A_49 = arith.constant 0 : i32
    %dma_start3A_50 = tpu.memref_slice %arg6[%dma_start3A_48, %dma_start3A_49] : memref<512x32xf32, #tpu.memory_space<vmem>> -> memref<128x32xf32, #tpu.memory_space<vmem>>
    %dma_start3A_51 = arith.constant 0 : i32
    %dma_start3A_52 = tpu.memref_slice %arg5[%dma_start3A_45, %dma_start3A_46, %dma_start3A_51] : memref<200x1x128xi32, #tpu.memory_space<vmem>> -> memref<1x1x128xi32, #tpu.memory_space<vmem>>
    %dma_start3A_53 = tpu.memref_squeeze %dma_start3A_52 : memref<1x1x128xi32, #tpu.memory_space<vmem>> -> memref<128xi32, #tpu.memory_space<vmem>>
    %dma_start3A_54 = arith.constant 0 : i32
    %dma_start3A_55 = arith.constant 0 : i32
    %dma_start3A_56 = tpu.memref_slice %arg2[%dma_start3A_54, %dma_start3A_55] : memref<1000000x32xf32, #tpu.memory_space<hbm>> -> memref<1000000x32xf32, #tpu.memory_space<hbm>>
    %dma_start3A_57 = tpu.memref_slice %arg11[%dma_start3A_47] : memref<2x!tpu.dma_semaphore, #tpu.memory_space<semaphore_mem>> -> memref<1x!tpu.dma_semaphore, #tpu.memory_space<semaphore_mem>>
    %dma_start3A_58 = tpu.memref_squeeze %dma_start3A_57 : memref<1x!tpu.dma_semaphore, #tpu.memory_space<semaphore_mem>> -> memref<!tpu.dma_semaphore, #tpu.memory_space<semaphore_mem>>
    tpu.enqueue_indirect_dma source(%dma_start3A_56 : memref<1000000x32xf32, #tpu.memory_space<hbm>>) target(%dma_start3A_50 : memref<128x32xf32, #tpu.memory_space<vmem>>) offsets(%dma_start3A_53 : memref<128xi32, #tpu.memory_space<vmem>>) semaphore(%dma_start3A_58 : memref<!tpu.dma_semaphore, #tpu.memory_space<semaphore_mem>>)
    %dma_start3A_59 = arith.constant 2 : i32
    %dma_start3A_60 = arith.constant 0 : i32
    %dma_start3A_61 = arith.constant 0 : i32
    %dma_start3A_62 = arith.constant 256 : i32
    %dma_start3A_63 = arith.constant 0 : i32
    %dma_start3A_64 = tpu.memref_slice %arg6[%dma_start3A_62, %dma_start3A_63] : memref<512x32xf32, #tpu.memory_space<vmem>> -> memref<128x32xf32, #tpu.memory_space<vmem>>
    %dma_start3A_65 = arith.constant 0 : i32
    %dma_start3A_66 = tpu.memref_slice %arg5[%dma_start3A_59, %dma_start3A_60, %dma_start3A_65] : memref<200x1x128xi32, #tpu.memory_space<vmem>> -> memref<1x1x128xi32, #tpu.memory_space<vmem>>
    %dma_start3A_67 = tpu.memref_squeeze %dma_start3A_66 : memref<1x1x128xi32, #tpu.memory_space<vmem>> -> memref<128xi32, #tpu.memory_space<vmem>>
    %dma_start3A_68 = arith.constant 0 : i32
    %dma_start3A_69 = arith.constant 0 : i32
    %dma_start3A_70 = tpu.memref_slice %arg2[%dma_start3A_68, %dma_start3A_69] : memref<1000000x32xf32, #tpu.memory_space<hbm>> -> memref<1000000x32xf32, #tpu.memory_space<hbm>>
    %dma_start3A_71 = tpu.memref_slice %arg11[%dma_start3A_61] : memref<2x!tpu.dma_semaphore, #tpu.memory_space<semaphore_mem>> -> memref<1x!tpu.dma_semaphore, #tpu.memory_space<semaphore_mem>>
    %dma_start3A_72 = tpu.memref_squeeze %dma_start3A_71 : memref<1x!tpu.dma_semaphore, #tpu.memory_space<semaphore_mem>> -> memref<!tpu.dma_semaphore, #tpu.memory_space<semaphore_mem>>
    tpu.enqueue_indirect_dma source(%dma_start3A_70 : memref<1000000x32xf32, #tpu.memory_space<hbm>>) target(%dma_start3A_64 : memref<128x32xf32, #tpu.memory_space<vmem>>) offsets(%dma_start3A_67 : memref<128xi32, #tpu.memory_space<vmem>>) semaphore(%dma_start3A_72 : memref<!tpu.dma_semaphore, #tpu.memory_space<semaphore_mem>>)
    %dma_start3A_73 = arith.constant 3 : i32
    %dma_start3A_74 = arith.constant 0 : i32
    %dma_start3A_75 = arith.constant 0 : i32
    %dma_start3A_76 = arith.constant 384 : i32
    %dma_start3A_77 = arith.constant 0 : i32
    %dma_start3A_78 = tpu.memref_slice %arg6[%dma_start3A_76, %dma_start3A_77] : memref<512x32xf32, #tpu.memory_space<vmem>> -> memref<128x32xf32, #tpu.memory_space<vmem>>
    %dma_start3A_79 = arith.constant 0 : i32
    %dma_start3A_80 = tpu.memref_slice %arg5[%dma_start3A_73, %dma_start3A_74, %dma_start3A_79] : memref<200x1x128xi32, #tpu.memory_space<vmem>> -> memref<1x1x128xi32, #tpu.memory_space<vmem>>
    %dma_start3A_81 = tpu.memref_squeeze %dma_start3A_80 : memref<1x1x128xi32, #tpu.memory_space<vmem>> -> memref<128xi32, #tpu.memory_space<vmem>>
    %dma_start3A_82 = arith.constant 0 : i32
    %dma_start3A_83 = arith.constant 0 : i32
    %dma_start3A_84 = tpu.memref_slice %arg2[%dma_start3A_82, %dma_start3A_83] : memref<1000000x32xf32, #tpu.memory_space<hbm>> -> memref<1000000x32xf32, #tpu.memory_space<hbm>>
    %dma_start3A_85 = tpu.memref_slice %arg11[%dma_start3A_75] : memref<2x!tpu.dma_semaphore, #tpu.memory_space<semaphore_mem>> -> memref<1x!tpu.dma_semaphore, #tpu.memory_space<semaphore_mem>>
    %dma_start3A_86 = tpu.memref_squeeze %dma_start3A_85 : memref<1x!tpu.dma_semaphore, #tpu.memory_space<semaphore_mem>> -> memref<!tpu.dma_semaphore, #tpu.memory_space<semaphore_mem>>
    tpu.enqueue_indirect_dma source(%dma_start3A_84 : memref<1000000x32xf32, #tpu.memory_space<hbm>>) target(%dma_start3A_78 : memref<128x32xf32, #tpu.memory_space<vmem>>) offsets(%dma_start3A_81 : memref<128xi32, #tpu.memory_space<vmem>>) semaphore(%dma_start3A_86 : memref<!tpu.dma_semaphore, #tpu.memory_space<semaphore_mem>>)
    %dma_start3A_87 = arith.constant 4 : i32
    %dma_start3A_88 = arith.constant 0 : i32
    %dma_start3A_89 = arith.constant 1 : i32
    %dma_start3A_90 = arith.constant 0 : i32
    %dma_start3A_91 = arith.constant 0 : i32
    %dma_start3A_92 = tpu.memref_slice %arg7[%dma_start3A_90, %dma_start3A_91] : memref<512x32xf32, #tpu.memory_space<vmem>> -> memref<128x32xf32, #tpu.memory_space<vmem>>
    %dma_start3A_93 = arith.constant 0 : i32
    %dma_start3A_94 = tpu.memref_slice %arg5[%dma_start3A_87, %dma_start3A_88, %dma_start3A_93] : memref<200x1x128xi32, #tpu.memory_space<vmem>> -> memref<1x1x128xi32, #tpu.memory_space<vmem>>
    %dma_start3A_95 = tpu.memref_squeeze %dma_start3A_94 : memref<1x1x128xi32, #tpu.memory_space<vmem>> -> memref<128xi32, #tpu.memory_space<vmem>>
    %dma_start3A_96 = arith.constant 0 : i32
    %dma_start3A_97 = arith.constant 0 : i32
    %dma_start3A_98 = tpu.memref_slice %arg2[%dma_start3A_96, %dma_start3A_97] : memref<1000000x32xf32, #tpu.memory_space<hbm>> -> memref<1000000x32xf32, #tpu.memory_space<hbm>>
    %dma_start3A_99 = tpu.memref_slice %arg11[%dma_start3A_89] : memref<2x!tpu.dma_semaphore, #tpu.memory_space<semaphore_mem>> -> memref<1x!tpu.dma_semaphore, #tpu.memory_space<semaphore_mem>>
    %dma_start3A_100 = tpu.memref_squeeze %dma_start3A_99 : memref<1x!tpu.dma_semaphore, #tpu.memory_space<semaphore_mem>> -> memref<!tpu.dma_semaphore, #tpu.memory_space<semaphore_mem>>
    tpu.enqueue_indirect_dma source(%dma_start3A_98 : memref<1000000x32xf32, #tpu.memory_space<hbm>>) target(%dma_start3A_92 : memref<128x32xf32, #tpu.memory_space<vmem>>) offsets(%dma_start3A_95 : memref<128xi32, #tpu.memory_space<vmem>>) semaphore(%dma_start3A_100 : memref<!tpu.dma_semaphore, #tpu.memory_space<semaphore_mem>>)
    %dma_start3A_101 = arith.constant 5 : i32
    %dma_start3A_102 = arith.constant 0 : i32
    %dma_start3A_103 = arith.constant 1 : i32
    %dma_start3A_104 = arith.constant 128 : i32
    %dma_start3A_105 = arith.constant 0 : i32
    %dma_start3A_106 = tpu.memref_slice %arg7[%dma_start3A_104, %dma_start3A_105] : memref<512x32xf32, #tpu.memory_space<vmem>> -> memref<128x32xf32, #tpu.memory_space<vmem>>
    %dma_start3A_107 = arith.constant 0 : i32
    %dma_start3A_108 = tpu.memref_slice %arg5[%dma_start3A_101, %dma_start3A_102, %dma_start3A_107] : memref<200x1x128xi32, #tpu.memory_space<vmem>> -> memref<1x1x128xi32, #tpu.memory_space<vmem>>
    %dma_start3A_109 = tpu.memref_squeeze %dma_start3A_108 : memref<1x1x128xi32, #tpu.memory_space<vmem>> -> memref<128xi32, #tpu.memory_space<vmem>>
    %dma_start3A_110 = arith.constant 0 : i32
    %dma_start3A_111 = arith.constant 0 : i32
    %dma_start3A_112 = tpu.memref_slice %arg2[%dma_start3A_110, %dma_start3A_111] : memref<1000000x32xf32, #tpu.memory_space<hbm>> -> memref<1000000x32xf32, #tpu.memory_space<hbm>>
    %dma_start3A_113 = tpu.memref_slice %arg11[%dma_start3A_103] : memref<2x!tpu.dma_semaphore, #tpu.memory_space<semaphore_mem>> -> memref<1x!tpu.dma_semaphore, #tpu.memory_space<semaphore_mem>>
    %dma_start3A_114 = tpu.memref_squeeze %dma_start3A_113 : memref<1x!tpu.dma_semaphore, #tpu.memory_space<semaphore_mem>> -> memref<!tpu.dma_semaphore, #tpu.memory_space<semaphore_mem>>
    tpu.enqueue_indirect_dma source(%dma_start3A_112 : memref<1000000x32xf32, #tpu.memory_space<hbm>>) target(%dma_start3A_106 : memref<128x32xf32, #tpu.memory_space<vmem>>) offsets(%dma_start3A_109 : memref<128xi32, #tpu.memory_space<vmem>>) semaphore(%dma_start3A_114 : memref<!tpu.dma_semaphore, #tpu.memory_space<semaphore_mem>>)
    %dma_start3A_115 = arith.constant 6 : i32
    %dma_start3A_116 = arith.constant 0 : i32
    %dma_start3A_117 = arith.constant 1 : i32
    %dma_start3A_118 = arith.constant 256 : i32
    %dma_start3A_119 = arith.constant 0 : i32
    %dma_start3A_120 = tpu.memref_slice %arg7[%dma_start3A_118, %dma_start3A_119] : memref<512x32xf32, #tpu.memory_space<vmem>> -> memref<128x32xf32, #tpu.memory_space<vmem>>
    %dma_start3A_121 = arith.constant 0 : i32
    %dma_start3A_122 = tpu.memref_slice %arg5[%dma_start3A_115, %dma_start3A_116, %dma_start3A_121] : memref<200x1x128xi32, #tpu.memory_space<vmem>> -> memref<1x1x128xi32, #tpu.memory_space<vmem>>
    %dma_start3A_123 = tpu.memref_squeeze %dma_start3A_122 : memref<1x1x128xi32, #tpu.memory_space<vmem>> -> memref<128xi32, #tpu.memory_space<vmem>>
    %dma_start3A_124 = arith.constant 0 : i32
    %dma_start3A_125 = arith.constant 0 : i32
    %dma_start3A_126 = tpu.memref_slice %arg2[%dma_start3A_124, %dma_start3A_125] : memref<1000000x32xf32, #tpu.memory_space<hbm>> -> memref<1000000x32xf32, #tpu.memory_space<hbm>>
    %dma_start3A_127 = tpu.memref_slice %arg11[%dma_start3A_117] : memref<2x!tpu.dma_semaphore, #tpu.memory_space<semaphore_mem>> -> memref<1x!tpu.dma_semaphore, #tpu.memory_space<semaphore_mem>>
    %dma_start3A_128 = tpu.memref_squeeze %dma_start3A_127 : memref<1x!tpu.dma_semaphore, #tpu.memory_space<semaphore_mem>> -> memref<!tpu.dma_semaphore, #tpu.memory_space<semaphore_mem>>
    tpu.enqueue_indirect_dma source(%dma_start3A_126 : memref<1000000x32xf32, #tpu.memory_space<hbm>>) target(%dma_start3A_120 : memref<128x32xf32, #tpu.memory_space<vmem>>) offsets(%dma_start3A_123 : memref<128xi32, #tpu.memory_space<vmem>>) semaphore(%dma_start3A_128 : memref<!tpu.dma_semaphore, #tpu.memory_space<semaphore_mem>>)
    %dma_start3A_129 = arith.constant 7 : i32
    %dma_start3A_130 = arith.constant 0 : i32
    %dma_start3A_131 = arith.constant 1 : i32
    %dma_start3A_132 = arith.constant 384 : i32
    %dma_start3A_133 = arith.constant 0 : i32
    %dma_start3A_134 = tpu.memref_slice %arg7[%dma_start3A_132, %dma_start3A_133] : memref<512x32xf32, #tpu.memory_space<vmem>> -> memref<128x32xf32, #tpu.memory_space<vmem>>
    %dma_start3A_135 = arith.constant 0 : i32
    %dma_start3A_136 = tpu.memref_slice %arg5[%dma_start3A_129, %dma_start3A_130, %dma_start3A_135] : memref<200x1x128xi32, #tpu.memory_space<vmem>> -> memref<1x1x128xi32, #tpu.memory_space<vmem>>
    %dma_start3A_137 = tpu.memref_squeeze %dma_start3A_136 : memref<1x1x128xi32, #tpu.memory_space<vmem>> -> memref<128xi32, #tpu.memory_space<vmem>>
    %dma_start3A_138 = arith.constant 0 : i32
    %dma_start3A_139 = arith.constant 0 : i32
    %dma_start3A_140 = tpu.memref_slice %arg2[%dma_start3A_138, %dma_start3A_139] : memref<1000000x32xf32, #tpu.memory_space<hbm>> -> memref<1000000x32xf32, #tpu.memory_space<hbm>>
    %dma_start3A_141 = tpu.memref_slice %arg11[%dma_start3A_131] : memref<2x!tpu.dma_semaphore, #tpu.memory_space<semaphore_mem>> -> memref<1x!tpu.dma_semaphore, #tpu.memory_space<semaphore_mem>>
    %dma_start3A_142 = tpu.memref_squeeze %dma_start3A_141 : memref<1x!tpu.dma_semaphore, #tpu.memory_space<semaphore_mem>> -> memref<!tpu.dma_semaphore, #tpu.memory_space<semaphore_mem>>
    tpu.enqueue_indirect_dma source(%dma_start3A_140 : memref<1000000x32xf32, #tpu.memory_space<hbm>>) target(%dma_start3A_134 : memref<128x32xf32, #tpu.memory_space<vmem>>) offsets(%dma_start3A_137 : memref<128xi32, #tpu.memory_space<vmem>>) semaphore(%dma_start3A_142 : memref<!tpu.dma_semaphore, #tpu.memory_space<semaphore_mem>>)
    %scan3A_143 = arith.constant 0 : i32
    %scan3A_144 = arith.constant 25 : i32
    %scan3A_145 = arith.addi %scan3A_143, %scan3A_144 : i32
    %scan3A_146 = arith.constant 1 : i32
    scf.for %scan3A_650 = %scan3A_143 to %scan3A_145 step %scan3A_146  : i32 {
      %mul3A_651 = arith.constant 1 : i32
      %mul3A_652 = arith.muli %scan3A_650, %mul3A_651 : i32
      %add3A_653 = arith.constant 0 : i32
      %add3A_654 = arith.addi %add3A_653, %mul3A_652 : i32
      %mul3A_655 = arith.constant 2 : i32
      %mul3A_656 = arith.muli %mul3A_655, %add3A_654 : i32
      %add3A_657 = arith.constant 0 : i32
      %add3A_658 = arith.addi %mul3A_656, %add3A_657 : i32
      %lt3A_659 = arith.constant 50 : i32
      %lt3A_660 = arith.cmpi slt, %add3A_658, %lt3A_659 : i32
      %convert_element_type3A = arith.extui %lt3A_660 : i1 to i32
      %cond3A = arith.constant 0 : i32
      %cond3A_661 = arith.cmpi ne, %convert_element_type3A, %cond3A : i32
      scf.if %cond3A_661 {
        %mul3A_722 = arith.constant 4 : i32
        %mul3A_723 = arith.muli %mul3A_722, %add3A_658 : i32
        %add3A_724 = arith.constant 0 : i32
        %add3A_725 = arith.addi %mul3A_723, %add3A_724 : i32
        %dma_wait3A_726 = arith.constant 0 : i32
        %dma_wait3A_727 = arith.constant 0 : i32
        %dma_wait3A_728 = arith.constant 0 : i32
        %dma_wait3A_729 = arith.constant 0 : i32
        %dma_wait3A_730 = tpu.memref_slice %arg6[%dma_wait3A_728, %dma_wait3A_729] : memref<512x32xf32, #tpu.memory_space<vmem>> -> memref<128x32xf32, #tpu.memory_space<vmem>>
        %dma_wait3A_731 = arith.constant 0 : i32
        %dma_wait3A_732 = tpu.memref_slice %arg5[%add3A_725, %dma_wait3A_726, %dma_wait3A_731] : memref<200x1x128xi32, #tpu.memory_space<vmem>> -> memref<1x1x128xi32, #tpu.memory_space<vmem>>
        %dma_wait3A_733 = tpu.memref_squeeze %dma_wait3A_732 : memref<1x1x128xi32, #tpu.memory_space<vmem>> -> memref<128xi32, #tpu.memory_space<vmem>>
        %dma_wait3A_734 = arith.constant 0 : i32
        %dma_wait3A_735 = arith.constant 0 : i32
        %dma_wait3A_736 = tpu.memref_slice %arg2[%dma_wait3A_734, %dma_wait3A_735] : memref<1000000x32xf32, #tpu.memory_space<hbm>> -> memref<1000000x32xf32, #tpu.memory_space<hbm>>
        %dma_wait3A_737 = tpu.memref_slice %arg11[%dma_wait3A_727] : memref<2x!tpu.dma_semaphore, #tpu.memory_space<semaphore_mem>> -> memref<1x!tpu.dma_semaphore, #tpu.memory_space<semaphore_mem>>
        %dma_wait3A_738 = tpu.memref_squeeze %dma_wait3A_737 : memref<1x!tpu.dma_semaphore, #tpu.memory_space<semaphore_mem>> -> memref<!tpu.dma_semaphore, #tpu.memory_space<semaphore_mem>>
        tpu.wait_indirect_dma semaphore(%dma_wait3A_738 : memref<!tpu.dma_semaphore, #tpu.memory_space<semaphore_mem>>) src(%dma_wait3A_736 : memref<1000000x32xf32, #tpu.memory_space<hbm>>) dst(%dma_wait3A_730 : memref<128x32xf32, #tpu.memory_space<vmem>>)
        %mul3A_739 = arith.constant 4 : i32
        %mul3A_740 = arith.muli %mul3A_739, %add3A_658 : i32
        %add3A_741 = arith.constant 1 : i32
        %add3A_742 = arith.addi %mul3A_740, %add3A_741 : i32
        %dma_wait3A_743 = arith.constant 0 : i32
        %dma_wait3A_744 = arith.constant 0 : i32
        %dma_wait3A_745 = arith.constant 128 : i32
        %dma_wait3A_746 = arith.constant 0 : i32
        %dma_wait3A_747 = tpu.memref_slice %arg6[%dma_wait3A_745, %dma_wait3A_746] : memref<512x32xf32, #tpu.memory_space<vmem>> -> memref<128x32xf32, #tpu.memory_space<vmem>>
        %dma_wait3A_748 = arith.constant 0 : i32
        %dma_wait3A_749 = tpu.memref_slice %arg5[%add3A_742, %dma_wait3A_743, %dma_wait3A_748] : memref<200x1x128xi32, #tpu.memory_space<vmem>> -> memref<1x1x128xi32, #tpu.memory_space<vmem>>
        %dma_wait3A_750 = tpu.memref_squeeze %dma_wait3A_749 : memref<1x1x128xi32, #tpu.memory_space<vmem>> -> memref<128xi32, #tpu.memory_space<vmem>>
        %dma_wait3A_751 = arith.constant 0 : i32
        %dma_wait3A_752 = arith.constant 0 : i32
        %dma_wait3A_753 = tpu.memref_slice %arg2[%dma_wait3A_751, %dma_wait3A_752] : memref<1000000x32xf32, #tpu.memory_space<hbm>> -> memref<1000000x32xf32, #tpu.memory_space<hbm>>
        %dma_wait3A_754 = tpu.memref_slice %arg11[%dma_wait3A_744] : memref<2x!tpu.dma_semaphore, #tpu.memory_space<semaphore_mem>> -> memref<1x!tpu.dma_semaphore, #tpu.memory_space<semaphore_mem>>
        %dma_wait3A_755 = tpu.memref_squeeze %dma_wait3A_754 : memref<1x!tpu.dma_semaphore, #tpu.memory_space<semaphore_mem>> -> memref<!tpu.dma_semaphore, #tpu.memory_space<semaphore_mem>>
        tpu.wait_indirect_dma semaphore(%dma_wait3A_755 : memref<!tpu.dma_semaphore, #tpu.memory_space<semaphore_mem>>) src(%dma_wait3A_753 : memref<1000000x32xf32, #tpu.memory_space<hbm>>) dst(%dma_wait3A_747 : memref<128x32xf32, #tpu.memory_space<vmem>>)
        %mul3A_756 = arith.constant 4 : i32
        %mul3A_757 = arith.muli %mul3A_756, %add3A_658 : i32
        %add3A_758 = arith.constant 2 : i32
        %add3A_759 = arith.addi %mul3A_757, %add3A_758 : i32
        %dma_wait3A_760 = arith.constant 0 : i32
        %dma_wait3A_761 = arith.constant 0 : i32
        %dma_wait3A_762 = arith.constant 256 : i32
        %dma_wait3A_763 = arith.constant 0 : i32
        %dma_wait3A_764 = tpu.memref_slice %arg6[%dma_wait3A_762, %dma_wait3A_763] : memref<512x32xf32, #tpu.memory_space<vmem>> -> memref<128x32xf32, #tpu.memory_space<vmem>>
        %dma_wait3A_765 = arith.constant 0 : i32
        %dma_wait3A_766 = tpu.memref_slice %arg5[%add3A_759, %dma_wait3A_760, %dma_wait3A_765] : memref<200x1x128xi32, #tpu.memory_space<vmem>> -> memref<1x1x128xi32, #tpu.memory_space<vmem>>
        %dma_wait3A_767 = tpu.memref_squeeze %dma_wait3A_766 : memref<1x1x128xi32, #tpu.memory_space<vmem>> -> memref<128xi32, #tpu.memory_space<vmem>>
        %dma_wait3A_768 = arith.constant 0 : i32
        %dma_wait3A_769 = arith.constant 0 : i32
        %dma_wait3A_770 = tpu.memref_slice %arg2[%dma_wait3A_768, %dma_wait3A_769] : memref<1000000x32xf32, #tpu.memory_space<hbm>> -> memref<1000000x32xf32, #tpu.memory_space<hbm>>
        %dma_wait3A_771 = tpu.memref_slice %arg11[%dma_wait3A_761] : memref<2x!tpu.dma_semaphore, #tpu.memory_space<semaphore_mem>> -> memref<1x!tpu.dma_semaphore, #tpu.memory_space<semaphore_mem>>
        %dma_wait3A_772 = tpu.memref_squeeze %dma_wait3A_771 : memref<1x!tpu.dma_semaphore, #tpu.memory_space<semaphore_mem>> -> memref<!tpu.dma_semaphore, #tpu.memory_space<semaphore_mem>>
        tpu.wait_indirect_dma semaphore(%dma_wait3A_772 : memref<!tpu.dma_semaphore, #tpu.memory_space<semaphore_mem>>) src(%dma_wait3A_770 : memref<1000000x32xf32, #tpu.memory_space<hbm>>) dst(%dma_wait3A_764 : memref<128x32xf32, #tpu.memory_space<vmem>>)
        %mul3A_773 = arith.constant 4 : i32
        %mul3A_774 = arith.muli %mul3A_773, %add3A_658 : i32
        %add3A_775 = arith.constant 3 : i32
        %add3A_776 = arith.addi %mul3A_774, %add3A_775 : i32
        %dma_wait3A_777 = arith.constant 0 : i32
        %dma_wait3A_778 = arith.constant 0 : i32
        %dma_wait3A_779 = arith.constant 384 : i32
        %dma_wait3A_780 = arith.constant 0 : i32
        %dma_wait3A_781 = tpu.memref_slice %arg6[%dma_wait3A_779, %dma_wait3A_780] : memref<512x32xf32, #tpu.memory_space<vmem>> -> memref<128x32xf32, #tpu.memory_space<vmem>>
        %dma_wait3A_782 = arith.constant 0 : i32
        %dma_wait3A_783 = tpu.memref_slice %arg5[%add3A_776, %dma_wait3A_777, %dma_wait3A_782] : memref<200x1x128xi32, #tpu.memory_space<vmem>> -> memref<1x1x128xi32, #tpu.memory_space<vmem>>
        %dma_wait3A_784 = tpu.memref_squeeze %dma_wait3A_783 : memref<1x1x128xi32, #tpu.memory_space<vmem>> -> memref<128xi32, #tpu.memory_space<vmem>>
        %dma_wait3A_785 = arith.constant 0 : i32
        %dma_wait3A_786 = arith.constant 0 : i32
        %dma_wait3A_787 = tpu.memref_slice %arg2[%dma_wait3A_785, %dma_wait3A_786] : memref<1000000x32xf32, #tpu.memory_space<hbm>> -> memref<1000000x32xf32, #tpu.memory_space<hbm>>
        %dma_wait3A_788 = tpu.memref_slice %arg11[%dma_wait3A_778] : memref<2x!tpu.dma_semaphore, #tpu.memory_space<semaphore_mem>> -> memref<1x!tpu.dma_semaphore, #tpu.memory_space<semaphore_mem>>
        %dma_wait3A_789 = tpu.memref_squeeze %dma_wait3A_788 : memref<1x!tpu.dma_semaphore, #tpu.memory_space<semaphore_mem>> -> memref<!tpu.dma_semaphore, #tpu.memory_space<semaphore_mem>>
        tpu.wait_indirect_dma semaphore(%dma_wait3A_789 : memref<!tpu.dma_semaphore, #tpu.memory_space<semaphore_mem>>) src(%dma_wait3A_787 : memref<1000000x32xf32, #tpu.memory_space<hbm>>) dst(%dma_wait3A_781 : memref<128x32xf32, #tpu.memory_space<vmem>>)
      } else {
      }
      %sub3A_662 = arith.constant 2 : i32
      %sub3A_663 = arith.subi %add3A_658, %sub3A_662 : i32
      %ge3A = arith.constant 0 : i32
      %ge3A_664 = arith.cmpi sge, %sub3A_663, %ge3A : i32
      %lt3A_665 = arith.constant 50 : i32
      %lt3A_666 = arith.cmpi slt, %sub3A_663, %lt3A_665 : i32
      %and3A_667 = arith.andi %ge3A_664, %lt3A_666 : i1
      %convert_element_type3A_668 = arith.extui %and3A_667 : i1 to i32
      %cond3A_669 = arith.constant 0 : i32
      %cond3A_670 = arith.cmpi ne, %convert_element_type3A_668, %cond3A_669 : i32
      scf.if %cond3A_670 {
        %mul3A_722 = arith.constant 200 : i32
        %mul3A_723 = arith.muli %mul3A_722, %add3A : i32
        %mul3A_724 = arith.constant 4 : i32
        %mul3A_725 = arith.muli %mul3A_724, %sub3A_663 : i32
        %add3A_726 = arith.addi %mul3A_723, %mul3A_725 : i32
        %jit3A_727 = arith.constant 32 : i32
        %div3A_728 = arith.divsi %add3A_726, %jit3A_727 : i32
        %sign3A_729 = arith.constant 0 : i32
        %sign3A_730 = arith.cmpi sgt, %add3A_726, %sign3A_729 : i32
        %sign3A_731 = arith.extui %sign3A_730 : i1 to i32
        %sign3A_732 = arith.constant 0 : i32
        %sign3A_733 = arith.cmpi slt, %add3A_726, %sign3A_732 : i32
        %sign3A_734 = arith.extui %sign3A_733 : i1 to i32
        %sign3A_735 = arith.subi %sign3A_731, %sign3A_734 : i32
        %sign3A_736 = arith.constant 0 : i32
        %sign3A_737 = arith.cmpi sgt, %jit3A_727, %sign3A_736 : i32
        %sign3A_738 = arith.extui %sign3A_737 : i1 to i32
        %sign3A_739 = arith.constant 0 : i32
        %sign3A_740 = arith.cmpi slt, %jit3A_727, %sign3A_739 : i32
        %sign3A_741 = arith.extui %sign3A_740 : i1 to i32
        %sign3A_742 = arith.subi %sign3A_738, %sign3A_741 : i32
        %ne3A_743 = arith.cmpi ne, %sign3A_735, %sign3A_742 : i32
        %rem3A_744 = arith.remsi %add3A_726, %jit3A_727 : i32
        %ne3A_745 = arith.constant 0 : i32
        %ne3A_746 = arith.cmpi ne, %rem3A_744, %ne3A_745 : i32
        %and3A_747 = arith.andi %ne3A_743, %ne3A_746 : i1
        %sub3A_748 = arith.constant 1 : i32
        %sub3A_749 = arith.subi %div3A_728, %sub3A_748 : i32
        %select_n3A_750 = arith.select %and3A_747, %sub3A_749, %div3A_728 : i32
        %jit3A_751 = arith.constant 32 : i32
        %eq3A_752 = arith.constant 0 : i32
        %eq3A_753 = arith.cmpi eq, %jit3A_751, %eq3A_752 : i32
        %jit3A_754 = arith.constant 1 : i32
        %select_n3A_755 = arith.select %eq3A_753, %jit3A_754, %jit3A_751 : i32
        %rem3A_756 = arith.remsi %add3A_726, %select_n3A_755 : i32
        %ne3A_757 = arith.constant 0 : i32
        %ne3A_758 = arith.cmpi ne, %rem3A_756, %ne3A_757 : i32
        %lt3A_759 = arith.constant 0 : i32
        %lt3A_760 = arith.cmpi slt, %rem3A_756, %lt3A_759 : i32
        %lt3A_761 = arith.constant 0 : i32
        %lt3A_762 = arith.cmpi slt, %select_n3A_755, %lt3A_761 : i32
        %ne3A_763 = arith.xori %lt3A_760, %lt3A_762 : i1
        %and3A_764 = arith.andi %ne3A_763, %ne3A_758 : i1
        %add3A_765 = arith.addi %rem3A_756, %select_n3A_755 : i32
        %select_n3A_766 = arith.select %and3A_764, %add3A_765, %rem3A_756 : i32
        %dma_wait3A_767 = arith.constant 0 : i32
        %dma_wait3A_768 = arith.constant 0 : i32
        %dma_wait3A_769 = arith.constant 0 : i32
        %dma_wait3A_770 = arith.constant 0 : i32
        %dma_wait3A_771 = arith.constant 0 : i32
        %dma_wait3A_772 = arith.constant 0 : i32
        %dma_wait3A_773 = tpu.memref_slice %arg8[%dma_wait3A_770, %dma_wait3A_767, %dma_wait3A_771, %dma_wait3A_772] : memref<4x4x8x129xf32, #tpu.memory_space<vmem>> -> memref<4x1x8x128xf32, #tpu.memory_space<vmem>>
        %dma_wait3A_774 = tpu.memref_squeeze %dma_wait3A_773 : memref<4x1x8x128xf32, #tpu.memory_space<vmem>> -> memref<4x8x128xf32, #tpu.memory_space<vmem>>
        %dma_wait3A_775 = arith.constant 0 : i32
        %dma_wait3A_776 = arith.constant 0 : i32
        %dma_wait3A_777 = tpu.memref_slice %arg4[%select_n3A_750, %dma_wait3A_768, %select_n3A_766, %dma_wait3A_775, %dma_wait3A_776] : memref<200x4x32x8x128xf32, #tpu.memory_space<hbm>> -> memref<1x1x4x8x128xf32, #tpu.memory_space<hbm>>
        %dma_wait3A_778 = tpu.memref_squeeze %dma_wait3A_777 : memref<1x1x4x8x128xf32, #tpu.memory_space<hbm>> -> memref<4x8x128xf32, #tpu.memory_space<hbm>>
        %dma_wait3A_779 = tpu.memref_slice %arg12[%dma_wait3A_769] : memref<2x!tpu.dma_semaphore, #tpu.memory_space<semaphore_mem>> -> memref<1x!tpu.dma_semaphore, #tpu.memory_space<semaphore_mem>>
        %dma_wait3A_780 = tpu.memref_squeeze %dma_wait3A_779 : memref<1x!tpu.dma_semaphore, #tpu.memory_space<semaphore_mem>> -> memref<!tpu.dma_semaphore, #tpu.memory_space<semaphore_mem>>
        %dma_wait3A_781 = arith.constant 0 : i32
        %dma_wait3A_782 = arith.constant 0 : i32
        %dma_wait3A_783 = tpu.memref_slice %arg4[%select_n3A_750, %dma_wait3A_768, %select_n3A_766, %dma_wait3A_781, %dma_wait3A_782] : memref<200x4x32x8x128xf32, #tpu.memory_space<hbm>> -> memref<1x1x4x8x128xf32, #tpu.memory_space<hbm>>
        %dma_wait3A_784 = tpu.memref_squeeze %dma_wait3A_783 : memref<1x1x4x8x128xf32, #tpu.memory_space<hbm>> -> memref<4x8x128xf32, #tpu.memory_space<hbm>>
        %dma_wait3A_785 = arith.constant 0 : i32
        %dma_wait3A_786 = arith.constant 0 : i32
        %dma_wait3A_787 = arith.constant 0 : i32
        %dma_wait3A_788 = tpu.memref_slice %arg8[%dma_wait3A_785, %dma_wait3A_767, %dma_wait3A_786, %dma_wait3A_787] : memref<4x4x8x129xf32, #tpu.memory_space<vmem>> -> memref<4x1x8x128xf32, #tpu.memory_space<vmem>>
        %dma_wait3A_789 = tpu.memref_squeeze %dma_wait3A_788 : memref<4x1x8x128xf32, #tpu.memory_space<vmem>> -> memref<4x8x128xf32, #tpu.memory_space<vmem>>
        tpu.wait_dma2 semaphore(%dma_wait3A_780 : memref<!tpu.dma_semaphore, #tpu.memory_space<semaphore_mem>>) src(%dma_wait3A_789 : memref<4x8x128xf32, #tpu.memory_space<vmem>>) dst(%dma_wait3A_784 : memref<4x8x128xf32, #tpu.memory_space<hbm>>)
        %jit3A_790 = arith.constant 32 : i32
        %div3A_791 = arith.divsi %add3A_726, %jit3A_790 : i32
        %sign3A_792 = arith.constant 0 : i32
        %sign3A_793 = arith.cmpi sgt, %add3A_726, %sign3A_792 : i32
        %sign3A_794 = arith.extui %sign3A_793 : i1 to i32
        %sign3A_795 = arith.constant 0 : i32
        %sign3A_796 = arith.cmpi slt, %add3A_726, %sign3A_795 : i32
        %sign3A_797 = arith.extui %sign3A_796 : i1 to i32
        %sign3A_798 = arith.subi %sign3A_794, %sign3A_797 : i32
        %sign3A_799 = arith.constant 0 : i32
        %sign3A_800 = arith.cmpi sgt, %jit3A_790, %sign3A_799 : i32
        %sign3A_801 = arith.extui %sign3A_800 : i1 to i32
        %sign3A_802 = arith.constant 0 : i32
        %sign3A_803 = arith.cmpi slt, %jit3A_790, %sign3A_802 : i32
        %sign3A_804 = arith.extui %sign3A_803 : i1 to i32
        %sign3A_805 = arith.subi %sign3A_801, %sign3A_804 : i32
        %ne3A_806 = arith.cmpi ne, %sign3A_798, %sign3A_805 : i32
        %rem3A_807 = arith.remsi %add3A_726, %jit3A_790 : i32
        %ne3A_808 = arith.constant 0 : i32
        %ne3A_809 = arith.cmpi ne, %rem3A_807, %ne3A_808 : i32
        %and3A_810 = arith.andi %ne3A_806, %ne3A_809 : i1
        %sub3A_811 = arith.constant 1 : i32
        %sub3A_812 = arith.subi %div3A_791, %sub3A_811 : i32
        %select_n3A_813 = arith.select %and3A_810, %sub3A_812, %div3A_791 : i32
        %jit3A_814 = arith.constant 32 : i32
        %eq3A_815 = arith.constant 0 : i32
        %eq3A_816 = arith.cmpi eq, %jit3A_814, %eq3A_815 : i32
        %jit3A_817 = arith.constant 1 : i32
        %select_n3A_818 = arith.select %eq3A_816, %jit3A_817, %jit3A_814 : i32
        %rem3A_819 = arith.remsi %add3A_726, %select_n3A_818 : i32
        %ne3A_820 = arith.constant 0 : i32
        %ne3A_821 = arith.cmpi ne, %rem3A_819, %ne3A_820 : i32
        %lt3A_822 = arith.constant 0 : i32
        %lt3A_823 = arith.cmpi slt, %rem3A_819, %lt3A_822 : i32
        %lt3A_824 = arith.constant 0 : i32
        %lt3A_825 = arith.cmpi slt, %select_n3A_818, %lt3A_824 : i32
        %ne3A_826 = arith.xori %lt3A_823, %lt3A_825 : i1
        %and3A_827 = arith.andi %ne3A_826, %ne3A_821 : i1
        %add3A_828 = arith.addi %rem3A_819, %select_n3A_818 : i32
        %select_n3A_829 = arith.select %and3A_827, %add3A_828, %rem3A_819 : i32
        %dma_wait3A_830 = arith.constant 1 : i32
        %dma_wait3A_831 = arith.constant 1 : i32
        %dma_wait3A_832 = arith.constant 0 : i32
        %dma_wait3A_833 = arith.constant 0 : i32
        %dma_wait3A_834 = arith.constant 0 : i32
        %dma_wait3A_835 = arith.constant 0 : i32
        %dma_wait3A_836 = tpu.memref_slice %arg8[%dma_wait3A_833, %dma_wait3A_830, %dma_wait3A_834, %dma_wait3A_835] : memref<4x4x8x129xf32, #tpu.memory_space<vmem>> -> memref<4x1x8x128xf32, #tpu.memory_space<vmem>>
        %dma_wait3A_837 = tpu.memref_squeeze %dma_wait3A_836 : memref<4x1x8x128xf32, #tpu.memory_space<vmem>> -> memref<4x8x128xf32, #tpu.memory_space<vmem>>
        %dma_wait3A_838 = arith.constant 0 : i32
        %dma_wait3A_839 = arith.constant 0 : i32
        %dma_wait3A_840 = tpu.memref_slice %arg4[%select_n3A_813, %dma_wait3A_831, %select_n3A_829, %dma_wait3A_838, %dma_wait3A_839] : memref<200x4x32x8x128xf32, #tpu.memory_space<hbm>> -> memref<1x1x4x8x128xf32, #tpu.memory_space<hbm>>
        %dma_wait3A_841 = tpu.memref_squeeze %dma_wait3A_840 : memref<1x1x4x8x128xf32, #tpu.memory_space<hbm>> -> memref<4x8x128xf32, #tpu.memory_space<hbm>>
        %dma_wait3A_842 = tpu.memref_slice %arg12[%dma_wait3A_832] : memref<2x!tpu.dma_semaphore, #tpu.memory_space<semaphore_mem>> -> memref<1x!tpu.dma_semaphore, #tpu.memory_space<semaphore_mem>>
        %dma_wait3A_843 = tpu.memref_squeeze %dma_wait3A_842 : memref<1x!tpu.dma_semaphore, #tpu.memory_space<semaphore_mem>> -> memref<!tpu.dma_semaphore, #tpu.memory_space<semaphore_mem>>
        %dma_wait3A_844 = arith.constant 0 : i32
        %dma_wait3A_845 = arith.constant 0 : i32
        %dma_wait3A_846 = tpu.memref_slice %arg4[%select_n3A_813, %dma_wait3A_831, %select_n3A_829, %dma_wait3A_844, %dma_wait3A_845] : memref<200x4x32x8x128xf32, #tpu.memory_space<hbm>> -> memref<1x1x4x8x128xf32, #tpu.memory_space<hbm>>
        %dma_wait3A_847 = tpu.memref_squeeze %dma_wait3A_846 : memref<1x1x4x8x128xf32, #tpu.memory_space<hbm>> -> memref<4x8x128xf32, #tpu.memory_space<hbm>>
        %dma_wait3A_848 = arith.constant 0 : i32
        %dma_wait3A_849 = arith.constant 0 : i32
        %dma_wait3A_850 = arith.constant 0 : i32
        %dma_wait3A_851 = tpu.memref_slice %arg8[%dma_wait3A_848, %dma_wait3A_830, %dma_wait3A_849, %dma_wait3A_850] : memref<4x4x8x129xf32, #tpu.memory_space<vmem>> -> memref<4x1x8x128xf32, #tpu.memory_space<vmem>>
        %dma_wait3A_852 = tpu.memref_squeeze %dma_wait3A_851 : memref<4x1x8x128xf32, #tpu.memory_space<vmem>> -> memref<4x8x128xf32, #tpu.memory_space<vmem>>
        tpu.wait_dma2 semaphore(%dma_wait3A_843 : memref<!tpu.dma_semaphore, #tpu.memory_space<semaphore_mem>>) src(%dma_wait3A_852 : memref<4x8x128xf32, #tpu.memory_space<vmem>>) dst(%dma_wait3A_847 : memref<4x8x128xf32, #tpu.memory_space<hbm>>)
        %jit3A_853 = arith.constant 32 : i32
        %div3A_854 = arith.divsi %add3A_726, %jit3A_853 : i32
        %sign3A_855 = arith.constant 0 : i32
        %sign3A_856 = arith.cmpi sgt, %add3A_726, %sign3A_855 : i32
        %sign3A_857 = arith.extui %sign3A_856 : i1 to i32
        %sign3A_858 = arith.constant 0 : i32
        %sign3A_859 = arith.cmpi slt, %add3A_726, %sign3A_858 : i32
        %sign3A_860 = arith.extui %sign3A_859 : i1 to i32
        %sign3A_861 = arith.subi %sign3A_857, %sign3A_860 : i32
        %sign3A_862 = arith.constant 0 : i32
        %sign3A_863 = arith.cmpi sgt, %jit3A_853, %sign3A_862 : i32
        %sign3A_864 = arith.extui %sign3A_863 : i1 to i32
        %sign3A_865 = arith.constant 0 : i32
        %sign3A_866 = arith.cmpi slt, %jit3A_853, %sign3A_865 : i32
        %sign3A_867 = arith.extui %sign3A_866 : i1 to i32
        %sign3A_868 = arith.subi %sign3A_864, %sign3A_867 : i32
        %ne3A_869 = arith.cmpi ne, %sign3A_861, %sign3A_868 : i32
        %rem3A_870 = arith.remsi %add3A_726, %jit3A_853 : i32
        %ne3A_871 = arith.constant 0 : i32
        %ne3A_872 = arith.cmpi ne, %rem3A_870, %ne3A_871 : i32
        %and3A_873 = arith.andi %ne3A_869, %ne3A_872 : i1
        %sub3A_874 = arith.constant 1 : i32
        %sub3A_875 = arith.subi %div3A_854, %sub3A_874 : i32
        %select_n3A_876 = arith.select %and3A_873, %sub3A_875, %div3A_854 : i32
        %jit3A_877 = arith.constant 32 : i32
        %eq3A_878 = arith.constant 0 : i32
        %eq3A_879 = arith.cmpi eq, %jit3A_877, %eq3A_878 : i32
        %jit3A_880 = arith.constant 1 : i32
        %select_n3A_881 = arith.select %eq3A_879, %jit3A_880, %jit3A_877 : i32
        %rem3A_882 = arith.remsi %add3A_726, %select_n3A_881 : i32
        %ne3A_883 = arith.constant 0 : i32
        %ne3A_884 = arith.cmpi ne, %rem3A_882, %ne3A_883 : i32
        %lt3A_885 = arith.constant 0 : i32
        %lt3A_886 = arith.cmpi slt, %rem3A_882, %lt3A_885 : i32
        %lt3A_887 = arith.constant 0 : i32
        %lt3A_888 = arith.cmpi slt, %select_n3A_881, %lt3A_887 : i32
        %ne3A_889 = arith.xori %lt3A_886, %lt3A_888 : i1
        %and3A_890 = arith.andi %ne3A_889, %ne3A_884 : i1
        %add3A_891 = arith.addi %rem3A_882, %select_n3A_881 : i32
        %select_n3A_892 = arith.select %and3A_890, %add3A_891, %rem3A_882 : i32
        %dma_wait3A_893 = arith.constant 2 : i32
        %dma_wait3A_894 = arith.constant 2 : i32
        %dma_wait3A_895 = arith.constant 0 : i32
        %dma_wait3A_896 = arith.constant 0 : i32
        %dma_wait3A_897 = arith.constant 0 : i32
        %dma_wait3A_898 = arith.constant 0 : i32
        %dma_wait3A_899 = tpu.memref_slice %arg8[%dma_wait3A_896, %dma_wait3A_893, %dma_wait3A_897, %dma_wait3A_898] : memref<4x4x8x129xf32, #tpu.memory_space<vmem>> -> memref<4x1x8x128xf32, #tpu.memory_space<vmem>>
        %dma_wait3A_900 = tpu.memref_squeeze %dma_wait3A_899 : memref<4x1x8x128xf32, #tpu.memory_space<vmem>> -> memref<4x8x128xf32, #tpu.memory_space<vmem>>
        %dma_wait3A_901 = arith.constant 0 : i32
        %dma_wait3A_902 = arith.constant 0 : i32
        %dma_wait3A_903 = tpu.memref_slice %arg4[%select_n3A_876, %dma_wait3A_894, %select_n3A_892, %dma_wait3A_901, %dma_wait3A_902] : memref<200x4x32x8x128xf32, #tpu.memory_space<hbm>> -> memref<1x1x4x8x128xf32, #tpu.memory_space<hbm>>
        %dma_wait3A_904 = tpu.memref_squeeze %dma_wait3A_903 : memref<1x1x4x8x128xf32, #tpu.memory_space<hbm>> -> memref<4x8x128xf32, #tpu.memory_space<hbm>>
        %dma_wait3A_905 = tpu.memref_slice %arg12[%dma_wait3A_895] : memref<2x!tpu.dma_semaphore, #tpu.memory_space<semaphore_mem>> -> memref<1x!tpu.dma_semaphore, #tpu.memory_space<semaphore_mem>>
        %dma_wait3A_906 = tpu.memref_squeeze %dma_wait3A_905 : memref<1x!tpu.dma_semaphore, #tpu.memory_space<semaphore_mem>> -> memref<!tpu.dma_semaphore, #tpu.memory_space<semaphore_mem>>
        %dma_wait3A_907 = arith.constant 0 : i32
        %dma_wait3A_908 = arith.constant 0 : i32
        %dma_wait3A_909 = tpu.memref_slice %arg4[%select_n3A_876, %dma_wait3A_894, %select_n3A_892, %dma_wait3A_907, %dma_wait3A_908] : memref<200x4x32x8x128xf32, #tpu.memory_space<hbm>> -> memref<1x1x4x8x128xf32, #tpu.memory_space<hbm>>
        %dma_wait3A_910 = tpu.memref_squeeze %dma_wait3A_909 : memref<1x1x4x8x128xf32, #tpu.memory_space<hbm>> -> memref<4x8x128xf32, #tpu.memory_space<hbm>>
        %dma_wait3A_911 = arith.constant 0 : i32
        %dma_wait3A_912 = arith.constant 0 : i32
        %dma_wait3A_913 = arith.constant 0 : i32
        %dma_wait3A_914 = tpu.memref_slice %arg8[%dma_wait3A_911, %dma_wait3A_893, %dma_wait3A_912, %dma_wait3A_913] : memref<4x4x8x129xf32, #tpu.memory_space<vmem>> -> memref<4x1x8x128xf32, #tpu.memory_space<vmem>>
        %dma_wait3A_915 = tpu.memref_squeeze %dma_wait3A_914 : memref<4x1x8x128xf32, #tpu.memory_space<vmem>> -> memref<4x8x128xf32, #tpu.memory_space<vmem>>
        tpu.wait_dma2 semaphore(%dma_wait3A_906 : memref<!tpu.dma_semaphore, #tpu.memory_space<semaphore_mem>>) src(%dma_wait3A_915 : memref<4x8x128xf32, #tpu.memory_space<vmem>>) dst(%dma_wait3A_910 : memref<4x8x128xf32, #tpu.memory_space<hbm>>)
        %jit3A_916 = arith.constant 32 : i32
        %div3A_917 = arith.divsi %add3A_726, %jit3A_916 : i32
        %sign3A_918 = arith.constant 0 : i32
        %sign3A_919 = arith.cmpi sgt, %add3A_726, %sign3A_918 : i32
        %sign3A_920 = arith.extui %sign3A_919 : i1 to i32
        %sign3A_921 = arith.constant 0 : i32
        %sign3A_922 = arith.cmpi slt, %add3A_726, %sign3A_921 : i32
        %sign3A_923 = arith.extui %sign3A_922 : i1 to i32
        %sign3A_924 = arith.subi %sign3A_920, %sign3A_923 : i32
        %sign3A_925 = arith.constant 0 : i32
        %sign3A_926 = arith.cmpi sgt, %jit3A_916, %sign3A_925 : i32
        %sign3A_927 = arith.extui %sign3A_926 : i1 to i32
        %sign3A_928 = arith.constant 0 : i32
        %sign3A_929 = arith.cmpi slt, %jit3A_916, %sign3A_928 : i32
        %sign3A_930 = arith.extui %sign3A_929 : i1 to i32
        %sign3A_931 = arith.subi %sign3A_927, %sign3A_930 : i32
        %ne3A_932 = arith.cmpi ne, %sign3A_924, %sign3A_931 : i32
        %rem3A_933 = arith.remsi %add3A_726, %jit3A_916 : i32
        %ne3A_934 = arith.constant 0 : i32
        %ne3A_935 = arith.cmpi ne, %rem3A_933, %ne3A_934 : i32
        %and3A_936 = arith.andi %ne3A_932, %ne3A_935 : i1
        %sub3A_937 = arith.constant 1 : i32
        %sub3A_938 = arith.subi %div3A_917, %sub3A_937 : i32
        %select_n3A_939 = arith.select %and3A_936, %sub3A_938, %div3A_917 : i32
        %jit3A_940 = arith.constant 32 : i32
        %eq3A_941 = arith.constant 0 : i32
        %eq3A_942 = arith.cmpi eq, %jit3A_940, %eq3A_941 : i32
        %jit3A_943 = arith.constant 1 : i32
        %select_n3A_944 = arith.select %eq3A_942, %jit3A_943, %jit3A_940 : i32
        %rem3A_945 = arith.remsi %add3A_726, %select_n3A_944 : i32
        %ne3A_946 = arith.constant 0 : i32
        %ne3A_947 = arith.cmpi ne, %rem3A_945, %ne3A_946 : i32
        %lt3A_948 = arith.constant 0 : i32
        %lt3A_949 = arith.cmpi slt, %rem3A_945, %lt3A_948 : i32
        %lt3A_950 = arith.constant 0 : i32
        %lt3A_951 = arith.cmpi slt, %select_n3A_944, %lt3A_950 : i32
        %ne3A_952 = arith.xori %lt3A_949, %lt3A_951 : i1
        %and3A_953 = arith.andi %ne3A_952, %ne3A_947 : i1
        %add3A_954 = arith.addi %rem3A_945, %select_n3A_944 : i32
        %select_n3A_955 = arith.select %and3A_953, %add3A_954, %rem3A_945 : i32
        %dma_wait3A_956 = arith.constant 3 : i32
        %dma_wait3A_957 = arith.constant 3 : i32
        %dma_wait3A_958 = arith.constant 0 : i32
        %dma_wait3A_959 = arith.constant 0 : i32
        %dma_wait3A_960 = arith.constant 0 : i32
        %dma_wait3A_961 = arith.constant 0 : i32
        %dma_wait3A_962 = tpu.memref_slice %arg8[%dma_wait3A_959, %dma_wait3A_956, %dma_wait3A_960, %dma_wait3A_961] : memref<4x4x8x129xf32, #tpu.memory_space<vmem>> -> memref<4x1x8x128xf32, #tpu.memory_space<vmem>>
        %dma_wait3A_963 = tpu.memref_squeeze %dma_wait3A_962 : memref<4x1x8x128xf32, #tpu.memory_space<vmem>> -> memref<4x8x128xf32, #tpu.memory_space<vmem>>
        %dma_wait3A_964 = arith.constant 0 : i32
        %dma_wait3A_965 = arith.constant 0 : i32
        %dma_wait3A_966 = tpu.memref_slice %arg4[%select_n3A_939, %dma_wait3A_957, %select_n3A_955, %dma_wait3A_964, %dma_wait3A_965] : memref<200x4x32x8x128xf32, #tpu.memory_space<hbm>> -> memref<1x1x4x8x128xf32, #tpu.memory_space<hbm>>
        %dma_wait3A_967 = tpu.memref_squeeze %dma_wait3A_966 : memref<1x1x4x8x128xf32, #tpu.memory_space<hbm>> -> memref<4x8x128xf32, #tpu.memory_space<hbm>>
        %dma_wait3A_968 = tpu.memref_slice %arg12[%dma_wait3A_958] : memref<2x!tpu.dma_semaphore, #tpu.memory_space<semaphore_mem>> -> memref<1x!tpu.dma_semaphore, #tpu.memory_space<semaphore_mem>>
        %dma_wait3A_969 = tpu.memref_squeeze %dma_wait3A_968 : memref<1x!tpu.dma_semaphore, #tpu.memory_space<semaphore_mem>> -> memref<!tpu.dma_semaphore, #tpu.memory_space<semaphore_mem>>
        %dma_wait3A_970 = arith.constant 0 : i32
        %dma_wait3A_971 = arith.constant 0 : i32
        %dma_wait3A_972 = tpu.memref_slice %arg4[%select_n3A_939, %dma_wait3A_957, %select_n3A_955, %dma_wait3A_970, %dma_wait3A_971] : memref<200x4x32x8x128xf32, #tpu.memory_space<hbm>> -> memref<1x1x4x8x128xf32, #tpu.memory_space<hbm>>
        %dma_wait3A_973 = tpu.memref_squeeze %dma_wait3A_972 : memref<1x1x4x8x128xf32, #tpu.memory_space<hbm>> -> memref<4x8x128xf32, #tpu.memory_space<hbm>>
        %dma_wait3A_974 = arith.constant 0 : i32
        %dma_wait3A_975 = arith.constant 0 : i32
        %dma_wait3A_976 = arith.constant 0 : i32
        %dma_wait3A_977 = tpu.memref_slice %arg8[%dma_wait3A_974, %dma_wait3A_956, %dma_wait3A_975, %dma_wait3A_976] : memref<4x4x8x129xf32, #tpu.memory_space<vmem>> -> memref<4x1x8x128xf32, #tpu.memory_space<vmem>>
        %dma_wait3A_978 = tpu.memref_squeeze %dma_wait3A_977 : memref<4x1x8x128xf32, #tpu.memory_space<vmem>> -> memref<4x8x128xf32, #tpu.memory_space<vmem>>
        tpu.wait_dma2 semaphore(%dma_wait3A_969 : memref<!tpu.dma_semaphore, #tpu.memory_space<semaphore_mem>>) src(%dma_wait3A_978 : memref<4x8x128xf32, #tpu.memory_space<vmem>>) dst(%dma_wait3A_973 : memref<4x8x128xf32, #tpu.memory_space<hbm>>)
      } else {
      }
      %lt3A_671 = arith.constant 50 : i32
      %lt3A_672 = arith.cmpi slt, %add3A_658, %lt3A_671 : i32
      %convert_element_type3A_673 = arith.extui %lt3A_672 : i1 to i32
      %cond3A_674 = arith.constant 0 : i32
      %cond3A_675 = arith.cmpi ne, %convert_element_type3A_673, %cond3A_674 : i32
      scf.if %cond3A_675 {
        %parallel_loop3A = arith.constant 0 : i32
        %parallel_loop3A_722 = arith.constant 512 : i32
        %parallel_loop3A_723 = arith.constant 1 : i32
        scf.for %parallel_loop3A_724 = %parallel_loop3A to %parallel_loop3A_722 step %parallel_loop3A_723  : i32 {
          %parallel_loop3A_725 = arith.constant 7 : i32
          %parallel_loop3A_726 = arith.shrsi %parallel_loop3A_724, %parallel_loop3A_725 : i32
          %parallel_loop3A_727 = arith.constant 0 : i32
          %parallel_loop3A_728 = vector.broadcast %parallel_loop3A_727 : i32 to vector<16xi32>
          %parallel_loop3A_729 = vector.broadcast %parallel_loop3A_726 : i32 to vector<16xi32>
          %parallel_loop3A_730 = arith.addi %parallel_loop3A_729, %parallel_loop3A_728 : vector<16xi32>
          %parallel_loop3A_731 = arith.constant 127 : i32
          %parallel_loop3A_732 = arith.andi %parallel_loop3A_724, %parallel_loop3A_731 : i32
          %parallel_loop3A_733 = arith.constant 0 : i32
          %parallel_loop3A_734 = vector.broadcast %parallel_loop3A_733 : i32 to vector<16xi32>
          %parallel_loop3A_735 = vector.broadcast %parallel_loop3A_732 : i32 to vector<16xi32>
          %parallel_loop3A_736 = arith.addi %parallel_loop3A_735, %parallel_loop3A_734 : vector<16xi32>
          %parallel_loop3A_737 = arith.index_cast %parallel_loop3A_724 : i32 to index
          %parallel_loop3A_738 = arith.constant 0 : index
          %parallel_loop3A_739 = tpu.vector_load %arg6[%parallel_loop3A_737, %parallel_loop3A_738] {strides = array<i32>} : memref<512x32xf32, #tpu.memory_space<vmem>>, vector<16xf32>,
          %parallel_loop3A_740 = arith.constant 5.65685415 : f32
          %parallel_loop3A_741 = vector.broadcast %parallel_loop3A_740 : f32 to vector<16xf32>
          %parallel_loop3A_742 = arith.mulf %parallel_loop3A_739, %parallel_loop3A_741 : vector<16xf32>
          tpu.vector_store_idx %arg8[%parallel_loop3A_730, %shift_right_arithmetic3A_5, %and3A_16, %parallel_loop3A_736], %parallel_loop3A_742 : memref<4x4x8x129xf32, #tpu.memory_space<vmem>>[vector<16xi32>, vector<16xi32>, vector<16xi32>, vector<16xi32>], vector<16xf32>,
          %parallel_loop3A_743 = arith.index_cast %parallel_loop3A_724 : i32 to index
          %parallel_loop3A_744 = arith.constant 16 : index
          %parallel_loop3A_745 = tpu.vector_load %arg6[%parallel_loop3A_743, %parallel_loop3A_744] {strides = array<i32>} : memref<512x32xf32, #tpu.memory_space<vmem>>, vector<16xf32>,
          %parallel_loop3A_746 = arith.constant 5.65685415 : f32
          %parallel_loop3A_747 = vector.broadcast %parallel_loop3A_746 : f32 to vector<16xf32>
          %parallel_loop3A_748 = arith.mulf %parallel_loop3A_745, %parallel_loop3A_747 : vector<16xf32>
          tpu.vector_store_idx %arg8[%parallel_loop3A_730, %shift_right_arithmetic3A_11, %and3A_22, %parallel_loop3A_736], %parallel_loop3A_748 : memref<4x4x8x129xf32, #tpu.memory_space<vmem>>[vector<16xi32>, vector<16xi32>, vector<16xi32>, vector<16xi32>], vector<16xf32>,
        } {sc.loop_unroll_factor = 4 : i64, sc.parallel_access}
      } else {
      }
      %add3A_676 = arith.constant 2 : i32
      %add3A_677 = arith.addi %add3A_658, %add3A_676 : i32
      %lt3A_678 = arith.constant 50 : i32
      %lt3A_679 = arith.cmpi slt, %add3A_677, %lt3A_678 : i32
      %convert_element_type3A_680 = arith.extui %lt3A_679 : i1 to i32
      %cond3A_681 = arith.constant 0 : i32
      %cond3A_682 = arith.cmpi ne, %convert_element_type3A_680, %cond3A_681 : i32
      scf.if %cond3A_682 {
        %mul3A_722 = arith.constant 4 : i32
        %mul3A_723 = arith.muli %mul3A_722, %add3A_677 : i32
        %add3A_724 = arith.constant 0 : i32
        %add3A_725 = arith.addi %mul3A_723, %add3A_724 : i32
        %dma_start3A_726 = arith.constant 0 : i32
        %dma_start3A_727 = arith.constant 0 : i32
        %dma_start3A_728 = arith.constant 0 : i32
        %dma_start3A_729 = arith.constant 0 : i32
        %dma_start3A_730 = tpu.memref_slice %arg6[%dma_start3A_728, %dma_start3A_729] : memref<512x32xf32, #tpu.memory_space<vmem>> -> memref<128x32xf32, #tpu.memory_space<vmem>>
        %dma_start3A_731 = arith.constant 0 : i32
        %dma_start3A_732 = tpu.memref_slice %arg5[%add3A_725, %dma_start3A_726, %dma_start3A_731] : memref<200x1x128xi32, #tpu.memory_space<vmem>> -> memref<1x1x128xi32, #tpu.memory_space<vmem>>
        %dma_start3A_733 = tpu.memref_squeeze %dma_start3A_732 : memref<1x1x128xi32, #tpu.memory_space<vmem>> -> memref<128xi32, #tpu.memory_space<vmem>>
        %dma_start3A_734 = arith.constant 0 : i32
        %dma_start3A_735 = arith.constant 0 : i32
        %dma_start3A_736 = tpu.memref_slice %arg2[%dma_start3A_734, %dma_start3A_735] : memref<1000000x32xf32, #tpu.memory_space<hbm>> -> memref<1000000x32xf32, #tpu.memory_space<hbm>>
        %dma_start3A_737 = tpu.memref_slice %arg11[%dma_start3A_727] : memref<2x!tpu.dma_semaphore, #tpu.memory_space<semaphore_mem>> -> memref<1x!tpu.dma_semaphore, #tpu.memory_space<semaphore_mem>>
        %dma_start3A_738 = tpu.memref_squeeze %dma_start3A_737 : memref<1x!tpu.dma_semaphore, #tpu.memory_space<semaphore_mem>> -> memref<!tpu.dma_semaphore, #tpu.memory_space<semaphore_mem>>
        tpu.enqueue_indirect_dma source(%dma_start3A_736 : memref<1000000x32xf32, #tpu.memory_space<hbm>>) target(%dma_start3A_730 : memref<128x32xf32, #tpu.memory_space<vmem>>) offsets(%dma_start3A_733 : memref<128xi32, #tpu.memory_space<vmem>>) semaphore(%dma_start3A_738 : memref<!tpu.dma_semaphore, #tpu.memory_space<semaphore_mem>>)
        %mul3A_739 = arith.constant 4 : i32
        %mul3A_740 = arith.muli %mul3A_739, %add3A_677 : i32
        %add3A_741 = arith.constant 1 : i32
        %add3A_742 = arith.addi %mul3A_740, %add3A_741 : i32
        %dma_start3A_743 = arith.constant 0 : i32
        %dma_start3A_744 = arith.constant 0 : i32
        %dma_start3A_745 = arith.constant 128 : i32
        %dma_start3A_746 = arith.constant 0 : i32
        %dma_start3A_747 = tpu.memref_slice %arg6[%dma_start3A_745, %dma_start3A_746] : memref<512x32xf32, #tpu.memory_space<vmem>> -> memref<128x32xf32, #tpu.memory_space<vmem>>
        %dma_start3A_748 = arith.constant 0 : i32
        %dma_start3A_749 = tpu.memref_slice %arg5[%add3A_742, %dma_start3A_743, %dma_start3A_748] : memref<200x1x128xi32, #tpu.memory_space<vmem>> -> memref<1x1x128xi32, #tpu.memory_space<vmem>>
        %dma_start3A_750 = tpu.memref_squeeze %dma_start3A_749 : memref<1x1x128xi32, #tpu.memory_space<vmem>> -> memref<128xi32, #tpu.memory_space<vmem>>
        %dma_start3A_751 = arith.constant 0 : i32
        %dma_start3A_752 = arith.constant 0 : i32
        %dma_start3A_753 = tpu.memref_slice %arg2[%dma_start3A_751, %dma_start3A_752] : memref<1000000x32xf32, #tpu.memory_space<hbm>> -> memref<1000000x32xf32, #tpu.memory_space<hbm>>
        %dma_start3A_754 = tpu.memref_slice %arg11[%dma_start3A_744] : memref<2x!tpu.dma_semaphore, #tpu.memory_space<semaphore_mem>> -> memref<1x!tpu.dma_semaphore, #tpu.memory_space<semaphore_mem>>
        %dma_start3A_755 = tpu.memref_squeeze %dma_start3A_754 : memref<1x!tpu.dma_semaphore, #tpu.memory_space<semaphore_mem>> -> memref<!tpu.dma_semaphore, #tpu.memory_space<semaphore_mem>>
        tpu.enqueue_indirect_dma source(%dma_start3A_753 : memref<1000000x32xf32, #tpu.memory_space<hbm>>) target(%dma_start3A_747 : memref<128x32xf32, #tpu.memory_space<vmem>>) offsets(%dma_start3A_750 : memref<128xi32, #tpu.memory_space<vmem>>) semaphore(%dma_start3A_755 : memref<!tpu.dma_semaphore, #tpu.memory_space<semaphore_mem>>)
        %mul3A_756 = arith.constant 4 : i32
        %mul3A_757 = arith.muli %mul3A_756, %add3A_677 : i32
        %add3A_758 = arith.constant 2 : i32
        %add3A_759 = arith.addi %mul3A_757, %add3A_758 : i32
        %dma_start3A_760 = arith.constant 0 : i32
        %dma_start3A_761 = arith.constant 0 : i32
        %dma_start3A_762 = arith.constant 256 : i32
        %dma_start3A_763 = arith.constant 0 : i32
        %dma_start3A_764 = tpu.memref_slice %arg6[%dma_start3A_762, %dma_start3A_763] : memref<512x32xf32, #tpu.memory_space<vmem>> -> memref<128x32xf32, #tpu.memory_space<vmem>>
        %dma_start3A_765 = arith.constant 0 : i32
        %dma_start3A_766 = tpu.memref_slice %arg5[%add3A_759, %dma_start3A_760, %dma_start3A_765] : memref<200x1x128xi32, #tpu.memory_space<vmem>> -> memref<1x1x128xi32, #tpu.memory_space<vmem>>
        %dma_start3A_767 = tpu.memref_squeeze %dma_start3A_766 : memref<1x1x128xi32, #tpu.memory_space<vmem>> -> memref<128xi32, #tpu.memory_space<vmem>>
        %dma_start3A_768 = arith.constant 0 : i32
        %dma_start3A_769 = arith.constant 0 : i32
        %dma_start3A_770 = tpu.memref_slice %arg2[%dma_start3A_768, %dma_start3A_769] : memref<1000000x32xf32, #tpu.memory_space<hbm>> -> memref<1000000x32xf32, #tpu.memory_space<hbm>>
        %dma_start3A_771 = tpu.memref_slice %arg11[%dma_start3A_761] : memref<2x!tpu.dma_semaphore, #tpu.memory_space<semaphore_mem>> -> memref<1x!tpu.dma_semaphore, #tpu.memory_space<semaphore_mem>>
        %dma_start3A_772 = tpu.memref_squeeze %dma_start3A_771 : memref<1x!tpu.dma_semaphore, #tpu.memory_space<semaphore_mem>> -> memref<!tpu.dma_semaphore, #tpu.memory_space<semaphore_mem>>
        tpu.enqueue_indirect_dma source(%dma_start3A_770 : memref<1000000x32xf32, #tpu.memory_space<hbm>>) target(%dma_start3A_764 : memref<128x32xf32, #tpu.memory_space<vmem>>) offsets(%dma_start3A_767 : memref<128xi32, #tpu.memory_space<vmem>>) semaphore(%dma_start3A_772 : memref<!tpu.dma_semaphore, #tpu.memory_space<semaphore_mem>>)
        %mul3A_773 = arith.constant 4 : i32
        %mul3A_774 = arith.muli %mul3A_773, %add3A_677 : i32
        %add3A_775 = arith.constant 3 : i32
        %add3A_776 = arith.addi %mul3A_774, %add3A_775 : i32
        %dma_start3A_777 = arith.constant 0 : i32
        %dma_start3A_778 = arith.constant 0 : i32
        %dma_start3A_779 = arith.constant 384 : i32
        %dma_start3A_780 = arith.constant 0 : i32
        %dma_start3A_781 = tpu.memref_slice %arg6[%dma_start3A_779, %dma_start3A_780] : memref<512x32xf32, #tpu.memory_space<vmem>> -> memref<128x32xf32, #tpu.memory_space<vmem>>
        %dma_start3A_782 = arith.constant 0 : i32
        %dma_start3A_783 = tpu.memref_slice %arg5[%add3A_776, %dma_start3A_777, %dma_start3A_782] : memref<200x1x128xi32, #tpu.memory_space<vmem>> -> memref<1x1x128xi32, #tpu.memory_space<vmem>>
        %dma_start3A_784 = tpu.memref_squeeze %dma_start3A_783 : memref<1x1x128xi32, #tpu.memory_space<vmem>> -> memref<128xi32, #tpu.memory_space<vmem>>
        %dma_start3A_785 = arith.constant 0 : i32
        %dma_start3A_786 = arith.constant 0 : i32
        %dma_start3A_787 = tpu.memref_slice %arg2[%dma_start3A_785, %dma_start3A_786] : memref<1000000x32xf32, #tpu.memory_space<hbm>> -> memref<1000000x32xf32, #tpu.memory_space<hbm>>
        %dma_start3A_788 = tpu.memref_slice %arg11[%dma_start3A_778] : memref<2x!tpu.dma_semaphore, #tpu.memory_space<semaphore_mem>> -> memref<1x!tpu.dma_semaphore, #tpu.memory_space<semaphore_mem>>
        %dma_start3A_789 = tpu.memref_squeeze %dma_start3A_788 : memref<1x!tpu.dma_semaphore, #tpu.memory_space<semaphore_mem>> -> memref<!tpu.dma_semaphore, #tpu.memory_space<semaphore_mem>>
        tpu.enqueue_indirect_dma source(%dma_start3A_787 : memref<1000000x32xf32, #tpu.memory_space<hbm>>) target(%dma_start3A_781 : memref<128x32xf32, #tpu.memory_space<vmem>>) offsets(%dma_start3A_784 : memref<128xi32, #tpu.memory_space<vmem>>) semaphore(%dma_start3A_789 : memref<!tpu.dma_semaphore, #tpu.memory_space<semaphore_mem>>)
      } else {
      }
      %lt3A_683 = arith.constant 50 : i32
      %lt3A_684 = arith.cmpi slt, %add3A_658, %lt3A_683 : i32
      %convert_element_type3A_685 = arith.extui %lt3A_684 : i1 to i32
      %cond3A_686 = arith.constant 0 : i32
      %cond3A_687 = arith.cmpi ne, %convert_element_type3A_685, %cond3A_686 : i32
      scf.if %cond3A_687 {
        %mul3A_722 = arith.constant 200 : i32
        %mul3A_723 = arith.muli %mul3A_722, %add3A : i32
        %mul3A_724 = arith.constant 4 : i32
        %mul3A_725 = arith.muli %mul3A_724, %add3A_658 : i32
        %add3A_726 = arith.addi %mul3A_723, %mul3A_725 : i32
        %jit3A_727 = arith.constant 32 : i32
        %div3A_728 = arith.divsi %add3A_726, %jit3A_727 : i32
        %sign3A_729 = arith.constant 0 : i32
        %sign3A_730 = arith.cmpi sgt, %add3A_726, %sign3A_729 : i32
        %sign3A_731 = arith.extui %sign3A_730 : i1 to i32
        %sign3A_732 = arith.constant 0 : i32
        %sign3A_733 = arith.cmpi slt, %add3A_726, %sign3A_732 : i32
        %sign3A_734 = arith.extui %sign3A_733 : i1 to i32
        %sign3A_735 = arith.subi %sign3A_731, %sign3A_734 : i32
        %sign3A_736 = arith.constant 0 : i32
        %sign3A_737 = arith.cmpi sgt, %jit3A_727, %sign3A_736 : i32
        %sign3A_738 = arith.extui %sign3A_737 : i1 to i32
        %sign3A_739 = arith.constant 0 : i32
        %sign3A_740 = arith.cmpi slt, %jit3A_727, %sign3A_739 : i32
        %sign3A_741 = arith.extui %sign3A_740 : i1 to i32
        %sign3A_742 = arith.subi %sign3A_738, %sign3A_741 : i32
        %ne3A_743 = arith.cmpi ne, %sign3A_735, %sign3A_742 : i32
        %rem3A_744 = arith.remsi %add3A_726, %jit3A_727 : i32
        %ne3A_745 = arith.constant 0 : i32
        %ne3A_746 = arith.cmpi ne, %rem3A_744, %ne3A_745 : i32
        %and3A_747 = arith.andi %ne3A_743, %ne3A_746 : i1
        %sub3A_748 = arith.constant 1 : i32
        %sub3A_749 = arith.subi %div3A_728, %sub3A_748 : i32
        %select_n3A_750 = arith.select %and3A_747, %sub3A_749, %div3A_728 : i32
        %jit3A_751 = arith.constant 32 : i32
        %eq3A_752 = arith.constant 0 : i32
        %eq3A_753 = arith.cmpi eq, %jit3A_751, %eq3A_752 : i32
        %jit3A_754 = arith.constant 1 : i32
        %select_n3A_755 = arith.select %eq3A_753, %jit3A_754, %jit3A_751 : i32
        %rem3A_756 = arith.remsi %add3A_726, %select_n3A_755 : i32
        %ne3A_757 = arith.constant 0 : i32
        %ne3A_758 = arith.cmpi ne, %rem3A_756, %ne3A_757 : i32
        %lt3A_759 = arith.constant 0 : i32
        %lt3A_760 = arith.cmpi slt, %rem3A_756, %lt3A_759 : i32
        %lt3A_761 = arith.constant 0 : i32
        %lt3A_762 = arith.cmpi slt, %select_n3A_755, %lt3A_761 : i32
        %ne3A_763 = arith.xori %lt3A_760, %lt3A_762 : i1
        %and3A_764 = arith.andi %ne3A_763, %ne3A_758 : i1
        %add3A_765 = arith.addi %rem3A_756, %select_n3A_755 : i32
        %select_n3A_766 = arith.select %and3A_764, %add3A_765, %rem3A_756 : i32
        %dma_start3A_767 = arith.constant 0 : i32
        %dma_start3A_768 = arith.constant 0 : i32
        %dma_start3A_769 = arith.constant 0 : i32
        %dma_start3A_770 = arith.constant 0 : i32
        %dma_start3A_771 = arith.constant 0 : i32
        %dma_start3A_772 = arith.constant 0 : i32
        %dma_start3A_773 = tpu.memref_slice %arg8[%dma_start3A_770, %dma_start3A_767, %dma_start3A_771, %dma_start3A_772] : memref<4x4x8x129xf32, #tpu.memory_space<vmem>> -> memref<4x1x8x128xf32, #tpu.memory_space<vmem>>
        %dma_start3A_774 = tpu.memref_squeeze %dma_start3A_773 : memref<4x1x8x128xf32, #tpu.memory_space<vmem>> -> memref<4x8x128xf32, #tpu.memory_space<vmem>>
        %dma_start3A_775 = arith.constant 0 : i32
        %dma_start3A_776 = arith.constant 0 : i32
        %dma_start3A_777 = tpu.memref_slice %arg4[%select_n3A_750, %dma_start3A_768, %select_n3A_766, %dma_start3A_775, %dma_start3A_776] : memref<200x4x32x8x128xf32, #tpu.memory_space<hbm>> -> memref<1x1x4x8x128xf32, #tpu.memory_space<hbm>>
        %dma_start3A_778 = tpu.memref_squeeze %dma_start3A_777 : memref<1x1x4x8x128xf32, #tpu.memory_space<hbm>> -> memref<4x8x128xf32, #tpu.memory_space<hbm>>
        %dma_start3A_779 = tpu.memref_slice %arg12[%dma_start3A_769] : memref<2x!tpu.dma_semaphore, #tpu.memory_space<semaphore_mem>> -> memref<1x!tpu.dma_semaphore, #tpu.memory_space<semaphore_mem>>
        %dma_start3A_780 = tpu.memref_squeeze %dma_start3A_779 : memref<1x!tpu.dma_semaphore, #tpu.memory_space<semaphore_mem>> -> memref<!tpu.dma_semaphore, #tpu.memory_space<semaphore_mem>>
        %dma_start3A_781 = arith.constant 0 : i32
        %dma_start3A_782 = arith.constant 0 : i32
        %dma_start3A_783 = tpu.memref_slice %arg4[%select_n3A_750, %dma_start3A_768, %select_n3A_766, %dma_start3A_781, %dma_start3A_782] : memref<200x4x32x8x128xf32, #tpu.memory_space<hbm>> -> memref<1x1x4x8x128xf32, #tpu.memory_space<hbm>>
        %dma_start3A_784 = tpu.memref_squeeze %dma_start3A_783 : memref<1x1x4x8x128xf32, #tpu.memory_space<hbm>> -> memref<4x8x128xf32, #tpu.memory_space<hbm>>
        %dma_start3A_785 = arith.constant 0 : i32
        %dma_start3A_786 = arith.constant 0 : i32
        %dma_start3A_787 = arith.constant 0 : i32
        %dma_start3A_788 = tpu.memref_slice %arg8[%dma_start3A_785, %dma_start3A_767, %dma_start3A_786, %dma_start3A_787] : memref<4x4x8x129xf32, #tpu.memory_space<vmem>> -> memref<4x1x8x128xf32, #tpu.memory_space<vmem>>
        %dma_start3A_789 = tpu.memref_squeeze %dma_start3A_788 : memref<4x1x8x128xf32, #tpu.memory_space<vmem>> -> memref<4x8x128xf32, #tpu.memory_space<vmem>>
        tpu.enqueue_dma source(%dma_start3A_789 : memref<4x8x128xf32, #tpu.memory_space<vmem>>) target(%dma_start3A_784 : memref<4x8x128xf32, #tpu.memory_space<hbm>>) target_semaphore(%dma_start3A_780 : memref<!tpu.dma_semaphore, #tpu.memory_space<semaphore_mem>>)
        %jit3A_790 = arith.constant 32 : i32
        %div3A_791 = arith.divsi %add3A_726, %jit3A_790 : i32
        %sign3A_792 = arith.constant 0 : i32
        %sign3A_793 = arith.cmpi sgt, %add3A_726, %sign3A_792 : i32
        %sign3A_794 = arith.extui %sign3A_793 : i1 to i32
        %sign3A_795 = arith.constant 0 : i32
        %sign3A_796 = arith.cmpi slt, %add3A_726, %sign3A_795 : i32
        %sign3A_797 = arith.extui %sign3A_796 : i1 to i32
        %sign3A_798 = arith.subi %sign3A_794, %sign3A_797 : i32
        %sign3A_799 = arith.constant 0 : i32
        %sign3A_800 = arith.cmpi sgt, %jit3A_790, %sign3A_799 : i32
        %sign3A_801 = arith.extui %sign3A_800 : i1 to i32
        %sign3A_802 = arith.constant 0 : i32
        %sign3A_803 = arith.cmpi slt, %jit3A_790, %sign3A_802 : i32
        %sign3A_804 = arith.extui %sign3A_803 : i1 to i32
        %sign3A_805 = arith.subi %sign3A_801, %sign3A_804 : i32
        %ne3A_806 = arith.cmpi ne, %sign3A_798, %sign3A_805 : i32
        %rem3A_807 = arith.remsi %add3A_726, %jit3A_790 : i32
        %ne3A_808 = arith.constant 0 : i32
        %ne3A_809 = arith.cmpi ne, %rem3A_807, %ne3A_808 : i32
        %and3A_810 = arith.andi %ne3A_806, %ne3A_809 : i1
        %sub3A_811 = arith.constant 1 : i32
        %sub3A_812 = arith.subi %div3A_791, %sub3A_811 : i32
        %select_n3A_813 = arith.select %and3A_810, %sub3A_812, %div3A_791 : i32
        %jit3A_814 = arith.constant 32 : i32
        %eq3A_815 = arith.constant 0 : i32
        %eq3A_816 = arith.cmpi eq, %jit3A_814, %eq3A_815 : i32
        %jit3A_817 = arith.constant 1 : i32
        %select_n3A_818 = arith.select %eq3A_816, %jit3A_817, %jit3A_814 : i32
        %rem3A_819 = arith.remsi %add3A_726, %select_n3A_818 : i32
        %ne3A_820 = arith.constant 0 : i32
        %ne3A_821 = arith.cmpi ne, %rem3A_819, %ne3A_820 : i32
        %lt3A_822 = arith.constant 0 : i32
        %lt3A_823 = arith.cmpi slt, %rem3A_819, %lt3A_822 : i32
        %lt3A_824 = arith.constant 0 : i32
        %lt3A_825 = arith.cmpi slt, %select_n3A_818, %lt3A_824 : i32
        %ne3A_826 = arith.xori %lt3A_823, %lt3A_825 : i1
        %and3A_827 = arith.andi %ne3A_826, %ne3A_821 : i1
        %add3A_828 = arith.addi %rem3A_819, %select_n3A_818 : i32
        %select_n3A_829 = arith.select %and3A_827, %add3A_828, %rem3A_819 : i32
        %dma_start3A_830 = arith.constant 1 : i32
        %dma_start3A_831 = arith.constant 1 : i32
        %dma_start3A_832 = arith.constant 0 : i32
        %dma_start3A_833 = arith.constant 0 : i32
        %dma_start3A_834 = arith.constant 0 : i32
        %dma_start3A_835 = arith.constant 0 : i32
        %dma_start3A_836 = tpu.memref_slice %arg8[%dma_start3A_833, %dma_start3A_830, %dma_start3A_834, %dma_start3A_835] : memref<4x4x8x129xf32, #tpu.memory_space<vmem>> -> memref<4x1x8x128xf32, #tpu.memory_space<vmem>>
        %dma_start3A_837 = tpu.memref_squeeze %dma_start3A_836 : memref<4x1x8x128xf32, #tpu.memory_space<vmem>> -> memref<4x8x128xf32, #tpu.memory_space<vmem>>
        %dma_start3A_838 = arith.constant 0 : i32
        %dma_start3A_839 = arith.constant 0 : i32
        %dma_start3A_840 = tpu.memref_slice %arg4[%select_n3A_813, %dma_start3A_831, %select_n3A_829, %dma_start3A_838, %dma_start3A_839] : memref<200x4x32x8x128xf32, #tpu.memory_space<hbm>> -> memref<1x1x4x8x128xf32, #tpu.memory_space<hbm>>
        %dma_start3A_841 = tpu.memref_squeeze %dma_start3A_840 : memref<1x1x4x8x128xf32, #tpu.memory_space<hbm>> -> memref<4x8x128xf32, #tpu.memory_space<hbm>>
        %dma_start3A_842 = tpu.memref_slice %arg12[%dma_start3A_832] : memref<2x!tpu.dma_semaphore, #tpu.memory_space<semaphore_mem>> -> memref<1x!tpu.dma_semaphore, #tpu.memory_space<semaphore_mem>>
        %dma_start3A_843 = tpu.memref_squeeze %dma_start3A_842 : memref<1x!tpu.dma_semaphore, #tpu.memory_space<semaphore_mem>> -> memref<!tpu.dma_semaphore, #tpu.memory_space<semaphore_mem>>
        %dma_start3A_844 = arith.constant 0 : i32
        %dma_start3A_845 = arith.constant 0 : i32
        %dma_start3A_846 = tpu.memref_slice %arg4[%select_n3A_813, %dma_start3A_831, %select_n3A_829, %dma_start3A_844, %dma_start3A_845] : memref<200x4x32x8x128xf32, #tpu.memory_space<hbm>> -> memref<1x1x4x8x128xf32, #tpu.memory_space<hbm>>
        %dma_start3A_847 = tpu.memref_squeeze %dma_start3A_846 : memref<1x1x4x8x128xf32, #tpu.memory_space<hbm>> -> memref<4x8x128xf32, #tpu.memory_space<hbm>>
        %dma_start3A_848 = arith.constant 0 : i32
        %dma_start3A_849 = arith.constant 0 : i32
        %dma_start3A_850 = arith.constant 0 : i32
        %dma_start3A_851 = tpu.memref_slice %arg8[%dma_start3A_848, %dma_start3A_830, %dma_start3A_849, %dma_start3A_850] : memref<4x4x8x129xf32, #tpu.memory_space<vmem>> -> memref<4x1x8x128xf32, #tpu.memory_space<vmem>>
        %dma_start3A_852 = tpu.memref_squeeze %dma_start3A_851 : memref<4x1x8x128xf32, #tpu.memory_space<vmem>> -> memref<4x8x128xf32, #tpu.memory_space<vmem>>
        tpu.enqueue_dma source(%dma_start3A_852 : memref<4x8x128xf32, #tpu.memory_space<vmem>>) target(%dma_start3A_847 : memref<4x8x128xf32, #tpu.memory_space<hbm>>) target_semaphore(%dma_start3A_843 : memref<!tpu.dma_semaphore, #tpu.memory_space<semaphore_mem>>)
        %jit3A_853 = arith.constant 32 : i32
        %div3A_854 = arith.divsi %add3A_726, %jit3A_853 : i32
        %sign3A_855 = arith.constant 0 : i32
        %sign3A_856 = arith.cmpi sgt, %add3A_726, %sign3A_855 : i32
        %sign3A_857 = arith.extui %sign3A_856 : i1 to i32
        %sign3A_858 = arith.constant 0 : i32
        %sign3A_859 = arith.cmpi slt, %add3A_726, %sign3A_858 : i32
        %sign3A_860 = arith.extui %sign3A_859 : i1 to i32
        %sign3A_861 = arith.subi %sign3A_857, %sign3A_860 : i32
        %sign3A_862 = arith.constant 0 : i32
        %sign3A_863 = arith.cmpi sgt, %jit3A_853, %sign3A_862 : i32
        %sign3A_864 = arith.extui %sign3A_863 : i1 to i32
        %sign3A_865 = arith.constant 0 : i32
        %sign3A_866 = arith.cmpi slt, %jit3A_853, %sign3A_865 : i32
        %sign3A_867 = arith.extui %sign3A_866 : i1 to i32
        %sign3A_868 = arith.subi %sign3A_864, %sign3A_867 : i32
        %ne3A_869 = arith.cmpi ne, %sign3A_861, %sign3A_868 : i32
        %rem3A_870 = arith.remsi %add3A_726, %jit3A_853 : i32
        %ne3A_871 = arith.constant 0 : i32
        %ne3A_872 = arith.cmpi ne, %rem3A_870, %ne3A_871 : i32
        %and3A_873 = arith.andi %ne3A_869, %ne3A_872 : i1
        %sub3A_874 = arith.constant 1 : i32
        %sub3A_875 = arith.subi %div3A_854, %sub3A_874 : i32
        %select_n3A_876 = arith.select %and3A_873, %sub3A_875, %div3A_854 : i32
        %jit3A_877 = arith.constant 32 : i32
        %eq3A_878 = arith.constant 0 : i32
        %eq3A_879 = arith.cmpi eq, %jit3A_877, %eq3A_878 : i32
        %jit3A_880 = arith.constant 1 : i32
        %select_n3A_881 = arith.select %eq3A_879, %jit3A_880, %jit3A_877 : i32
        %rem3A_882 = arith.remsi %add3A_726, %select_n3A_881 : i32
        %ne3A_883 = arith.constant 0 : i32
        %ne3A_884 = arith.cmpi ne, %rem3A_882, %ne3A_883 : i32
        %lt3A_885 = arith.constant 0 : i32
        %lt3A_886 = arith.cmpi slt, %rem3A_882, %lt3A_885 : i32
        %lt3A_887 = arith.constant 0 : i32
        %lt3A_888 = arith.cmpi slt, %select_n3A_881, %lt3A_887 : i32
        %ne3A_889 = arith.xori %lt3A_886, %lt3A_888 : i1
        %and3A_890 = arith.andi %ne3A_889, %ne3A_884 : i1
        %add3A_891 = arith.addi %rem3A_882, %select_n3A_881 : i32
        %select_n3A_892 = arith.select %and3A_890, %add3A_891, %rem3A_882 : i32
        %dma_start3A_893 = arith.constant 2 : i32
        %dma_start3A_894 = arith.constant 2 : i32
        %dma_start3A_895 = arith.constant 0 : i32
        %dma_start3A_896 = arith.constant 0 : i32
        %dma_start3A_897 = arith.constant 0 : i32
        %dma_start3A_898 = arith.constant 0 : i32
        %dma_start3A_899 = tpu.memref_slice %arg8[%dma_start3A_896, %dma_start3A_893, %dma_start3A_897, %dma_start3A_898] : memref<4x4x8x129xf32, #tpu.memory_space<vmem>> -> memref<4x1x8x128xf32, #tpu.memory_space<vmem>>
        %dma_start3A_900 = tpu.memref_squeeze %dma_start3A_899 : memref<4x1x8x128xf32, #tpu.memory_space<vmem>> -> memref<4x8x128xf32, #tpu.memory_space<vmem>>
        %dma_start3A_901 = arith.constant 0 : i32
        %dma_start3A_902 = arith.constant 0 : i32
        %dma_start3A_903 = tpu.memref_slice %arg4[%select_n3A_876, %dma_start3A_894, %select_n3A_892, %dma_start3A_901, %dma_start3A_902] : memref<200x4x32x8x128xf32, #tpu.memory_space<hbm>> -> memref<1x1x4x8x128xf32, #tpu.memory_space<hbm>>
        %dma_start3A_904 = tpu.memref_squeeze %dma_start3A_903 : memref<1x1x4x8x128xf32, #tpu.memory_space<hbm>> -> memref<4x8x128xf32, #tpu.memory_space<hbm>>
        %dma_start3A_905 = tpu.memref_slice %arg12[%dma_start3A_895] : memref<2x!tpu.dma_semaphore, #tpu.memory_space<semaphore_mem>> -> memref<1x!tpu.dma_semaphore, #tpu.memory_space<semaphore_mem>>
        %dma_start3A_906 = tpu.memref_squeeze %dma_start3A_905 : memref<1x!tpu.dma_semaphore, #tpu.memory_space<semaphore_mem>> -> memref<!tpu.dma_semaphore, #tpu.memory_space<semaphore_mem>>
        %dma_start3A_907 = arith.constant 0 : i32
        %dma_start3A_908 = arith.constant 0 : i32
        %dma_start3A_909 = tpu.memref_slice %arg4[%select_n3A_876, %dma_start3A_894, %select_n3A_892, %dma_start3A_907, %dma_start3A_908] : memref<200x4x32x8x128xf32, #tpu.memory_space<hbm>> -> memref<1x1x4x8x128xf32, #tpu.memory_space<hbm>>
        %dma_start3A_910 = tpu.memref_squeeze %dma_start3A_909 : memref<1x1x4x8x128xf32, #tpu.memory_space<hbm>> -> memref<4x8x128xf32, #tpu.memory_space<hbm>>
        %dma_start3A_911 = arith.constant 0 : i32
        %dma_start3A_912 = arith.constant 0 : i32
        %dma_start3A_913 = arith.constant 0 : i32
        %dma_start3A_914 = tpu.memref_slice %arg8[%dma_start3A_911, %dma_start3A_893, %dma_start3A_912, %dma_start3A_913] : memref<4x4x8x129xf32, #tpu.memory_space<vmem>> -> memref<4x1x8x128xf32, #tpu.memory_space<vmem>>
        %dma_start3A_915 = tpu.memref_squeeze %dma_start3A_914 : memref<4x1x8x128xf32, #tpu.memory_space<vmem>> -> memref<4x8x128xf32, #tpu.memory_space<vmem>>
        tpu.enqueue_dma source(%dma_start3A_915 : memref<4x8x128xf32, #tpu.memory_space<vmem>>) target(%dma_start3A_910 : memref<4x8x128xf32, #tpu.memory_space<hbm>>) target_semaphore(%dma_start3A_906 : memref<!tpu.dma_semaphore, #tpu.memory_space<semaphore_mem>>)
        %jit3A_916 = arith.constant 32 : i32
        %div3A_917 = arith.divsi %add3A_726, %jit3A_916 : i32
        %sign3A_918 = arith.constant 0 : i32
        %sign3A_919 = arith.cmpi sgt, %add3A_726, %sign3A_918 : i32
        %sign3A_920 = arith.extui %sign3A_919 : i1 to i32
        %sign3A_921 = arith.constant 0 : i32
        %sign3A_922 = arith.cmpi slt, %add3A_726, %sign3A_921 : i32
        %sign3A_923 = arith.extui %sign3A_922 : i1 to i32
        %sign3A_924 = arith.subi %sign3A_920, %sign3A_923 : i32
        %sign3A_925 = arith.constant 0 : i32
        %sign3A_926 = arith.cmpi sgt, %jit3A_916, %sign3A_925 : i32
        %sign3A_927 = arith.extui %sign3A_926 : i1 to i32
        %sign3A_928 = arith.constant 0 : i32
        %sign3A_929 = arith.cmpi slt, %jit3A_916, %sign3A_928 : i32
        %sign3A_930 = arith.extui %sign3A_929 : i1 to i32
        %sign3A_931 = arith.subi %sign3A_927, %sign3A_930 : i32
        %ne3A_932 = arith.cmpi ne, %sign3A_924, %sign3A_931 : i32
        %rem3A_933 = arith.remsi %add3A_726, %jit3A_916 : i32
        %ne3A_934 = arith.constant 0 : i32
        %ne3A_935 = arith.cmpi ne, %rem3A_933, %ne3A_934 : i32
        %and3A_936 = arith.andi %ne3A_932, %ne3A_935 : i1
        %sub3A_937 = arith.constant 1 : i32
        %sub3A_938 = arith.subi %div3A_917, %sub3A_937 : i32
        %select_n3A_939 = arith.select %and3A_936, %sub3A_938, %div3A_917 : i32
        %jit3A_940 = arith.constant 32 : i32
        %eq3A_941 = arith.constant 0 : i32
        %eq3A_942 = arith.cmpi eq, %jit3A_940, %eq3A_941 : i32
        %jit3A_943 = arith.constant 1 : i32
        %select_n3A_944 = arith.select %eq3A_942, %jit3A_943, %jit3A_940 : i32
        %rem3A_945 = arith.remsi %add3A_726, %select_n3A_944 : i32
        %ne3A_946 = arith.constant 0 : i32
        %ne3A_947 = arith.cmpi ne, %rem3A_945, %ne3A_946 : i32
        %lt3A_948 = arith.constant 0 : i32
        %lt3A_949 = arith.cmpi slt, %rem3A_945, %lt3A_948 : i32
        %lt3A_950 = arith.constant 0 : i32
        %lt3A_951 = arith.cmpi slt, %select_n3A_944, %lt3A_950 : i32
        %ne3A_952 = arith.xori %lt3A_949, %lt3A_951 : i1
        %and3A_953 = arith.andi %ne3A_952, %ne3A_947 : i1
        %add3A_954 = arith.addi %rem3A_945, %select_n3A_944 : i32
        %select_n3A_955 = arith.select %and3A_953, %add3A_954, %rem3A_945 : i32
        %dma_start3A_956 = arith.constant 3 : i32
        %dma_start3A_957 = arith.constant 3 : i32
        %dma_start3A_958 = arith.constant 0 : i32
        %dma_start3A_959 = arith.constant 0 : i32
        %dma_start3A_960 = arith.constant 0 : i32
        %dma_start3A_961 = arith.constant 0 : i32
        %dma_start3A_962 = tpu.memref_slice %arg8[%dma_start3A_959, %dma_start3A_956, %dma_start3A_960, %dma_start3A_961] : memref<4x4x8x129xf32, #tpu.memory_space<vmem>> -> memref<4x1x8x128xf32, #tpu.memory_space<vmem>>
        %dma_start3A_963 = tpu.memref_squeeze %dma_start3A_962 : memref<4x1x8x128xf32, #tpu.memory_space<vmem>> -> memref<4x8x128xf32, #tpu.memory_space<vmem>>
        %dma_start3A_964 = arith.constant 0 : i32
        %dma_start3A_965 = arith.constant 0 : i32
        %dma_start3A_966 = tpu.memref_slice %arg4[%select_n3A_939, %dma_start3A_957, %select_n3A_955, %dma_start3A_964, %dma_start3A_965] : memref<200x4x32x8x128xf32, #tpu.memory_space<hbm>> -> memref<1x1x4x8x128xf32, #tpu.memory_space<hbm>>
        %dma_start3A_967 = tpu.memref_squeeze %dma_start3A_966 : memref<1x1x4x8x128xf32, #tpu.memory_space<hbm>> -> memref<4x8x128xf32, #tpu.memory_space<hbm>>
        %dma_start3A_968 = tpu.memref_slice %arg12[%dma_start3A_958] : memref<2x!tpu.dma_semaphore, #tpu.memory_space<semaphore_mem>> -> memref<1x!tpu.dma_semaphore, #tpu.memory_space<semaphore_mem>>
        %dma_start3A_969 = tpu.memref_squeeze %dma_start3A_968 : memref<1x!tpu.dma_semaphore, #tpu.memory_space<semaphore_mem>> -> memref<!tpu.dma_semaphore, #tpu.memory_space<semaphore_mem>>
        %dma_start3A_970 = arith.constant 0 : i32
        %dma_start3A_971 = arith.constant 0 : i32
        %dma_start3A_972 = tpu.memref_slice %arg4[%select_n3A_939, %dma_start3A_957, %select_n3A_955, %dma_start3A_970, %dma_start3A_971] : memref<200x4x32x8x128xf32, #tpu.memory_space<hbm>> -> memref<1x1x4x8x128xf32, #tpu.memory_space<hbm>>
        %dma_start3A_973 = tpu.memref_squeeze %dma_start3A_972 : memref<1x1x4x8x128xf32, #tpu.memory_space<hbm>> -> memref<4x8x128xf32, #tpu.memory_space<hbm>>
        %dma_start3A_974 = arith.constant 0 : i32
        %dma_start3A_975 = arith.constant 0 : i32
        %dma_start3A_976 = arith.constant 0 : i32
        %dma_start3A_977 = tpu.memref_slice %arg8[%dma_start3A_974, %dma_start3A_956, %dma_start3A_975, %dma_start3A_976] : memref<4x4x8x129xf32, #tpu.memory_space<vmem>> -> memref<4x1x8x128xf32, #tpu.memory_space<vmem>>
        %dma_start3A_978 = tpu.memref_squeeze %dma_start3A_977 : memref<4x1x8x128xf32, #tpu.memory_space<vmem>> -> memref<4x8x128xf32, #tpu.memory_space<vmem>>
        tpu.enqueue_dma source(%dma_start3A_978 : memref<4x8x128xf32, #tpu.memory_space<vmem>>) target(%dma_start3A_973 : memref<4x8x128xf32, #tpu.memory_space<hbm>>) target_semaphore(%dma_start3A_969 : memref<!tpu.dma_semaphore, #tpu.memory_space<semaphore_mem>>)
      } else {
      }
      %add3A_688 = arith.constant 1 : i32
      %add3A_689 = arith.addi %mul3A_656, %add3A_688 : i32
      %lt3A_690 = arith.constant 50 : i32
      %lt3A_691 = arith.cmpi slt, %add3A_689, %lt3A_690 : i32
      %convert_element_type3A_692 = arith.extui %lt3A_691 : i1 to i32
      %cond3A_693 = arith.constant 0 : i32
      %cond3A_694 = arith.cmpi ne, %convert_element_type3A_692, %cond3A_693 : i32
      scf.if %cond3A_694 {
        %mul3A_722 = arith.constant 4 : i32
        %mul3A_723 = arith.muli %mul3A_722, %add3A_689 : i32
        %add3A_724 = arith.constant 0 : i32
        %add3A_725 = arith.addi %mul3A_723, %add3A_724 : i32
        %dma_wait3A_726 = arith.constant 0 : i32
        %dma_wait3A_727 = arith.constant 1 : i32
        %dma_wait3A_728 = arith.constant 0 : i32
        %dma_wait3A_729 = arith.constant 0 : i32
        %dma_wait3A_730 = tpu.memref_slice %arg7[%dma_wait3A_728, %dma_wait3A_729] : memref<512x32xf32, #tpu.memory_space<vmem>> -> memref<128x32xf32, #tpu.memory_space<vmem>>
        %dma_wait3A_731 = arith.constant 0 : i32
        %dma_wait3A_732 = tpu.memref_slice %arg5[%add3A_725, %dma_wait3A_726, %dma_wait3A_731] : memref<200x1x128xi32, #tpu.memory_space<vmem>> -> memref<1x1x128xi32, #tpu.memory_space<vmem>>
        %dma_wait3A_733 = tpu.memref_squeeze %dma_wait3A_732 : memref<1x1x128xi32, #tpu.memory_space<vmem>> -> memref<128xi32, #tpu.memory_space<vmem>>
        %dma_wait3A_734 = arith.constant 0 : i32
        %dma_wait3A_735 = arith.constant 0 : i32
        %dma_wait3A_736 = tpu.memref_slice %arg2[%dma_wait3A_734, %dma_wait3A_735] : memref<1000000x32xf32, #tpu.memory_space<hbm>> -> memref<1000000x32xf32, #tpu.memory_space<hbm>>
        %dma_wait3A_737 = tpu.memref_slice %arg11[%dma_wait3A_727] : memref<2x!tpu.dma_semaphore, #tpu.memory_space<semaphore_mem>> -> memref<1x!tpu.dma_semaphore, #tpu.memory_space<semaphore_mem>>
        %dma_wait3A_738 = tpu.memref_squeeze %dma_wait3A_737 : memref<1x!tpu.dma_semaphore, #tpu.memory_space<semaphore_mem>> -> memref<!tpu.dma_semaphore, #tpu.memory_space<semaphore_mem>>
        tpu.wait_indirect_dma semaphore(%dma_wait3A_738 : memref<!tpu.dma_semaphore, #tpu.memory_space<semaphore_mem>>) src(%dma_wait3A_736 : memref<1000000x32xf32, #tpu.memory_space<hbm>>) dst(%dma_wait3A_730 : memref<128x32xf32, #tpu.memory_space<vmem>>)
        %mul3A_739 = arith.constant 4 : i32
        %mul3A_740 = arith.muli %mul3A_739, %add3A_689 : i32
        %add3A_741 = arith.constant 1 : i32
        %add3A_742 = arith.addi %mul3A_740, %add3A_741 : i32
        %dma_wait3A_743 = arith.constant 0 : i32
        %dma_wait3A_744 = arith.constant 1 : i32
        %dma_wait3A_745 = arith.constant 128 : i32
        %dma_wait3A_746 = arith.constant 0 : i32
        %dma_wait3A_747 = tpu.memref_slice %arg7[%dma_wait3A_745, %dma_wait3A_746] : memref<512x32xf32, #tpu.memory_space<vmem>> -> memref<128x32xf32, #tpu.memory_space<vmem>>
        %dma_wait3A_748 = arith.constant 0 : i32
        %dma_wait3A_749 = tpu.memref_slice %arg5[%add3A_742, %dma_wait3A_743, %dma_wait3A_748] : memref<200x1x128xi32, #tpu.memory_space<vmem>> -> memref<1x1x128xi32, #tpu.memory_space<vmem>>
        %dma_wait3A_750 = tpu.memref_squeeze %dma_wait3A_749 : memref<1x1x128xi32, #tpu.memory_space<vmem>> -> memref<128xi32, #tpu.memory_space<vmem>>
        %dma_wait3A_751 = arith.constant 0 : i32
        %dma_wait3A_752 = arith.constant 0 : i32
        %dma_wait3A_753 = tpu.memref_slice %arg2[%dma_wait3A_751, %dma_wait3A_752] : memref<1000000x32xf32, #tpu.memory_space<hbm>> -> memref<1000000x32xf32, #tpu.memory_space<hbm>>
        %dma_wait3A_754 = tpu.memref_slice %arg11[%dma_wait3A_744] : memref<2x!tpu.dma_semaphore, #tpu.memory_space<semaphore_mem>> -> memref<1x!tpu.dma_semaphore, #tpu.memory_space<semaphore_mem>>
        %dma_wait3A_755 = tpu.memref_squeeze %dma_wait3A_754 : memref<1x!tpu.dma_semaphore, #tpu.memory_space<semaphore_mem>> -> memref<!tpu.dma_semaphore, #tpu.memory_space<semaphore_mem>>
        tpu.wait_indirect_dma semaphore(%dma_wait3A_755 : memref<!tpu.dma_semaphore, #tpu.memory_space<semaphore_mem>>) src(%dma_wait3A_753 : memref<1000000x32xf32, #tpu.memory_space<hbm>>) dst(%dma_wait3A_747 : memref<128x32xf32, #tpu.memory_space<vmem>>)
        %mul3A_756 = arith.constant 4 : i32
        %mul3A_757 = arith.muli %mul3A_756, %add3A_689 : i32
        %add3A_758 = arith.constant 2 : i32
        %add3A_759 = arith.addi %mul3A_757, %add3A_758 : i32
        %dma_wait3A_760 = arith.constant 0 : i32
        %dma_wait3A_761 = arith.constant 1 : i32
        %dma_wait3A_762 = arith.constant 256 : i32
        %dma_wait3A_763 = arith.constant 0 : i32
        %dma_wait3A_764 = tpu.memref_slice %arg7[%dma_wait3A_762, %dma_wait3A_763] : memref<512x32xf32, #tpu.memory_space<vmem>> -> memref<128x32xf32, #tpu.memory_space<vmem>>
        %dma_wait3A_765 = arith.constant 0 : i32
        %dma_wait3A_766 = tpu.memref_slice %arg5[%add3A_759, %dma_wait3A_760, %dma_wait3A_765] : memref<200x1x128xi32, #tpu.memory_space<vmem>> -> memref<1x1x128xi32, #tpu.memory_space<vmem>>
        %dma_wait3A_767 = tpu.memref_squeeze %dma_wait3A_766 : memref<1x1x128xi32, #tpu.memory_space<vmem>> -> memref<128xi32, #tpu.memory_space<vmem>>
        %dma_wait3A_768 = arith.constant 0 : i32
        %dma_wait3A_769 = arith.constant 0 : i32
        %dma_wait3A_770 = tpu.memref_slice %arg2[%dma_wait3A_768, %dma_wait3A_769] : memref<1000000x32xf32, #tpu.memory_space<hbm>> -> memref<1000000x32xf32, #tpu.memory_space<hbm>>
        %dma_wait3A_771 = tpu.memref_slice %arg11[%dma_wait3A_761] : memref<2x!tpu.dma_semaphore, #tpu.memory_space<semaphore_mem>> -> memref<1x!tpu.dma_semaphore, #tpu.memory_space<semaphore_mem>>
        %dma_wait3A_772 = tpu.memref_squeeze %dma_wait3A_771 : memref<1x!tpu.dma_semaphore, #tpu.memory_space<semaphore_mem>> -> memref<!tpu.dma_semaphore, #tpu.memory_space<semaphore_mem>>
        tpu.wait_indirect_dma semaphore(%dma_wait3A_772 : memref<!tpu.dma_semaphore, #tpu.memory_space<semaphore_mem>>) src(%dma_wait3A_770 : memref<1000000x32xf32, #tpu.memory_space<hbm>>) dst(%dma_wait3A_764 : memref<128x32xf32, #tpu.memory_space<vmem>>)
        %mul3A_773 = arith.constant 4 : i32
        %mul3A_774 = arith.muli %mul3A_773, %add3A_689 : i32
        %add3A_775 = arith.constant 3 : i32
        %add3A_776 = arith.addi %mul3A_774, %add3A_775 : i32
        %dma_wait3A_777 = arith.constant 0 : i32
        %dma_wait3A_778 = arith.constant 1 : i32
        %dma_wait3A_779 = arith.constant 384 : i32
        %dma_wait3A_780 = arith.constant 0 : i32
        %dma_wait3A_781 = tpu.memref_slice %arg7[%dma_wait3A_779, %dma_wait3A_780] : memref<512x32xf32, #tpu.memory_space<vmem>> -> memref<128x32xf32, #tpu.memory_space<vmem>>
        %dma_wait3A_782 = arith.constant 0 : i32
        %dma_wait3A_783 = tpu.memref_slice %arg5[%add3A_776, %dma_wait3A_777, %dma_wait3A_782] : memref<200x1x128xi32, #tpu.memory_space<vmem>> -> memref<1x1x128xi32, #tpu.memory_space<vmem>>
        %dma_wait3A_784 = tpu.memref_squeeze %dma_wait3A_783 : memref<1x1x128xi32, #tpu.memory_space<vmem>> -> memref<128xi32, #tpu.memory_space<vmem>>
        %dma_wait3A_785 = arith.constant 0 : i32
        %dma_wait3A_786 = arith.constant 0 : i32
        %dma_wait3A_787 = tpu.memref_slice %arg2[%dma_wait3A_785, %dma_wait3A_786] : memref<1000000x32xf32, #tpu.memory_space<hbm>> -> memref<1000000x32xf32, #tpu.memory_space<hbm>>
        %dma_wait3A_788 = tpu.memref_slice %arg11[%dma_wait3A_778] : memref<2x!tpu.dma_semaphore, #tpu.memory_space<semaphore_mem>> -> memref<1x!tpu.dma_semaphore, #tpu.memory_space<semaphore_mem>>
        %dma_wait3A_789 = tpu.memref_squeeze %dma_wait3A_788 : memref<1x!tpu.dma_semaphore, #tpu.memory_space<semaphore_mem>> -> memref<!tpu.dma_semaphore, #tpu.memory_space<semaphore_mem>>
        tpu.wait_indirect_dma semaphore(%dma_wait3A_789 : memref<!tpu.dma_semaphore, #tpu.memory_space<semaphore_mem>>) src(%dma_wait3A_787 : memref<1000000x32xf32, #tpu.memory_space<hbm>>) dst(%dma_wait3A_781 : memref<128x32xf32, #tpu.memory_space<vmem>>)
      } else {
      }
      %sub3A_695 = arith.constant 2 : i32
      %sub3A_696 = arith.subi %add3A_689, %sub3A_695 : i32
      %ge3A_697 = arith.constant 0 : i32
      %ge3A_698 = arith.cmpi sge, %sub3A_696, %ge3A_697 : i32
      %lt3A_699 = arith.constant 50 : i32
      %lt3A_700 = arith.cmpi slt, %sub3A_696, %lt3A_699 : i32
      %and3A_701 = arith.andi %ge3A_698, %lt3A_700 : i1
      %convert_element_type3A_702 = arith.extui %and3A_701 : i1 to i32
      %cond3A_703 = arith.constant 0 : i32
      %cond3A_704 = arith.cmpi ne, %convert_element_type3A_702, %cond3A_703 : i32
      scf.if %cond3A_704 {
        %mul3A_722 = arith.constant 200 : i32
        %mul3A_723 = arith.muli %mul3A_722, %add3A : i32
        %mul3A_724 = arith.constant 4 : i32
        %mul3A_725 = arith.muli %mul3A_724, %sub3A_696 : i32
        %add3A_726 = arith.addi %mul3A_723, %mul3A_725 : i32
        %jit3A_727 = arith.constant 32 : i32
        %div3A_728 = arith.divsi %add3A_726, %jit3A_727 : i32
        %sign3A_729 = arith.constant 0 : i32
        %sign3A_730 = arith.cmpi sgt, %add3A_726, %sign3A_729 : i32
        %sign3A_731 = arith.extui %sign3A_730 : i1 to i32
        %sign3A_732 = arith.constant 0 : i32
        %sign3A_733 = arith.cmpi slt, %add3A_726, %sign3A_732 : i32
        %sign3A_734 = arith.extui %sign3A_733 : i1 to i32
        %sign3A_735 = arith.subi %sign3A_731, %sign3A_734 : i32
        %sign3A_736 = arith.constant 0 : i32
        %sign3A_737 = arith.cmpi sgt, %jit3A_727, %sign3A_736 : i32
        %sign3A_738 = arith.extui %sign3A_737 : i1 to i32
        %sign3A_739 = arith.constant 0 : i32
        %sign3A_740 = arith.cmpi slt, %jit3A_727, %sign3A_739 : i32
        %sign3A_741 = arith.extui %sign3A_740 : i1 to i32
        %sign3A_742 = arith.subi %sign3A_738, %sign3A_741 : i32
        %ne3A_743 = arith.cmpi ne, %sign3A_735, %sign3A_742 : i32
        %rem3A_744 = arith.remsi %add3A_726, %jit3A_727 : i32
        %ne3A_745 = arith.constant 0 : i32
        %ne3A_746 = arith.cmpi ne, %rem3A_744, %ne3A_745 : i32
        %and3A_747 = arith.andi %ne3A_743, %ne3A_746 : i1
        %sub3A_748 = arith.constant 1 : i32
        %sub3A_749 = arith.subi %div3A_728, %sub3A_748 : i32
        %select_n3A_750 = arith.select %and3A_747, %sub3A_749, %div3A_728 : i32
        %jit3A_751 = arith.constant 32 : i32
        %eq3A_752 = arith.constant 0 : i32
        %eq3A_753 = arith.cmpi eq, %jit3A_751, %eq3A_752 : i32
        %jit3A_754 = arith.constant 1 : i32
        %select_n3A_755 = arith.select %eq3A_753, %jit3A_754, %jit3A_751 : i32
        %rem3A_756 = arith.remsi %add3A_726, %select_n3A_755 : i32
        %ne3A_757 = arith.constant 0 : i32
        %ne3A_758 = arith.cmpi ne, %rem3A_756, %ne3A_757 : i32
        %lt3A_759 = arith.constant 0 : i32
        %lt3A_760 = arith.cmpi slt, %rem3A_756, %lt3A_759 : i32
        %lt3A_761 = arith.constant 0 : i32
        %lt3A_762 = arith.cmpi slt, %select_n3A_755, %lt3A_761 : i32
        %ne3A_763 = arith.xori %lt3A_760, %lt3A_762 : i1
        %and3A_764 = arith.andi %ne3A_763, %ne3A_758 : i1
        %add3A_765 = arith.addi %rem3A_756, %select_n3A_755 : i32
        %select_n3A_766 = arith.select %and3A_764, %add3A_765, %rem3A_756 : i32
        %dma_wait3A_767 = arith.constant 0 : i32
        %dma_wait3A_768 = arith.constant 0 : i32
        %dma_wait3A_769 = arith.constant 1 : i32
        %dma_wait3A_770 = arith.constant 0 : i32
        %dma_wait3A_771 = arith.constant 0 : i32
        %dma_wait3A_772 = arith.constant 0 : i32
        %dma_wait3A_773 = tpu.memref_slice %arg9[%dma_wait3A_770, %dma_wait3A_767, %dma_wait3A_771, %dma_wait3A_772] : memref<4x4x8x129xf32, #tpu.memory_space<vmem>> -> memref<4x1x8x128xf32, #tpu.memory_space<vmem>>
        %dma_wait3A_774 = tpu.memref_squeeze %dma_wait3A_773 : memref<4x1x8x128xf32, #tpu.memory_space<vmem>> -> memref<4x8x128xf32, #tpu.memory_space<vmem>>
        %dma_wait3A_775 = arith.constant 0 : i32
        %dma_wait3A_776 = arith.constant 0 : i32
        %dma_wait3A_777 = tpu.memref_slice %arg4[%select_n3A_750, %dma_wait3A_768, %select_n3A_766, %dma_wait3A_775, %dma_wait3A_776] : memref<200x4x32x8x128xf32, #tpu.memory_space<hbm>> -> memref<1x1x4x8x128xf32, #tpu.memory_space<hbm>>
        %dma_wait3A_778 = tpu.memref_squeeze %dma_wait3A_777 : memref<1x1x4x8x128xf32, #tpu.memory_space<hbm>> -> memref<4x8x128xf32, #tpu.memory_space<hbm>>
        %dma_wait3A_779 = tpu.memref_slice %arg12[%dma_wait3A_769] : memref<2x!tpu.dma_semaphore, #tpu.memory_space<semaphore_mem>> -> memref<1x!tpu.dma_semaphore, #tpu.memory_space<semaphore_mem>>
        %dma_wait3A_780 = tpu.memref_squeeze %dma_wait3A_779 : memref<1x!tpu.dma_semaphore, #tpu.memory_space<semaphore_mem>> -> memref<!tpu.dma_semaphore, #tpu.memory_space<semaphore_mem>>
        %dma_wait3A_781 = arith.constant 0 : i32
        %dma_wait3A_782 = arith.constant 0 : i32
        %dma_wait3A_783 = tpu.memref_slice %arg4[%select_n3A_750, %dma_wait3A_768, %select_n3A_766, %dma_wait3A_781, %dma_wait3A_782] : memref<200x4x32x8x128xf32, #tpu.memory_space<hbm>> -> memref<1x1x4x8x128xf32, #tpu.memory_space<hbm>>
        %dma_wait3A_784 = tpu.memref_squeeze %dma_wait3A_783 : memref<1x1x4x8x128xf32, #tpu.memory_space<hbm>> -> memref<4x8x128xf32, #tpu.memory_space<hbm>>
        %dma_wait3A_785 = arith.constant 0 : i32
        %dma_wait3A_786 = arith.constant 0 : i32
        %dma_wait3A_787 = arith.constant 0 : i32
        %dma_wait3A_788 = tpu.memref_slice %arg9[%dma_wait3A_785, %dma_wait3A_767, %dma_wait3A_786, %dma_wait3A_787] : memref<4x4x8x129xf32, #tpu.memory_space<vmem>> -> memref<4x1x8x128xf32, #tpu.memory_space<vmem>>
        %dma_wait3A_789 = tpu.memref_squeeze %dma_wait3A_788 : memref<4x1x8x128xf32, #tpu.memory_space<vmem>> -> memref<4x8x128xf32, #tpu.memory_space<vmem>>
        tpu.wait_dma2 semaphore(%dma_wait3A_780 : memref<!tpu.dma_semaphore, #tpu.memory_space<semaphore_mem>>) src(%dma_wait3A_789 : memref<4x8x128xf32, #tpu.memory_space<vmem>>) dst(%dma_wait3A_784 : memref<4x8x128xf32, #tpu.memory_space<hbm>>)
        %jit3A_790 = arith.constant 32 : i32
        %div3A_791 = arith.divsi %add3A_726, %jit3A_790 : i32
        %sign3A_792 = arith.constant 0 : i32
        %sign3A_793 = arith.cmpi sgt, %add3A_726, %sign3A_792 : i32
        %sign3A_794 = arith.extui %sign3A_793 : i1 to i32
        %sign3A_795 = arith.constant 0 : i32
        %sign3A_796 = arith.cmpi slt, %add3A_726, %sign3A_795 : i32
        %sign3A_797 = arith.extui %sign3A_796 : i1 to i32
        %sign3A_798 = arith.subi %sign3A_794, %sign3A_797 : i32
        %sign3A_799 = arith.constant 0 : i32
        %sign3A_800 = arith.cmpi sgt, %jit3A_790, %sign3A_799 : i32
        %sign3A_801 = arith.extui %sign3A_800 : i1 to i32
        %sign3A_802 = arith.constant 0 : i32
        %sign3A_803 = arith.cmpi slt, %jit3A_790, %sign3A_802 : i32
        %sign3A_804 = arith.extui %sign3A_803 : i1 to i32
        %sign3A_805 = arith.subi %sign3A_801, %sign3A_804 : i32
        %ne3A_806 = arith.cmpi ne, %sign3A_798, %sign3A_805 : i32
        %rem3A_807 = arith.remsi %add3A_726, %jit3A_790 : i32
        %ne3A_808 = arith.constant 0 : i32
        %ne3A_809 = arith.cmpi ne, %rem3A_807, %ne3A_808 : i32
        %and3A_810 = arith.andi %ne3A_806, %ne3A_809 : i1
        %sub3A_811 = arith.constant 1 : i32
        %sub3A_812 = arith.subi %div3A_791, %sub3A_811 : i32
        %select_n3A_813 = arith.select %and3A_810, %sub3A_812, %div3A_791 : i32
        %jit3A_814 = arith.constant 32 : i32
        %eq3A_815 = arith.constant 0 : i32
        %eq3A_816 = arith.cmpi eq, %jit3A_814, %eq3A_815 : i32
        %jit3A_817 = arith.constant 1 : i32
        %select_n3A_818 = arith.select %eq3A_816, %jit3A_817, %jit3A_814 : i32
        %rem3A_819 = arith.remsi %add3A_726, %select_n3A_818 : i32
        %ne3A_820 = arith.constant 0 : i32
        %ne3A_821 = arith.cmpi ne, %rem3A_819, %ne3A_820 : i32
        %lt3A_822 = arith.constant 0 : i32
        %lt3A_823 = arith.cmpi slt, %rem3A_819, %lt3A_822 : i32
        %lt3A_824 = arith.constant 0 : i32
        %lt3A_825 = arith.cmpi slt, %select_n3A_818, %lt3A_824 : i32
        %ne3A_826 = arith.xori %lt3A_823, %lt3A_825 : i1
        %and3A_827 = arith.andi %ne3A_826, %ne3A_821 : i1
        %add3A_828 = arith.addi %rem3A_819, %select_n3A_818 : i32
        %select_n3A_829 = arith.select %and3A_827, %add3A_828, %rem3A_819 : i32
        %dma_wait3A_830 = arith.constant 1 : i32
        %dma_wait3A_831 = arith.constant 1 : i32
        %dma_wait3A_832 = arith.constant 1 : i32
        %dma_wait3A_833 = arith.constant 0 : i32
        %dma_wait3A_834 = arith.constant 0 : i32
        %dma_wait3A_835 = arith.constant 0 : i32
        %dma_wait3A_836 = tpu.memref_slice %arg9[%dma_wait3A_833, %dma_wait3A_830, %dma_wait3A_834, %dma_wait3A_835] : memref<4x4x8x129xf32, #tpu.memory_space<vmem>> -> memref<4x1x8x128xf32, #tpu.memory_space<vmem>>
        %dma_wait3A_837 = tpu.memref_squeeze %dma_wait3A_836 : memref<4x1x8x128xf32, #tpu.memory_space<vmem>> -> memref<4x8x128xf32, #tpu.memory_space<vmem>>
        %dma_wait3A_838 = arith.constant 0 : i32
        %dma_wait3A_839 = arith.constant 0 : i32
        %dma_wait3A_840 = tpu.memref_slice %arg4[%select_n3A_813, %dma_wait3A_831, %select_n3A_829, %dma_wait3A_838, %dma_wait3A_839] : memref<200x4x32x8x128xf32, #tpu.memory_space<hbm>> -> memref<1x1x4x8x128xf32, #tpu.memory_space<hbm>>
        %dma_wait3A_841 = tpu.memref_squeeze %dma_wait3A_840 : memref<1x1x4x8x128xf32, #tpu.memory_space<hbm>> -> memref<4x8x128xf32, #tpu.memory_space<hbm>>
        %dma_wait3A_842 = tpu.memref_slice %arg12[%dma_wait3A_832] : memref<2x!tpu.dma_semaphore, #tpu.memory_space<semaphore_mem>> -> memref<1x!tpu.dma_semaphore, #tpu.memory_space<semaphore_mem>>
        %dma_wait3A_843 = tpu.memref_squeeze %dma_wait3A_842 : memref<1x!tpu.dma_semaphore, #tpu.memory_space<semaphore_mem>> -> memref<!tpu.dma_semaphore, #tpu.memory_space<semaphore_mem>>
        %dma_wait3A_844 = arith.constant 0 : i32
        %dma_wait3A_845 = arith.constant 0 : i32
        %dma_wait3A_846 = tpu.memref_slice %arg4[%select_n3A_813, %dma_wait3A_831, %select_n3A_829, %dma_wait3A_844, %dma_wait3A_845] : memref<200x4x32x8x128xf32, #tpu.memory_space<hbm>> -> memref<1x1x4x8x128xf32, #tpu.memory_space<hbm>>
        %dma_wait3A_847 = tpu.memref_squeeze %dma_wait3A_846 : memref<1x1x4x8x128xf32, #tpu.memory_space<hbm>> -> memref<4x8x128xf32, #tpu.memory_space<hbm>>
        %dma_wait3A_848 = arith.constant 0 : i32
        %dma_wait3A_849 = arith.constant 0 : i32
        %dma_wait3A_850 = arith.constant 0 : i32
        %dma_wait3A_851 = tpu.memref_slice %arg9[%dma_wait3A_848, %dma_wait3A_830, %dma_wait3A_849, %dma_wait3A_850] : memref<4x4x8x129xf32, #tpu.memory_space<vmem>> -> memref<4x1x8x128xf32, #tpu.memory_space<vmem>>
        %dma_wait3A_852 = tpu.memref_squeeze %dma_wait3A_851 : memref<4x1x8x128xf32, #tpu.memory_space<vmem>> -> memref<4x8x128xf32, #tpu.memory_space<vmem>>
        tpu.wait_dma2 semaphore(%dma_wait3A_843 : memref<!tpu.dma_semaphore, #tpu.memory_space<semaphore_mem>>) src(%dma_wait3A_852 : memref<4x8x128xf32, #tpu.memory_space<vmem>>) dst(%dma_wait3A_847 : memref<4x8x128xf32, #tpu.memory_space<hbm>>)
        %jit3A_853 = arith.constant 32 : i32
        %div3A_854 = arith.divsi %add3A_726, %jit3A_853 : i32
        %sign3A_855 = arith.constant 0 : i32
        %sign3A_856 = arith.cmpi sgt, %add3A_726, %sign3A_855 : i32
        %sign3A_857 = arith.extui %sign3A_856 : i1 to i32
        %sign3A_858 = arith.constant 0 : i32
        %sign3A_859 = arith.cmpi slt, %add3A_726, %sign3A_858 : i32
        %sign3A_860 = arith.extui %sign3A_859 : i1 to i32
        %sign3A_861 = arith.subi %sign3A_857, %sign3A_860 : i32
        %sign3A_862 = arith.constant 0 : i32
        %sign3A_863 = arith.cmpi sgt, %jit3A_853, %sign3A_862 : i32
        %sign3A_864 = arith.extui %sign3A_863 : i1 to i32
        %sign3A_865 = arith.constant 0 : i32
        %sign3A_866 = arith.cmpi slt, %jit3A_853, %sign3A_865 : i32
        %sign3A_867 = arith.extui %sign3A_866 : i1 to i32
        %sign3A_868 = arith.subi %sign3A_864, %sign3A_867 : i32
        %ne3A_869 = arith.cmpi ne, %sign3A_861, %sign3A_868 : i32
        %rem3A_870 = arith.remsi %add3A_726, %jit3A_853 : i32
        %ne3A_871 = arith.constant 0 : i32
        %ne3A_872 = arith.cmpi ne, %rem3A_870, %ne3A_871 : i32
        %and3A_873 = arith.andi %ne3A_869, %ne3A_872 : i1
        %sub3A_874 = arith.constant 1 : i32
        %sub3A_875 = arith.subi %div3A_854, %sub3A_874 : i32
        %select_n3A_876 = arith.select %and3A_873, %sub3A_875, %div3A_854 : i32
        %jit3A_877 = arith.constant 32 : i32
        %eq3A_878 = arith.constant 0 : i32
        %eq3A_879 = arith.cmpi eq, %jit3A_877, %eq3A_878 : i32
        %jit3A_880 = arith.constant 1 : i32
        %select_n3A_881 = arith.select %eq3A_879, %jit3A_880, %jit3A_877 : i32
        %rem3A_882 = arith.remsi %add3A_726, %select_n3A_881 : i32
        %ne3A_883 = arith.constant 0 : i32
        %ne3A_884 = arith.cmpi ne, %rem3A_882, %ne3A_883 : i32
        %lt3A_885 = arith.constant 0 : i32
        %lt3A_886 = arith.cmpi slt, %rem3A_882, %lt3A_885 : i32
        %lt3A_887 = arith.constant 0 : i32
        %lt3A_888 = arith.cmpi slt, %select_n3A_881, %lt3A_887 : i32
        %ne3A_889 = arith.xori %lt3A_886, %lt3A_888 : i1
        %and3A_890 = arith.andi %ne3A_889, %ne3A_884 : i1
        %add3A_891 = arith.addi %rem3A_882, %select_n3A_881 : i32
        %select_n3A_892 = arith.select %and3A_890, %add3A_891, %rem3A_882 : i32
        %dma_wait3A_893 = arith.constant 2 : i32
        %dma_wait3A_894 = arith.constant 2 : i32
        %dma_wait3A_895 = arith.constant 1 : i32
        %dma_wait3A_896 = arith.constant 0 : i32
        %dma_wait3A_897 = arith.constant 0 : i32
        %dma_wait3A_898 = arith.constant 0 : i32
        %dma_wait3A_899 = tpu.memref_slice %arg9[%dma_wait3A_896, %dma_wait3A_893, %dma_wait3A_897, %dma_wait3A_898] : memref<4x4x8x129xf32, #tpu.memory_space<vmem>> -> memref<4x1x8x128xf32, #tpu.memory_space<vmem>>
        %dma_wait3A_900 = tpu.memref_squeeze %dma_wait3A_899 : memref<4x1x8x128xf32, #tpu.memory_space<vmem>> -> memref<4x8x128xf32, #tpu.memory_space<vmem>>
        %dma_wait3A_901 = arith.constant 0 : i32
        %dma_wait3A_902 = arith.constant 0 : i32
        %dma_wait3A_903 = tpu.memref_slice %arg4[%select_n3A_876, %dma_wait3A_894, %select_n3A_892, %dma_wait3A_901, %dma_wait3A_902] : memref<200x4x32x8x128xf32, #tpu.memory_space<hbm>> -> memref<1x1x4x8x128xf32, #tpu.memory_space<hbm>>
        %dma_wait3A_904 = tpu.memref_squeeze %dma_wait3A_903 : memref<1x1x4x8x128xf32, #tpu.memory_space<hbm>> -> memref<4x8x128xf32, #tpu.memory_space<hbm>>
        %dma_wait3A_905 = tpu.memref_slice %arg12[%dma_wait3A_895] : memref<2x!tpu.dma_semaphore, #tpu.memory_space<semaphore_mem>> -> memref<1x!tpu.dma_semaphore, #tpu.memory_space<semaphore_mem>>
        %dma_wait3A_906 = tpu.memref_squeeze %dma_wait3A_905 : memref<1x!tpu.dma_semaphore, #tpu.memory_space<semaphore_mem>> -> memref<!tpu.dma_semaphore, #tpu.memory_space<semaphore_mem>>
        %dma_wait3A_907 = arith.constant 0 : i32
        %dma_wait3A_908 = arith.constant 0 : i32
        %dma_wait3A_909 = tpu.memref_slice %arg4[%select_n3A_876, %dma_wait3A_894, %select_n3A_892, %dma_wait3A_907, %dma_wait3A_908] : memref<200x4x32x8x128xf32, #tpu.memory_space<hbm>> -> memref<1x1x4x8x128xf32, #tpu.memory_space<hbm>>
        %dma_wait3A_910 = tpu.memref_squeeze %dma_wait3A_909 : memref<1x1x4x8x128xf32, #tpu.memory_space<hbm>> -> memref<4x8x128xf32, #tpu.memory_space<hbm>>
        %dma_wait3A_911 = arith.constant 0 : i32
        %dma_wait3A_912 = arith.constant 0 : i32
        %dma_wait3A_913 = arith.constant 0 : i32
        %dma_wait3A_914 = tpu.memref_slice %arg9[%dma_wait3A_911, %dma_wait3A_893, %dma_wait3A_912, %dma_wait3A_913] : memref<4x4x8x129xf32, #tpu.memory_space<vmem>> -> memref<4x1x8x128xf32, #tpu.memory_space<vmem>>
        %dma_wait3A_915 = tpu.memref_squeeze %dma_wait3A_914 : memref<4x1x8x128xf32, #tpu.memory_space<vmem>> -> memref<4x8x128xf32, #tpu.memory_space<vmem>>
        tpu.wait_dma2 semaphore(%dma_wait3A_906 : memref<!tpu.dma_semaphore, #tpu.memory_space<semaphore_mem>>) src(%dma_wait3A_915 : memref<4x8x128xf32, #tpu.memory_space<vmem>>) dst(%dma_wait3A_910 : memref<4x8x128xf32, #tpu.memory_space<hbm>>)
        %jit3A_916 = arith.constant 32 : i32
        %div3A_917 = arith.divsi %add3A_726, %jit3A_916 : i32
        %sign3A_918 = arith.constant 0 : i32
        %sign3A_919 = arith.cmpi sgt, %add3A_726, %sign3A_918 : i32
        %sign3A_920 = arith.extui %sign3A_919 : i1 to i32
        %sign3A_921 = arith.constant 0 : i32
        %sign3A_922 = arith.cmpi slt, %add3A_726, %sign3A_921 : i32
        %sign3A_923 = arith.extui %sign3A_922 : i1 to i32
        %sign3A_924 = arith.subi %sign3A_920, %sign3A_923 : i32
        %sign3A_925 = arith.constant 0 : i32
        %sign3A_926 = arith.cmpi sgt, %jit3A_916, %sign3A_925 : i32
        %sign3A_927 = arith.extui %sign3A_926 : i1 to i32
        %sign3A_928 = arith.constant 0 : i32
        %sign3A_929 = arith.cmpi slt, %jit3A_916, %sign3A_928 : i32
        %sign3A_930 = arith.extui %sign3A_929 : i1 to i32
        %sign3A_931 = arith.subi %sign3A_927, %sign3A_930 : i32
        %ne3A_932 = arith.cmpi ne, %sign3A_924, %sign3A_931 : i32
        %rem3A_933 = arith.remsi %add3A_726, %jit3A_916 : i32
        %ne3A_934 = arith.constant 0 : i32
        %ne3A_935 = arith.cmpi ne, %rem3A_933, %ne3A_934 : i32
        %and3A_936 = arith.andi %ne3A_932, %ne3A_935 : i1
        %sub3A_937 = arith.constant 1 : i32
        %sub3A_938 = arith.subi %div3A_917, %sub3A_937 : i32
        %select_n3A_939 = arith.select %and3A_936, %sub3A_938, %div3A_917 : i32
        %jit3A_940 = arith.constant 32 : i32
        %eq3A_941 = arith.constant 0 : i32
        %eq3A_942 = arith.cmpi eq, %jit3A_940, %eq3A_941 : i32
        %jit3A_943 = arith.constant 1 : i32
        %select_n3A_944 = arith.select %eq3A_942, %jit3A_943, %jit3A_940 : i32
        %rem3A_945 = arith.remsi %add3A_726, %select_n3A_944 : i32
        %ne3A_946 = arith.constant 0 : i32
        %ne3A_947 = arith.cmpi ne, %rem3A_945, %ne3A_946 : i32
        %lt3A_948 = arith.constant 0 : i32
        %lt3A_949 = arith.cmpi slt, %rem3A_945, %lt3A_948 : i32
        %lt3A_950 = arith.constant 0 : i32
        %lt3A_951 = arith.cmpi slt, %select_n3A_944, %lt3A_950 : i32
        %ne3A_952 = arith.xori %lt3A_949, %lt3A_951 : i1
        %and3A_953 = arith.andi %ne3A_952, %ne3A_947 : i1
        %add3A_954 = arith.addi %rem3A_945, %select_n3A_944 : i32
        %select_n3A_955 = arith.select %and3A_953, %add3A_954, %rem3A_945 : i32
        %dma_wait3A_956 = arith.constant 3 : i32
        %dma_wait3A_957 = arith.constant 3 : i32
        %dma_wait3A_958 = arith.constant 1 : i32
        %dma_wait3A_959 = arith.constant 0 : i32
        %dma_wait3A_960 = arith.constant 0 : i32
        %dma_wait3A_961 = arith.constant 0 : i32
        %dma_wait3A_962 = tpu.memref_slice %arg9[%dma_wait3A_959, %dma_wait3A_956, %dma_wait3A_960, %dma_wait3A_961] : memref<4x4x8x129xf32, #tpu.memory_space<vmem>> -> memref<4x1x8x128xf32, #tpu.memory_space<vmem>>
        %dma_wait3A_963 = tpu.memref_squeeze %dma_wait3A_962 : memref<4x1x8x128xf32, #tpu.memory_space<vmem>> -> memref<4x8x128xf32, #tpu.memory_space<vmem>>
        %dma_wait3A_964 = arith.constant 0 : i32
        %dma_wait3A_965 = arith.constant 0 : i32
        %dma_wait3A_966 = tpu.memref_slice %arg4[%select_n3A_939, %dma_wait3A_957, %select_n3A_955, %dma_wait3A_964, %dma_wait3A_965] : memref<200x4x32x8x128xf32, #tpu.memory_space<hbm>> -> memref<1x1x4x8x128xf32, #tpu.memory_space<hbm>>
        %dma_wait3A_967 = tpu.memref_squeeze %dma_wait3A_966 : memref<1x1x4x8x128xf32, #tpu.memory_space<hbm>> -> memref<4x8x128xf32, #tpu.memory_space<hbm>>
        %dma_wait3A_968 = tpu.memref_slice %arg12[%dma_wait3A_958] : memref<2x!tpu.dma_semaphore, #tpu.memory_space<semaphore_mem>> -> memref<1x!tpu.dma_semaphore, #tpu.memory_space<semaphore_mem>>
        %dma_wait3A_969 = tpu.memref_squeeze %dma_wait3A_968 : memref<1x!tpu.dma_semaphore, #tpu.memory_space<semaphore_mem>> -> memref<!tpu.dma_semaphore, #tpu.memory_space<semaphore_mem>>
        %dma_wait3A_970 = arith.constant 0 : i32
        %dma_wait3A_971 = arith.constant 0 : i32
        %dma_wait3A_972 = tpu.memref_slice %arg4[%select_n3A_939, %dma_wait3A_957, %select_n3A_955, %dma_wait3A_970, %dma_wait3A_971] : memref<200x4x32x8x128xf32, #tpu.memory_space<hbm>> -> memref<1x1x4x8x128xf32, #tpu.memory_space<hbm>>
        %dma_wait3A_973 = tpu.memref_squeeze %dma_wait3A_972 : memref<1x1x4x8x128xf32, #tpu.memory_space<hbm>> -> memref<4x8x128xf32, #tpu.memory_space<hbm>>
        %dma_wait3A_974 = arith.constant 0 : i32
        %dma_wait3A_975 = arith.constant 0 : i32
        %dma_wait3A_976 = arith.constant 0 : i32
        %dma_wait3A_977 = tpu.memref_slice %arg9[%dma_wait3A_974, %dma_wait3A_956, %dma_wait3A_975, %dma_wait3A_976] : memref<4x4x8x129xf32, #tpu.memory_space<vmem>> -> memref<4x1x8x128xf32, #tpu.memory_space<vmem>>
        %dma_wait3A_978 = tpu.memref_squeeze %dma_wait3A_977 : memref<4x1x8x128xf32, #tpu.memory_space<vmem>> -> memref<4x8x128xf32, #tpu.memory_space<vmem>>
        tpu.wait_dma2 semaphore(%dma_wait3A_969 : memref<!tpu.dma_semaphore, #tpu.memory_space<semaphore_mem>>) src(%dma_wait3A_978 : memref<4x8x128xf32, #tpu.memory_space<vmem>>) dst(%dma_wait3A_973 : memref<4x8x128xf32, #tpu.memory_space<hbm>>)
      } else {
      }
      %lt3A_705 = arith.constant 50 : i32
      %lt3A_706 = arith.cmpi slt, %add3A_689, %lt3A_705 : i32
      %convert_element_type3A_707 = arith.extui %lt3A_706 : i1 to i32
      %cond3A_708 = arith.constant 0 : i32
      %cond3A_709 = arith.cmpi ne, %convert_element_type3A_707, %cond3A_708 : i32
      scf.if %cond3A_709 {
        %parallel_loop3A = arith.constant 0 : i32
        %parallel_loop3A_722 = arith.constant 512 : i32
        %parallel_loop3A_723 = arith.constant 1 : i32
        scf.for %parallel_loop3A_724 = %parallel_loop3A to %parallel_loop3A_722 step %parallel_loop3A_723  : i32 {
          %parallel_loop3A_725 = arith.constant 7 : i32
          %parallel_loop3A_726 = arith.shrsi %parallel_loop3A_724, %parallel_loop3A_725 : i32
          %parallel_loop3A_727 = arith.constant 0 : i32
          %parallel_loop3A_728 = vector.broadcast %parallel_loop3A_727 : i32 to vector<16xi32>
          %parallel_loop3A_729 = vector.broadcast %parallel_loop3A_726 : i32 to vector<16xi32>
          %parallel_loop3A_730 = arith.addi %parallel_loop3A_729, %parallel_loop3A_728 : vector<16xi32>
          %parallel_loop3A_731 = arith.constant 127 : i32
          %parallel_loop3A_732 = arith.andi %parallel_loop3A_724, %parallel_loop3A_731 : i32
          %parallel_loop3A_733 = arith.constant 0 : i32
          %parallel_loop3A_734 = vector.broadcast %parallel_loop3A_733 : i32 to vector<16xi32>
          %parallel_loop3A_735 = vector.broadcast %parallel_loop3A_732 : i32 to vector<16xi32>
          %parallel_loop3A_736 = arith.addi %parallel_loop3A_735, %parallel_loop3A_734 : vector<16xi32>
          %parallel_loop3A_737 = arith.index_cast %parallel_loop3A_724 : i32 to index
          %parallel_loop3A_738 = arith.constant 0 : index
          %parallel_loop3A_739 = tpu.vector_load %arg7[%parallel_loop3A_737, %parallel_loop3A_738] {strides = array<i32>} : memref<512x32xf32, #tpu.memory_space<vmem>>, vector<16xf32>,
          %parallel_loop3A_740 = arith.constant 5.65685415 : f32
          %parallel_loop3A_741 = vector.broadcast %parallel_loop3A_740 : f32 to vector<16xf32>
          %parallel_loop3A_742 = arith.mulf %parallel_loop3A_739, %parallel_loop3A_741 : vector<16xf32>
          tpu.vector_store_idx %arg9[%parallel_loop3A_730, %shift_right_arithmetic3A_5, %and3A_16, %parallel_loop3A_736], %parallel_loop3A_742 : memref<4x4x8x129xf32, #tpu.memory_space<vmem>>[vector<16xi32>, vector<16xi32>, vector<16xi32>, vector<16xi32>], vector<16xf32>,
          %parallel_loop3A_743 = arith.index_cast %parallel_loop3A_724 : i32 to index
          %parallel_loop3A_744 = arith.constant 16 : index
          %parallel_loop3A_745 = tpu.vector_load %arg7[%parallel_loop3A_743, %parallel_loop3A_744] {strides = array<i32>} : memref<512x32xf32, #tpu.memory_space<vmem>>, vector<16xf32>,
          %parallel_loop3A_746 = arith.constant 5.65685415 : f32
          %parallel_loop3A_747 = vector.broadcast %parallel_loop3A_746 : f32 to vector<16xf32>
          %parallel_loop3A_748 = arith.mulf %parallel_loop3A_745, %parallel_loop3A_747 : vector<16xf32>
          tpu.vector_store_idx %arg9[%parallel_loop3A_730, %shift_right_arithmetic3A_11, %and3A_22, %parallel_loop3A_736], %parallel_loop3A_748 : memref<4x4x8x129xf32, #tpu.memory_space<vmem>>[vector<16xi32>, vector<16xi32>, vector<16xi32>, vector<16xi32>], vector<16xf32>,
        } {sc.loop_unroll_factor = 4 : i64, sc.parallel_access}
      } else {
      }
      %add3A_710 = arith.constant 2 : i32
      %add3A_711 = arith.addi %add3A_689, %add3A_710 : i32
      %lt3A_712 = arith.constant 50 : i32
      %lt3A_713 = arith.cmpi slt, %add3A_711, %lt3A_712 : i32
      %convert_element_type3A_714 = arith.extui %lt3A_713 : i1 to i32
      %cond3A_715 = arith.constant 0 : i32
      %cond3A_716 = arith.cmpi ne, %convert_element_type3A_714, %cond3A_715 : i32
      scf.if %cond3A_716 {
        %mul3A_722 = arith.constant 4 : i32
        %mul3A_723 = arith.muli %mul3A_722, %add3A_711 : i32
        %add3A_724 = arith.constant 0 : i32
        %add3A_725 = arith.addi %mul3A_723, %add3A_724 : i32
        %dma_start3A_726 = arith.constant 0 : i32
        %dma_start3A_727 = arith.constant 1 : i32
        %dma_start3A_728 = arith.constant 0 : i32
        %dma_start3A_729 = arith.constant 0 : i32
        %dma_start3A_730 = tpu.memref_slice %arg7[%dma_start3A_728, %dma_start3A_729] : memref<512x32xf32, #tpu.memory_space<vmem>> -> memref<128x32xf32, #tpu.memory_space<vmem>>
        %dma_start3A_731 = arith.constant 0 : i32
        %dma_start3A_732 = tpu.memref_slice %arg5[%add3A_725, %dma_start3A_726, %dma_start3A_731] : memref<200x1x128xi32, #tpu.memory_space<vmem>> -> memref<1x1x128xi32, #tpu.memory_space<vmem>>
        %dma_start3A_733 = tpu.memref_squeeze %dma_start3A_732 : memref<1x1x128xi32, #tpu.memory_space<vmem>> -> memref<128xi32, #tpu.memory_space<vmem>>
        %dma_start3A_734 = arith.constant 0 : i32
        %dma_start3A_735 = arith.constant 0 : i32
        %dma_start3A_736 = tpu.memref_slice %arg2[%dma_start3A_734, %dma_start3A_735] : memref<1000000x32xf32, #tpu.memory_space<hbm>> -> memref<1000000x32xf32, #tpu.memory_space<hbm>>
        %dma_start3A_737 = tpu.memref_slice %arg11[%dma_start3A_727] : memref<2x!tpu.dma_semaphore, #tpu.memory_space<semaphore_mem>> -> memref<1x!tpu.dma_semaphore, #tpu.memory_space<semaphore_mem>>
        %dma_start3A_738 = tpu.memref_squeeze %dma_start3A_737 : memref<1x!tpu.dma_semaphore, #tpu.memory_space<semaphore_mem>> -> memref<!tpu.dma_semaphore, #tpu.memory_space<semaphore_mem>>
        tpu.enqueue_indirect_dma source(%dma_start3A_736 : memref<1000000x32xf32, #tpu.memory_space<hbm>>) target(%dma_start3A_730 : memref<128x32xf32, #tpu.memory_space<vmem>>) offsets(%dma_start3A_733 : memref<128xi32, #tpu.memory_space<vmem>>) semaphore(%dma_start3A_738 : memref<!tpu.dma_semaphore, #tpu.memory_space<semaphore_mem>>)
        %mul3A_739 = arith.constant 4 : i32
        %mul3A_740 = arith.muli %mul3A_739, %add3A_711 : i32
        %add3A_741 = arith.constant 1 : i32
        %add3A_742 = arith.addi %mul3A_740, %add3A_741 : i32
        %dma_start3A_743 = arith.constant 0 : i32
        %dma_start3A_744 = arith.constant 1 : i32
        %dma_start3A_745 = arith.constant 128 : i32
        %dma_start3A_746 = arith.constant 0 : i32
        %dma_start3A_747 = tpu.memref_slice %arg7[%dma_start3A_745, %dma_start3A_746] : memref<512x32xf32, #tpu.memory_space<vmem>> -> memref<128x32xf32, #tpu.memory_space<vmem>>
        %dma_start3A_748 = arith.constant 0 : i32
        %dma_start3A_749 = tpu.memref_slice %arg5[%add3A_742, %dma_start3A_743, %dma_start3A_748] : memref<200x1x128xi32, #tpu.memory_space<vmem>> -> memref<1x1x128xi32, #tpu.memory_space<vmem>>
        %dma_start3A_750 = tpu.memref_squeeze %dma_start3A_749 : memref<1x1x128xi32, #tpu.memory_space<vmem>> -> memref<128xi32, #tpu.memory_space<vmem>>
        %dma_start3A_751 = arith.constant 0 : i32
        %dma_start3A_752 = arith.constant 0 : i32
        %dma_start3A_753 = tpu.memref_slice %arg2[%dma_start3A_751, %dma_start3A_752] : memref<1000000x32xf32, #tpu.memory_space<hbm>> -> memref<1000000x32xf32, #tpu.memory_space<hbm>>
        %dma_start3A_754 = tpu.memref_slice %arg11[%dma_start3A_744] : memref<2x!tpu.dma_semaphore, #tpu.memory_space<semaphore_mem>> -> memref<1x!tpu.dma_semaphore, #tpu.memory_space<semaphore_mem>>
        %dma_start3A_755 = tpu.memref_squeeze %dma_start3A_754 : memref<1x!tpu.dma_semaphore, #tpu.memory_space<semaphore_mem>> -> memref<!tpu.dma_semaphore, #tpu.memory_space<semaphore_mem>>
        tpu.enqueue_indirect_dma source(%dma_start3A_753 : memref<1000000x32xf32, #tpu.memory_space<hbm>>) target(%dma_start3A_747 : memref<128x32xf32, #tpu.memory_space<vmem>>) offsets(%dma_start3A_750 : memref<128xi32, #tpu.memory_space<vmem>>) semaphore(%dma_start3A_755 : memref<!tpu.dma_semaphore, #tpu.memory_space<semaphore_mem>>)
        %mul3A_756 = arith.constant 4 : i32
        %mul3A_757 = arith.muli %mul3A_756, %add3A_711 : i32
        %add3A_758 = arith.constant 2 : i32
        %add3A_759 = arith.addi %mul3A_757, %add3A_758 : i32
        %dma_start3A_760 = arith.constant 0 : i32
        %dma_start3A_761 = arith.constant 1 : i32
        %dma_start3A_762 = arith.constant 256 : i32
        %dma_start3A_763 = arith.constant 0 : i32
        %dma_start3A_764 = tpu.memref_slice %arg7[%dma_start3A_762, %dma_start3A_763] : memref<512x32xf32, #tpu.memory_space<vmem>> -> memref<128x32xf32, #tpu.memory_space<vmem>>
        %dma_start3A_765 = arith.constant 0 : i32
        %dma_start3A_766 = tpu.memref_slice %arg5[%add3A_759, %dma_start3A_760, %dma_start3A_765] : memref<200x1x128xi32, #tpu.memory_space<vmem>> -> memref<1x1x128xi32, #tpu.memory_space<vmem>>
        %dma_start3A_767 = tpu.memref_squeeze %dma_start3A_766 : memref<1x1x128xi32, #tpu.memory_space<vmem>> -> memref<128xi32, #tpu.memory_space<vmem>>
        %dma_start3A_768 = arith.constant 0 : i32
        %dma_start3A_769 = arith.constant 0 : i32
        %dma_start3A_770 = tpu.memref_slice %arg2[%dma_start3A_768, %dma_start3A_769] : memref<1000000x32xf32, #tpu.memory_space<hbm>> -> memref<1000000x32xf32, #tpu.memory_space<hbm>>
        %dma_start3A_771 = tpu.memref_slice %arg11[%dma_start3A_761] : memref<2x!tpu.dma_semaphore, #tpu.memory_space<semaphore_mem>> -> memref<1x!tpu.dma_semaphore, #tpu.memory_space<semaphore_mem>>
        %dma_start3A_772 = tpu.memref_squeeze %dma_start3A_771 : memref<1x!tpu.dma_semaphore, #tpu.memory_space<semaphore_mem>> -> memref<!tpu.dma_semaphore, #tpu.memory_space<semaphore_mem>>
        tpu.enqueue_indirect_dma source(%dma_start3A_770 : memref<1000000x32xf32, #tpu.memory_space<hbm>>) target(%dma_start3A_764 : memref<128x32xf32, #tpu.memory_space<vmem>>) offsets(%dma_start3A_767 : memref<128xi32, #tpu.memory_space<vmem>>) semaphore(%dma_start3A_772 : memref<!tpu.dma_semaphore, #tpu.memory_space<semaphore_mem>>)
        %mul3A_773 = arith.constant 4 : i32
        %mul3A_774 = arith.muli %mul3A_773, %add3A_711 : i32
        %add3A_775 = arith.constant 3 : i32
        %add3A_776 = arith.addi %mul3A_774, %add3A_775 : i32
        %dma_start3A_777 = arith.constant 0 : i32
        %dma_start3A_778 = arith.constant 1 : i32
        %dma_start3A_779 = arith.constant 384 : i32
        %dma_start3A_780 = arith.constant 0 : i32
        %dma_start3A_781 = tpu.memref_slice %arg7[%dma_start3A_779, %dma_start3A_780] : memref<512x32xf32, #tpu.memory_space<vmem>> -> memref<128x32xf32, #tpu.memory_space<vmem>>
        %dma_start3A_782 = arith.constant 0 : i32
        %dma_start3A_783 = tpu.memref_slice %arg5[%add3A_776, %dma_start3A_777, %dma_start3A_782] : memref<200x1x128xi32, #tpu.memory_space<vmem>> -> memref<1x1x128xi32, #tpu.memory_space<vmem>>
        %dma_start3A_784 = tpu.memref_squeeze %dma_start3A_783 : memref<1x1x128xi32, #tpu.memory_space<vmem>> -> memref<128xi32, #tpu.memory_space<vmem>>
        %dma_start3A_785 = arith.constant 0 : i32
        %dma_start3A_786 = arith.constant 0 : i32
        %dma_start3A_787 = tpu.memref_slice %arg2[%dma_start3A_785, %dma_start3A_786] : memref<1000000x32xf32, #tpu.memory_space<hbm>> -> memref<1000000x32xf32, #tpu.memory_space<hbm>>
        %dma_start3A_788 = tpu.memref_slice %arg11[%dma_start3A_778] : memref<2x!tpu.dma_semaphore, #tpu.memory_space<semaphore_mem>> -> memref<1x!tpu.dma_semaphore, #tpu.memory_space<semaphore_mem>>
        %dma_start3A_789 = tpu.memref_squeeze %dma_start3A_788 : memref<1x!tpu.dma_semaphore, #tpu.memory_space<semaphore_mem>> -> memref<!tpu.dma_semaphore, #tpu.memory_space<semaphore_mem>>
        tpu.enqueue_indirect_dma source(%dma_start3A_787 : memref<1000000x32xf32, #tpu.memory_space<hbm>>) target(%dma_start3A_781 : memref<128x32xf32, #tpu.memory_space<vmem>>) offsets(%dma_start3A_784 : memref<128xi32, #tpu.memory_space<vmem>>) semaphore(%dma_start3A_789 : memref<!tpu.dma_semaphore, #tpu.memory_space<semaphore_mem>>)
      } else {
      }
      %lt3A_717 = arith.constant 50 : i32
      %lt3A_718 = arith.cmpi slt, %add3A_689, %lt3A_717 : i32
      %convert_element_type3A_719 = arith.extui %lt3A_718 : i1 to i32
      %cond3A_720 = arith.constant 0 : i32
      %cond3A_721 = arith.cmpi ne, %convert_element_type3A_719, %cond3A_720 : i32
      scf.if %cond3A_721 {
        %mul3A_722 = arith.constant 200 : i32
        %mul3A_723 = arith.muli %mul3A_722, %add3A : i32
        %mul3A_724 = arith.constant 4 : i32
        %mul3A_725 = arith.muli %mul3A_724, %add3A_689 : i32
        %add3A_726 = arith.addi %mul3A_723, %mul3A_725 : i32
        %jit3A_727 = arith.constant 32 : i32
        %div3A_728 = arith.divsi %add3A_726, %jit3A_727 : i32
        %sign3A_729 = arith.constant 0 : i32
        %sign3A_730 = arith.cmpi sgt, %add3A_726, %sign3A_729 : i32
        %sign3A_731 = arith.extui %sign3A_730 : i1 to i32
        %sign3A_732 = arith.constant 0 : i32
        %sign3A_733 = arith.cmpi slt, %add3A_726, %sign3A_732 : i32
        %sign3A_734 = arith.extui %sign3A_733 : i1 to i32
        %sign3A_735 = arith.subi %sign3A_731, %sign3A_734 : i32
        %sign3A_736 = arith.constant 0 : i32
        %sign3A_737 = arith.cmpi sgt, %jit3A_727, %sign3A_736 : i32
        %sign3A_738 = arith.extui %sign3A_737 : i1 to i32
        %sign3A_739 = arith.constant 0 : i32
        %sign3A_740 = arith.cmpi slt, %jit3A_727, %sign3A_739 : i32
        %sign3A_741 = arith.extui %sign3A_740 : i1 to i32
        %sign3A_742 = arith.subi %sign3A_738, %sign3A_741 : i32
        %ne3A_743 = arith.cmpi ne, %sign3A_735, %sign3A_742 : i32
        %rem3A_744 = arith.remsi %add3A_726, %jit3A_727 : i32
        %ne3A_745 = arith.constant 0 : i32
        %ne3A_746 = arith.cmpi ne, %rem3A_744, %ne3A_745 : i32
        %and3A_747 = arith.andi %ne3A_743, %ne3A_746 : i1
        %sub3A_748 = arith.constant 1 : i32
        %sub3A_749 = arith.subi %div3A_728, %sub3A_748 : i32
        %select_n3A_750 = arith.select %and3A_747, %sub3A_749, %div3A_728 : i32
        %jit3A_751 = arith.constant 32 : i32
        %eq3A_752 = arith.constant 0 : i32
        %eq3A_753 = arith.cmpi eq, %jit3A_751, %eq3A_752 : i32
        %jit3A_754 = arith.constant 1 : i32
        %select_n3A_755 = arith.select %eq3A_753, %jit3A_754, %jit3A_751 : i32
        %rem3A_756 = arith.remsi %add3A_726, %select_n3A_755 : i32
        %ne3A_757 = arith.constant 0 : i32
        %ne3A_758 = arith.cmpi ne, %rem3A_756, %ne3A_757 : i32
        %lt3A_759 = arith.constant 0 : i32
        %lt3A_760 = arith.cmpi slt, %rem3A_756, %lt3A_759 : i32
        %lt3A_761 = arith.constant 0 : i32
        %lt3A_762 = arith.cmpi slt, %select_n3A_755, %lt3A_761 : i32
        %ne3A_763 = arith.xori %lt3A_760, %lt3A_762 : i1
        %and3A_764 = arith.andi %ne3A_763, %ne3A_758 : i1
        %add3A_765 = arith.addi %rem3A_756, %select_n3A_755 : i32
        %select_n3A_766 = arith.select %and3A_764, %add3A_765, %rem3A_756 : i32
        %dma_start3A_767 = arith.constant 0 : i32
        %dma_start3A_768 = arith.constant 0 : i32
        %dma_start3A_769 = arith.constant 1 : i32
        %dma_start3A_770 = arith.constant 0 : i32
        %dma_start3A_771 = arith.constant 0 : i32
        %dma_start3A_772 = arith.constant 0 : i32
        %dma_start3A_773 = tpu.memref_slice %arg9[%dma_start3A_770, %dma_start3A_767, %dma_start3A_771, %dma_start3A_772] : memref<4x4x8x129xf32, #tpu.memory_space<vmem>> -> memref<4x1x8x128xf32, #tpu.memory_space<vmem>>
        %dma_start3A_774 = tpu.memref_squeeze %dma_start3A_773 : memref<4x1x8x128xf32, #tpu.memory_space<vmem>> -> memref<4x8x128xf32, #tpu.memory_space<vmem>>
        %dma_start3A_775 = arith.constant 0 : i32
        %dma_start3A_776 = arith.constant 0 : i32
        %dma_start3A_777 = tpu.memref_slice %arg4[%select_n3A_750, %dma_start3A_768, %select_n3A_766, %dma_start3A_775, %dma_start3A_776] : memref<200x4x32x8x128xf32, #tpu.memory_space<hbm>> -> memref<1x1x4x8x128xf32, #tpu.memory_space<hbm>>
        %dma_start3A_778 = tpu.memref_squeeze %dma_start3A_777 : memref<1x1x4x8x128xf32, #tpu.memory_space<hbm>> -> memref<4x8x128xf32, #tpu.memory_space<hbm>>
        %dma_start3A_779 = tpu.memref_slice %arg12[%dma_start3A_769] : memref<2x!tpu.dma_semaphore, #tpu.memory_space<semaphore_mem>> -> memref<1x!tpu.dma_semaphore, #tpu.memory_space<semaphore_mem>>
        %dma_start3A_780 = tpu.memref_squeeze %dma_start3A_779 : memref<1x!tpu.dma_semaphore, #tpu.memory_space<semaphore_mem>> -> memref<!tpu.dma_semaphore, #tpu.memory_space<semaphore_mem>>
        %dma_start3A_781 = arith.constant 0 : i32
        %dma_start3A_782 = arith.constant 0 : i32
        %dma_start3A_783 = tpu.memref_slice %arg4[%select_n3A_750, %dma_start3A_768, %select_n3A_766, %dma_start3A_781, %dma_start3A_782] : memref<200x4x32x8x128xf32, #tpu.memory_space<hbm>> -> memref<1x1x4x8x128xf32, #tpu.memory_space<hbm>>
        %dma_start3A_784 = tpu.memref_squeeze %dma_start3A_783 : memref<1x1x4x8x128xf32, #tpu.memory_space<hbm>> -> memref<4x8x128xf32, #tpu.memory_space<hbm>>
        %dma_start3A_785 = arith.constant 0 : i32
        %dma_start3A_786 = arith.constant 0 : i32
        %dma_start3A_787 = arith.constant 0 : i32
        %dma_start3A_788 = tpu.memref_slice %arg9[%dma_start3A_785, %dma_start3A_767, %dma_start3A_786, %dma_start3A_787] : memref<4x4x8x129xf32, #tpu.memory_space<vmem>> -> memref<4x1x8x128xf32, #tpu.memory_space<vmem>>
        %dma_start3A_789 = tpu.memref_squeeze %dma_start3A_788 : memref<4x1x8x128xf32, #tpu.memory_space<vmem>> -> memref<4x8x128xf32, #tpu.memory_space<vmem>>
        tpu.enqueue_dma source(%dma_start3A_789 : memref<4x8x128xf32, #tpu.memory_space<vmem>>) target(%dma_start3A_784 : memref<4x8x128xf32, #tpu.memory_space<hbm>>) target_semaphore(%dma_start3A_780 : memref<!tpu.dma_semaphore, #tpu.memory_space<semaphore_mem>>)
        %jit3A_790 = arith.constant 32 : i32
        %div3A_791 = arith.divsi %add3A_726, %jit3A_790 : i32
        %sign3A_792 = arith.constant 0 : i32
        %sign3A_793 = arith.cmpi sgt, %add3A_726, %sign3A_792 : i32
        %sign3A_794 = arith.extui %sign3A_793 : i1 to i32
        %sign3A_795 = arith.constant 0 : i32
        %sign3A_796 = arith.cmpi slt, %add3A_726, %sign3A_795 : i32
        %sign3A_797 = arith.extui %sign3A_796 : i1 to i32
        %sign3A_798 = arith.subi %sign3A_794, %sign3A_797 : i32
        %sign3A_799 = arith.constant 0 : i32
        %sign3A_800 = arith.cmpi sgt, %jit3A_790, %sign3A_799 : i32
        %sign3A_801 = arith.extui %sign3A_800 : i1 to i32
        %sign3A_802 = arith.constant 0 : i32
        %sign3A_803 = arith.cmpi slt, %jit3A_790, %sign3A_802 : i32
        %sign3A_804 = arith.extui %sign3A_803 : i1 to i32
        %sign3A_805 = arith.subi %sign3A_801, %sign3A_804 : i32
        %ne3A_806 = arith.cmpi ne, %sign3A_798, %sign3A_805 : i32
        %rem3A_807 = arith.remsi %add3A_726, %jit3A_790 : i32
        %ne3A_808 = arith.constant 0 : i32
        %ne3A_809 = arith.cmpi ne, %rem3A_807, %ne3A_808 : i32
        %and3A_810 = arith.andi %ne3A_806, %ne3A_809 : i1
        %sub3A_811 = arith.constant 1 : i32
        %sub3A_812 = arith.subi %div3A_791, %sub3A_811 : i32
        %select_n3A_813 = arith.select %and3A_810, %sub3A_812, %div3A_791 : i32
        %jit3A_814 = arith.constant 32 : i32
        %eq3A_815 = arith.constant 0 : i32
        %eq3A_816 = arith.cmpi eq, %jit3A_814, %eq3A_815 : i32
        %jit3A_817 = arith.constant 1 : i32
        %select_n3A_818 = arith.select %eq3A_816, %jit3A_817, %jit3A_814 : i32
        %rem3A_819 = arith.remsi %add3A_726, %select_n3A_818 : i32
        %ne3A_820 = arith.constant 0 : i32
        %ne3A_821 = arith.cmpi ne, %rem3A_819, %ne3A_820 : i32
        %lt3A_822 = arith.constant 0 : i32
        %lt3A_823 = arith.cmpi slt, %rem3A_819, %lt3A_822 : i32
        %lt3A_824 = arith.constant 0 : i32
        %lt3A_825 = arith.cmpi slt, %select_n3A_818, %lt3A_824 : i32
        %ne3A_826 = arith.xori %lt3A_823, %lt3A_825 : i1
        %and3A_827 = arith.andi %ne3A_826, %ne3A_821 : i1
        %add3A_828 = arith.addi %rem3A_819, %select_n3A_818 : i32
        %select_n3A_829 = arith.select %and3A_827, %add3A_828, %rem3A_819 : i32
        %dma_start3A_830 = arith.constant 1 : i32
        %dma_start3A_831 = arith.constant 1 : i32
        %dma_start3A_832 = arith.constant 1 : i32
        %dma_start3A_833 = arith.constant 0 : i32
        %dma_start3A_834 = arith.constant 0 : i32
        %dma_start3A_835 = arith.constant 0 : i32
        %dma_start3A_836 = tpu.memref_slice %arg9[%dma_start3A_833, %dma_start3A_830, %dma_start3A_834, %dma_start3A_835] : memref<4x4x8x129xf32, #tpu.memory_space<vmem>> -> memref<4x1x8x128xf32, #tpu.memory_space<vmem>>
        %dma_start3A_837 = tpu.memref_squeeze %dma_start3A_836 : memref<4x1x8x128xf32, #tpu.memory_space<vmem>> -> memref<4x8x128xf32, #tpu.memory_space<vmem>>
        %dma_start3A_838 = arith.constant 0 : i32
        %dma_start3A_839 = arith.constant 0 : i32
        %dma_start3A_840 = tpu.memref_slice %arg4[%select_n3A_813, %dma_start3A_831, %select_n3A_829, %dma_start3A_838, %dma_start3A_839] : memref<200x4x32x8x128xf32, #tpu.memory_space<hbm>> -> memref<1x1x4x8x128xf32, #tpu.memory_space<hbm>>
        %dma_start3A_841 = tpu.memref_squeeze %dma_start3A_840 : memref<1x1x4x8x128xf32, #tpu.memory_space<hbm>> -> memref<4x8x128xf32, #tpu.memory_space<hbm>>
        %dma_start3A_842 = tpu.memref_slice %arg12[%dma_start3A_832] : memref<2x!tpu.dma_semaphore, #tpu.memory_space<semaphore_mem>> -> memref<1x!tpu.dma_semaphore, #tpu.memory_space<semaphore_mem>>
        %dma_start3A_843 = tpu.memref_squeeze %dma_start3A_842 : memref<1x!tpu.dma_semaphore, #tpu.memory_space<semaphore_mem>> -> memref<!tpu.dma_semaphore, #tpu.memory_space<semaphore_mem>>
        %dma_start3A_844 = arith.constant 0 : i32
        %dma_start3A_845 = arith.constant 0 : i32
        %dma_start3A_846 = tpu.memref_slice %arg4[%select_n3A_813, %dma_start3A_831, %select_n3A_829, %dma_start3A_844, %dma_start3A_845] : memref<200x4x32x8x128xf32, #tpu.memory_space<hbm>> -> memref<1x1x4x8x128xf32, #tpu.memory_space<hbm>>
        %dma_start3A_847 = tpu.memref_squeeze %dma_start3A_846 : memref<1x1x4x8x128xf32, #tpu.memory_space<hbm>> -> memref<4x8x128xf32, #tpu.memory_space<hbm>>
        %dma_start3A_848 = arith.constant 0 : i32
        %dma_start3A_849 = arith.constant 0 : i32
        %dma_start3A_850 = arith.constant 0 : i32
        %dma_start3A_851 = tpu.memref_slice %arg9[%dma_start3A_848, %dma_start3A_830, %dma_start3A_849, %dma_start3A_850] : memref<4x4x8x129xf32, #tpu.memory_space<vmem>> -> memref<4x1x8x128xf32, #tpu.memory_space<vmem>>
        %dma_start3A_852 = tpu.memref_squeeze %dma_start3A_851 : memref<4x1x8x128xf32, #tpu.memory_space<vmem>> -> memref<4x8x128xf32, #tpu.memory_space<vmem>>
        tpu.enqueue_dma source(%dma_start3A_852 : memref<4x8x128xf32, #tpu.memory_space<vmem>>) target(%dma_start3A_847 : memref<4x8x128xf32, #tpu.memory_space<hbm>>) target_semaphore(%dma_start3A_843 : memref<!tpu.dma_semaphore, #tpu.memory_space<semaphore_mem>>)
        %jit3A_853 = arith.constant 32 : i32
        %div3A_854 = arith.divsi %add3A_726, %jit3A_853 : i32
        %sign3A_855 = arith.constant 0 : i32
        %sign3A_856 = arith.cmpi sgt, %add3A_726, %sign3A_855 : i32
        %sign3A_857 = arith.extui %sign3A_856 : i1 to i32
        %sign3A_858 = arith.constant 0 : i32
        %sign3A_859 = arith.cmpi slt, %add3A_726, %sign3A_858 : i32
        %sign3A_860 = arith.extui %sign3A_859 : i1 to i32
        %sign3A_861 = arith.subi %sign3A_857, %sign3A_860 : i32
        %sign3A_862 = arith.constant 0 : i32
        %sign3A_863 = arith.cmpi sgt, %jit3A_853, %sign3A_862 : i32
        %sign3A_864 = arith.extui %sign3A_863 : i1 to i32
        %sign3A_865 = arith.constant 0 : i32
        %sign3A_866 = arith.cmpi slt, %jit3A_853, %sign3A_865 : i32
        %sign3A_867 = arith.extui %sign3A_866 : i1 to i32
        %sign3A_868 = arith.subi %sign3A_864, %sign3A_867 : i32
        %ne3A_869 = arith.cmpi ne, %sign3A_861, %sign3A_868 : i32
        %rem3A_870 = arith.remsi %add3A_726, %jit3A_853 : i32
        %ne3A_871 = arith.constant 0 : i32
        %ne3A_872 = arith.cmpi ne, %rem3A_870, %ne3A_871 : i32
        %and3A_873 = arith.andi %ne3A_869, %ne3A_872 : i1
        %sub3A_874 = arith.constant 1 : i32
        %sub3A_875 = arith.subi %div3A_854, %sub3A_874 : i32
        %select_n3A_876 = arith.select %and3A_873, %sub3A_875, %div3A_854 : i32
        %jit3A_877 = arith.constant 32 : i32
        %eq3A_878 = arith.constant 0 : i32
        %eq3A_879 = arith.cmpi eq, %jit3A_877, %eq3A_878 : i32
        %jit3A_880 = arith.constant 1 : i32
        %select_n3A_881 = arith.select %eq3A_879, %jit3A_880, %jit3A_877 : i32
        %rem3A_882 = arith.remsi %add3A_726, %select_n3A_881 : i32
        %ne3A_883 = arith.constant 0 : i32
        %ne3A_884 = arith.cmpi ne, %rem3A_882, %ne3A_883 : i32
        %lt3A_885 = arith.constant 0 : i32
        %lt3A_886 = arith.cmpi slt, %rem3A_882, %lt3A_885 : i32
        %lt3A_887 = arith.constant 0 : i32
        %lt3A_888 = arith.cmpi slt, %select_n3A_881, %lt3A_887 : i32
        %ne3A_889 = arith.xori %lt3A_886, %lt3A_888 : i1
        %and3A_890 = arith.andi %ne3A_889, %ne3A_884 : i1
        %add3A_891 = arith.addi %rem3A_882, %select_n3A_881 : i32
        %select_n3A_892 = arith.select %and3A_890, %add3A_891, %rem3A_882 : i32
        %dma_start3A_893 = arith.constant 2 : i32
        %dma_start3A_894 = arith.constant 2 : i32
        %dma_start3A_895 = arith.constant 1 : i32
        %dma_start3A_896 = arith.constant 0 : i32
        %dma_start3A_897 = arith.constant 0 : i32
        %dma_start3A_898 = arith.constant 0 : i32
        %dma_start3A_899 = tpu.memref_slice %arg9[%dma_start3A_896, %dma_start3A_893, %dma_start3A_897, %dma_start3A_898] : memref<4x4x8x129xf32, #tpu.memory_space<vmem>> -> memref<4x1x8x128xf32, #tpu.memory_space<vmem>>
        %dma_start3A_900 = tpu.memref_squeeze %dma_start3A_899 : memref<4x1x8x128xf32, #tpu.memory_space<vmem>> -> memref<4x8x128xf32, #tpu.memory_space<vmem>>
        %dma_start3A_901 = arith.constant 0 : i32
        %dma_start3A_902 = arith.constant 0 : i32
        %dma_start3A_903 = tpu.memref_slice %arg4[%select_n3A_876, %dma_start3A_894, %select_n3A_892, %dma_start3A_901, %dma_start3A_902] : memref<200x4x32x8x128xf32, #tpu.memory_space<hbm>> -> memref<1x1x4x8x128xf32, #tpu.memory_space<hbm>>
        %dma_start3A_904 = tpu.memref_squeeze %dma_start3A_903 : memref<1x1x4x8x128xf32, #tpu.memory_space<hbm>> -> memref<4x8x128xf32, #tpu.memory_space<hbm>>
        %dma_start3A_905 = tpu.memref_slice %arg12[%dma_start3A_895] : memref<2x!tpu.dma_semaphore, #tpu.memory_space<semaphore_mem>> -> memref<1x!tpu.dma_semaphore, #tpu.memory_space<semaphore_mem>>
        %dma_start3A_906 = tpu.memref_squeeze %dma_start3A_905 : memref<1x!tpu.dma_semaphore, #tpu.memory_space<semaphore_mem>> -> memref<!tpu.dma_semaphore, #tpu.memory_space<semaphore_mem>>
        %dma_start3A_907 = arith.constant 0 : i32
        %dma_start3A_908 = arith.constant 0 : i32
        %dma_start3A_909 = tpu.memref_slice %arg4[%select_n3A_876, %dma_start3A_894, %select_n3A_892, %dma_start3A_907, %dma_start3A_908] : memref<200x4x32x8x128xf32, #tpu.memory_space<hbm>> -> memref<1x1x4x8x128xf32, #tpu.memory_space<hbm>>
        %dma_start3A_910 = tpu.memref_squeeze %dma_start3A_909 : memref<1x1x4x8x128xf32, #tpu.memory_space<hbm>> -> memref<4x8x128xf32, #tpu.memory_space<hbm>>
        %dma_start3A_911 = arith.constant 0 : i32
        %dma_start3A_912 = arith.constant 0 : i32
        %dma_start3A_913 = arith.constant 0 : i32
        %dma_start3A_914 = tpu.memref_slice %arg9[%dma_start3A_911, %dma_start3A_893, %dma_start3A_912, %dma_start3A_913] : memref<4x4x8x129xf32, #tpu.memory_space<vmem>> -> memref<4x1x8x128xf32, #tpu.memory_space<vmem>>
        %dma_start3A_915 = tpu.memref_squeeze %dma_start3A_914 : memref<4x1x8x128xf32, #tpu.memory_space<vmem>> -> memref<4x8x128xf32, #tpu.memory_space<vmem>>
        tpu.enqueue_dma source(%dma_start3A_915 : memref<4x8x128xf32, #tpu.memory_space<vmem>>) target(%dma_start3A_910 : memref<4x8x128xf32, #tpu.memory_space<hbm>>) target_semaphore(%dma_start3A_906 : memref<!tpu.dma_semaphore, #tpu.memory_space<semaphore_mem>>)
        %jit3A_916 = arith.constant 32 : i32
        %div3A_917 = arith.divsi %add3A_726, %jit3A_916 : i32
        %sign3A_918 = arith.constant 0 : i32
        %sign3A_919 = arith.cmpi sgt, %add3A_726, %sign3A_918 : i32
        %sign3A_920 = arith.extui %sign3A_919 : i1 to i32
        %sign3A_921 = arith.constant 0 : i32
        %sign3A_922 = arith.cmpi slt, %add3A_726, %sign3A_921 : i32
        %sign3A_923 = arith.extui %sign3A_922 : i1 to i32
        %sign3A_924 = arith.subi %sign3A_920, %sign3A_923 : i32
        %sign3A_925 = arith.constant 0 : i32
        %sign3A_926 = arith.cmpi sgt, %jit3A_916, %sign3A_925 : i32
        %sign3A_927 = arith.extui %sign3A_926 : i1 to i32
        %sign3A_928 = arith.constant 0 : i32
        %sign3A_929 = arith.cmpi slt, %jit3A_916, %sign3A_928 : i32
        %sign3A_930 = arith.extui %sign3A_929 : i1 to i32
        %sign3A_931 = arith.subi %sign3A_927, %sign3A_930 : i32
        %ne3A_932 = arith.cmpi ne, %sign3A_924, %sign3A_931 : i32
        %rem3A_933 = arith.remsi %add3A_726, %jit3A_916 : i32
        %ne3A_934 = arith.constant 0 : i32
        %ne3A_935 = arith.cmpi ne, %rem3A_933, %ne3A_934 : i32
        %and3A_936 = arith.andi %ne3A_932, %ne3A_935 : i1
        %sub3A_937 = arith.constant 1 : i32
        %sub3A_938 = arith.subi %div3A_917, %sub3A_937 : i32
        %select_n3A_939 = arith.select %and3A_936, %sub3A_938, %div3A_917 : i32
        %jit3A_940 = arith.constant 32 : i32
        %eq3A_941 = arith.constant 0 : i32
        %eq3A_942 = arith.cmpi eq, %jit3A_940, %eq3A_941 : i32
        %jit3A_943 = arith.constant 1 : i32
        %select_n3A_944 = arith.select %eq3A_942, %jit3A_943, %jit3A_940 : i32
        %rem3A_945 = arith.remsi %add3A_726, %select_n3A_944 : i32
        %ne3A_946 = arith.constant 0 : i32
        %ne3A_947 = arith.cmpi ne, %rem3A_945, %ne3A_946 : i32
        %lt3A_948 = arith.constant 0 : i32
        %lt3A_949 = arith.cmpi slt, %rem3A_945, %lt3A_948 : i32
        %lt3A_950 = arith.constant 0 : i32
        %lt3A_951 = arith.cmpi slt, %select_n3A_944, %lt3A_950 : i32
        %ne3A_952 = arith.xori %lt3A_949, %lt3A_951 : i1
        %and3A_953 = arith.andi %ne3A_952, %ne3A_947 : i1
        %add3A_954 = arith.addi %rem3A_945, %select_n3A_944 : i32
        %select_n3A_955 = arith.select %and3A_953, %add3A_954, %rem3A_945 : i32
        %dma_start3A_956 = arith.constant 3 : i32
        %dma_start3A_957 = arith.constant 3 : i32
        %dma_start3A_958 = arith.constant 1 : i32
        %dma_start3A_959 = arith.constant 0 : i32
        %dma_start3A_960 = arith.constant 0 : i32
        %dma_start3A_961 = arith.constant 0 : i32
        %dma_start3A_962 = tpu.memref_slice %arg9[%dma_start3A_959, %dma_start3A_956, %dma_start3A_960, %dma_start3A_961] : memref<4x4x8x129xf32, #tpu.memory_space<vmem>> -> memref<4x1x8x128xf32, #tpu.memory_space<vmem>>
        %dma_start3A_963 = tpu.memref_squeeze %dma_start3A_962 : memref<4x1x8x128xf32, #tpu.memory_space<vmem>> -> memref<4x8x128xf32, #tpu.memory_space<vmem>>
        %dma_start3A_964 = arith.constant 0 : i32
        %dma_start3A_965 = arith.constant 0 : i32
        %dma_start3A_966 = tpu.memref_slice %arg4[%select_n3A_939, %dma_start3A_957, %select_n3A_955, %dma_start3A_964, %dma_start3A_965] : memref<200x4x32x8x128xf32, #tpu.memory_space<hbm>> -> memref<1x1x4x8x128xf32, #tpu.memory_space<hbm>>
        %dma_start3A_967 = tpu.memref_squeeze %dma_start3A_966 : memref<1x1x4x8x128xf32, #tpu.memory_space<hbm>> -> memref<4x8x128xf32, #tpu.memory_space<hbm>>
        %dma_start3A_968 = tpu.memref_slice %arg12[%dma_start3A_958] : memref<2x!tpu.dma_semaphore, #tpu.memory_space<semaphore_mem>> -> memref<1x!tpu.dma_semaphore, #tpu.memory_space<semaphore_mem>>
        %dma_start3A_969 = tpu.memref_squeeze %dma_start3A_968 : memref<1x!tpu.dma_semaphore, #tpu.memory_space<semaphore_mem>> -> memref<!tpu.dma_semaphore, #tpu.memory_space<semaphore_mem>>
        %dma_start3A_970 = arith.constant 0 : i32
        %dma_start3A_971 = arith.constant 0 : i32
        %dma_start3A_972 = tpu.memref_slice %arg4[%select_n3A_939, %dma_start3A_957, %select_n3A_955, %dma_start3A_970, %dma_start3A_971] : memref<200x4x32x8x128xf32, #tpu.memory_space<hbm>> -> memref<1x1x4x8x128xf32, #tpu.memory_space<hbm>>
        %dma_start3A_973 = tpu.memref_squeeze %dma_start3A_972 : memref<1x1x4x8x128xf32, #tpu.memory_space<hbm>> -> memref<4x8x128xf32, #tpu.memory_space<hbm>>
        %dma_start3A_974 = arith.constant 0 : i32
        %dma_start3A_975 = arith.constant 0 : i32
        %dma_start3A_976 = arith.constant 0 : i32
        %dma_start3A_977 = tpu.memref_slice %arg9[%dma_start3A_974, %dma_start3A_956, %dma_start3A_975, %dma_start3A_976] : memref<4x4x8x129xf32, #tpu.memory_space<vmem>> -> memref<4x1x8x128xf32, #tpu.memory_space<vmem>>
        %dma_start3A_978 = tpu.memref_squeeze %dma_start3A_977 : memref<4x1x8x128xf32, #tpu.memory_space<vmem>> -> memref<4x8x128xf32, #tpu.memory_space<vmem>>
        tpu.enqueue_dma source(%dma_start3A_978 : memref<4x8x128xf32, #tpu.memory_space<vmem>>) target(%dma_start3A_973 : memref<4x8x128xf32, #tpu.memory_space<hbm>>) target_semaphore(%dma_start3A_969 : memref<!tpu.dma_semaphore, #tpu.memory_space<semaphore_mem>>)
      } else {
      }
    }
    %scan3A_147 = arith.constant 25 : i32
    %mul3A_148 = arith.constant 200 : i32
    %mul3A_149 = arith.muli %mul3A_148, %add3A : i32
    %add3A_150 = arith.constant 192 : i32
    %add3A_151 = arith.addi %mul3A_149, %add3A_150 : i32
    %jit3A = arith.constant 32 : i32
    %div3A = arith.divsi %add3A_151, %jit3A : i32
    %sign3A = arith.constant 0 : i32
    %sign3A_152 = arith.cmpi sgt, %add3A_151, %sign3A : i32
    %sign3A_153 = arith.extui %sign3A_152 : i1 to i32
    %sign3A_154 = arith.constant 0 : i32
    %sign3A_155 = arith.cmpi slt, %add3A_151, %sign3A_154 : i32
    %sign3A_156 = arith.extui %sign3A_155 : i1 to i32
    %sign3A_157 = arith.subi %sign3A_153, %sign3A_156 : i32
    %sign3A_158 = arith.constant 0 : i32
    %sign3A_159 = arith.cmpi sgt, %jit3A, %sign3A_158 : i32
    %sign3A_160 = arith.extui %sign3A_159 : i1 to i32
    %sign3A_161 = arith.constant 0 : i32
    %sign3A_162 = arith.cmpi slt, %jit3A, %sign3A_161 : i32
    %sign3A_163 = arith.extui %sign3A_162 : i1 to i32
    %sign3A_164 = arith.subi %sign3A_160, %sign3A_163 : i32
    %ne3A = arith.cmpi ne, %sign3A_157, %sign3A_164 : i32
    %rem3A = arith.remsi %add3A_151, %jit3A : i32
    %ne3A_165 = arith.constant 0 : i32
    %ne3A_166 = arith.cmpi ne, %rem3A, %ne3A_165 : i32
    %and3A_167 = arith.andi %ne3A, %ne3A_166 : i1
    %sub3A = arith.constant 1 : i32
    %sub3A_168 = arith.subi %div3A, %sub3A : i32
    %select_n3A = arith.select %and3A_167, %sub3A_168, %div3A : i32
    %jit3A_169 = arith.constant 32 : i32
    %eq3A = arith.constant 0 : i32
    %eq3A_170 = arith.cmpi eq, %jit3A_169, %eq3A : i32
    %jit3A_171 = arith.constant 1 : i32
    %select_n3A_172 = arith.select %eq3A_170, %jit3A_171, %jit3A_169 : i32
    %rem3A_173 = arith.remsi %add3A_151, %select_n3A_172 : i32
    %ne3A_174 = arith.constant 0 : i32
    %ne3A_175 = arith.cmpi ne, %rem3A_173, %ne3A_174 : i32
    %lt3A = arith.constant 0 : i32
    %lt3A_176 = arith.cmpi slt, %rem3A_173, %lt3A : i32
    %lt3A_177 = arith.constant 0 : i32
    %lt3A_178 = arith.cmpi slt, %select_n3A_172, %lt3A_177 : i32
    %ne3A_179 = arith.xori %lt3A_176, %lt3A_178 : i1
    %and3A_180 = arith.andi %ne3A_179, %ne3A_175 : i1
    %add3A_181 = arith.addi %rem3A_173, %select_n3A_172 : i32
    %select_n3A_182 = arith.select %and3A_180, %add3A_181, %rem3A_173 : i32
    %dma_wait3A = arith.constant 0 : i32
    %dma_wait3A_183 = arith.constant 0 : i32
    %dma_wait3A_184 = arith.constant 0 : i32
    %dma_wait3A_185 = arith.constant 0 : i32
    %dma_wait3A_186 = arith.constant 0 : i32
    %dma_wait3A_187 = arith.constant 0 : i32
    %dma_wait3A_188 = tpu.memref_slice %arg8[%dma_wait3A_185, %dma_wait3A, %dma_wait3A_186, %dma_wait3A_187] : memref<4x4x8x129xf32, #tpu.memory_space<vmem>> -> memref<4x1x8x128xf32, #tpu.memory_space<vmem>>
    %dma_wait3A_189 = tpu.memref_squeeze %dma_wait3A_188 : memref<4x1x8x128xf32, #tpu.memory_space<vmem>> -> memref<4x8x128xf32, #tpu.memory_space<vmem>>
    %dma_wait3A_190 = arith.constant 0 : i32
    %dma_wait3A_191 = arith.constant 0 : i32
    %dma_wait3A_192 = tpu.memref_slice %arg4[%select_n3A, %dma_wait3A_183, %select_n3A_182, %dma_wait3A_190, %dma_wait3A_191] : memref<200x4x32x8x128xf32, #tpu.memory_space<hbm>> -> memref<1x1x4x8x128xf32, #tpu.memory_space<hbm>>
    %dma_wait3A_193 = tpu.memref_squeeze %dma_wait3A_192 : memref<1x1x4x8x128xf32, #tpu.memory_space<hbm>> -> memref<4x8x128xf32, #tpu.memory_space<hbm>>
    %dma_wait3A_194 = tpu.memref_slice %arg12[%dma_wait3A_184] : memref<2x!tpu.dma_semaphore, #tpu.memory_space<semaphore_mem>> -> memref<1x!tpu.dma_semaphore, #tpu.memory_space<semaphore_mem>>
    %dma_wait3A_195 = tpu.memref_squeeze %dma_wait3A_194 : memref<1x!tpu.dma_semaphore, #tpu.memory_space<semaphore_mem>> -> memref<!tpu.dma_semaphore, #tpu.memory_space<semaphore_mem>>
    %dma_wait3A_196 = arith.constant 0 : i32
    %dma_wait3A_197 = arith.constant 0 : i32
    %dma_wait3A_198 = tpu.memref_slice %arg4[%select_n3A, %dma_wait3A_183, %select_n3A_182, %dma_wait3A_196, %dma_wait3A_197] : memref<200x4x32x8x128xf32, #tpu.memory_space<hbm>> -> memref<1x1x4x8x128xf32, #tpu.memory_space<hbm>>
    %dma_wait3A_199 = tpu.memref_squeeze %dma_wait3A_198 : memref<1x1x4x8x128xf32, #tpu.memory_space<hbm>> -> memref<4x8x128xf32, #tpu.memory_space<hbm>>
    %dma_wait3A_200 = arith.constant 0 : i32
    %dma_wait3A_201 = arith.constant 0 : i32
    %dma_wait3A_202 = arith.constant 0 : i32
    %dma_wait3A_203 = tpu.memref_slice %arg8[%dma_wait3A_200, %dma_wait3A, %dma_wait3A_201, %dma_wait3A_202] : memref<4x4x8x129xf32, #tpu.memory_space<vmem>> -> memref<4x1x8x128xf32, #tpu.memory_space<vmem>>
    %dma_wait3A_204 = tpu.memref_squeeze %dma_wait3A_203 : memref<4x1x8x128xf32, #tpu.memory_space<vmem>> -> memref<4x8x128xf32, #tpu.memory_space<vmem>>
    tpu.wait_dma2 semaphore(%dma_wait3A_195 : memref<!tpu.dma_semaphore, #tpu.memory_space<semaphore_mem>>) src(%dma_wait3A_204 : memref<4x8x128xf32, #tpu.memory_space<vmem>>) dst(%dma_wait3A_199 : memref<4x8x128xf32, #tpu.memory_space<hbm>>)
    %jit3A_205 = arith.constant 32 : i32
    %div3A_206 = arith.divsi %add3A_151, %jit3A_205 : i32
    %sign3A_207 = arith.constant 0 : i32
    %sign3A_208 = arith.cmpi sgt, %add3A_151, %sign3A_207 : i32
    %sign3A_209 = arith.extui %sign3A_208 : i1 to i32
    %sign3A_210 = arith.constant 0 : i32
    %sign3A_211 = arith.cmpi slt, %add3A_151, %sign3A_210 : i32
    %sign3A_212 = arith.extui %sign3A_211 : i1 to i32
    %sign3A_213 = arith.subi %sign3A_209, %sign3A_212 : i32
    %sign3A_214 = arith.constant 0 : i32
    %sign3A_215 = arith.cmpi sgt, %jit3A_205, %sign3A_214 : i32
    %sign3A_216 = arith.extui %sign3A_215 : i1 to i32
    %sign3A_217 = arith.constant 0 : i32
    %sign3A_218 = arith.cmpi slt, %jit3A_205, %sign3A_217 : i32
    %sign3A_219 = arith.extui %sign3A_218 : i1 to i32
    %sign3A_220 = arith.subi %sign3A_216, %sign3A_219 : i32
    %ne3A_221 = arith.cmpi ne, %sign3A_213, %sign3A_220 : i32
    %rem3A_222 = arith.remsi %add3A_151, %jit3A_205 : i32
    %ne3A_223 = arith.constant 0 : i32
    %ne3A_224 = arith.cmpi ne, %rem3A_222, %ne3A_223 : i32
    %and3A_225 = arith.andi %ne3A_221, %ne3A_224 : i1
    %sub3A_226 = arith.constant 1 : i32
    %sub3A_227 = arith.subi %div3A_206, %sub3A_226 : i32
    %select_n3A_228 = arith.select %and3A_225, %sub3A_227, %div3A_206 : i32
    %jit3A_229 = arith.constant 32 : i32
    %eq3A_230 = arith.constant 0 : i32
    %eq3A_231 = arith.cmpi eq, %jit3A_229, %eq3A_230 : i32
    %jit3A_232 = arith.constant 1 : i32
    %select_n3A_233 = arith.select %eq3A_231, %jit3A_232, %jit3A_229 : i32
    %rem3A_234 = arith.remsi %add3A_151, %select_n3A_233 : i32
    %ne3A_235 = arith.constant 0 : i32
    %ne3A_236 = arith.cmpi ne, %rem3A_234, %ne3A_235 : i32
    %lt3A_237 = arith.constant 0 : i32
    %lt3A_238 = arith.cmpi slt, %rem3A_234, %lt3A_237 : i32
    %lt3A_239 = arith.constant 0 : i32
    %lt3A_240 = arith.cmpi slt, %select_n3A_233, %lt3A_239 : i32
    %ne3A_241 = arith.xori %lt3A_238, %lt3A_240 : i1
    %and3A_242 = arith.andi %ne3A_241, %ne3A_236 : i1
    %add3A_243 = arith.addi %rem3A_234, %select_n3A_233 : i32
    %select_n3A_244 = arith.select %and3A_242, %add3A_243, %rem3A_234 : i32
    %dma_wait3A_245 = arith.constant 1 : i32
    %dma_wait3A_246 = arith.constant 1 : i32
    %dma_wait3A_247 = arith.constant 0 : i32
    %dma_wait3A_248 = arith.constant 0 : i32
    %dma_wait3A_249 = arith.constant 0 : i32
    %dma_wait3A_250 = arith.constant 0 : i32
    %dma_wait3A_251 = tpu.memref_slice %arg8[%dma_wait3A_248, %dma_wait3A_245, %dma_wait3A_249, %dma_wait3A_250] : memref<4x4x8x129xf32, #tpu.memory_space<vmem>> -> memref<4x1x8x128xf32, #tpu.memory_space<vmem>>
    %dma_wait3A_252 = tpu.memref_squeeze %dma_wait3A_251 : memref<4x1x8x128xf32, #tpu.memory_space<vmem>> -> memref<4x8x128xf32, #tpu.memory_space<vmem>>
    %dma_wait3A_253 = arith.constant 0 : i32
    %dma_wait3A_254 = arith.constant 0 : i32
    %dma_wait3A_255 = tpu.memref_slice %arg4[%select_n3A_228, %dma_wait3A_246, %select_n3A_244, %dma_wait3A_253, %dma_wait3A_254] : memref<200x4x32x8x128xf32, #tpu.memory_space<hbm>> -> memref<1x1x4x8x128xf32, #tpu.memory_space<hbm>>
    %dma_wait3A_256 = tpu.memref_squeeze %dma_wait3A_255 : memref<1x1x4x8x128xf32, #tpu.memory_space<hbm>> -> memref<4x8x128xf32, #tpu.memory_space<hbm>>
    %dma_wait3A_257 = tpu.memref_slice %arg12[%dma_wait3A_247] : memref<2x!tpu.dma_semaphore, #tpu.memory_space<semaphore_mem>> -> memref<1x!tpu.dma_semaphore, #tpu.memory_space<semaphore_mem>>
    %dma_wait3A_258 = tpu.memref_squeeze %dma_wait3A_257 : memref<1x!tpu.dma_semaphore, #tpu.memory_space<semaphore_mem>> -> memref<!tpu.dma_semaphore, #tpu.memory_space<semaphore_mem>>
    %dma_wait3A_259 = arith.constant 0 : i32
    %dma_wait3A_260 = arith.constant 0 : i32
    %dma_wait3A_261 = tpu.memref_slice %arg4[%select_n3A_228, %dma_wait3A_246, %select_n3A_244, %dma_wait3A_259, %dma_wait3A_260] : memref<200x4x32x8x128xf32, #tpu.memory_space<hbm>> -> memref<1x1x4x8x128xf32, #tpu.memory_space<hbm>>
    %dma_wait3A_262 = tpu.memref_squeeze %dma_wait3A_261 : memref<1x1x4x8x128xf32, #tpu.memory_space<hbm>> -> memref<4x8x128xf32, #tpu.memory_space<hbm>>
    %dma_wait3A_263 = arith.constant 0 : i32
    %dma_wait3A_264 = arith.constant 0 : i32
    %dma_wait3A_265 = arith.constant 0 : i32
    %dma_wait3A_266 = tpu.memref_slice %arg8[%dma_wait3A_263, %dma_wait3A_245, %dma_wait3A_264, %dma_wait3A_265] : memref<4x4x8x129xf32, #tpu.memory_space<vmem>> -> memref<4x1x8x128xf32, #tpu.memory_space<vmem>>
    %dma_wait3A_267 = tpu.memref_squeeze %dma_wait3A_266 : memref<4x1x8x128xf32, #tpu.memory_space<vmem>> -> memref<4x8x128xf32, #tpu.memory_space<vmem>>
    tpu.wait_dma2 semaphore(%dma_wait3A_258 : memref<!tpu.dma_semaphore, #tpu.memory_space<semaphore_mem>>) src(%dma_wait3A_267 : memref<4x8x128xf32, #tpu.memory_space<vmem>>) dst(%dma_wait3A_262 : memref<4x8x128xf32, #tpu.memory_space<hbm>>)
    %jit3A_268 = arith.constant 32 : i32
    %div3A_269 = arith.divsi %add3A_151, %jit3A_268 : i32
    %sign3A_270 = arith.constant 0 : i32
    %sign3A_271 = arith.cmpi sgt, %add3A_151, %sign3A_270 : i32
    %sign3A_272 = arith.extui %sign3A_271 : i1 to i32
    %sign3A_273 = arith.constant 0 : i32
    %sign3A_274 = arith.cmpi slt, %add3A_151, %sign3A_273 : i32
    %sign3A_275 = arith.extui %sign3A_274 : i1 to i32
    %sign3A_276 = arith.subi %sign3A_272, %sign3A_275 : i32
    %sign3A_277 = arith.constant 0 : i32
    %sign3A_278 = arith.cmpi sgt, %jit3A_268, %sign3A_277 : i32
    %sign3A_279 = arith.extui %sign3A_278 : i1 to i32
    %sign3A_280 = arith.constant 0 : i32
    %sign3A_281 = arith.cmpi slt, %jit3A_268, %sign3A_280 : i32
    %sign3A_282 = arith.extui %sign3A_281 : i1 to i32
    %sign3A_283 = arith.subi %sign3A_279, %sign3A_282 : i32
    %ne3A_284 = arith.cmpi ne, %sign3A_276, %sign3A_283 : i32
    %rem3A_285 = arith.remsi %add3A_151, %jit3A_268 : i32
    %ne3A_286 = arith.constant 0 : i32
    %ne3A_287 = arith.cmpi ne, %rem3A_285, %ne3A_286 : i32
    %and3A_288 = arith.andi %ne3A_284, %ne3A_287 : i1
    %sub3A_289 = arith.constant 1 : i32
    %sub3A_290 = arith.subi %div3A_269, %sub3A_289 : i32
    %select_n3A_291 = arith.select %and3A_288, %sub3A_290, %div3A_269 : i32
    %jit3A_292 = arith.constant 32 : i32
    %eq3A_293 = arith.constant 0 : i32
    %eq3A_294 = arith.cmpi eq, %jit3A_292, %eq3A_293 : i32
    %jit3A_295 = arith.constant 1 : i32
    %select_n3A_296 = arith.select %eq3A_294, %jit3A_295, %jit3A_292 : i32
    %rem3A_297 = arith.remsi %add3A_151, %select_n3A_296 : i32
    %ne3A_298 = arith.constant 0 : i32
    %ne3A_299 = arith.cmpi ne, %rem3A_297, %ne3A_298 : i32
    %lt3A_300 = arith.constant 0 : i32
    %lt3A_301 = arith.cmpi slt, %rem3A_297, %lt3A_300 : i32
    %lt3A_302 = arith.constant 0 : i32
    %lt3A_303 = arith.cmpi slt, %select_n3A_296, %lt3A_302 : i32
    %ne3A_304 = arith.xori %lt3A_301, %lt3A_303 : i1
    %and3A_305 = arith.andi %ne3A_304, %ne3A_299 : i1
    %add3A_306 = arith.addi %rem3A_297, %select_n3A_296 : i32
    %select_n3A_307 = arith.select %and3A_305, %add3A_306, %rem3A_297 : i32
    %dma_wait3A_308 = arith.constant 2 : i32
    %dma_wait3A_309 = arith.constant 2 : i32
    %dma_wait3A_310 = arith.constant 0 : i32
    %dma_wait3A_311 = arith.constant 0 : i32
    %dma_wait3A_312 = arith.constant 0 : i32
    %dma_wait3A_313 = arith.constant 0 : i32
    %dma_wait3A_314 = tpu.memref_slice %arg8[%dma_wait3A_311, %dma_wait3A_308, %dma_wait3A_312, %dma_wait3A_313] : memref<4x4x8x129xf32, #tpu.memory_space<vmem>> -> memref<4x1x8x128xf32, #tpu.memory_space<vmem>>
    %dma_wait3A_315 = tpu.memref_squeeze %dma_wait3A_314 : memref<4x1x8x128xf32, #tpu.memory_space<vmem>> -> memref<4x8x128xf32, #tpu.memory_space<vmem>>
    %dma_wait3A_316 = arith.constant 0 : i32
    %dma_wait3A_317 = arith.constant 0 : i32
    %dma_wait3A_318 = tpu.memref_slice %arg4[%select_n3A_291, %dma_wait3A_309, %select_n3A_307, %dma_wait3A_316, %dma_wait3A_317] : memref<200x4x32x8x128xf32, #tpu.memory_space<hbm>> -> memref<1x1x4x8x128xf32, #tpu.memory_space<hbm>>
    %dma_wait3A_319 = tpu.memref_squeeze %dma_wait3A_318 : memref<1x1x4x8x128xf32, #tpu.memory_space<hbm>> -> memref<4x8x128xf32, #tpu.memory_space<hbm>>
    %dma_wait3A_320 = tpu.memref_slice %arg12[%dma_wait3A_310] : memref<2x!tpu.dma_semaphore, #tpu.memory_space<semaphore_mem>> -> memref<1x!tpu.dma_semaphore, #tpu.memory_space<semaphore_mem>>
    %dma_wait3A_321 = tpu.memref_squeeze %dma_wait3A_320 : memref<1x!tpu.dma_semaphore, #tpu.memory_space<semaphore_mem>> -> memref<!tpu.dma_semaphore, #tpu.memory_space<semaphore_mem>>
    %dma_wait3A_322 = arith.constant 0 : i32
    %dma_wait3A_323 = arith.constant 0 : i32
    %dma_wait3A_324 = tpu.memref_slice %arg4[%select_n3A_291, %dma_wait3A_309, %select_n3A_307, %dma_wait3A_322, %dma_wait3A_323] : memref<200x4x32x8x128xf32, #tpu.memory_space<hbm>> -> memref<1x1x4x8x128xf32, #tpu.memory_space<hbm>>
    %dma_wait3A_325 = tpu.memref_squeeze %dma_wait3A_324 : memref<1x1x4x8x128xf32, #tpu.memory_space<hbm>> -> memref<4x8x128xf32, #tpu.memory_space<hbm>>
    %dma_wait3A_326 = arith.constant 0 : i32
    %dma_wait3A_327 = arith.constant 0 : i32
    %dma_wait3A_328 = arith.constant 0 : i32
    %dma_wait3A_329 = tpu.memref_slice %arg8[%dma_wait3A_326, %dma_wait3A_308, %dma_wait3A_327, %dma_wait3A_328] : memref<4x4x8x129xf32, #tpu.memory_space<vmem>> -> memref<4x1x8x128xf32, #tpu.memory_space<vmem>>
    %dma_wait3A_330 = tpu.memref_squeeze %dma_wait3A_329 : memref<4x1x8x128xf32, #tpu.memory_space<vmem>> -> memref<4x8x128xf32, #tpu.memory_space<vmem>>
    tpu.wait_dma2 semaphore(%dma_wait3A_321 : memref<!tpu.dma_semaphore, #tpu.memory_space<semaphore_mem>>) src(%dma_wait3A_330 : memref<4x8x128xf32, #tpu.memory_space<vmem>>) dst(%dma_wait3A_325 : memref<4x8x128xf32, #tpu.memory_space<hbm>>)
    %jit3A_331 = arith.constant 32 : i32
    %div3A_332 = arith.divsi %add3A_151, %jit3A_331 : i32
    %sign3A_333 = arith.constant 0 : i32
    %sign3A_334 = arith.cmpi sgt, %add3A_151, %sign3A_333 : i32
    %sign3A_335 = arith.extui %sign3A_334 : i1 to i32
    %sign3A_336 = arith.constant 0 : i32
    %sign3A_337 = arith.cmpi slt, %add3A_151, %sign3A_336 : i32
    %sign3A_338 = arith.extui %sign3A_337 : i1 to i32
    %sign3A_339 = arith.subi %sign3A_335, %sign3A_338 : i32
    %sign3A_340 = arith.constant 0 : i32
    %sign3A_341 = arith.cmpi sgt, %jit3A_331, %sign3A_340 : i32
    %sign3A_342 = arith.extui %sign3A_341 : i1 to i32
    %sign3A_343 = arith.constant 0 : i32
    %sign3A_344 = arith.cmpi slt, %jit3A_331, %sign3A_343 : i32
    %sign3A_345 = arith.extui %sign3A_344 : i1 to i32
    %sign3A_346 = arith.subi %sign3A_342, %sign3A_345 : i32
    %ne3A_347 = arith.cmpi ne, %sign3A_339, %sign3A_346 : i32
    %rem3A_348 = arith.remsi %add3A_151, %jit3A_331 : i32
    %ne3A_349 = arith.constant 0 : i32
    %ne3A_350 = arith.cmpi ne, %rem3A_348, %ne3A_349 : i32
    %and3A_351 = arith.andi %ne3A_347, %ne3A_350 : i1
    %sub3A_352 = arith.constant 1 : i32
    %sub3A_353 = arith.subi %div3A_332, %sub3A_352 : i32
    %select_n3A_354 = arith.select %and3A_351, %sub3A_353, %div3A_332 : i32
    %jit3A_355 = arith.constant 32 : i32
    %eq3A_356 = arith.constant 0 : i32
    %eq3A_357 = arith.cmpi eq, %jit3A_355, %eq3A_356 : i32
    %jit3A_358 = arith.constant 1 : i32
    %select_n3A_359 = arith.select %eq3A_357, %jit3A_358, %jit3A_355 : i32
    %rem3A_360 = arith.remsi %add3A_151, %select_n3A_359 : i32
    %ne3A_361 = arith.constant 0 : i32
    %ne3A_362 = arith.cmpi ne, %rem3A_360, %ne3A_361 : i32
    %lt3A_363 = arith.constant 0 : i32
    %lt3A_364 = arith.cmpi slt, %rem3A_360, %lt3A_363 : i32
    %lt3A_365 = arith.constant 0 : i32
    %lt3A_366 = arith.cmpi slt, %select_n3A_359, %lt3A_365 : i32
    %ne3A_367 = arith.xori %lt3A_364, %lt3A_366 : i1
    %and3A_368 = arith.andi %ne3A_367, %ne3A_362 : i1
    %add3A_369 = arith.addi %rem3A_360, %select_n3A_359 : i32
    %select_n3A_370 = arith.select %and3A_368, %add3A_369, %rem3A_360 : i32
    %dma_wait3A_371 = arith.constant 3 : i32
    %dma_wait3A_372 = arith.constant 3 : i32
    %dma_wait3A_373 = arith.constant 0 : i32
    %dma_wait3A_374 = arith.constant 0 : i32
    %dma_wait3A_375 = arith.constant 0 : i32
    %dma_wait3A_376 = arith.constant 0 : i32
    %dma_wait3A_377 = tpu.memref_slice %arg8[%dma_wait3A_374, %dma_wait3A_371, %dma_wait3A_375, %dma_wait3A_376] : memref<4x4x8x129xf32, #tpu.memory_space<vmem>> -> memref<4x1x8x128xf32, #tpu.memory_space<vmem>>
    %dma_wait3A_378 = tpu.memref_squeeze %dma_wait3A_377 : memref<4x1x8x128xf32, #tpu.memory_space<vmem>> -> memref<4x8x128xf32, #tpu.memory_space<vmem>>
    %dma_wait3A_379 = arith.constant 0 : i32
    %dma_wait3A_380 = arith.constant 0 : i32
    %dma_wait3A_381 = tpu.memref_slice %arg4[%select_n3A_354, %dma_wait3A_372, %select_n3A_370, %dma_wait3A_379, %dma_wait3A_380] : memref<200x4x32x8x128xf32, #tpu.memory_space<hbm>> -> memref<1x1x4x8x128xf32, #tpu.memory_space<hbm>>
    %dma_wait3A_382 = tpu.memref_squeeze %dma_wait3A_381 : memref<1x1x4x8x128xf32, #tpu.memory_space<hbm>> -> memref<4x8x128xf32, #tpu.memory_space<hbm>>
    %dma_wait3A_383 = tpu.memref_slice %arg12[%dma_wait3A_373] : memref<2x!tpu.dma_semaphore, #tpu.memory_space<semaphore_mem>> -> memref<1x!tpu.dma_semaphore, #tpu.memory_space<semaphore_mem>>
    %dma_wait3A_384 = tpu.memref_squeeze %dma_wait3A_383 : memref<1x!tpu.dma_semaphore, #tpu.memory_space<semaphore_mem>> -> memref<!tpu.dma_semaphore, #tpu.memory_space<semaphore_mem>>
    %dma_wait3A_385 = arith.constant 0 : i32
    %dma_wait3A_386 = arith.constant 0 : i32
    %dma_wait3A_387 = tpu.memref_slice %arg4[%select_n3A_354, %dma_wait3A_372, %select_n3A_370, %dma_wait3A_385, %dma_wait3A_386] : memref<200x4x32x8x128xf32, #tpu.memory_space<hbm>> -> memref<1x1x4x8x128xf32, #tpu.memory_space<hbm>>
    %dma_wait3A_388 = tpu.memref_squeeze %dma_wait3A_387 : memref<1x1x4x8x128xf32, #tpu.memory_space<hbm>> -> memref<4x8x128xf32, #tpu.memory_space<hbm>>
    %dma_wait3A_389 = arith.constant 0 : i32
    %dma_wait3A_390 = arith.constant 0 : i32
    %dma_wait3A_391 = arith.constant 0 : i32
    %dma_wait3A_392 = tpu.memref_slice %arg8[%dma_wait3A_389, %dma_wait3A_371, %dma_wait3A_390, %dma_wait3A_391] : memref<4x4x8x129xf32, #tpu.memory_space<vmem>> -> memref<4x1x8x128xf32, #tpu.memory_space<vmem>>
    %dma_wait3A_393 = tpu.memref_squeeze %dma_wait3A_392 : memref<4x1x8x128xf32, #tpu.memory_space<vmem>> -> memref<4x8x128xf32, #tpu.memory_space<vmem>>
    tpu.wait_dma2 semaphore(%dma_wait3A_384 : memref<!tpu.dma_semaphore, #tpu.memory_space<semaphore_mem>>) src(%dma_wait3A_393 : memref<4x8x128xf32, #tpu.memory_space<vmem>>) dst(%dma_wait3A_388 : memref<4x8x128xf32, #tpu.memory_space<hbm>>)
    %mul3A_394 = arith.constant 200 : i32
    %mul3A_395 = arith.muli %mul3A_394, %add3A : i32
    %add3A_396 = arith.constant 196 : i32
    %add3A_397 = arith.addi %mul3A_395, %add3A_396 : i32
    %jit3A_398 = arith.constant 32 : i32
    %div3A_399 = arith.divsi %add3A_397, %jit3A_398 : i32
    %sign3A_400 = arith.constant 0 : i32
    %sign3A_401 = arith.cmpi sgt, %add3A_397, %sign3A_400 : i32
    %sign3A_402 = arith.extui %sign3A_401 : i1 to i32
    %sign3A_403 = arith.constant 0 : i32
    %sign3A_404 = arith.cmpi slt, %add3A_397, %sign3A_403 : i32
    %sign3A_405 = arith.extui %sign3A_404 : i1 to i32
    %sign3A_406 = arith.subi %sign3A_402, %sign3A_405 : i32
    %sign3A_407 = arith.constant 0 : i32
    %sign3A_408 = arith.cmpi sgt, %jit3A_398, %sign3A_407 : i32
    %sign3A_409 = arith.extui %sign3A_408 : i1 to i32
    %sign3A_410 = arith.constant 0 : i32
    %sign3A_411 = arith.cmpi slt, %jit3A_398, %sign3A_410 : i32
    %sign3A_412 = arith.extui %sign3A_411 : i1 to i32
    %sign3A_413 = arith.subi %sign3A_409, %sign3A_412 : i32
    %ne3A_414 = arith.cmpi ne, %sign3A_406, %sign3A_413 : i32
    %rem3A_415 = arith.remsi %add3A_397, %jit3A_398 : i32
    %ne3A_416 = arith.constant 0 : i32
    %ne3A_417 = arith.cmpi ne, %rem3A_415, %ne3A_416 : i32
    %and3A_418 = arith.andi %ne3A_414, %ne3A_417 : i1
    %sub3A_419 = arith.constant 1 : i32
    %sub3A_420 = arith.subi %div3A_399, %sub3A_419 : i32
    %select_n3A_421 = arith.select %and3A_418, %sub3A_420, %div3A_399 : i32
    %jit3A_422 = arith.constant 32 : i32
    %eq3A_423 = arith.constant 0 : i32
    %eq3A_424 = arith.cmpi eq, %jit3A_422, %eq3A_423 : i32
    %jit3A_425 = arith.constant 1 : i32
    %select_n3A_426 = arith.select %eq3A_424, %jit3A_425, %jit3A_422 : i32
    %rem3A_427 = arith.remsi %add3A_397, %select_n3A_426 : i32
    %ne3A_428 = arith.constant 0 : i32
    %ne3A_429 = arith.cmpi ne, %rem3A_427, %ne3A_428 : i32
    %lt3A_430 = arith.constant 0 : i32
    %lt3A_431 = arith.cmpi slt, %rem3A_427, %lt3A_430 : i32
    %lt3A_432 = arith.constant 0 : i32
    %lt3A_433 = arith.cmpi slt, %select_n3A_426, %lt3A_432 : i32
    %ne3A_434 = arith.xori %lt3A_431, %lt3A_433 : i1
    %and3A_435 = arith.andi %ne3A_434, %ne3A_429 : i1
    %add3A_436 = arith.addi %rem3A_427, %select_n3A_426 : i32
    %select_n3A_437 = arith.select %and3A_435, %add3A_436, %rem3A_427 : i32
    %dma_wait3A_438 = arith.constant 0 : i32
    %dma_wait3A_439 = arith.constant 0 : i32
    %dma_wait3A_440 = arith.constant 1 : i32
    %dma_wait3A_441 = arith.constant 0 : i32
    %dma_wait3A_442 = arith.constant 0 : i32
    %dma_wait3A_443 = arith.constant 0 : i32
    %dma_wait3A_444 = tpu.memref_slice %arg9[%dma_wait3A_441, %dma_wait3A_438, %dma_wait3A_442, %dma_wait3A_443] : memref<4x4x8x129xf32, #tpu.memory_space<vmem>> -> memref<4x1x8x128xf32, #tpu.memory_space<vmem>>
    %dma_wait3A_445 = tpu.memref_squeeze %dma_wait3A_444 : memref<4x1x8x128xf32, #tpu.memory_space<vmem>> -> memref<4x8x128xf32, #tpu.memory_space<vmem>>
    %dma_wait3A_446 = arith.constant 0 : i32
    %dma_wait3A_447 = arith.constant 0 : i32
    %dma_wait3A_448 = tpu.memref_slice %arg4[%select_n3A_421, %dma_wait3A_439, %select_n3A_437, %dma_wait3A_446, %dma_wait3A_447] : memref<200x4x32x8x128xf32, #tpu.memory_space<hbm>> -> memref<1x1x4x8x128xf32, #tpu.memory_space<hbm>>
    %dma_wait3A_449 = tpu.memref_squeeze %dma_wait3A_448 : memref<1x1x4x8x128xf32, #tpu.memory_space<hbm>> -> memref<4x8x128xf32, #tpu.memory_space<hbm>>
    %dma_wait3A_450 = tpu.memref_slice %arg12[%dma_wait3A_440] : memref<2x!tpu.dma_semaphore, #tpu.memory_space<semaphore_mem>> -> memref<1x!tpu.dma_semaphore, #tpu.memory_space<semaphore_mem>>
    %dma_wait3A_451 = tpu.memref_squeeze %dma_wait3A_450 : memref<1x!tpu.dma_semaphore, #tpu.memory_space<semaphore_mem>> -> memref<!tpu.dma_semaphore, #tpu.memory_space<semaphore_mem>>
    %dma_wait3A_452 = arith.constant 0 : i32
    %dma_wait3A_453 = arith.constant 0 : i32
    %dma_wait3A_454 = tpu.memref_slice %arg4[%select_n3A_421, %dma_wait3A_439, %select_n3A_437, %dma_wait3A_452, %dma_wait3A_453] : memref<200x4x32x8x128xf32, #tpu.memory_space<hbm>> -> memref<1x1x4x8x128xf32, #tpu.memory_space<hbm>>
    %dma_wait3A_455 = tpu.memref_squeeze %dma_wait3A_454 : memref<1x1x4x8x128xf32, #tpu.memory_space<hbm>> -> memref<4x8x128xf32, #tpu.memory_space<hbm>>
    %dma_wait3A_456 = arith.constant 0 : i32
    %dma_wait3A_457 = arith.constant 0 : i32
    %dma_wait3A_458 = arith.constant 0 : i32
    %dma_wait3A_459 = tpu.memref_slice %arg9[%dma_wait3A_456, %dma_wait3A_438, %dma_wait3A_457, %dma_wait3A_458] : memref<4x4x8x129xf32, #tpu.memory_space<vmem>> -> memref<4x1x8x128xf32, #tpu.memory_space<vmem>>
    %dma_wait3A_460 = tpu.memref_squeeze %dma_wait3A_459 : memref<4x1x8x128xf32, #tpu.memory_space<vmem>> -> memref<4x8x128xf32, #tpu.memory_space<vmem>>
    tpu.wait_dma2 semaphore(%dma_wait3A_451 : memref<!tpu.dma_semaphore, #tpu.memory_space<semaphore_mem>>) src(%dma_wait3A_460 : memref<4x8x128xf32, #tpu.memory_space<vmem>>) dst(%dma_wait3A_455 : memref<4x8x128xf32, #tpu.memory_space<hbm>>)
    %jit3A_461 = arith.constant 32 : i32
    %div3A_462 = arith.divsi %add3A_397, %jit3A_461 : i32
    %sign3A_463 = arith.constant 0 : i32
    %sign3A_464 = arith.cmpi sgt, %add3A_397, %sign3A_463 : i32
    %sign3A_465 = arith.extui %sign3A_464 : i1 to i32
    %sign3A_466 = arith.constant 0 : i32
    %sign3A_467 = arith.cmpi slt, %add3A_397, %sign3A_466 : i32
    %sign3A_468 = arith.extui %sign3A_467 : i1 to i32
    %sign3A_469 = arith.subi %sign3A_465, %sign3A_468 : i32
    %sign3A_470 = arith.constant 0 : i32
    %sign3A_471 = arith.cmpi sgt, %jit3A_461, %sign3A_470 : i32
    %sign3A_472 = arith.extui %sign3A_471 : i1 to i32
    %sign3A_473 = arith.constant 0 : i32
    %sign3A_474 = arith.cmpi slt, %jit3A_461, %sign3A_473 : i32
    %sign3A_475 = arith.extui %sign3A_474 : i1 to i32
    %sign3A_476 = arith.subi %sign3A_472, %sign3A_475 : i32
    %ne3A_477 = arith.cmpi ne, %sign3A_469, %sign3A_476 : i32
    %rem3A_478 = arith.remsi %add3A_397, %jit3A_461 : i32
    %ne3A_479 = arith.constant 0 : i32
    %ne3A_480 = arith.cmpi ne, %rem3A_478, %ne3A_479 : i32
    %and3A_481 = arith.andi %ne3A_477, %ne3A_480 : i1
    %sub3A_482 = arith.constant 1 : i32
    %sub3A_483 = arith.subi %div3A_462, %sub3A_482 : i32
    %select_n3A_484 = arith.select %and3A_481, %sub3A_483, %div3A_462 : i32
    %jit3A_485 = arith.constant 32 : i32
    %eq3A_486 = arith.constant 0 : i32
    %eq3A_487 = arith.cmpi eq, %jit3A_485, %eq3A_486 : i32
    %jit3A_488 = arith.constant 1 : i32
    %select_n3A_489 = arith.select %eq3A_487, %jit3A_488, %jit3A_485 : i32
    %rem3A_490 = arith.remsi %add3A_397, %select_n3A_489 : i32
    %ne3A_491 = arith.constant 0 : i32
    %ne3A_492 = arith.cmpi ne, %rem3A_490, %ne3A_491 : i32
    %lt3A_493 = arith.constant 0 : i32
    %lt3A_494 = arith.cmpi slt, %rem3A_490, %lt3A_493 : i32
    %lt3A_495 = arith.constant 0 : i32
    %lt3A_496 = arith.cmpi slt, %select_n3A_489, %lt3A_495 : i32
    %ne3A_497 = arith.xori %lt3A_494, %lt3A_496 : i1
    %and3A_498 = arith.andi %ne3A_497, %ne3A_492 : i1
    %add3A_499 = arith.addi %rem3A_490, %select_n3A_489 : i32
    %select_n3A_500 = arith.select %and3A_498, %add3A_499, %rem3A_490 : i32
    %dma_wait3A_501 = arith.constant 1 : i32
    %dma_wait3A_502 = arith.constant 1 : i32
    %dma_wait3A_503 = arith.constant 1 : i32
    %dma_wait3A_504 = arith.constant 0 : i32
    %dma_wait3A_505 = arith.constant 0 : i32
    %dma_wait3A_506 = arith.constant 0 : i32
    %dma_wait3A_507 = tpu.memref_slice %arg9[%dma_wait3A_504, %dma_wait3A_501, %dma_wait3A_505, %dma_wait3A_506] : memref<4x4x8x129xf32, #tpu.memory_space<vmem>> -> memref<4x1x8x128xf32, #tpu.memory_space<vmem>>
    %dma_wait3A_508 = tpu.memref_squeeze %dma_wait3A_507 : memref<4x1x8x128xf32, #tpu.memory_space<vmem>> -> memref<4x8x128xf32, #tpu.memory_space<vmem>>
    %dma_wait3A_509 = arith.constant 0 : i32
    %dma_wait3A_510 = arith.constant 0 : i32
    %dma_wait3A_511 = tpu.memref_slice %arg4[%select_n3A_484, %dma_wait3A_502, %select_n3A_500, %dma_wait3A_509, %dma_wait3A_510] : memref<200x4x32x8x128xf32, #tpu.memory_space<hbm>> -> memref<1x1x4x8x128xf32, #tpu.memory_space<hbm>>
    %dma_wait3A_512 = tpu.memref_squeeze %dma_wait3A_511 : memref<1x1x4x8x128xf32, #tpu.memory_space<hbm>> -> memref<4x8x128xf32, #tpu.memory_space<hbm>>
    %dma_wait3A_513 = tpu.memref_slice %arg12[%dma_wait3A_503] : memref<2x!tpu.dma_semaphore, #tpu.memory_space<semaphore_mem>> -> memref<1x!tpu.dma_semaphore, #tpu.memory_space<semaphore_mem>>
    %dma_wait3A_514 = tpu.memref_squeeze %dma_wait3A_513 : memref<1x!tpu.dma_semaphore, #tpu.memory_space<semaphore_mem>> -> memref<!tpu.dma_semaphore, #tpu.memory_space<semaphore_mem>>
    %dma_wait3A_515 = arith.constant 0 : i32
    %dma_wait3A_516 = arith.constant 0 : i32
    %dma_wait3A_517 = tpu.memref_slice %arg4[%select_n3A_484, %dma_wait3A_502, %select_n3A_500, %dma_wait3A_515, %dma_wait3A_516] : memref<200x4x32x8x128xf32, #tpu.memory_space<hbm>> -> memref<1x1x4x8x128xf32, #tpu.memory_space<hbm>>
    %dma_wait3A_518 = tpu.memref_squeeze %dma_wait3A_517 : memref<1x1x4x8x128xf32, #tpu.memory_space<hbm>> -> memref<4x8x128xf32, #tpu.memory_space<hbm>>
    %dma_wait3A_519 = arith.constant 0 : i32
    %dma_wait3A_520 = arith.constant 0 : i32
    %dma_wait3A_521 = arith.constant 0 : i32
    %dma_wait3A_522 = tpu.memref_slice %arg9[%dma_wait3A_519, %dma_wait3A_501, %dma_wait3A_520, %dma_wait3A_521] : memref<4x4x8x129xf32, #tpu.memory_space<vmem>> -> memref<4x1x8x128xf32, #tpu.memory_space<vmem>>
    %dma_wait3A_523 = tpu.memref_squeeze %dma_wait3A_522 : memref<4x1x8x128xf32, #tpu.memory_space<vmem>> -> memref<4x8x128xf32, #tpu.memory_space<vmem>>
    tpu.wait_dma2 semaphore(%dma_wait3A_514 : memref<!tpu.dma_semaphore, #tpu.memory_space<semaphore_mem>>) src(%dma_wait3A_523 : memref<4x8x128xf32, #tpu.memory_space<vmem>>) dst(%dma_wait3A_518 : memref<4x8x128xf32, #tpu.memory_space<hbm>>)
    %jit3A_524 = arith.constant 32 : i32
    %div3A_525 = arith.divsi %add3A_397, %jit3A_524 : i32
    %sign3A_526 = arith.constant 0 : i32
    %sign3A_527 = arith.cmpi sgt, %add3A_397, %sign3A_526 : i32
    %sign3A_528 = arith.extui %sign3A_527 : i1 to i32
    %sign3A_529 = arith.constant 0 : i32
    %sign3A_530 = arith.cmpi slt, %add3A_397, %sign3A_529 : i32
    %sign3A_531 = arith.extui %sign3A_530 : i1 to i32
    %sign3A_532 = arith.subi %sign3A_528, %sign3A_531 : i32
    %sign3A_533 = arith.constant 0 : i32
    %sign3A_534 = arith.cmpi sgt, %jit3A_524, %sign3A_533 : i32
    %sign3A_535 = arith.extui %sign3A_534 : i1 to i32
    %sign3A_536 = arith.constant 0 : i32
    %sign3A_537 = arith.cmpi slt, %jit3A_524, %sign3A_536 : i32
    %sign3A_538 = arith.extui %sign3A_537 : i1 to i32
    %sign3A_539 = arith.subi %sign3A_535, %sign3A_538 : i32
    %ne3A_540 = arith.cmpi ne, %sign3A_532, %sign3A_539 : i32
    %rem3A_541 = arith.remsi %add3A_397, %jit3A_524 : i32
    %ne3A_542 = arith.constant 0 : i32
    %ne3A_543 = arith.cmpi ne, %rem3A_541, %ne3A_542 : i32
    %and3A_544 = arith.andi %ne3A_540, %ne3A_543 : i1
    %sub3A_545 = arith.constant 1 : i32
    %sub3A_546 = arith.subi %div3A_525, %sub3A_545 : i32
    %select_n3A_547 = arith.select %and3A_544, %sub3A_546, %div3A_525 : i32
    %jit3A_548 = arith.constant 32 : i32
    %eq3A_549 = arith.constant 0 : i32
    %eq3A_550 = arith.cmpi eq, %jit3A_548, %eq3A_549 : i32
    %jit3A_551 = arith.constant 1 : i32
    %select_n3A_552 = arith.select %eq3A_550, %jit3A_551, %jit3A_548 : i32
    %rem3A_553 = arith.remsi %add3A_397, %select_n3A_552 : i32
    %ne3A_554 = arith.constant 0 : i32
    %ne3A_555 = arith.cmpi ne, %rem3A_553, %ne3A_554 : i32
    %lt3A_556 = arith.constant 0 : i32
    %lt3A_557 = arith.cmpi slt, %rem3A_553, %lt3A_556 : i32
    %lt3A_558 = arith.constant 0 : i32
    %lt3A_559 = arith.cmpi slt, %select_n3A_552, %lt3A_558 : i32
    %ne3A_560 = arith.xori %lt3A_557, %lt3A_559 : i1
    %and3A_561 = arith.andi %ne3A_560, %ne3A_555 : i1
    %add3A_562 = arith.addi %rem3A_553, %select_n3A_552 : i32
    %select_n3A_563 = arith.select %and3A_561, %add3A_562, %rem3A_553 : i32
    %dma_wait3A_564 = arith.constant 2 : i32
    %dma_wait3A_565 = arith.constant 2 : i32
    %dma_wait3A_566 = arith.constant 1 : i32
    %dma_wait3A_567 = arith.constant 0 : i32
    %dma_wait3A_568 = arith.constant 0 : i32
    %dma_wait3A_569 = arith.constant 0 : i32
    %dma_wait3A_570 = tpu.memref_slice %arg9[%dma_wait3A_567, %dma_wait3A_564, %dma_wait3A_568, %dma_wait3A_569] : memref<4x4x8x129xf32, #tpu.memory_space<vmem>> -> memref<4x1x8x128xf32, #tpu.memory_space<vmem>>
    %dma_wait3A_571 = tpu.memref_squeeze %dma_wait3A_570 : memref<4x1x8x128xf32, #tpu.memory_space<vmem>> -> memref<4x8x128xf32, #tpu.memory_space<vmem>>
    %dma_wait3A_572 = arith.constant 0 : i32
    %dma_wait3A_573 = arith.constant 0 : i32
    %dma_wait3A_574 = tpu.memref_slice %arg4[%select_n3A_547, %dma_wait3A_565, %select_n3A_563, %dma_wait3A_572, %dma_wait3A_573] : memref<200x4x32x8x128xf32, #tpu.memory_space<hbm>> -> memref<1x1x4x8x128xf32, #tpu.memory_space<hbm>>
    %dma_wait3A_575 = tpu.memref_squeeze %dma_wait3A_574 : memref<1x1x4x8x128xf32, #tpu.memory_space<hbm>> -> memref<4x8x128xf32, #tpu.memory_space<hbm>>
    %dma_wait3A_576 = tpu.memref_slice %arg12[%dma_wait3A_566] : memref<2x!tpu.dma_semaphore, #tpu.memory_space<semaphore_mem>> -> memref<1x!tpu.dma_semaphore, #tpu.memory_space<semaphore_mem>>
    %dma_wait3A_577 = tpu.memref_squeeze %dma_wait3A_576 : memref<1x!tpu.dma_semaphore, #tpu.memory_space<semaphore_mem>> -> memref<!tpu.dma_semaphore, #tpu.memory_space<semaphore_mem>>
    %dma_wait3A_578 = arith.constant 0 : i32
    %dma_wait3A_579 = arith.constant 0 : i32
    %dma_wait3A_580 = tpu.memref_slice %arg4[%select_n3A_547, %dma_wait3A_565, %select_n3A_563, %dma_wait3A_578, %dma_wait3A_579] : memref<200x4x32x8x128xf32, #tpu.memory_space<hbm>> -> memref<1x1x4x8x128xf32, #tpu.memory_space<hbm>>
    %dma_wait3A_581 = tpu.memref_squeeze %dma_wait3A_580 : memref<1x1x4x8x128xf32, #tpu.memory_space<hbm>> -> memref<4x8x128xf32, #tpu.memory_space<hbm>>
    %dma_wait3A_582 = arith.constant 0 : i32
    %dma_wait3A_583 = arith.constant 0 : i32
    %dma_wait3A_584 = arith.constant 0 : i32
    %dma_wait3A_585 = tpu.memref_slice %arg9[%dma_wait3A_582, %dma_wait3A_564, %dma_wait3A_583, %dma_wait3A_584] : memref<4x4x8x129xf32, #tpu.memory_space<vmem>> -> memref<4x1x8x128xf32, #tpu.memory_space<vmem>>
    %dma_wait3A_586 = tpu.memref_squeeze %dma_wait3A_585 : memref<4x1x8x128xf32, #tpu.memory_space<vmem>> -> memref<4x8x128xf32, #tpu.memory_space<vmem>>
    tpu.wait_dma2 semaphore(%dma_wait3A_577 : memref<!tpu.dma_semaphore, #tpu.memory_space<semaphore_mem>>) src(%dma_wait3A_586 : memref<4x8x128xf32, #tpu.memory_space<vmem>>) dst(%dma_wait3A_581 : memref<4x8x128xf32, #tpu.memory_space<hbm>>)
    %jit3A_587 = arith.constant 32 : i32
    %div3A_588 = arith.divsi %add3A_397, %jit3A_587 : i32
    %sign3A_589 = arith.constant 0 : i32
    %sign3A_590 = arith.cmpi sgt, %add3A_397, %sign3A_589 : i32
    %sign3A_591 = arith.extui %sign3A_590 : i1 to i32
    %sign3A_592 = arith.constant 0 : i32
    %sign3A_593 = arith.cmpi slt, %add3A_397, %sign3A_592 : i32
    %sign3A_594 = arith.extui %sign3A_593 : i1 to i32
    %sign3A_595 = arith.subi %sign3A_591, %sign3A_594 : i32
    %sign3A_596 = arith.constant 0 : i32
    %sign3A_597 = arith.cmpi sgt, %jit3A_587, %sign3A_596 : i32
    %sign3A_598 = arith.extui %sign3A_597 : i1 to i32
    %sign3A_599 = arith.constant 0 : i32
    %sign3A_600 = arith.cmpi slt, %jit3A_587, %sign3A_599 : i32
    %sign3A_601 = arith.extui %sign3A_600 : i1 to i32
    %sign3A_602 = arith.subi %sign3A_598, %sign3A_601 : i32
    %ne3A_603 = arith.cmpi ne, %sign3A_595, %sign3A_602 : i32
    %rem3A_604 = arith.remsi %add3A_397, %jit3A_587 : i32
    %ne3A_605 = arith.constant 0 : i32
    %ne3A_606 = arith.cmpi ne, %rem3A_604, %ne3A_605 : i32
    %and3A_607 = arith.andi %ne3A_603, %ne3A_606 : i1
    %sub3A_608 = arith.constant 1 : i32
    %sub3A_609 = arith.subi %div3A_588, %sub3A_608 : i32
    %select_n3A_610 = arith.select %and3A_607, %sub3A_609, %div3A_588 : i32
    %jit3A_611 = arith.constant 32 : i32
    %eq3A_612 = arith.constant 0 : i32
    %eq3A_613 = arith.cmpi eq, %jit3A_611, %eq3A_612 : i32
    %jit3A_614 = arith.constant 1 : i32
    %select_n3A_615 = arith.select %eq3A_613, %jit3A_614, %jit3A_611 : i32
    %rem3A_616 = arith.remsi %add3A_397, %select_n3A_615 : i32
    %ne3A_617 = arith.constant 0 : i32
    %ne3A_618 = arith.cmpi ne, %rem3A_616, %ne3A_617 : i32
    %lt3A_619 = arith.constant 0 : i32
    %lt3A_620 = arith.cmpi slt, %rem3A_616, %lt3A_619 : i32
    %lt3A_621 = arith.constant 0 : i32
    %lt3A_622 = arith.cmpi slt, %select_n3A_615, %lt3A_621 : i32
    %ne3A_623 = arith.xori %lt3A_620, %lt3A_622 : i1
    %and3A_624 = arith.andi %ne3A_623, %ne3A_618 : i1
    %add3A_625 = arith.addi %rem3A_616, %select_n3A_615 : i32
    %select_n3A_626 = arith.select %and3A_624, %add3A_625, %rem3A_616 : i32
    %dma_wait3A_627 = arith.constant 3 : i32
    %dma_wait3A_628 = arith.constant 3 : i32
    %dma_wait3A_629 = arith.constant 1 : i32
    %dma_wait3A_630 = arith.constant 0 : i32
    %dma_wait3A_631 = arith.constant 0 : i32
    %dma_wait3A_632 = arith.constant 0 : i32
    %dma_wait3A_633 = tpu.memref_slice %arg9[%dma_wait3A_630, %dma_wait3A_627, %dma_wait3A_631, %dma_wait3A_632] : memref<4x4x8x129xf32, #tpu.memory_space<vmem>> -> memref<4x1x8x128xf32, #tpu.memory_space<vmem>>
    %dma_wait3A_634 = tpu.memref_squeeze %dma_wait3A_633 : memref<4x1x8x128xf32, #tpu.memory_space<vmem>> -> memref<4x8x128xf32, #tpu.memory_space<vmem>>
    %dma_wait3A_635 = arith.constant 0 : i32
    %dma_wait3A_636 = arith.constant 0 : i32
    %dma_wait3A_637 = tpu.memref_slice %arg4[%select_n3A_610, %dma_wait3A_628, %select_n3A_626, %dma_wait3A_635, %dma_wait3A_636] : memref<200x4x32x8x128xf32, #tpu.memory_space<hbm>> -> memref<1x1x4x8x128xf32, #tpu.memory_space<hbm>>
    %dma_wait3A_638 = tpu.memref_squeeze %dma_wait3A_637 : memref<1x1x4x8x128xf32, #tpu.memory_space<hbm>> -> memref<4x8x128xf32, #tpu.memory_space<hbm>>
    %dma_wait3A_639 = tpu.memref_slice %arg12[%dma_wait3A_629] : memref<2x!tpu.dma_semaphore, #tpu.memory_space<semaphore_mem>> -> memref<1x!tpu.dma_semaphore, #tpu.memory_space<semaphore_mem>>
    %dma_wait3A_640 = tpu.memref_squeeze %dma_wait3A_639 : memref<1x!tpu.dma_semaphore, #tpu.memory_space<semaphore_mem>> -> memref<!tpu.dma_semaphore, #tpu.memory_space<semaphore_mem>>
    %dma_wait3A_641 = arith.constant 0 : i32
    %dma_wait3A_642 = arith.constant 0 : i32
    %dma_wait3A_643 = tpu.memref_slice %arg4[%select_n3A_610, %dma_wait3A_628, %select_n3A_626, %dma_wait3A_641, %dma_wait3A_642] : memref<200x4x32x8x128xf32, #tpu.memory_space<hbm>> -> memref<1x1x4x8x128xf32, #tpu.memory_space<hbm>>
    %dma_wait3A_644 = tpu.memref_squeeze %dma_wait3A_643 : memref<1x1x4x8x128xf32, #tpu.memory_space<hbm>> -> memref<4x8x128xf32, #tpu.memory_space<hbm>>
    %dma_wait3A_645 = arith.constant 0 : i32
    %dma_wait3A_646 = arith.constant 0 : i32
    %dma_wait3A_647 = arith.constant 0 : i32
    %dma_wait3A_648 = tpu.memref_slice %arg9[%dma_wait3A_645, %dma_wait3A_627, %dma_wait3A_646, %dma_wait3A_647] : memref<4x4x8x129xf32, #tpu.memory_space<vmem>> -> memref<4x1x8x128xf32, #tpu.memory_space<vmem>>
    %dma_wait3A_649 = tpu.memref_squeeze %dma_wait3A_648 : memref<4x1x8x128xf32, #tpu.memory_space<vmem>> -> memref<4x8x128xf32, #tpu.memory_space<vmem>>
    tpu.wait_dma2 semaphore(%dma_wait3A_640 : memref<!tpu.dma_semaphore, #tpu.memory_space<semaphore_mem>>) src(%dma_wait3A_649 : memref<4x8x128xf32, #tpu.memory_space<vmem>>) dst(%dma_wait3A_644 : memref<4x8x128xf32, #tpu.memory_space<hbm>>)
    return
  }
}

#map = affine_map<(d0, d1) -> (0, 0)>
#map1 = affine_map<(d0, d1) -> (0)>
module attributes {stable_mosaic.version = 14 : i64} {
  func.func @k1(%arg0: i32, %arg1: i32, %arg2: memref<32x1000000xf32, #tpu.memory_space<hbm>>, %arg3: memref<2048xf32, #tpu.memory_space<hbm>>, %arg4: memref<32000000xf32, #tpu.memory_space<hbm>>, %arg5: memref<32x513xf32, #tpu.memory_space<vmem>>, %arg6: memref<32x513xf32, #tpu.memory_space<vmem>>, %arg7: memref<16384xf32, #tpu.memory_space<vmem>>, %arg8: memref<16384xf32, #tpu.memory_space<vmem>>, %arg9: memref<2x!tpu.dma_semaphore, #tpu.memory_space<semaphore_mem>>, %arg10: memref<2x!tpu.dma_semaphore, #tpu.memory_space<semaphore_mem>>) attributes {dimension_semantics = [#tpu.dimension_semantics<core_parallel>, #tpu.dimension_semantics<subcore_parallel>], iteration_bounds = array<i64: 2, 16>, scalar_prefetch = 0 : i64, scratch_operands = 6 : i64, tpu.core_type = #tpu.core_type<sc_vector_subcore>, window_params = [{transform_indices = #map}, {transform_indices = #map1}, {transform_indices = #map1}]} {
    %mul3A = arith.constant 2 : i32
    %mul3A_0 = arith.muli %arg1, %mul3A : i32
    %add3A = arith.addi %mul3A_0, %arg0 : i32
    %iota3A = tpu.iota {dimensions = array<i32: 0>} : vector<16xi32>
    %add3A_1 = arith.constant 16 : i32
    %add3A_2 = vector.broadcast %add3A_1 : i32 to vector<16xi32>
    %add3A_3 = arith.addi %add3A_2, %iota3A : vector<16xi32>
    %add3A_4 = arith.constant 0 : i32
    %add3A_5 = arith.addi %add3A, %add3A_4 : i32
    %lt3A = arith.constant 1953 : i32
    %lt3A_6 = arith.cmpi slt, %add3A_5, %lt3A : i32
    %convert_element_type3A = arith.extui %lt3A_6 : i1 to i32
    %cond3A = arith.constant 0 : i32
    %cond3A_7 = arith.cmpi ne, %convert_element_type3A, %cond3A : i32
    scf.if %cond3A_7 {
      %add3A_40 = arith.constant 0 : i32
      %add3A_41 = arith.addi %add3A, %add3A_40 : i32
      %mul3A_42 = arith.constant 512 : i32
      %mul3A_43 = arith.muli %mul3A_42, %add3A_41 : i32
      %dma_start3A = arith.constant 0 : i32
      %dma_start3A_44 = arith.constant 0 : i32
      %dma_start3A_45 = arith.constant 0 : i32
      %dma_start3A_46 = tpu.memref_slice %arg5[%dma_start3A_44, %dma_start3A_45] : memref<32x513xf32, #tpu.memory_space<vmem>> -> memref<32x512xf32, #tpu.memory_space<vmem>>
      %dma_start3A_47 = arith.constant 0 : i32
      %dma_start3A_48 = tpu.memref_slice %arg2[%dma_start3A_47, %mul3A_43] : memref<32x1000000xf32, #tpu.memory_space<hbm>> -> memref<32x512xf32, #tpu.memory_space<hbm>>
      %dma_start3A_49 = tpu.memref_slice %arg9[%dma_start3A] : memref<2x!tpu.dma_semaphore, #tpu.memory_space<semaphore_mem>> -> memref<1x!tpu.dma_semaphore, #tpu.memory_space<semaphore_mem>>
      %dma_start3A_50 = tpu.memref_squeeze %dma_start3A_49 : memref<1x!tpu.dma_semaphore, #tpu.memory_space<semaphore_mem>> -> memref<!tpu.dma_semaphore, #tpu.memory_space<semaphore_mem>>
      %dma_start3A_51 = arith.constant 0 : i32
      %dma_start3A_52 = arith.constant 0 : i32
      %dma_start3A_53 = tpu.memref_slice %arg5[%dma_start3A_51, %dma_start3A_52] : memref<32x513xf32, #tpu.memory_space<vmem>> -> memref<32x512xf32, #tpu.memory_space<vmem>>
      %dma_start3A_54 = arith.constant 0 : i32
      %dma_start3A_55 = tpu.memref_slice %arg2[%dma_start3A_54, %mul3A_43] : memref<32x1000000xf32, #tpu.memory_space<hbm>> -> memref<32x512xf32, #tpu.memory_space<hbm>>
      tpu.enqueue_dma source(%dma_start3A_55 : memref<32x512xf32, #tpu.memory_space<hbm>>) target(%dma_start3A_53 : memref<32x512xf32, #tpu.memory_space<vmem>>) target_semaphore(%dma_start3A_50 : memref<!tpu.dma_semaphore, #tpu.memory_space<semaphore_mem>>)
    } else {
    }
    %add3A_8 = arith.constant 32 : i32
    %add3A_9 = arith.addi %add3A, %add3A_8 : i32
    %lt3A_10 = arith.constant 1953 : i32
    %lt3A_11 = arith.cmpi slt, %add3A_9, %lt3A_10 : i32
    %convert_element_type3A_12 = arith.extui %lt3A_11 : i1 to i32
    %cond3A_13 = arith.constant 0 : i32
    %cond3A_14 = arith.cmpi ne, %convert_element_type3A_12, %cond3A_13 : i32
    scf.if %cond3A_14 {
      %add3A_40 = arith.constant 32 : i32
      %add3A_41 = arith.addi %add3A, %add3A_40 : i32
      %mul3A_42 = arith.constant 512 : i32
      %mul3A_43 = arith.muli %mul3A_42, %add3A_41 : i32
      %dma_start3A = arith.constant 1 : i32
      %dma_start3A_44 = arith.constant 0 : i32
      %dma_start3A_45 = arith.constant 0 : i32
      %dma_start3A_46 = tpu.memref_slice %arg6[%dma_start3A_44, %dma_start3A_45] : memref<32x513xf32, #tpu.memory_space<vmem>> -> memref<32x512xf32, #tpu.memory_space<vmem>>
      %dma_start3A_47 = arith.constant 0 : i32
      %dma_start3A_48 = tpu.memref_slice %arg2[%dma_start3A_47, %mul3A_43] : memref<32x1000000xf32, #tpu.memory_space<hbm>> -> memref<32x512xf32, #tpu.memory_space<hbm>>
      %dma_start3A_49 = tpu.memref_slice %arg9[%dma_start3A] : memref<2x!tpu.dma_semaphore, #tpu.memory_space<semaphore_mem>> -> memref<1x!tpu.dma_semaphore, #tpu.memory_space<semaphore_mem>>
      %dma_start3A_50 = tpu.memref_squeeze %dma_start3A_49 : memref<1x!tpu.dma_semaphore, #tpu.memory_space<semaphore_mem>> -> memref<!tpu.dma_semaphore, #tpu.memory_space<semaphore_mem>>
      %dma_start3A_51 = arith.constant 0 : i32
      %dma_start3A_52 = arith.constant 0 : i32
      %dma_start3A_53 = tpu.memref_slice %arg6[%dma_start3A_51, %dma_start3A_52] : memref<32x513xf32, #tpu.memory_space<vmem>> -> memref<32x512xf32, #tpu.memory_space<vmem>>
      %dma_start3A_54 = arith.constant 0 : i32
      %dma_start3A_55 = tpu.memref_slice %arg2[%dma_start3A_54, %mul3A_43] : memref<32x1000000xf32, #tpu.memory_space<hbm>> -> memref<32x512xf32, #tpu.memory_space<hbm>>
      tpu.enqueue_dma source(%dma_start3A_55 : memref<32x512xf32, #tpu.memory_space<hbm>>) target(%dma_start3A_53 : memref<32x512xf32, #tpu.memory_space<vmem>>) target_semaphore(%dma_start3A_50 : memref<!tpu.dma_semaphore, #tpu.memory_space<semaphore_mem>>)
    } else {
    }
    %scan3A = arith.constant 0 : i32
    %scan3A_15 = arith.constant 31 : i32
    %scan3A_16 = arith.addi %scan3A, %scan3A_15 : i32
    %scan3A_17 = arith.constant 1 : i32
    scf.for %scan3A_40 = %scan3A to %scan3A_16 step %scan3A_17  : i32 {
      %mul3A_41 = arith.constant 1 : i32
      %mul3A_42 = arith.muli %scan3A_40, %mul3A_41 : i32
      %add3A_43 = arith.constant 0 : i32
      %add3A_44 = arith.addi %add3A_43, %mul3A_42 : i32
      %mul3A_45 = arith.constant 2 : i32
      %mul3A_46 = arith.muli %mul3A_45, %add3A_44 : i32
      %add3A_47 = arith.constant 0 : i32
      %add3A_48 = arith.addi %mul3A_46, %add3A_47 : i32
      %mul3A_49 = arith.constant 32 : i32
      %mul3A_50 = arith.muli %mul3A_49, %add3A_48 : i32
      %add3A_51 = arith.addi %add3A, %mul3A_50 : i32
      %lt3A_52 = arith.constant 1953 : i32
      %lt3A_53 = arith.cmpi slt, %add3A_51, %lt3A_52 : i32
      %convert_element_type3A_54 = arith.extui %lt3A_53 : i1 to i32
      %cond3A_55 = arith.constant 0 : i32
      %cond3A_56 = arith.cmpi ne, %convert_element_type3A_54, %cond3A_55 : i32
      scf.if %cond3A_56 {
        %mul3A_143 = arith.constant 32 : i32
        %mul3A_144 = arith.muli %mul3A_143, %add3A_48 : i32
        %add3A_145 = arith.addi %add3A, %mul3A_144 : i32
        %mul3A_146 = arith.constant 512 : i32
        %mul3A_147 = arith.muli %mul3A_146, %add3A_145 : i32
        %dma_wait3A = arith.constant 0 : i32
        %dma_wait3A_148 = arith.constant 0 : i32
        %dma_wait3A_149 = arith.constant 0 : i32
        %dma_wait3A_150 = tpu.memref_slice %arg5[%dma_wait3A_148, %dma_wait3A_149] : memref<32x513xf32, #tpu.memory_space<vmem>> -> memref<32x512xf32, #tpu.memory_space<vmem>>
        %dma_wait3A_151 = arith.constant 0 : i32
        %dma_wait3A_152 = tpu.memref_slice %arg2[%dma_wait3A_151, %mul3A_147] : memref<32x1000000xf32, #tpu.memory_space<hbm>> -> memref<32x512xf32, #tpu.memory_space<hbm>>
        %dma_wait3A_153 = tpu.memref_slice %arg9[%dma_wait3A] : memref<2x!tpu.dma_semaphore, #tpu.memory_space<semaphore_mem>> -> memref<1x!tpu.dma_semaphore, #tpu.memory_space<semaphore_mem>>
        %dma_wait3A_154 = tpu.memref_squeeze %dma_wait3A_153 : memref<1x!tpu.dma_semaphore, #tpu.memory_space<semaphore_mem>> -> memref<!tpu.dma_semaphore, #tpu.memory_space<semaphore_mem>>
        %dma_wait3A_155 = arith.constant 0 : i32
        %dma_wait3A_156 = arith.constant 0 : i32
        %dma_wait3A_157 = tpu.memref_slice %arg5[%dma_wait3A_155, %dma_wait3A_156] : memref<32x513xf32, #tpu.memory_space<vmem>> -> memref<32x512xf32, #tpu.memory_space<vmem>>
        %dma_wait3A_158 = arith.constant 0 : i32
        %dma_wait3A_159 = tpu.memref_slice %arg2[%dma_wait3A_158, %mul3A_147] : memref<32x1000000xf32, #tpu.memory_space<hbm>> -> memref<32x512xf32, #tpu.memory_space<hbm>>
        tpu.wait_dma2 semaphore(%dma_wait3A_154 : memref<!tpu.dma_semaphore, #tpu.memory_space<semaphore_mem>>) src(%dma_wait3A_159 : memref<32x512xf32, #tpu.memory_space<hbm>>) dst(%dma_wait3A_157 : memref<32x512xf32, #tpu.memory_space<vmem>>)
      } else {
      }
      %sub3A = arith.constant 2 : i32
      %sub3A_57 = arith.subi %add3A_48, %sub3A : i32
      %ge3A = arith.constant 0 : i32
      %ge3A_58 = arith.cmpi sge, %sub3A_57, %ge3A : i32
      %mul3A_59 = arith.constant 32 : i32
      %mul3A_60 = arith.muli %mul3A_59, %sub3A_57 : i32
      %add3A_61 = arith.addi %add3A, %mul3A_60 : i32
      %lt3A_62 = arith.constant 1953 : i32
      %lt3A_63 = arith.cmpi slt, %add3A_61, %lt3A_62 : i32
      %and3A_64 = arith.andi %ge3A_58, %lt3A_63 : i1
      %convert_element_type3A_65 = arith.extui %and3A_64 : i1 to i32
      %cond3A_66 = arith.constant 0 : i32
      %cond3A_67 = arith.cmpi ne, %convert_element_type3A_65, %cond3A_66 : i32
      scf.if %cond3A_67 {
        %mul3A_143 = arith.constant 32 : i32
        %mul3A_144 = arith.muli %mul3A_143, %sub3A_57 : i32
        %add3A_145 = arith.addi %add3A, %mul3A_144 : i32
        %mul3A_146 = arith.constant 16384 : i32
        %mul3A_147 = arith.muli %mul3A_146, %add3A_145 : i32
        %dma_wait3A = arith.constant 0 : i32
        %dma_wait3A_148 = tpu.memref_slice %arg4[%mul3A_147] : memref<32000000xf32, #tpu.memory_space<hbm>> -> memref<16384xf32, #tpu.memory_space<hbm>>
        %dma_wait3A_149 = tpu.memref_slice %arg10[%dma_wait3A] : memref<2x!tpu.dma_semaphore, #tpu.memory_space<semaphore_mem>> -> memref<1x!tpu.dma_semaphore, #tpu.memory_space<semaphore_mem>>
        %dma_wait3A_150 = tpu.memref_squeeze %dma_wait3A_149 : memref<1x!tpu.dma_semaphore, #tpu.memory_space<semaphore_mem>> -> memref<!tpu.dma_semaphore, #tpu.memory_space<semaphore_mem>>
        %dma_wait3A_151 = tpu.memref_slice %arg4[%mul3A_147] : memref<32000000xf32, #tpu.memory_space<hbm>> -> memref<16384xf32, #tpu.memory_space<hbm>>
        tpu.wait_dma2 semaphore(%dma_wait3A_150 : memref<!tpu.dma_semaphore, #tpu.memory_space<semaphore_mem>>) src(%arg7 : memref<16384xf32, #tpu.memory_space<vmem>>) dst(%dma_wait3A_151 : memref<16384xf32, #tpu.memory_space<hbm>>)
      } else {
      }
      %mul3A_68 = arith.constant 32 : i32
      %mul3A_69 = arith.muli %mul3A_68, %add3A_48 : i32
      %add3A_70 = arith.addi %add3A, %mul3A_69 : i32
      %lt3A_71 = arith.constant 1953 : i32
      %lt3A_72 = arith.cmpi slt, %add3A_70, %lt3A_71 : i32
      %convert_element_type3A_73 = arith.extui %lt3A_72 : i1 to i32
      %cond3A_74 = arith.constant 0 : i32
      %cond3A_75 = arith.cmpi ne, %convert_element_type3A_73, %cond3A_74 : i32
      scf.if %cond3A_75 {
        %parallel_loop3A = arith.constant 0 : i32
        %parallel_loop3A_143 = arith.constant 512 : i32
        %parallel_loop3A_144 = arith.constant 1 : i32
        scf.for %parallel_loop3A_145 = %parallel_loop3A to %parallel_loop3A_143 step %parallel_loop3A_144  : i32 {
          %parallel_loop3A_146 = arith.constant 0 : i32
          %parallel_loop3A_147 = vector.broadcast %parallel_loop3A_146 : i32 to vector<16xi32>
          %parallel_loop3A_148 = vector.broadcast %parallel_loop3A_145 : i32 to vector<16xi32>
          %parallel_loop3A_149 = arith.addi %parallel_loop3A_148, %parallel_loop3A_147 : vector<16xi32>
          %parallel_loop3A_150 = tpu.vector_load_idx %arg5[%iota3A, %parallel_loop3A_149] : memref<32x513xf32, #tpu.memory_space<vmem>>[vector<16xi32>, vector<16xi32>], vector<16xf32>,
          %parallel_loop3A_151 = arith.constant 32 : i32
          %parallel_loop3A_152 = arith.muli %parallel_loop3A_151, %parallel_loop3A_145 : i32
          %parallel_loop3A_153 = arith.constant 0 : i32
          %parallel_loop3A_154 = arith.addi %parallel_loop3A_152, %parallel_loop3A_153 : i32
          %parallel_loop3A_155 = arith.index_cast %parallel_loop3A_154 : i32 to index
          %parallel_loop3A_156 = tpu.vector_load %arg7[%parallel_loop3A_155] {strides = array<i32>} : memref<16384xf32, #tpu.memory_space<vmem>>, vector<16xf32>,
          tpu.vector_store %arg7[%parallel_loop3A_155], %parallel_loop3A_150 {strides = array<i32>} : memref<16384xf32, #tpu.memory_space<vmem>>, vector<16xf32>,
          %parallel_loop3A_157 = tpu.vector_load_idx %arg5[%add3A_3, %parallel_loop3A_149] : memref<32x513xf32, #tpu.memory_space<vmem>>[vector<16xi32>, vector<16xi32>], vector<16xf32>,
          %parallel_loop3A_158 = arith.constant 32 : i32
          %parallel_loop3A_159 = arith.muli %parallel_loop3A_158, %parallel_loop3A_145 : i32
          %parallel_loop3A_160 = arith.constant 16 : i32
          %parallel_loop3A_161 = arith.addi %parallel_loop3A_159, %parallel_loop3A_160 : i32
          %parallel_loop3A_162 = arith.index_cast %parallel_loop3A_161 : i32 to index
          %parallel_loop3A_163 = tpu.vector_load %arg7[%parallel_loop3A_162] {strides = array<i32>} : memref<16384xf32, #tpu.memory_space<vmem>>, vector<16xf32>,
          tpu.vector_store %arg7[%parallel_loop3A_162], %parallel_loop3A_157 {strides = array<i32>} : memref<16384xf32, #tpu.memory_space<vmem>>, vector<16xf32>,
        } {sc.loop_unroll_factor = 4 : i64, sc.parallel_access}
      } else {
      }
      %add3A_76 = arith.constant 2 : i32
      %add3A_77 = arith.addi %add3A_48, %add3A_76 : i32
      %mul3A_78 = arith.constant 32 : i32
      %mul3A_79 = arith.muli %mul3A_78, %add3A_77 : i32
      %add3A_80 = arith.addi %add3A, %mul3A_79 : i32
      %lt3A_81 = arith.constant 1953 : i32
      %lt3A_82 = arith.cmpi slt, %add3A_80, %lt3A_81 : i32
      %convert_element_type3A_83 = arith.extui %lt3A_82 : i1 to i32
      %cond3A_84 = arith.constant 0 : i32
      %cond3A_85 = arith.cmpi ne, %convert_element_type3A_83, %cond3A_84 : i32
      scf.if %cond3A_85 {
        %mul3A_143 = arith.constant 32 : i32
        %mul3A_144 = arith.muli %mul3A_143, %add3A_77 : i32
        %add3A_145 = arith.addi %add3A, %mul3A_144 : i32
        %mul3A_146 = arith.constant 512 : i32
        %mul3A_147 = arith.muli %mul3A_146, %add3A_145 : i32
        %dma_start3A = arith.constant 0 : i32
        %dma_start3A_148 = arith.constant 0 : i32
        %dma_start3A_149 = arith.constant 0 : i32
        %dma_start3A_150 = tpu.memref_slice %arg5[%dma_start3A_148, %dma_start3A_149] : memref<32x513xf32, #tpu.memory_space<vmem>> -> memref<32x512xf32, #tpu.memory_space<vmem>>
        %dma_start3A_151 = arith.constant 0 : i32
        %dma_start3A_152 = tpu.memref_slice %arg2[%dma_start3A_151, %mul3A_147] : memref<32x1000000xf32, #tpu.memory_space<hbm>> -> memref<32x512xf32, #tpu.memory_space<hbm>>
        %dma_start3A_153 = tpu.memref_slice %arg9[%dma_start3A] : memref<2x!tpu.dma_semaphore, #tpu.memory_space<semaphore_mem>> -> memref<1x!tpu.dma_semaphore, #tpu.memory_space<semaphore_mem>>
        %dma_start3A_154 = tpu.memref_squeeze %dma_start3A_153 : memref<1x!tpu.dma_semaphore, #tpu.memory_space<semaphore_mem>> -> memref<!tpu.dma_semaphore, #tpu.memory_space<semaphore_mem>>
        %dma_start3A_155 = arith.constant 0 : i32
        %dma_start3A_156 = arith.constant 0 : i32
        %dma_start3A_157 = tpu.memref_slice %arg5[%dma_start3A_155, %dma_start3A_156] : memref<32x513xf32, #tpu.memory_space<vmem>> -> memref<32x512xf32, #tpu.memory_space<vmem>>
        %dma_start3A_158 = arith.constant 0 : i32
        %dma_start3A_159 = tpu.memref_slice %arg2[%dma_start3A_158, %mul3A_147] : memref<32x1000000xf32, #tpu.memory_space<hbm>> -> memref<32x512xf32, #tpu.memory_space<hbm>>
        tpu.enqueue_dma source(%dma_start3A_159 : memref<32x512xf32, #tpu.memory_space<hbm>>) target(%dma_start3A_157 : memref<32x512xf32, #tpu.memory_space<vmem>>) target_semaphore(%dma_start3A_154 : memref<!tpu.dma_semaphore, #tpu.memory_space<semaphore_mem>>)
      } else {
      }
      %mul3A_86 = arith.constant 32 : i32
      %mul3A_87 = arith.muli %mul3A_86, %add3A_48 : i32
      %add3A_88 = arith.addi %add3A, %mul3A_87 : i32
      %lt3A_89 = arith.constant 1953 : i32
      %lt3A_90 = arith.cmpi slt, %add3A_88, %lt3A_89 : i32
      %convert_element_type3A_91 = arith.extui %lt3A_90 : i1 to i32
      %cond3A_92 = arith.constant 0 : i32
      %cond3A_93 = arith.cmpi ne, %convert_element_type3A_91, %cond3A_92 : i32
      scf.if %cond3A_93 {
        %mul3A_143 = arith.constant 32 : i32
        %mul3A_144 = arith.muli %mul3A_143, %add3A_48 : i32
        %add3A_145 = arith.addi %add3A, %mul3A_144 : i32
        %mul3A_146 = arith.constant 16384 : i32
        %mul3A_147 = arith.muli %mul3A_146, %add3A_145 : i32
        %dma_start3A = arith.constant 0 : i32
        %dma_start3A_148 = tpu.memref_slice %arg4[%mul3A_147] : memref<32000000xf32, #tpu.memory_space<hbm>> -> memref<16384xf32, #tpu.memory_space<hbm>>
        %dma_start3A_149 = tpu.memref_slice %arg10[%dma_start3A] : memref<2x!tpu.dma_semaphore, #tpu.memory_space<semaphore_mem>> -> memref<1x!tpu.dma_semaphore, #tpu.memory_space<semaphore_mem>>
        %dma_start3A_150 = tpu.memref_squeeze %dma_start3A_149 : memref<1x!tpu.dma_semaphore, #tpu.memory_space<semaphore_mem>> -> memref<!tpu.dma_semaphore, #tpu.memory_space<semaphore_mem>>
        %dma_start3A_151 = tpu.memref_slice %arg4[%mul3A_147] : memref<32000000xf32, #tpu.memory_space<hbm>> -> memref<16384xf32, #tpu.memory_space<hbm>>
        tpu.enqueue_dma source(%arg7 : memref<16384xf32, #tpu.memory_space<vmem>>) target(%dma_start3A_151 : memref<16384xf32, #tpu.memory_space<hbm>>) target_semaphore(%dma_start3A_150 : memref<!tpu.dma_semaphore, #tpu.memory_space<semaphore_mem>>)
      } else {
      }
      %add3A_94 = arith.constant 1 : i32
      %add3A_95 = arith.addi %mul3A_46, %add3A_94 : i32
      %mul3A_96 = arith.constant 32 : i32
      %mul3A_97 = arith.muli %mul3A_96, %add3A_95 : i32
      %add3A_98 = arith.addi %add3A, %mul3A_97 : i32
      %lt3A_99 = arith.constant 1953 : i32
      %lt3A_100 = arith.cmpi slt, %add3A_98, %lt3A_99 : i32
      %convert_element_type3A_101 = arith.extui %lt3A_100 : i1 to i32
      %cond3A_102 = arith.constant 0 : i32
      %cond3A_103 = arith.cmpi ne, %convert_element_type3A_101, %cond3A_102 : i32
      scf.if %cond3A_103 {
        %mul3A_143 = arith.constant 32 : i32
        %mul3A_144 = arith.muli %mul3A_143, %add3A_95 : i32
        %add3A_145 = arith.addi %add3A, %mul3A_144 : i32
        %mul3A_146 = arith.constant 512 : i32
        %mul3A_147 = arith.muli %mul3A_146, %add3A_145 : i32
        %dma_wait3A = arith.constant 1 : i32
        %dma_wait3A_148 = arith.constant 0 : i32
        %dma_wait3A_149 = arith.constant 0 : i32
        %dma_wait3A_150 = tpu.memref_slice %arg6[%dma_wait3A_148, %dma_wait3A_149] : memref<32x513xf32, #tpu.memory_space<vmem>> -> memref<32x512xf32, #tpu.memory_space<vmem>>
        %dma_wait3A_151 = arith.constant 0 : i32
        %dma_wait3A_152 = tpu.memref_slice %arg2[%dma_wait3A_151, %mul3A_147] : memref<32x1000000xf32, #tpu.memory_space<hbm>> -> memref<32x512xf32, #tpu.memory_space<hbm>>
        %dma_wait3A_153 = tpu.memref_slice %arg9[%dma_wait3A] : memref<2x!tpu.dma_semaphore, #tpu.memory_space<semaphore_mem>> -> memref<1x!tpu.dma_semaphore, #tpu.memory_space<semaphore_mem>>
        %dma_wait3A_154 = tpu.memref_squeeze %dma_wait3A_153 : memref<1x!tpu.dma_semaphore, #tpu.memory_space<semaphore_mem>> -> memref<!tpu.dma_semaphore, #tpu.memory_space<semaphore_mem>>
        %dma_wait3A_155 = arith.constant 0 : i32
        %dma_wait3A_156 = arith.constant 0 : i32
        %dma_wait3A_157 = tpu.memref_slice %arg6[%dma_wait3A_155, %dma_wait3A_156] : memref<32x513xf32, #tpu.memory_space<vmem>> -> memref<32x512xf32, #tpu.memory_space<vmem>>
        %dma_wait3A_158 = arith.constant 0 : i32
        %dma_wait3A_159 = tpu.memref_slice %arg2[%dma_wait3A_158, %mul3A_147] : memref<32x1000000xf32, #tpu.memory_space<hbm>> -> memref<32x512xf32, #tpu.memory_space<hbm>>
        tpu.wait_dma2 semaphore(%dma_wait3A_154 : memref<!tpu.dma_semaphore, #tpu.memory_space<semaphore_mem>>) src(%dma_wait3A_159 : memref<32x512xf32, #tpu.memory_space<hbm>>) dst(%dma_wait3A_157 : memref<32x512xf32, #tpu.memory_space<vmem>>)
      } else {
      }
      %sub3A_104 = arith.constant 2 : i32
      %sub3A_105 = arith.subi %add3A_95, %sub3A_104 : i32
      %ge3A_106 = arith.constant 0 : i32
      %ge3A_107 = arith.cmpi sge, %sub3A_105, %ge3A_106 : i32
      %mul3A_108 = arith.constant 32 : i32
      %mul3A_109 = arith.muli %mul3A_108, %sub3A_105 : i32
      %add3A_110 = arith.addi %add3A, %mul3A_109 : i32
      %lt3A_111 = arith.constant 1953 : i32
      %lt3A_112 = arith.cmpi slt, %add3A_110, %lt3A_111 : i32
      %and3A_113 = arith.andi %ge3A_107, %lt3A_112 : i1
      %convert_element_type3A_114 = arith.extui %and3A_113 : i1 to i32
      %cond3A_115 = arith.constant 0 : i32
      %cond3A_116 = arith.cmpi ne, %convert_element_type3A_114, %cond3A_115 : i32
      scf.if %cond3A_116 {
        %mul3A_143 = arith.constant 32 : i32
        %mul3A_144 = arith.muli %mul3A_143, %sub3A_105 : i32
        %add3A_145 = arith.addi %add3A, %mul3A_144 : i32
        %mul3A_146 = arith.constant 16384 : i32
        %mul3A_147 = arith.muli %mul3A_146, %add3A_145 : i32
        %dma_wait3A = arith.constant 1 : i32
        %dma_wait3A_148 = tpu.memref_slice %arg4[%mul3A_147] : memref<32000000xf32, #tpu.memory_space<hbm>> -> memref<16384xf32, #tpu.memory_space<hbm>>
        %dma_wait3A_149 = tpu.memref_slice %arg10[%dma_wait3A] : memref<2x!tpu.dma_semaphore, #tpu.memory_space<semaphore_mem>> -> memref<1x!tpu.dma_semaphore, #tpu.memory_space<semaphore_mem>>
        %dma_wait3A_150 = tpu.memref_squeeze %dma_wait3A_149 : memref<1x!tpu.dma_semaphore, #tpu.memory_space<semaphore_mem>> -> memref<!tpu.dma_semaphore, #tpu.memory_space<semaphore_mem>>
        %dma_wait3A_151 = tpu.memref_slice %arg4[%mul3A_147] : memref<32000000xf32, #tpu.memory_space<hbm>> -> memref<16384xf32, #tpu.memory_space<hbm>>
        tpu.wait_dma2 semaphore(%dma_wait3A_150 : memref<!tpu.dma_semaphore, #tpu.memory_space<semaphore_mem>>) src(%arg8 : memref<16384xf32, #tpu.memory_space<vmem>>) dst(%dma_wait3A_151 : memref<16384xf32, #tpu.memory_space<hbm>>)
      } else {
      }
      %mul3A_117 = arith.constant 32 : i32
      %mul3A_118 = arith.muli %mul3A_117, %add3A_95 : i32
      %add3A_119 = arith.addi %add3A, %mul3A_118 : i32
      %lt3A_120 = arith.constant 1953 : i32
      %lt3A_121 = arith.cmpi slt, %add3A_119, %lt3A_120 : i32
      %convert_element_type3A_122 = arith.extui %lt3A_121 : i1 to i32
      %cond3A_123 = arith.constant 0 : i32
      %cond3A_124 = arith.cmpi ne, %convert_element_type3A_122, %cond3A_123 : i32
      scf.if %cond3A_124 {
        %parallel_loop3A = arith.constant 0 : i32
        %parallel_loop3A_143 = arith.constant 512 : i32
        %parallel_loop3A_144 = arith.constant 1 : i32
        scf.for %parallel_loop3A_145 = %parallel_loop3A to %parallel_loop3A_143 step %parallel_loop3A_144  : i32 {
          %parallel_loop3A_146 = arith.constant 0 : i32
          %parallel_loop3A_147 = vector.broadcast %parallel_loop3A_146 : i32 to vector<16xi32>
          %parallel_loop3A_148 = vector.broadcast %parallel_loop3A_145 : i32 to vector<16xi32>
          %parallel_loop3A_149 = arith.addi %parallel_loop3A_148, %parallel_loop3A_147 : vector<16xi32>
          %parallel_loop3A_150 = tpu.vector_load_idx %arg6[%iota3A, %parallel_loop3A_149] : memref<32x513xf32, #tpu.memory_space<vmem>>[vector<16xi32>, vector<16xi32>], vector<16xf32>,
          %parallel_loop3A_151 = arith.constant 32 : i32
          %parallel_loop3A_152 = arith.muli %parallel_loop3A_151, %parallel_loop3A_145 : i32
          %parallel_loop3A_153 = arith.constant 0 : i32
          %parallel_loop3A_154 = arith.addi %parallel_loop3A_152, %parallel_loop3A_153 : i32
          %parallel_loop3A_155 = arith.index_cast %parallel_loop3A_154 : i32 to index
          %parallel_loop3A_156 = tpu.vector_load %arg8[%parallel_loop3A_155] {strides = array<i32>} : memref<16384xf32, #tpu.memory_space<vmem>>, vector<16xf32>,
          tpu.vector_store %arg8[%parallel_loop3A_155], %parallel_loop3A_150 {strides = array<i32>} : memref<16384xf32, #tpu.memory_space<vmem>>, vector<16xf32>,
          %parallel_loop3A_157 = tpu.vector_load_idx %arg6[%add3A_3, %parallel_loop3A_149] : memref<32x513xf32, #tpu.memory_space<vmem>>[vector<16xi32>, vector<16xi32>], vector<16xf32>,
          %parallel_loop3A_158 = arith.constant 32 : i32
          %parallel_loop3A_159 = arith.muli %parallel_loop3A_158, %parallel_loop3A_145 : i32
          %parallel_loop3A_160 = arith.constant 16 : i32
          %parallel_loop3A_161 = arith.addi %parallel_loop3A_159, %parallel_loop3A_160 : i32
          %parallel_loop3A_162 = arith.index_cast %parallel_loop3A_161 : i32 to index
          %parallel_loop3A_163 = tpu.vector_load %arg8[%parallel_loop3A_162] {strides = array<i32>} : memref<16384xf32, #tpu.memory_space<vmem>>, vector<16xf32>,
          tpu.vector_store %arg8[%parallel_loop3A_162], %parallel_loop3A_157 {strides = array<i32>} : memref<16384xf32, #tpu.memory_space<vmem>>, vector<16xf32>,
        } {sc.loop_unroll_factor = 4 : i64, sc.parallel_access}
      } else {
      }
      %add3A_125 = arith.constant 2 : i32
      %add3A_126 = arith.addi %add3A_95, %add3A_125 : i32
      %mul3A_127 = arith.constant 32 : i32
      %mul3A_128 = arith.muli %mul3A_127, %add3A_126 : i32
      %add3A_129 = arith.addi %add3A, %mul3A_128 : i32
      %lt3A_130 = arith.constant 1953 : i32
      %lt3A_131 = arith.cmpi slt, %add3A_129, %lt3A_130 : i32
      %convert_element_type3A_132 = arith.extui %lt3A_131 : i1 to i32
      %cond3A_133 = arith.constant 0 : i32
      %cond3A_134 = arith.cmpi ne, %convert_element_type3A_132, %cond3A_133 : i32
      scf.if %cond3A_134 {
        %mul3A_143 = arith.constant 32 : i32
        %mul3A_144 = arith.muli %mul3A_143, %add3A_126 : i32
        %add3A_145 = arith.addi %add3A, %mul3A_144 : i32
        %mul3A_146 = arith.constant 512 : i32
        %mul3A_147 = arith.muli %mul3A_146, %add3A_145 : i32
        %dma_start3A = arith.constant 1 : i32
        %dma_start3A_148 = arith.constant 0 : i32
        %dma_start3A_149 = arith.constant 0 : i32
        %dma_start3A_150 = tpu.memref_slice %arg6[%dma_start3A_148, %dma_start3A_149] : memref<32x513xf32, #tpu.memory_space<vmem>> -> memref<32x512xf32, #tpu.memory_space<vmem>>
        %dma_start3A_151 = arith.constant 0 : i32
        %dma_start3A_152 = tpu.memref_slice %arg2[%dma_start3A_151, %mul3A_147] : memref<32x1000000xf32, #tpu.memory_space<hbm>> -> memref<32x512xf32, #tpu.memory_space<hbm>>
        %dma_start3A_153 = tpu.memref_slice %arg9[%dma_start3A] : memref<2x!tpu.dma_semaphore, #tpu.memory_space<semaphore_mem>> -> memref<1x!tpu.dma_semaphore, #tpu.memory_space<semaphore_mem>>
        %dma_start3A_154 = tpu.memref_squeeze %dma_start3A_153 : memref<1x!tpu.dma_semaphore, #tpu.memory_space<semaphore_mem>> -> memref<!tpu.dma_semaphore, #tpu.memory_space<semaphore_mem>>
        %dma_start3A_155 = arith.constant 0 : i32
        %dma_start3A_156 = arith.constant 0 : i32
        %dma_start3A_157 = tpu.memref_slice %arg6[%dma_start3A_155, %dma_start3A_156] : memref<32x513xf32, #tpu.memory_space<vmem>> -> memref<32x512xf32, #tpu.memory_space<vmem>>
        %dma_start3A_158 = arith.constant 0 : i32
        %dma_start3A_159 = tpu.memref_slice %arg2[%dma_start3A_158, %mul3A_147] : memref<32x1000000xf32, #tpu.memory_space<hbm>> -> memref<32x512xf32, #tpu.memory_space<hbm>>
        tpu.enqueue_dma source(%dma_start3A_159 : memref<32x512xf32, #tpu.memory_space<hbm>>) target(%dma_start3A_157 : memref<32x512xf32, #tpu.memory_space<vmem>>) target_semaphore(%dma_start3A_154 : memref<!tpu.dma_semaphore, #tpu.memory_space<semaphore_mem>>)
      } else {
      }
      %mul3A_135 = arith.constant 32 : i32
      %mul3A_136 = arith.muli %mul3A_135, %add3A_95 : i32
      %add3A_137 = arith.addi %add3A, %mul3A_136 : i32
      %lt3A_138 = arith.constant 1953 : i32
      %lt3A_139 = arith.cmpi slt, %add3A_137, %lt3A_138 : i32
      %convert_element_type3A_140 = arith.extui %lt3A_139 : i1 to i32
      %cond3A_141 = arith.constant 0 : i32
      %cond3A_142 = arith.cmpi ne, %convert_element_type3A_140, %cond3A_141 : i32
      scf.if %cond3A_142 {
        %mul3A_143 = arith.constant 32 : i32
        %mul3A_144 = arith.muli %mul3A_143, %add3A_95 : i32
        %add3A_145 = arith.addi %add3A, %mul3A_144 : i32
        %mul3A_146 = arith.constant 16384 : i32
        %mul3A_147 = arith.muli %mul3A_146, %add3A_145 : i32
        %dma_start3A = arith.constant 1 : i32
        %dma_start3A_148 = tpu.memref_slice %arg4[%mul3A_147] : memref<32000000xf32, #tpu.memory_space<hbm>> -> memref<16384xf32, #tpu.memory_space<hbm>>
        %dma_start3A_149 = tpu.memref_slice %arg10[%dma_start3A] : memref<2x!tpu.dma_semaphore, #tpu.memory_space<semaphore_mem>> -> memref<1x!tpu.dma_semaphore, #tpu.memory_space<semaphore_mem>>
        %dma_start3A_150 = tpu.memref_squeeze %dma_start3A_149 : memref<1x!tpu.dma_semaphore, #tpu.memory_space<semaphore_mem>> -> memref<!tpu.dma_semaphore, #tpu.memory_space<semaphore_mem>>
        %dma_start3A_151 = tpu.memref_slice %arg4[%mul3A_147] : memref<32000000xf32, #tpu.memory_space<hbm>> -> memref<16384xf32, #tpu.memory_space<hbm>>
        tpu.enqueue_dma source(%arg8 : memref<16384xf32, #tpu.memory_space<vmem>>) target(%dma_start3A_151 : memref<16384xf32, #tpu.memory_space<hbm>>) target_semaphore(%dma_start3A_150 : memref<!tpu.dma_semaphore, #tpu.memory_space<semaphore_mem>>)
      } else {
      }
    }
    %scan3A_18 = arith.constant 31 : i32
    %add3A_19 = arith.constant 1920 : i32
    %add3A_20 = arith.addi %add3A, %add3A_19 : i32
    %lt3A_21 = arith.constant 1953 : i32
    %lt3A_22 = arith.cmpi slt, %add3A_20, %lt3A_21 : i32
    %and3A = arith.constant true
    %and3A_23 = arith.andi %and3A, %lt3A_22 : i1
    %convert_element_type3A_24 = arith.extui %and3A_23 : i1 to i32
    %cond3A_25 = arith.constant 0 : i32
    %cond3A_26 = arith.cmpi ne, %convert_element_type3A_24, %cond3A_25 : i32
    scf.if %cond3A_26 {
      %add3A_40 = arith.constant 1920 : i32
      %add3A_41 = arith.addi %add3A, %add3A_40 : i32
      %mul3A_42 = arith.constant 16384 : i32
      %mul3A_43 = arith.muli %mul3A_42, %add3A_41 : i32
      %dma_wait3A = arith.constant 0 : i32
      %dma_wait3A_44 = tpu.memref_slice %arg4[%mul3A_43] : memref<32000000xf32, #tpu.memory_space<hbm>> -> memref<16384xf32, #tpu.memory_space<hbm>>
      %dma_wait3A_45 = tpu.memref_slice %arg10[%dma_wait3A] : memref<2x!tpu.dma_semaphore, #tpu.memory_space<semaphore_mem>> -> memref<1x!tpu.dma_semaphore, #tpu.memory_space<semaphore_mem>>
      %dma_wait3A_46 = tpu.memref_squeeze %dma_wait3A_45 : memref<1x!tpu.dma_semaphore, #tpu.memory_space<semaphore_mem>> -> memref<!tpu.dma_semaphore, #tpu.memory_space<semaphore_mem>>
      %dma_wait3A_47 = tpu.memref_slice %arg4[%mul3A_43] : memref<32000000xf32, #tpu.memory_space<hbm>> -> memref<16384xf32, #tpu.memory_space<hbm>>
      tpu.wait_dma2 semaphore(%dma_wait3A_46 : memref<!tpu.dma_semaphore, #tpu.memory_space<semaphore_mem>>) src(%arg7 : memref<16384xf32, #tpu.memory_space<vmem>>) dst(%dma_wait3A_47 : memref<16384xf32, #tpu.memory_space<hbm>>)
    } else {
    }
    %add3A_27 = arith.constant 1952 : i32
    %add3A_28 = arith.addi %add3A, %add3A_27 : i32
    %lt3A_29 = arith.constant 1953 : i32
    %lt3A_30 = arith.cmpi slt, %add3A_28, %lt3A_29 : i32
    %and3A_31 = arith.constant true
    %and3A_32 = arith.andi %and3A_31, %lt3A_30 : i1
    %convert_element_type3A_33 = arith.extui %and3A_32 : i1 to i32
    %cond3A_34 = arith.constant 0 : i32
    %cond3A_35 = arith.cmpi ne, %convert_element_type3A_33, %cond3A_34 : i32
    scf.if %cond3A_35 {
      %add3A_40 = arith.constant 1952 : i32
      %add3A_41 = arith.addi %add3A, %add3A_40 : i32
      %mul3A_42 = arith.constant 16384 : i32
      %mul3A_43 = arith.muli %mul3A_42, %add3A_41 : i32
      %dma_wait3A = arith.constant 1 : i32
      %dma_wait3A_44 = tpu.memref_slice %arg4[%mul3A_43] : memref<32000000xf32, #tpu.memory_space<hbm>> -> memref<16384xf32, #tpu.memory_space<hbm>>
      %dma_wait3A_45 = tpu.memref_slice %arg10[%dma_wait3A] : memref<2x!tpu.dma_semaphore, #tpu.memory_space<semaphore_mem>> -> memref<1x!tpu.dma_semaphore, #tpu.memory_space<semaphore_mem>>
      %dma_wait3A_46 = tpu.memref_squeeze %dma_wait3A_45 : memref<1x!tpu.dma_semaphore, #tpu.memory_space<semaphore_mem>> -> memref<!tpu.dma_semaphore, #tpu.memory_space<semaphore_mem>>
      %dma_wait3A_47 = tpu.memref_slice %arg4[%mul3A_43] : memref<32000000xf32, #tpu.memory_space<hbm>> -> memref<16384xf32, #tpu.memory_space<hbm>>
      tpu.wait_dma2 semaphore(%dma_wait3A_46 : memref<!tpu.dma_semaphore, #tpu.memory_space<semaphore_mem>>) src(%arg8 : memref<16384xf32, #tpu.memory_space<vmem>>) dst(%dma_wait3A_47 : memref<16384xf32, #tpu.memory_space<hbm>>)
    } else {
    }
    %eq3A = arith.constant 31 : i32
    %eq3A_36 = arith.cmpi eq, %add3A, %eq3A : i32
    %convert_element_type3A_37 = arith.extui %eq3A_36 : i1 to i32
    %cond3A_38 = arith.constant 0 : i32
    %cond3A_39 = arith.cmpi ne, %convert_element_type3A_37, %cond3A_38 : i32
    scf.if %cond3A_39 {
      %dma_start3A = arith.constant 0 : i32
      %dma_start3A_40 = arith.constant 0 : i32
      %dma_start3A_41 = tpu.memref_slice %arg7[%dma_start3A_40] : memref<16384xf32, #tpu.memory_space<vmem>> -> memref<2048xf32, #tpu.memory_space<vmem>>
      %dma_start3A_42 = tpu.memref_slice %arg9[%dma_start3A] : memref<2x!tpu.dma_semaphore, #tpu.memory_space<semaphore_mem>> -> memref<1x!tpu.dma_semaphore, #tpu.memory_space<semaphore_mem>>
      %dma_start3A_43 = tpu.memref_squeeze %dma_start3A_42 : memref<1x!tpu.dma_semaphore, #tpu.memory_space<semaphore_mem>> -> memref<!tpu.dma_semaphore, #tpu.memory_space<semaphore_mem>>
      %dma_start3A_44 = arith.constant 0 : i32
      %dma_start3A_45 = tpu.memref_slice %arg7[%dma_start3A_44] : memref<16384xf32, #tpu.memory_space<vmem>> -> memref<2048xf32, #tpu.memory_space<vmem>>
      tpu.enqueue_dma source(%arg3 : memref<2048xf32, #tpu.memory_space<hbm>>) target(%dma_start3A_45 : memref<2048xf32, #tpu.memory_space<vmem>>) target_semaphore(%dma_start3A_43 : memref<!tpu.dma_semaphore, #tpu.memory_space<semaphore_mem>>)
      %dma_wait3A = arith.constant 0 : i32
      %dma_wait3A_46 = arith.constant 0 : i32
      %dma_wait3A_47 = tpu.memref_slice %arg7[%dma_wait3A_46] : memref<16384xf32, #tpu.memory_space<vmem>> -> memref<2048xf32, #tpu.memory_space<vmem>>
      %dma_wait3A_48 = tpu.memref_slice %arg9[%dma_wait3A] : memref<2x!tpu.dma_semaphore, #tpu.memory_space<semaphore_mem>> -> memref<1x!tpu.dma_semaphore, #tpu.memory_space<semaphore_mem>>
      %dma_wait3A_49 = tpu.memref_squeeze %dma_wait3A_48 : memref<1x!tpu.dma_semaphore, #tpu.memory_space<semaphore_mem>> -> memref<!tpu.dma_semaphore, #tpu.memory_space<semaphore_mem>>
      %dma_wait3A_50 = arith.constant 0 : i32
      %dma_wait3A_51 = tpu.memref_slice %arg7[%dma_wait3A_50] : memref<16384xf32, #tpu.memory_space<vmem>> -> memref<2048xf32, #tpu.memory_space<vmem>>
      tpu.wait_dma2 semaphore(%dma_wait3A_49 : memref<!tpu.dma_semaphore, #tpu.memory_space<semaphore_mem>>) src(%arg3 : memref<2048xf32, #tpu.memory_space<hbm>>) dst(%dma_wait3A_51 : memref<2048xf32, #tpu.memory_space<vmem>>)
      %dma_start3A_52 = arith.constant 0 : i32
      %dma_start3A_53 = arith.constant 0 : i32
      %dma_start3A_54 = tpu.memref_slice %arg7[%dma_start3A_53] : memref<16384xf32, #tpu.memory_space<vmem>> -> memref<2048xf32, #tpu.memory_space<vmem>>
      %dma_start3A_55 = arith.constant 31997952 : i32
      %dma_start3A_56 = tpu.memref_slice %arg4[%dma_start3A_55] : memref<32000000xf32, #tpu.memory_space<hbm>> -> memref<2048xf32, #tpu.memory_space<hbm>>
      %dma_start3A_57 = tpu.memref_slice %arg9[%dma_start3A_52] : memref<2x!tpu.dma_semaphore, #tpu.memory_space<semaphore_mem>> -> memref<1x!tpu.dma_semaphore, #tpu.memory_space<semaphore_mem>>
      %dma_start3A_58 = tpu.memref_squeeze %dma_start3A_57 : memref<1x!tpu.dma_semaphore, #tpu.memory_space<semaphore_mem>> -> memref<!tpu.dma_semaphore, #tpu.memory_space<semaphore_mem>>
      %dma_start3A_59 = arith.constant 31997952 : i32
      %dma_start3A_60 = tpu.memref_slice %arg4[%dma_start3A_59] : memref<32000000xf32, #tpu.memory_space<hbm>> -> memref<2048xf32, #tpu.memory_space<hbm>>
      %dma_start3A_61 = arith.constant 0 : i32
      %dma_start3A_62 = tpu.memref_slice %arg7[%dma_start3A_61] : memref<16384xf32, #tpu.memory_space<vmem>> -> memref<2048xf32, #tpu.memory_space<vmem>>
      tpu.enqueue_dma source(%dma_start3A_62 : memref<2048xf32, #tpu.memory_space<vmem>>) target(%dma_start3A_60 : memref<2048xf32, #tpu.memory_space<hbm>>) target_semaphore(%dma_start3A_58 : memref<!tpu.dma_semaphore, #tpu.memory_space<semaphore_mem>>)
      %dma_wait3A_63 = arith.constant 0 : i32
      %dma_wait3A_64 = arith.constant 0 : i32
      %dma_wait3A_65 = tpu.memref_slice %arg7[%dma_wait3A_64] : memref<16384xf32, #tpu.memory_space<vmem>> -> memref<2048xf32, #tpu.memory_space<vmem>>
      %dma_wait3A_66 = arith.constant 31997952 : i32
      %dma_wait3A_67 = tpu.memref_slice %arg4[%dma_wait3A_66] : memref<32000000xf32, #tpu.memory_space<hbm>> -> memref<2048xf32, #tpu.memory_space<hbm>>
      %dma_wait3A_68 = tpu.memref_slice %arg9[%dma_wait3A_63] : memref<2x!tpu.dma_semaphore, #tpu.memory_space<semaphore_mem>> -> memref<1x!tpu.dma_semaphore, #tpu.memory_space<semaphore_mem>>
      %dma_wait3A_69 = tpu.memref_squeeze %dma_wait3A_68 : memref<1x!tpu.dma_semaphore, #tpu.memory_space<semaphore_mem>> -> memref<!tpu.dma_semaphore, #tpu.memory_space<semaphore_mem>>
      %dma_wait3A_70 = arith.constant 31997952 : i32
      %dma_wait3A_71 = tpu.memref_slice %arg4[%dma_wait3A_70] : memref<32000000xf32, #tpu.memory_space<hbm>> -> memref<2048xf32, #tpu.memory_space<hbm>>
      %dma_wait3A_72 = arith.constant 0 : i32
      %dma_wait3A_73 = tpu.memref_slice %arg7[%dma_wait3A_72] : memref<16384xf32, #tpu.memory_space<vmem>> -> memref<2048xf32, #tpu.memory_space<vmem>>
      tpu.wait_dma2 semaphore(%dma_wait3A_69 : memref<!tpu.dma_semaphore, #tpu.memory_space<semaphore_mem>>) src(%dma_wait3A_73 : memref<2048xf32, #tpu.memory_space<vmem>>) dst(%dma_wait3A_71 : memref<2048xf32, #tpu.memory_space<hbm>>)
    } else {
    }
    return
  }
}

</mosaic_0001>

<sc_bundles>
// kernel: kernel.4.cloned.1.call-start
scs
__scs_entry_jumppad:
0x0: {  	(pc) =	sbr.rel $0x88, $3  }
0x1: {  	(tag) =	ssettag $0x0;
	lr =	simm.s32 $0x1  }
0x2: {  	[smem:$0x3F9F] =	sst lr;
	_ =	strace $0xD0000000  }
0x3: {  	_ = 	snop  }
0x4: {  	_ = 	snop  }
0x5: {  	_ = 	snop  }
0x6: {  	_ = 	snop  }
0x7: {  	_ = 	snop  }
__scs_overlays_trampoline_lowered:
0x8: {  	[smem:$0x3FAE] =	sst s0  }
0x9: {  	[smem:$0x3FAF] =	sst s1  }
0xa: {  	[smem:$0x3FB0] =	sst s2  }
0xb: {  	[smem:$0x3FB1] =	sst s3  }
0xc: {  	[smem:$0x3FB2] =	sst s4  }
0xd: {  	[smem:$0x3FB3] =	sst s5  }
0xe: {  	[smem:$0x3FB4] =	sst s6  }
0xf: {  	[smem:$0x3FB5] =	sst s7  }
0x10: {  	[smem:$0x3FB6] =	sst s8  }
0x11: {  	[smem:$0x3FB7] =	sst s9;
	s0 =	simm.s32 @!p0 $0x0  }
0x12: {  	s1 =	sld [smem:$0x3F9D];
	s0 =	simm.s32 @p0 $0x1  }
0x13: {  	[smem:$0x3FB8] =	sst s0;
	s0 =	simm.s32 @!p1 $0x0  }
0x14: {  	s2 =	sld [smem:$0x3F9C];
	s0 =	simm.s32 @p1 $0x1  }
0x15: {  	[smem:$0x3FB9] =	sst s0;
	s0 =	simm.s32 @!p2 $0x0  }
0x16: {  	s3 =	sld [smem:$0x3FDB];
	s0 =	simm.s32 @p2 $0x1  }
0x17: {  	s4 =	simm.s32 $0x1BF5;
	[smem:$0x3FBB] =	sst s0  }
0x18: {  	s0 =	sld [smem:$0x3F9E];
	_ =	swait.ge [sflag:s4], $0x0  }
0x19: {  	s7 =	sld [smem:$0x3F9F]  }
0x1a: {  	s8 =	sadd.s32 $0xFFFFE003, lr  }
0x1b: {  	s9 =	sadd.s32 $0xFFFFFEF7, lr;
	s5 =	simm.s32 $0xFFFFFFFF;
	p2 =	slt.u32 s8, $0xFFFFF086  }
0x1c: {  	p1 =	slt.u32 s9, $0xF7A;
	s5 =	simm.s32 @!p2 $0x0  }
0x1d: {  	s5 =	simm.s32 @p1 $0x1;
	p0 =	seq.s32 s7, s2  }
0x1e: {  	s7 =	smul.u32 @!p0 $0xF7A, s2;
	p2 =	seq.s32 @!p0 s5, $0x0  }
0x1f: {  	s9 =	smul.u32 $0xF7A, s1;
	s8 =	simm.s32 @!p0 $0x1BF5;
	p2 =	por !p2, p0  }
0x20: {  	[sflag:s8] =	ssyncset.s32 @!p0 $0xFFFFF086;
	s6 =	sadd.s32 @!p0 s3, s7;
	s7 =	simm.s32 @!p0 $0x108  }
0x21: {  	s3 =	sadd.s32 s3, s9;
	s6 =	sadd.s32 @!p0 $0x88, s6;
	s7 =	simm.s32 @p2 $0x1082  }
0x22: {  	[simem:s7], [sflag:s8] =	dma.local @!p0 [hbm:s6], $0xF7A  }
0x23: {  	s9 =	sor.u32 $0xD0000000, s2;
	s6 =	simm.s32 $0x108;
	_ =	swait.ge @!p0 [sflag:s8], $0x0  }
0x24: {  	s3 =	sadd.s32 $0x88, s3;
	s6 =	simm.s32 @!p1 $0x1082;
	[sflag:s4] =	ssyncset.s32 $0xFFFFF086  }
0x25: {  	[simem:s6], [sflag:s4] =	dma.local [hbm:s3], $0xF7A  }
0x26: {  	[smem:$0x3F9F] =	sst s1;
	(tag) =	ssettag s2;
	_ =	strace s9  }
0x27: {  	s1 =	sld [smem:$0x3FAF]  }
0x28: {  	s2 =	sld [smem:$0x3FB0]  }
0x29: {  	s4 =	sld [smem:$0x3FB2]  }
0x2a: {  	p0 =	seq.s32 s5, $0x0;
	s5 =	sld [smem:$0x3FB3]  }
0x2b: {  	s6 =	sld [smem:$0x3FB4]  }
0x2c: {  	s7 =	sld [smem:$0x3FB5]  }
0x2d: {  	s3 =	simm.s32 $0x108;
	s8 =	sld [smem:$0x3FB6]  }
0x2e: {  	s3 =	simm.s32 @!p0 $0x1082;
	s9 =	sld [smem:$0x3FB7]  }
0x2f: {  	lr =	sadd.s32 s0, s3;
	s0 =	sld [smem:$0x3FAE]  }
0x30: {  	s3 =	sld [smem:$0x3FB1]  }
0x31: {  	[smem:$0x3FBA] =	sst s10  }
0x32: {  	s10 =	sld [smem:$0x3FB8];
	_ =	sdelay $0x3  }
0x33: {  	p0 =	seq.s32 s10, $0x1;
	s10 =	sld [smem:$0x3FBA];
	_ =	sdelay $0x3  }
0x34: {  	[smem:$0x3FBA] =	sst s10  }
0x35: {  	s10 =	sld [smem:$0x3FB9];
	_ =	sdelay $0x3  }
0x36: {  	p1 =	seq.s32 s10, $0x1;
	s10 =	sld [smem:$0x3FBA];
	_ =	sdelay $0x3  }
0x37: {  	[smem:$0x3FBA] =	sst s10  }
0x38: {  	s10 =	sld [smem:$0x3FBB]  }
0x39: {  	_ = 	snop;
	(pc) =	sbr.ind lr, $3  }
0x3a: {  	_ = 	snop  }
0x3b: {  	_ = 	snop  }
0x3c: {  	p2 =	seq.s32 s10, $0x1;
	s10 =	sld [smem:$0x3FBA]  }
0x3d: {  	_ =	shalt  }
0x3e: {  	_ =	shalt  }
0x3f: {  	_ =	shalt  }
0x40: {  	_ =	shalt  }
0x41: {  	_ =	shalt  }
0x42: {  	_ =	shalt  }
0x43: {  	_ =	shalt  }
0x44: {  	_ =	shalt  }
0x45: {  	_ =	shalt  }
0x46: {  	_ =	shalt  }
0x47: {  	_ =	shalt  }
0x48: {  	_ =	shalt  }
0x49: {  	_ =	shalt  }
0x4a: {  	_ =	shalt  }
0x4b: {  	_ =	shalt  }
0x4c: {  	_ =	shalt  }
0x4d: {  	_ =	shalt  }
0x4e: {  	_ =	shalt  }
0x4f: {  	_ =	shalt  }
0x50: {  	_ =	shalt  }
0x51: {  	_ =	shalt  }
0x52: {  	_ =	shalt  }
0x53: {  	_ =	shalt  }
0x54: {  	_ =	shalt  }
0x55: {  	_ =	shalt  }
0x56: {  	_ =	shalt  }
0x57: {  	_ =	shalt  }
0x58: {  	_ =	shalt  }
0x59: {  	_ =	shalt  }
0x5a: {  	_ =	shalt  }
0x5b: {  	_ =	shalt  }
0x5c: {  	_ =	shalt  }
0x5d: {  	_ =	shalt  }
0x5e: {  	_ =	shalt  }
0x5f: {  	_ =	shalt  }
0x60: {  	_ =	shalt  }
0x61: {  	_ =	shalt  }
0x62: {  	_ =	shalt  }
0x63: {  	_ =	shalt  }
0x64: {  	_ =	shalt  }
0x65: {  	_ =	shalt  }
0x66: {  	_ =	shalt  }
0x67: {  	_ =	shalt  }
0x68: {  	_ =	shalt  }
0x69: {  	_ =	shalt  }
0x6a: {  	_ =	shalt  }
0x6b: {  	_ =	shalt  }
0x6c: {  	_ =	shalt  }
0x6d: {  	_ =	shalt  }
0x6e: {  	_ =	shalt  }
0x6f: {  	_ =	shalt  }
0x70: {  	_ =	shalt  }
0x71: {  	_ =	shalt  }
0x72: {  	_ =	shalt  }
0x73: {  	_ =	shalt  }
0x74: {  	_ =	shalt  }
0x75: {  	_ =	shalt  }
0x76: {  	_ =	shalt  }
0x77: {  	_ =	shalt  }
0x78: {  	_ =	shalt  }
0x79: {  	_ =	shalt  }
0x7a: {  	_ =	shalt  }
0x7b: {  	_ =	shalt  }
0x7c: {  	_ =	shalt  }
0x7d: {  	_ =	shalt  }
0x7e: {  	_ =	shalt  }
0x7f: {  	_ =	shalt  }
0x80: {  	_ =	shalt  }
0x81: {  	_ =	shalt  }
0x82: {  	_ =	shalt  }
0x83: {  	_ =	shalt  }
0x84: {  	_ =	shalt  }
0x85: {  	_ =	shalt  }
0x86: {  	_ =	shalt  }
0x87: {  	_ =	shalt  }
.Lfunc_end0:
.L_simem_size_0:
called_computation_lowered:
.L_overlay_start_0:
0x88: {  	s2 =	sld [smem:$0x3FD9]  }
0x89: {  	s3 =	sld [smem:$0x3FFE];
	_ =	sdelay $0x1  }
0x8a: {  	s1 =	srdreg.scid  }
0x8b: {  	s0 =	sand.u32 $0x1, s1  }
0x8c: {  	s17 =	sshll.u32 s0, $0xA;
	s2 =	sadd.s32 s3, s2  }
0x8d: {  	s2 =	sadd.s32 s2, s17  }
0x8e: {  	[smem:$0x3FC6] =	sst s2  }
0x8f: {  	_ = 	snop  }
0x90: {  	s2 =	sld [smem:$0x3FC8]  }
0x91: {  	s18 =	sld [smem:$0x3FD0];
	(tm) =	ssettm $0x1  }
0x92: {  	s4 =	sld [smem:$0x3FFB];
	_ =	sdelay $0x3  }
0x93: {  	_ =	strace s4  }
0x94: {  	s4 =	sld [smem:$0x3FFC];
	_ =	sdelay $0x3  }
0x95: {  	_ =	strace s4  }
0x96: {  	s4 =	sld [smem:$0x3FFD];
	_ =	sdelay $0x3  }
0x97: {  	_ =	strace s4  }
0x98: {  	_ =	strace $0x8FFFFFFF  }
0x99: {  	s19 =	sld [smem:$0x3FDB];
	_ =	sdelay $0x1  }
0x9a: {  	s5 =	simm.s32 $_scs_section_size  }
0x9b: {  	s6 =	simm.s32 $_size__tile_overlayer_lowered;
	s7 =	simm.s32 $_tile_overlayer_lowered  }
0x9c: {  	s22 =	simm.s32 $0x1BFF;
	s21 =	sshll.u32 s7, $0x1;
	s4 =	sadd.s32 s5, s19  }
0x9d: {  	s8 =	simm.s32 $0x0;
	s20 =	sshll.u32 s6, $0x1;
	s6 =	sadd.s32 s21, s4  }
0x9e: {  	[timem:s8], [sflag:s22] =	dma.local [hbm:s6], s20  }
0x9f: {  	_ =	swait.ge [sflag:s22], s20  }
0xa0: {  	s5 =	ssub.s32 $0x0, s20;
	[sflag:s22] =	ssyncset.done $0x0  }
0xa1: {  	[sflag:s22] =	ssyncadd.s32 s5;
	_ =	sdelay $0x1  }
0xa2: {  	s23 =	simm.s32 $0x1B8B  }
0xa3: {  	_ =	swait.ge [sflag:s23], $0x1  }
0xa4: {  	[sflag:s23] =	ssyncset.done $0x0  }
0xa5: {  	s25 =	simm.s32 $0x1B8E;
	s24 =	sld [smem:$0x3FFE];
	[sflag:s23] =	ssyncadd.s32 $0xFFFFFFFF  }
0xa6: {  	s26 =	simm.s32 $execute0_lowered;
	[smem:$0x3FD2] =	sst s25  }
0xa7: {  	s6 =	sshll.u32 s26, $0x1;
	_ =	strace $0x80000046;
	[dreg:$0x1] =	wrdreg $0xFFFFFFFF  }
0xa8: {  	s28 =	simm.s32 $_size_execute0_lowered;
	s4 =	sadd.s32 s4, s6;
	[dreg:$0x0] =	wrdreg $0x0  }
0xa9: {  	s6 =	sshll.u32 s28, $0x1;
	[dreg:$0x2] =	wrdreg s4  }
0xaa: {  	[dreg:$0x3] =	wrdreg s6  }
0xab: {  	[dreg:$0x4] =	wrdreg $0xC0  }
0xac: {  	_ =	task [dreg:s8], $0x5FFFF  }
0xad: {  	[dreg:$0x1] =	wrdreg $0xFFFFFFFF  }
0xae: {  	[dreg:$0x0] =	wrdreg $0x60  }
0xaf: {  	[dreg:$0x2] =	wrdreg s2  }
0xb0: {  	[dreg:$0x3] =	wrdreg s18  }
0xb1: {  	[dreg:$0x4] =	wrdreg s24  }
0xb2: {  	[dreg:$0x5] =	wrdreg $0x9  }
0xb3: {  	_ =	task.clear_ibuf [dreg:s8], $0x6FFFF;
	_ =	strace $0x90000046  }
0xb4: {  	s29 =	simm.s32 $0x9;
	_ =	strace $0x80000048  }
0xb5: {  	_ =	swait.ge [sflag:s29], $0x1  }
0xb6: {  	[sflag:s29] =	ssyncadd.s32 $0xFFFFFFFF  }
0xb7: {  	_ =	strace $0x90000048  }
0xb8: {  	_ =	sfence  }
0xb9: {  	s30 =	sld [smem:$0x0];
	_ =	sdelay $0x2  }
0xba: {  	s31 =	sshll.u32 s1, $0xD;
	s1 =	sshrl.u32 s1, $0x2  }
0xbb: {  	s3 =	sand.u32 $0x4000, s31;
	s1 =	sadd.s32 s1, s30  }
0xbc: {  	s0 =	sor.u32 s3, s0;
	s1 =	sshll.u32 s1, $0x11  }
0xbd: {  	s0 =	sor.u32 s1, s0  }
0xbe: {  	s0 =	sadd.s32 $0x8F2B, s0  }
0xbf: {  	[sflag:s0] =	ssyncadd.remote.s32 $0x1  }
0xc0: {  	_ =	sfence.sel $0xFFFF  }
0xc1: {  	[dreg:$0x0] =	wrdreg $0xFFFFFFFF;
	(pc) =	sbr.abs _section_cstart, $3  }
0xc2: {  	[dreg:$0x1] =	wrdreg $0xFFFFFFFF  }
0xc3: {  	_ =	task.clear_ibuf [dreg:s8], $0x2FFFF;
	_ =	strace $0x9FFFFFFF  }
0xc4: {  	(tm) =	ssettm $0x7FFFFFFF  }
0xc5: {  	_ =	shalt  }
tec
execute0_lowered:
.L_overlay_start_1:
0x0: {  	(tag) =	ssettag $0x1  }
0x1: {  	v0 =	vimm.s32 $0x1780  }
0x2: {  	vm0 =	vcmask $0x300;
	v1 =	vimm.s32 $0x3F80;
	vm1 =	vcmask $0x704  }
0x3: {  	vm15 =	vcmask $0xB08;
	v0 =	vsel vm0, $0x0, v0;
	v1 =	vsel vm0, $0x2800, v1  }
0x4: {  	vm4 =	vcmask $0xF0C;
	v0 =	vsel vm1, $0x80, v0;
	v1 =	vsel vm1, $0x2880, v1  }
0x5: {  	s0 =	rddreg [dreg:$0x0];
	s1 =	srdreg.scid;
	vm5 =	vcmask $0x1310;
	v0 =	vsel vm15, $0x100, v0;
	v1 =	vsel vm15, $0x2900, v1  }
0x6: {  	s3 =	stileid.u32;
	s2 =	rddreg [dreg:$0x2];
	vm6 =	vcmask $0x1714;
	v0 =	vsel vm4, $0x180, v0;
	v1 =	vsel vm4, $0x2980, v1  }
0x7: {  	s4 =	simm.s32 $0x0;
	vm7 =	vcmask $0x1B18;
	s22 =	simm.s32 $0x5000;
	s26 =	simm.s32 $0x1;
	v0 =	vsel vm5, $0x200, v0;
	v1 =	vsel vm5, $0x2A00, v1  }
0x8: {  	vm8 =	vcmask $0x1F1C;
	s28 =	simm.s32 $0xA000;
	s29 =	simm.s32 $0x3;
	s30 =	simm.s32 $0x0;
	v0 =	vsel vm6, $0x280, v0;
	v1 =	vsel vm6, $0x2A80, v1  }
0x9: {  	vm9 =	vcmask $0x2320;
	s1 =	sand.u32 $0x1, s1;
	s3 =	sshll.u32 s3, $0x1;
	[smem:$0x7FF] =	sst s4;
	v0 =	vsel vm7, $0x300, v0;
	v1 =	vsel vm7, $0x2B00, v1  }
0xa: {  	vm10 =	vcmask $0x2724;
	s7 =	sadd.s32 $0x800, s2;
	s13 =	sadd.s32 $0x3D1000, s2;
	s5 =	sor.u32 s1, s3;
	v0 =	vsel vm8, $0x380, v0;
	v1 =	vsel vm8, $0x2B80, v1  }
0xb: {  	vm11 =	vcmask $0x2B28;
	s1 =	ssub.s32 $0x2, s1;
	_ =	strace $0x80000047;
	s3 =	sshll.u32 s5, $0x9;
	v0 =	vsel vm9, $0x1400, v0;
	v1 =	vsel vm9, $0x3C00, v1  }
0xc: {  	vm12 =	vcmask $0x2F2C;
	s8 =	sshrl.u32 s1, $0x1;
	s10 =	sor.u32 $0x40, s5;
	s12 =	sor.u32 $0x60, s5;
	v0 =	vsel vm10, $0x1480, v0;
	v1 =	vsel vm10, $0x3C80, v1  }
.Ltmp0:
0xd: {  	vm13 =	vcmask $0x3330;
	p0 =	seq.s32 s5, $0x1F;
	s6 =	sadd.s32 s0, s3;
	v0 =	vsel vm11, $0x1500, v0;
	v1 =	vsel vm11, $0x3D00, v1;
	(pc) =	sbr.rel .LBB2_1-.Ltmp0, $4  }
0xe: {  	vm14 =	vcmask $0x3734;
	s1 =	ssub.s32 s1, s8;
	s3 =	sadd.s32 $0x1E8500, s6;
	s9 =	sadd.s32 $0x4000, s6;
	v0 =	vsel vm12, $0x1580, v0;
	v1 =	vsel vm12, $0x3D80, v1  }
0xf: {  	p1 =	sne.s32 @!p0 s5, $0x0;
	s11 =	sadd.s32 $0x2DC780, s6;
	s14 =	sadd.s32 $0x1EC500, s6;
	v0 =	vsel vm13, $0x1600, v0;
	v1 =	vsel vm13, $0x3E00, v1  }
0x10: {  	vm15 =	vcmask $0x3B38;
	s15 =	smax.u32 s1, $0x1;
	s16 =	sadd.s32 $0xF4280, s6;
	s17 =	sadd.s32 $0x2E0780, s6;
	v0 =	vsel vm14, $0x1680, v0;
	v1 =	vsel vm14, $0x3E80, v1  }
0x11: {  	s18 =	sadd.s32 $0xF8280, s6;
	p1 =	por p1, p0;
	[dreg:$0x4] =	wrdreg s3;
	v0 =	vsel vm15, $0x1700, v0;
	v1 =	vsel vm15, $0x3F00, v1  }
.LBB2_9:
0x12: {  	_ =	swait.ge [sflag:s29], $0x4000  }
0x13: {  	[sflag:s29] =	ssyncset.done $0x0  }
0x14: {  	[sflag:s29] =	ssyncadd.s32 $0xFFFFC000  }
0x15: {  	s1 =	simm.s32 @p0 $0x0;
	s2 =	simm.s32 @p0 $0xA000;
	s3 =	rddreg [dreg:$0x1]  }
0x16: {  	[tilespmem:s2], [sflag:$0x1] =	stream.linear.gather @p0 [hbm4b:s3+s1], $0x800, $0x38;
	[tilespmem:$0x12000] =	vst v63  }
0x17: {  	s3 =	simm.s32 @p0 $0x1  }
0x18: {  	_ =	swait.ge @p0 [sflag:s3], $0x800  }
0x19: {  	[sflag:s3] =	ssyncset.done @p0 $0x0  }
0x1a: {  	s30 =	sadd.s32 $0x1, s30;
	[sflag:s3] =	ssyncadd.s32 @p0 $0xFFFFF800  }
0x1b: {  	[hbm4b:s13+s1] =	stream.linear.scatter @p0 [tilespmem:s2], [sflag:$0x1], $0x800, $0x38;
	[tilespmem:$0x12000] =	vst v63  }
0x1c: {  	p2 =	sne.s32 s30, s15;
	_ =	swait.ge @p0 [sflag:s3], $0x800  }
.Ltmp1:
0x1d: {  	[sflag:s3] =	ssyncset.done @p0 $0x0;
	(pc) =	sbr.rel @!p2 .LBB2_10-.Ltmp1, $4  }
0x1e: {  	s1 =	simm.s32 @!p1 $0x4;
	[sflag:s3] =	ssyncadd.s32 @p0 $0xFFFFF800  }
0x1f: {  	_ =	swait.ge @!p1 [sflag:s1], $0x4000  }
0x20: {  	[sflag:s1] =	ssyncset.done @!p1 $0x0  }
0x21: {  	[sflag:s1] =	ssyncadd.s32 @!p1 $0xFFFFC000  }
.LBB2_1:
0x22: {  	[tilespmem:s4], [sflag:$0x1] =	stream.linear.gather [hbm4b:s6+s4], $0x1000, $0x38;
	[tilespmem:$0x12000] =	vst v63  }
0x23: {  	s1 =	simm.s32 $0x1400  }
0x24: {  	[tilespmem:s1], [sflag:$0x1] =	stream.linear.gather [hbm4b:s16+s4], $0x1000, $0x38;
	[tilespmem:$0x12000] =	vst v63  }
0x25: {  	s20 =	rddreg [dreg:$0x4];
	s2 =	simm.s32 $0x2800  }
0x26: {  	[tilespmem:s2], [sflag:$0x1] =	stream.linear.gather [hbm4b:s20+s4], $0x1000, $0x38;
	[tilespmem:$0x12000] =	vst v63  }
0x27: {  	s21 =	simm.s32 $0x3C00  }
0x28: {  	[tilespmem:s21], [sflag:$0x1] =	stream.linear.gather [hbm4b:s11+s4], $0x1000, $0x38;
	[tilespmem:$0x12000] =	vst v63  }
0x29: {  	_ = 	snop  }
0x2a: {  	[tilespmem:s22], [sflag:$0x2] =	stream.linear.gather [hbm4b:s9+s4], $0x1000, $0x38;
	[tilespmem:$0x12000] =	vst v63  }
0x2b: {  	s23 =	simm.s32 $0x6400  }
0x2c: {  	[tilespmem:s23], [sflag:$0x2] =	stream.linear.gather [hbm4b:s18+s4], $0x1000, $0x38;
	[tilespmem:$0x12000] =	vst v63  }
.Ltmp2:
0x2d: {  	_ = 	snop;
	(pc) =	sbr.rel .LBB2_2-.Ltmp2, $4  }
0x2e: {  	s24 =	simm.s32 $0x7800  }
0x2f: {  	[tilespmem:s24], [sflag:$0x2] =	stream.linear.gather [hbm4b:s14+s4], $0x1000, $0x38;
	[tilespmem:$0x12000] =	vst v63  }
0x30: {  	s25 =	simm.s32 $0x8C00;
	s31 =	simm.s32 $0x0  }
0x31: {  	[tilespmem:s25], [sflag:$0x2] =	stream.linear.gather [hbm4b:s17+s4], $0x1000, $0x38;
	[tilespmem:$0x12000] =	vst v63  }
.LBB2_8:
0x32: {  	s1 =	sadd.s32 s12, s3  }
0x33: {  	p3 =	sgt.u32 s1, $0x7A0  }
0x34: {  	s1 =	sshll.u32 @!p3 s1, $0x9  }
0x35: {  	s3 =	simm.s32 @!p3 $0x0;
	s8 =	simm.s32 @!p3 $0x5000;
	s1 =	sadd.s32 @!p3 s0, s1  }
0x36: {  	[tilespmem:s8], [sflag:$0x2] =	stream.linear.gather @!p3 [hbm4b:s1+s3], $0x1000, $0x38;
	[tilespmem:$0x12000] =	vst v63  }
0x37: {  	s19 =	simm.s32 @!p3 $0x6400;
	s8 =	sadd.s32 @!p3 $0xF4280, s1  }
0x38: {  	[tilespmem:s19], [sflag:$0x2] =	stream.linear.gather @!p3 [hbm4b:s8+s3], $0x1000, $0x38;
	[tilespmem:$0x12000] =	vst v63  }
0x39: {  	s8 =	sadd.s32 @!p3 $0x1E8500, s1;
	s19 =	simm.s32 @!p3 $0x7800  }
0x3a: {  	[tilespmem:s19], [sflag:$0x2] =	stream.linear.gather @!p3 [hbm4b:s8+s3], $0x1000, $0x38;
	[tilespmem:$0x12000] =	vst v63  }
0x3b: {  	s1 =	sadd.s32 @!p3 $0x2DC780, s1;
	s8 =	simm.s32 @!p3 $0x8C00  }
0x3c: {  	[tilespmem:s8], [sflag:$0x2] =	stream.linear.gather @!p3 [hbm4b:s1+s3], $0x1000, $0x38;
	[tilespmem:$0x12000] =	vst v63  }
0x3d: {  	s31 =	sadd.s32 $0x1, s31;
	s1 =	sshll.u32 @!p2 s2, $0xB  }
0x3e: {  	s2 =	simm.s32 @!p2 $0x0;
	s3 =	simm.s32 @!p2 $0xE000;
	s1 =	sadd.s32 @!p2 s7, s1  }
0x3f: {  	[hbm4b:s1+s2] =	stream.linear.scatter @!p2 [tilespmem:s3], [sflag:$0x4], $0x4000, $0x38;
	[tilespmem:$0x12000] =	vst v63  }
0x40: {  	p2 =	sne.s32 s31, $0x1F  }
.Ltmp3:
0x41: {  	_ = 	snop;
	(pc) =	sbr.rel @!p2 .LBB2_9-.Ltmp3, $1  }
0x42: {  	_ =	sdelay $0x3  }
.LBB2_2:
0x43: {  	s1 =	simm.s32 $0x1;
	s2 =	simm.s32 $0x0;
	s3 =	simm.s32 $0x3  }
0x44: {  	s8 =	simm.s32 $0x2;
	v2 =	vmov s1;
	v4 =	vmov s2;
	v6 =	vmov s3  }
0x45: {  	v7 =	vmov s8;
	v3 =	vshll.u32 v2, $0x3;
	v2 =	vand.u32 $0x7D, v2  }
0x46: {  	v5 =	vand.u32 $0x7C, v4;
	v9 =	vshll.u32 v7, $0x3;
	v3 =	vand.u32 $0xC00, v3  }
0x47: {  	v2 =	vor.u32 v2, v3;
	v3 =	vshll.u32 v4, $0x3;
	v4 =	vshll.u32 v6, $0x3  }
0x48: {  	_ =	swait.ge [sflag:s26], $0x4000;
	v6 =	vand.u32 $0x7F, v6;
	v4 =	vand.u32 $0xC00, v4;
	v8 =	vadd.s32 v0, v2  }
0x49: {  	p3 =	seq.s32 s31, $0x0;
	[sflag:s26] =	ssyncset.done $0x0;
	v4 =	vor.u32 v6, v4;
	v6 =	vand.u32 $0x7E, v7;
	v7 =	vand.u32 $0xC00, v9  }
0x4a: {  	s20 =	simm.s32 $0x4;
	s2 =	simm.s32 @!p3 $0x3;
	[sflag:s26] =	ssyncadd.s32 $0xFFFFC000;
	v3 =	vand.u32 $0xC00, v3;
	v9 =	vadd.s32 v0, v4;
	v6 =	vor.u32 v6, v7  }
0x4b: {  	s21 =	simm.s32 $0x7;
	s23 =	simm.s32 $0x6;
	v11 =	vmov s20;
	_ =	swait.ge @!p3 [sflag:s2], $0x4000;
	v3 =	vor.u32 v5, v3;
	v5 =	vadd.s32 v0, v6  }
0x4c: {  	v14 =	vmov s21;
	v15 =	vmov s23;
	v13 =	vand.u32 $0x7C, v11;
	[sflag:s2] =	ssyncset.done @!p3 $0x0  }
0x4d: {  	v16 =	vshll.u32 v14, $0x3;
	v14 =	vand.u32 $0x7F, v14;
	[sflag:s2] =	ssyncadd.s32 @!p3 $0xFFFFC000;
	v12 =	vadd.s32 v0, v3  }
0x4e: {  	s19 =	simm.s32 $0x5;
	v17 =	vshll.u32 v15, $0x3;
	v15 =	vand.u32 $0x7E, v15;
	v16 =	vand.u32 $0xC00, v16;
	v8 =	vld.idx.msk [tilespmem:v8+s4+$0x0], $0xffff  }
0x4f: {  	v14 =	vor.u32 v14, v16;
	v2 =	vadd.s32 v1, v2;
	v7 =	vmov s19;
	v9 =	vld.idx.msk [tilespmem:v9+s4+$0x0], $0xffff  }
0x50: {  	v16 =	vand.u32 $0xC00, v17;
	v4 =	vadd.s32 v1, v4;
	v10 =	vshll.u32 v7, $0x3;
	v5 =	vld.idx.msk [tilespmem:v5+s4+$0x0], $0xffff  }
0x51: {  	v7 =	vand.u32 $0x7D, v7;
	v6 =	vadd.s32 v1, v6;
	v10 =	vand.u32 $0xC00, v10  }
0x52: {  	s20 =	simm.s32 $0xA040;
	v17 =	vadd.s32 v0, v14;
	v7 =	vor.u32 v7, v10;
	v10 =	vshll.u32 v11, $0x3;
	v12 =	vld.idx.msk [tilespmem:v12+s4+$0x0], $0xffff  }
0x53: {  	s24 =	simm.s32 $0x9;
	v15 =	vor.u32 v15, v16;
	v11 =	vadd.s32 v0, v7;
	v10 =	vand.u32 $0xC00, v10;
	[tilespmem:s20+$0xFFFFFFE0] =	vst v8  }
0x54: {  	v10 =	vor.u32 v13, v10;
	v13 =	vadd.s32 v0, v15;
	v18 =	vld.idx.msk [tilespmem:v2+s4+$0x0], $0xffff;
	[tilespmem:s20+$0x20] =	vst v9;
	v9 =	vmov s24  }
0x55: {  	v16 =	vadd.s32 v0, v10;
	v4 =	vld.idx.msk [tilespmem:v4+s4+$0x0], $0xffff;
	v8 =	vshll.u32 v9, $0x3;
	[tilespmem:s20+$0x0] =	vst v5  }
0x56: {  	v21 =	vadd.s32 v1, v15;
	v3 =	vadd.s32 v1, v3;
	v5 =	vand.u32 $0xC00, v8;
	v8 =	vld.idx.msk [tilespmem:v6+s4+$0x0], $0xffff  }
0x57: {  	s25 =	simm.s32 $0x8;
	s3 =	simm.s32 $0xB;
	s8 =	simm.s32 $0x20;
	v7 =	vadd.s32 v1, v7;
	[tilespmem:s20+$0xFFFFFFC0] =	vst v12;
	v12 =	vadd.s32 v1, v14;
	v2 =	vand.u32 $0x7D, v9;
	v9 =	vld.idx.msk [tilespmem:v17+s4+$0x0], $0xffff  }
0x58: {  	s1 =	simm.s32 $0x60;
	s2 =	sor.u32 $0x30, s8;
	v19 =	vld.idx.msk [tilespmem:v11+s4+$0x0], $0xffff;
	v6 =	vmov s3;
	v2 =	vor.u32 v2, v5;
	v5 =	vmov s25  }
0x59: {  	s21 =	simm.s32 $0x40;
	s23 =	sor.u32 $0x70, s1;
	s19 =	simm.s32 $0xA;
	v13 =	vld.idx.msk [tilespmem:v13+s4+$0x0], $0xffff;
	v11 =	vshll.u32 v6, $0x3;
	v6 =	vand.u32 $0x7F, v6;
	v17 =	vadd.s32 v0, v2;
	[tilespmem:s2+$0xA000] =	vst v18  }
0x5a: {  	s24 =	sor.u32 $0x50, s21;
	v14 =	vld.idx.msk [tilespmem:v16+s4+$0x0], $0xffff;
	v20 =	vand.u32 $0x7C, v5;
	v11 =	vand.u32 $0xC00, v11;
	[tilespmem:s23+$0xA000] =	vst v4;
	v4 =	vmov s19  }
0x5b: {  	v5 =	vshll.u32 v5, $0x3;
	v18 =	vld.idx.msk [tilespmem:v3+s4+$0x0], $0xffff;
	v6 =	vor.u32 v6, v11;
	s19 =	simm.s32 $0xA0C0;
	v3 =	vshll.u32 v4, $0x3;
	[tilespmem:s24+$0xA000] =	vst v8  }
0x5c: {  	v22 =	vadd.s32 v0, v6;
	v4 =	vand.u32 $0x7E, v4;
	[tilespmem:s19+$0x20] =	vst v9;
	v3 =	vand.u32 $0xC00, v3  }
0x5d: {  	s25 =	simm.s32 $0xD;
	v11 =	vadd.s32 v1, v10;
	v8 =	vand.u32 $0xC00, v5;
	[tilespmem:s19+$0xFFFFFFE0] =	vst v19;
	v12 =	vld.idx.msk [tilespmem:v12+s4+$0x0], $0xffff;
	v4 =	vor.u32 v4, v3  }
0x5e: {  	v9 =	vmov s25;
	[tilespmem:s19+$0x0] =	vst v13;
	v5 =	vld.idx.msk [tilespmem:v17+s4+$0x0], $0xffff;
	v3 =	vor.u32 v20, v8;
	v15 =	vadd.s32 v0, v4  }
0x5f: {  	s23 =	simm.s32 $0xC;
	[tilespmem:s19+$0xFFFFFFC0] =	vst v14;
	v10 =	vld.idx.msk [tilespmem:v7+s4+$0x0], $0xffff;
	v8 =	vshll.u32 v9, $0x3;
	v14 =	vadd.s32 v0, v3  }
0x60: {  	s21 =	simm.s32 $0x10;
	s3 =	sshll.u32 s31, $0x6;
	v16 =	vmov s23;
	v7 =	vld.idx.msk [tilespmem:v21+s4+$0x0], $0xffff;
	v9 =	vand.u32 $0x7D, v9;
	v13 =	vand.u32 $0xC00, v8  }
0x61: {  	s2 =	sor.u32 s5, s3;
	s24 =	simm.s32 $0xF;
	[tilespmem:s20+$0xFFFFFFD0] =	vst v18;
	s20 =	simm.s32 $0xA0C0;
	v8 =	vand.u32 $0x7C, v16;
	v9 =	vor.u32 v9, v13;
	v13 =	vld.idx.msk [tilespmem:v22+s4+$0x0], $0xffff  }
.LBB2_3:
0x62: {  	p2 =	slt.u32 s21, $0x1FC;
	v16 =	vshll.u32 v16, $0x3;
	v17 =	vadd.s32 v0, v9;
	s23 =	sadd.s32 $0x2, s23;
	v18 =	vmov s24;
	v19 =	vld.idx.msk [tilespmem:v11+s4+$0x0], $0xffff;
	s1 =	sadd.s32 $0x80, s1  }
0x63: {  	v22 =	vadd.s32 v1, v6;
	v23 =	vmovc v5;
	v11 =	vmov s23;
	v20 =	vshll.u32 v18, $0x3;
	v21 =	vld.idx.msk [tilespmem:v15+s4+$0x0], $0xffff;
	s23 =	sadd.s32 $0xFFFFFFC0, s1;
	s24 =	sadd.s32 $0xFFFFFFE0, s1;
	s25 =	sor.u32 $0x70, s1  }
0x64: {  	v5 =	vand.u32 $0x7F, v18;
	v6 =	vand.u32 $0xC00, v20;
	v18 =	vld.idx.msk [tilespmem:v14+s4+$0x0], $0xffff;
	v20 =	vadd.s32 v1, v2;
	s8 =	sor.u32 $0x30, s23;
	s24 =	sor.u32 $0x50, s24;
	[tilespmem:s25+$0xA000] =	vst v12;
	v2 =	vmovc v9;
	s23 =	smov.u32 s21  }
0x65: {  	v24 =	vadd.s32 v1, v4;
	v9 =	vshll.u32 v11, $0x3;
	v6 =	vor.u32 v5, v6;
	[tilespmem:s8+$0xA000] =	vst v10  }
0x66: {  	s19 =	sadd.s32 $0x80, s19;
	v4 =	vand.u32 $0x7E, v11;
	v9 =	vand.u32 $0xC00, v9;
	v25 =	vadd.s32 v0, v6;
	[tilespmem:s24+$0xA000] =	vst v7  }
.Ltmp4:
0x67: {  	v11 =	vadd.s32 v1, v3;
	s8 =	sadd.s32 $0x1, s21;
	v7 =	vand.u32 $0xC00, v16;
	v4 =	vor.u32 v4, v9;
	v5 =	vld.idx.msk [tilespmem:v17+s4+$0x0], $0xffff;
	[tilespmem:s19+$0x20] =	vst v13;
	(pc) =	sbr.rel @p2 .LBB2_3-.Ltmp4, $4  }
0x68: {  	v9 =	vmov s8;
	v3 =	vor.u32 v8, v7;
	v15 =	vadd.s32 v0, v4;
	[tilespmem:s19+$0xFFFFFFE0] =	vst v23;
	v12 =	vld.idx.msk [tilespmem:v22+s4+$0x0], $0xffff  }
0x69: {  	v7 =	vshll.u32 v9, $0x3;
	v14 =	vadd.s32 v0, v3;
	v10 =	vld.idx.msk [tilespmem:v20+s4+$0x0], $0xffff;
	[tilespmem:s19+$0x0] =	vst v21  }
0x6a: {  	v16 =	vmov s21;
	v9 =	vand.u32 $0x7D, v9;
	v13 =	vand.u32 $0xC00, v7;
	[tilespmem:s19+$0xFFFFFFC0] =	vst v18;
	v7 =	vld.idx.msk [tilespmem:v24+s4+$0x0], $0xffff  }
0x6b: {  	s24 =	sadd.s32 $0x3, s23;
	s21 =	sadd.s32 $0x4, s21;
	v8 =	vand.u32 $0x7C, v16;
	v9 =	vor.u32 v9, v13;
	v13 =	vld.idx.msk [tilespmem:v25+s4+$0x0], $0xffff;
	[tilespmem:s20+$0xFFFFFFD0] =	vst v19;
	s20 =	smov.u32 s19  }
0x6c: {  	v17 =	vmov s24  }
0x6d: {  	s8 =	sadd.s32 $0x2, s23;
	v16 =	vshll.u32 v16, $0x3;
	v6 =	vadd.s32 v1, v6;
	v2 =	vadd.s32 v1, v2  }
0x6e: {  	s1 =	sadd.s32 $0x80, s1;
	v53 =	vadd.s32 v0, v9;
	v18 =	vmov s8;
	v19 =	vshll.u32 v17, $0x3  }
0x6f: {  	v17 =	vand.u32 $0x7F, v17;
	s25 =	sadd.s32 $0xFFFFFFC0, s1;
	s21 =	sor.u32 $0x70, s1;
	v19 =	vand.u32 $0xC00, v19;
	v20 =	vshll.u32 v18, $0x3  }
0x70: {  	v15 =	vld.idx.msk [tilespmem:v15+s4+$0x0], $0xffff;
	s8 =	sor.u32 $0x30, s25;
	[tilespmem:s21+$0xA000] =	vst v12;
	v51 =	vand.u32 $0x7E, v18;
	v17 =	vor.u32 v17, v19;
	v52 =	vand.u32 $0xC00, v20  }
0x71: {  	v14 =	vld.idx.msk [tilespmem:v14+s4+$0x0], $0xffff;
	v54 =	vand.u32 $0xC00, v16;
	[tilespmem:s8+$0xA000] =	vst v10;
	s8 =	sadd.s32 $0x80, s19;
	v19 =	vadd.s32 v0, v17;
	v12 =	vor.u32 v51, v52  }
0x72: {  	v11 =	vld.idx.msk [tilespmem:v11+s4+$0x0], $0xffff;
	s21 =	sadd.s32 $0xFFFFFFE0, s1;
	v8 =	vor.u32 v8, v54;
	[tilespmem:s8+$0x20] =	vst v13;
	v55 =	vadd.s32 v0, v12  }
0x73: {  	s19 =	sor.u32 $0x50, s21;
	v57 =	vadd.s32 v0, v8;
	[tilespmem:s8+$0xFFFFFFE0] =	vst v5;
	v56 =	vld.idx.msk [tilespmem:v6+s4+$0x0], $0xffff  }
0x74: {  	v4 =	vadd.s32 v1, v4;
	[tilespmem:s19+$0xA000] =	vst v7;
	v2 =	vld.idx.msk [tilespmem:v2+s4+$0x0], $0xffff  }
0x75: {  	v3 =	vadd.s32 v1, v3;
	[tilespmem:s8+$0x0] =	vst v15;
	v59 =	vld.idx.msk [tilespmem:v53+s4+$0x0], $0xffff  }
0x76: {  	v61 =	vadd.s32 v1, v9;
	s1 =	sadd.s32 $0x80, s1;
	[tilespmem:s8+$0xFFFFFFC0] =	vst v14;
	v58 =	vld.idx.msk [tilespmem:v19+s4+$0x0], $0xffff  }
0x77: {  	s23 =	sadd.s32 $0xFFFFFFC0, s1;
	s24 =	sor.u32 $0x70, s1;
	v60 =	vadd.s32 v1, v17;
	[tilespmem:s20+$0xFFFFFFD0] =	vst v11;
	v10 =	vld.idx.msk [tilespmem:v55+s4+$0x0], $0xffff  }
0x78: {  	s19 =	sor.u32 $0x30, s23;
	v62 =	vadd.s32 v1, v12;
	v6 =	vld.idx.msk [tilespmem:v57+s4+$0x0], $0xffff;
	[tilespmem:s24+$0xA000] =	vst v56  }
0x79: {  	s25 =	sadd.s32 $0x80, s8;
	v4 =	vld.idx.msk [tilespmem:v4+s4+$0x0], $0xffff;
	[tilespmem:s19+$0xA000] =	vst v2;
	v2 =	vadd.s32 v1, v8  }
0x7a: {  	v3 =	vld.idx.msk [tilespmem:v3+s4+$0x0], $0xffff;
	[tilespmem:s25+$0xFFFFFFE0] =	vst v59  }
0x7b: {  	v63 =	vld.idx.msk [tilespmem:v61+s4+$0x0], $0xffff;
	[tilespmem:s25+$0x20] =	vst v58  }
0x7c: {  	s21 =	sadd.s32 $0xFFFFFFE0, s1;
	v7 =	vld.idx.msk [tilespmem:v60+s4+$0x0], $0xffff;
	[tilespmem:s25+$0x0] =	vst v10  }
0x7d: {  	s1 =	sadd.s32 $0x80, s1;
	s20 =	sor.u32 $0x50, s21;
	[tilespmem:s25+$0xFFFFFFC0] =	vst v6;
	v5 =	vld.idx.msk [tilespmem:v62+s4+$0x0], $0xffff  }
0x7e: {  	s23 =	sadd.s32 $0xFFFFFFC0, s1;
	[tilespmem:s20+$0xA000] =	vst v4;
	v2 =	vld.idx.msk [tilespmem:v2+s4+$0x0], $0xffff  }
0x7f: {  	[tilespmem:s8+$0xFFFFFFD0] =	vst v3;
	s8 =	sor.u32 $0x30, s23  }
0x80: {  	s24 =	sor.u32 $0x70, s1;
	s1 =	sadd.s32 $0xFFFFFFE0, s1;
	s20 =	sadd.s32 s10, s3;
	[tilespmem:s8+$0xA000] =	vst v63  }
0x81: {  	s1 =	sor.u32 $0x50, s1;
	p2 =	sgt.u32 s20, $0x7A0;
	[tilespmem:s24+$0xA000] =	vst v7  }
0x82: {  	[tilespmem:s1+$0xA000] =	vst v5;
	s1 =	sshll.u32 @!p2 s20, $0x9  }
0x83: {  	s8 =	simm.s32 @!p2 $0x0;
	[tilespmem:s25+$0xFFFFFFD0] =	vst v2;
	s1 =	sadd.s32 @!p2 s0, s1  }
0x84: {  	[tilespmem:s8], [sflag:$0x1] =	stream.linear.gather @!p2 [hbm4b:s1+s8], $0x1000, $0x38;
	[tilespmem:$0x12000] =	vst v63  }
0x85: {  	s20 =	simm.s32 @!p2 $0x1400;
	s19 =	sadd.s32 @!p2 $0xF4280, s1  }
0x86: {  	[tilespmem:s20], [sflag:$0x1] =	stream.linear.gather @!p2 [hbm4b:s19+s8], $0x1000, $0x38;
	[tilespmem:$0x12000] =	vst v63  }
0x87: {  	s25 =	sshll.u32 s2, $0xB;
	s19 =	sadd.s32 @!p2 $0x1E8500, s1;
	s20 =	simm.s32 @!p2 $0x2800  }
0x88: {  	[tilespmem:s20], [sflag:$0x1] =	stream.linear.gather @!p2 [hbm4b:s19+s8], $0x1000, $0x38;
	[tilespmem:$0x12000] =	vst v63  }
0x89: {  	s2 =	sor.u32 $0x20, s2;
	s1 =	sadd.s32 @!p2 $0x2DC780, s1;
	s19 =	simm.s32 @!p2 $0x3C00  }
0x8a: {  	[tilespmem:s19], [sflag:$0x1] =	stream.linear.gather @!p2 [hbm4b:s1+s8], $0x1000, $0x38;
	[tilespmem:$0x12000] =	vst v63  }
0x8b: {  	s1 =	sadd.s32 s7, s25;
	p2 =	sgt.u32 s2, $0x7A0  }
0x8c: {  	[hbm4b:s1+s4] =	stream.linear.scatter [tilespmem:s28], [sflag:$0x3], $0x4000, $0x38;
	[tilespmem:$0x12000] =	vst v63  }
0x8d: {  	s1 =	simm.s32 @!p2 $0x2  }
0x8e: {  	_ =	swait.ge @!p2 [sflag:s1], $0x4000  }
.Ltmp5:
0x8f: {  	[sflag:s1] =	ssyncset.done @!p2 $0x0;
	(pc) =	sbr.rel @p2 .LBB2_8-.Ltmp5, $4  }
0x90: {  	[sflag:s1] =	ssyncadd.s32 @!p2 $0xFFFFC000;
	s1 =	simm.s32 @!p3 $0x4  }
0x91: {  	_ =	swait.ge @!p3 [sflag:s1], $0x4000  }
0x92: {  	[sflag:s1] =	ssyncset.done @!p3 $0x0  }
0x93: {  	[sflag:s1] =	ssyncadd.s32 @!p3 $0xFFFFC000  }
0x94: {  	s1 =	simm.s32 $0x1  }
0x95: {  	s8 =	simm.s32 $0x0;
	s23 =	simm.s32 $0x3;
	s24 =	simm.s32 $0x2;
	v2 =	vmov s1  }
0x96: {  	s19 =	simm.s32 $0x7;
	s20 =	simm.s32 $0x6;
	v4 =	vmov s8;
	v6 =	vmov s23;
	v7 =	vmov s24  }
0x97: {  	v14 =	vmov s19;
	v15 =	vmov s20;
	v3 =	vshll.u32 v2, $0x3  }
0x98: {  	s8 =	simm.s32 $0x4;
	v2 =	vand.u32 $0x7D, v2;
	v5 =	vand.u32 $0x7C, v4;
	v9 =	vshll.u32 v7, $0x3  }
0x99: {  	v11 =	vmov s8;
	v16 =	vshll.u32 v14, $0x3;
	v3 =	vand.u32 $0xC00, v3  }
0x9a: {  	v2 =	vor.u32 v2, v3;
	v3 =	vshll.u32 v4, $0x3;
	v4 =	vshll.u32 v6, $0x3  }
0x9b: {  	v14 =	vand.u32 $0x7F, v14;
	v6 =	vand.u32 $0x7F, v6;
	v4 =	vand.u32 $0xC00, v4  }
0x9c: {  	v8 =	vadd.s32 v0, v2;
	v3 =	vand.u32 $0xC00, v3;
	v4 =	vor.u32 v6, v4  }
0x9d: {  	v6 =	vand.u32 $0x7E, v7;
	v7 =	vand.u32 $0xC00, v9;
	v9 =	vadd.s32 v0, v4  }
0x9e: {  	v17 =	vshll.u32 v15, $0x3;
	v15 =	vand.u32 $0x7E, v15;
	v3 =	vor.u32 v5, v3  }
0x9f: {  	s25 =	simm.s32 $0x5;
	v13 =	vand.u32 $0x7C, v11;
	v6 =	vor.u32 v6, v7;
	v12 =	vadd.s32 v0, v3  }
0xa0: {  	v16 =	vand.u32 $0xC00, v16;
	v7 =	vmov s25;
	v5 =	vadd.s32 v0, v6  }
0xa1: {  	v14 =	vor.u32 v14, v16;
	v16 =	vand.u32 $0xC00, v17;
	v10 =	vshll.u32 v7, $0x3;
	v8 =	vld.idx.msk [tilespmem:v8+s22+$0x0], $0xffff  }
0xa2: {  	v2 =	vadd.s32 v1, v2;
	v7 =	vand.u32 $0x7D, v7;
	v10 =	vand.u32 $0xC00, v10;
	v9 =	vld.idx.msk [tilespmem:v9+s22+$0x0], $0xffff  }
0xa3: {  	v4 =	vadd.s32 v1, v4;
	v7 =	vor.u32 v7, v10;
	v10 =	vshll.u32 v11, $0x3  }
0xa4: {  	v15 =	vor.u32 v15, v16;
	v11 =	vadd.s32 v0, v7;
	v10 =	vand.u32 $0xC00, v10;
	v12 =	vld.idx.msk [tilespmem:v12+s22+$0x0], $0xffff  }
0xa5: {  	s20 =	simm.s32 $0xE040;
	v10 =	vor.u32 v13, v10;
	v13 =	vadd.s32 v0, v15;
	v5 =	vld.idx.msk [tilespmem:v5+s22+$0x0], $0xffff  }
0xa6: {  	v6 =	vadd.s32 v1, v6;
	[tilespmem:s20+$0xFFFFFFE0] =	vst v8  }
0xa7: {  	s21 =	simm.s32 $0x9;
	v17 =	vadd.s32 v0, v14;
	v18 =	vld.idx.msk [tilespmem:v2+s22+$0x0], $0xffff;
	[tilespmem:s20+$0x20] =	vst v9  }
0xa8: {  	v21 =	vadd.s32 v1, v15;
	v16 =	vadd.s32 v0, v10;
	v9 =	vmov s21;
	v4 =	vld.idx.msk [tilespmem:v4+s22+$0x0], $0xffff  }
0xa9: {  	v3 =	vadd.s32 v1, v3;
	v7 =	vadd.s32 v1, v7;
	v19 =	vld.idx.msk [tilespmem:v11+s22+$0x0], $0xffff;
	[tilespmem:s20+$0xFFFFFFC0] =	vst v12;
	v8 =	vshll.u32 v9, $0x3  }
0xaa: {  	s23 =	simm.s32 $0x8;
	s19 =	simm.s32 $0xB;
	s24 =	simm.s32 $0x20;
	v12 =	vadd.s32 v1, v14;
	v13 =	vld.idx.msk [tilespmem:v13+s22+$0x0], $0xffff;
	[tilespmem:s20+$0x0] =	vst v5;
	v2 =	vand.u32 $0x7D, v9;
	v5 =	vand.u32 $0xC00, v8  }
0xab: {  	s1 =	simm.s32 $0x60;
	s8 =	sor.u32 $0x30, s24;
	v8 =	vld.idx.msk [tilespmem:v6+s22+$0x0], $0xffff;
	v6 =	vmov s19;
	v2 =	vor.u32 v2, v5;
	v5 =	vmov s23  }
0xac: {  	s25 =	sor.u32 $0x70, s1;
	s21 =	simm.s32 $0xA;
	v9 =	vld.idx.msk [tilespmem:v17+s22+$0x0], $0xffff;
	v11 =	vshll.u32 v6, $0x3;
	v6 =	vand.u32 $0x7F, v6;
	v17 =	vadd.s32 v0, v2;
	[tilespmem:s8+$0xE000] =	vst v18  }
0xad: {  	v14 =	vld.idx.msk [tilespmem:v16+s22+$0x0], $0xffff;
	s19 =	simm.s32 $0xE0C0;
	v20 =	vand.u32 $0x7C, v5;
	v11 =	vand.u32 $0xC00, v11;
	[tilespmem:s25+$0xE000] =	vst v4;
	v4 =	vmov s21  }
0xae: {  	s23 =	simm.s32 $0x40;
	v5 =	vshll.u32 v5, $0x3;
	v18 =	vld.idx.msk [tilespmem:v3+s22+$0x0], $0xffff;
	[tilespmem:s19+$0xFFFFFFE0] =	vst v19;
	v6 =	vor.u32 v6, v11;
	v3 =	vshll.u32 v4, $0x3  }
0xaf: {  	s24 =	sor.u32 $0x50, s23;
	[tilespmem:s19+$0x0] =	vst v13;
	v22 =	vadd.s32 v0, v6;
	v4 =	vand.u32 $0x7E, v4;
	v3 =	vand.u32 $0xC00, v3  }
0xb0: {  	v11 =	vadd.s32 v1, v10;
	v10 =	vld.idx.msk [tilespmem:v7+s22+$0x0], $0xffff;
	s25 =	simm.s32 $0xD;
	[tilespmem:s24+$0xE000] =	vst v8;
	v8 =	vand.u32 $0xC00, v5;
	v4 =	vor.u32 v4, v3  }
0xb1: {  	[tilespmem:s19+$0x20] =	vst v9;
	v9 =	vmov s25;
	v5 =	vld.idx.msk [tilespmem:v17+s22+$0x0], $0xffff;
	v3 =	vor.u32 v20, v8;
	v15 =	vadd.s32 v0, v4  }
0xb2: {  	s23 =	simm.s32 $0xC;
	[tilespmem:s19+$0xFFFFFFC0] =	vst v14;
	v12 =	vld.idx.msk [tilespmem:v12+s22+$0x0], $0xffff;
	v8 =	vshll.u32 v9, $0x3;
	v14 =	vadd.s32 v0, v3  }
0xb3: {  	v16 =	vmov s23;
	v7 =	vld.idx.msk [tilespmem:v21+s22+$0x0], $0xffff;
	v9 =	vand.u32 $0x7D, v9;
	v13 =	vand.u32 $0xC00, v8  }
0xb4: {  	s21 =	simm.s32 $0x10;
	s24 =	simm.s32 $0xF;
	[tilespmem:s20+$0xFFFFFFD0] =	vst v18;
	s20 =	simm.s32 $0xE0C0;
	v8 =	vand.u32 $0x7C, v16;
	v9 =	vor.u32 v9, v13;
	v13 =	vld.idx.msk [tilespmem:v22+s22+$0x0], $0xffff  }
.LBB2_6:
0xb5: {  	p3 =	slt.u32 s21, $0x1FC;
	v16 =	vshll.u32 v16, $0x3;
	v17 =	vadd.s32 v0, v9;
	s8 =	sadd.s32 $0x2, s23;
	v18 =	vmov s24;
	v19 =	vld.idx.msk [tilespmem:v11+s22+$0x0], $0xffff;
	s1 =	sadd.s32 $0x80, s1  }
0xb6: {  	v22 =	vadd.s32 v1, v6;
	v23 =	vmovc v5;
	v11 =	vmov s8;
	v20 =	vshll.u32 v18, $0x3;
	v21 =	vld.idx.msk [tilespmem:v15+s22+$0x0], $0xffff;
	s8 =	sadd.s32 $0xFFFFFFC0, s1;
	s23 =	sadd.s32 $0xFFFFFFE0, s1;
	s24 =	sor.u32 $0x70, s1  }
0xb7: {  	v5 =	vand.u32 $0x7F, v18;
	v6 =	vand.u32 $0xC00, v20;
	v18 =	vld.idx.msk [tilespmem:v14+s22+$0x0], $0xffff;
	v20 =	vadd.s32 v1, v2;
	s8 =	sor.u32 $0x30, s8;
	s25 =	sor.u32 $0x50, s23;
	[tilespmem:s24+$0xE000] =	vst v12;
	v2 =	vmovc v9;
	s23 =	smov.u32 s21  }
0xb8: {  	v24 =	vadd.s32 v1, v4;
	v9 =	vshll.u32 v11, $0x3;
	v6 =	vor.u32 v5, v6;
	[tilespmem:s8+$0xE000] =	vst v10  }
0xb9: {  	s19 =	sadd.s32 $0x80, s19;
	v4 =	vand.u32 $0x7E, v11;
	v9 =	vand.u32 $0xC00, v9;
	v25 =	vadd.s32 v0, v6;
	[tilespmem:s25+$0xE000] =	vst v7  }
.Ltmp6:
0xba: {  	v11 =	vadd.s32 v1, v3;
	s8 =	sadd.s32 $0x1, s21;
	v7 =	vand.u32 $0xC00, v16;
	v4 =	vor.u32 v4, v9;
	v5 =	vld.idx.msk [tilespmem:v17+s22+$0x0], $0xffff;
	[tilespmem:s19+$0x20] =	vst v13;
	(pc) =	sbr.rel @p3 .LBB2_6-.Ltmp6, $4  }
0xbb: {  	v9 =	vmov s8;
	v3 =	vor.u32 v8, v7;
	v15 =	vadd.s32 v0, v4;
	[tilespmem:s19+$0xFFFFFFE0] =	vst v23;
	v12 =	vld.idx.msk [tilespmem:v22+s22+$0x0], $0xffff  }
0xbc: {  	v7 =	vshll.u32 v9, $0x3;
	v14 =	vadd.s32 v0, v3;
	v10 =	vld.idx.msk [tilespmem:v20+s22+$0x0], $0xffff;
	[tilespmem:s19+$0x0] =	vst v21  }
0xbd: {  	v16 =	vmov s21;
	v9 =	vand.u32 $0x7D, v9;
	v13 =	vand.u32 $0xC00, v7;
	[tilespmem:s19+$0xFFFFFFC0] =	vst v18;
	v7 =	vld.idx.msk [tilespmem:v24+s22+$0x0], $0xffff  }
0xbe: {  	s24 =	sadd.s32 $0x3, s23;
	s21 =	sadd.s32 $0x4, s21;
	v8 =	vand.u32 $0x7C, v16;
	v9 =	vor.u32 v9, v13;
	v13 =	vld.idx.msk [tilespmem:v25+s22+$0x0], $0xffff;
	[tilespmem:s20+$0xFFFFFFD0] =	vst v19;
	s20 =	smov.u32 s19  }
0xbf: {  	v17 =	vmov s24  }
0xc0: {  	s8 =	sadd.s32 $0x2, s23;
	v16 =	vshll.u32 v16, $0x3;
	v6 =	vadd.s32 v1, v6;
	v2 =	vadd.s32 v1, v2  }
0xc1: {  	s1 =	sadd.s32 $0x80, s1;
	v53 =	vadd.s32 v0, v9;
	v18 =	vmov s8;
	v19 =	vshll.u32 v17, $0x3  }
0xc2: {  	v17 =	vand.u32 $0x7F, v17;
	s25 =	sadd.s32 $0xFFFFFFC0, s1;
	s21 =	sor.u32 $0x70, s1;
	v54 =	vand.u32 $0xC00, v16;
	v19 =	vand.u32 $0xC00, v19  }
0xc3: {  	v15 =	vld.idx.msk [tilespmem:v15+s22+$0x0], $0xffff;
	v20 =	vshll.u32 v18, $0x3;
	s8 =	sor.u32 $0x30, s25;
	[tilespmem:s21+$0xE000] =	vst v12;
	v51 =	vand.u32 $0x7E, v18;
	v17 =	vor.u32 v17, v19  }
0xc4: {  	v14 =	vld.idx.msk [tilespmem:v14+s22+$0x0], $0xffff;
	v8 =	vor.u32 v8, v54;
	v52 =	vand.u32 $0xC00, v20;
	[tilespmem:s8+$0xE000] =	vst v10;
	s8 =	sadd.s32 $0x80, s19;
	v19 =	vadd.s32 v0, v17  }
0xc5: {  	v11 =	vld.idx.msk [tilespmem:v11+s22+$0x0], $0xffff;
	s23 =	sadd.s32 $0xFFFFFFE0, s1;
	v57 =	vadd.s32 v0, v8;
	v12 =	vor.u32 v51, v52;
	[tilespmem:s8+$0xFFFFFFE0] =	vst v5  }
0xc6: {  	s19 =	sor.u32 $0x50, s23;
	[tilespmem:s8+$0x20] =	vst v13;
	v55 =	vadd.s32 v0, v12;
	v2 =	vld.idx.msk [tilespmem:v2+s22+$0x0], $0xffff  }
0xc7: {  	v4 =	vadd.s32 v1, v4;
	[tilespmem:s19+$0xE000] =	vst v7;
	v56 =	vld.idx.msk [tilespmem:v6+s22+$0x0], $0xffff  }
0xc8: {  	v3 =	vadd.s32 v1, v3;
	s1 =	sadd.s32 $0x80, s1;
	[tilespmem:s8+$0x0] =	vst v15;
	v59 =	vld.idx.msk [tilespmem:v53+s22+$0x0], $0xffff  }
0xc9: {  	v61 =	vadd.s32 v1, v9;
	s24 =	sadd.s32 $0xFFFFFFC0, s1;
	[tilespmem:s8+$0xFFFFFFC0] =	vst v14;
	v58 =	vld.idx.msk [tilespmem:v19+s22+$0x0], $0xffff  }
0xca: {  	v60 =	vadd.s32 v1, v17;
	s19 =	sor.u32 $0x30, s24;
	[tilespmem:s20+$0xFFFFFFD0] =	vst v11;
	v6 =	vld.idx.msk [tilespmem:v57+s22+$0x0], $0xffff  }
0xcb: {  	s25 =	sor.u32 $0x70, s1;
	v10 =	vld.idx.msk [tilespmem:v55+s22+$0x0], $0xffff;
	[tilespmem:s19+$0xE000] =	vst v2;
	v2 =	vadd.s32 v1, v8  }
0xcc: {  	s21 =	sadd.s32 $0x80, s8;
	v62 =	vadd.s32 v1, v12;
	v4 =	vld.idx.msk [tilespmem:v4+s22+$0x0], $0xffff;
	[tilespmem:s25+$0xE000] =	vst v56  }
0xcd: {  	v3 =	vld.idx.msk [tilespmem:v3+s22+$0x0], $0xffff;
	[tilespmem:s21+$0xFFFFFFE0] =	vst v59  }
0xce: {  	v63 =	vld.idx.msk [tilespmem:v61+s22+$0x0], $0xffff;
	[tilespmem:s21+$0x20] =	vst v58  }
0xcf: {  	s23 =	sadd.s32 $0xFFFFFFE0, s1;
	[tilespmem:s21+$0xFFFFFFC0] =	vst v6;
	v7 =	vld.idx.msk [tilespmem:v60+s22+$0x0], $0xffff  }
0xd0: {  	s1 =	sadd.s32 $0x80, s1;
	s20 =	sor.u32 $0x50, s23;
	[tilespmem:s21+$0x0] =	vst v10;
	v2 =	vld.idx.msk [tilespmem:v2+s22+$0x0], $0xffff  }
0xd1: {  	s24 =	sadd.s32 $0xFFFFFFC0, s1;
	[tilespmem:s20+$0xE000] =	vst v4;
	v5 =	vld.idx.msk [tilespmem:v62+s22+$0x0], $0xffff  }
.Ltmp7:
0xd2: {  	[tilespmem:s8+$0xFFFFFFD0] =	vst v3;
	s8 =	sor.u32 $0x30, s24;
	(pc) =	sbr.rel .LBB2_8-.Ltmp7, $4  }
0xd3: {  	s25 =	sor.u32 $0x70, s1;
	[tilespmem:s8+$0xE000] =	vst v63  }
0xd4: {  	s1 =	sadd.s32 $0xFFFFFFE0, s1;
	[tilespmem:s25+$0xE000] =	vst v7  }
0xd5: {  	s1 =	sor.u32 $0x50, s1;
	[tilespmem:s21+$0xFFFFFFD0] =	vst v2  }
0xd6: {  	[tilespmem:s1+$0xE000] =	vst v5  }
.LBB2_10:
0xd7: {  	_ =	sfence.sel $0x180000  }
0xd8: {  	[bflag:$0x0] =	sbarrier.arrive $0xFFFF  }
0xd9: {  	_ =	strace $0x90000047  }
0xda: {  	s0 =	stileid.u32;
	[bflag:$0x2] =	sbarrier.arrive $0xFFFF  }
0xdb: {  	p0 =	sne.s32 s0, $0x0;
	s0 =	rddreg [dreg:$0x3]  }
0xdc: {  	s0 =	sadd.s32 @!p0 $0x100000, s0  }
0xdd: {  	[sflag:s0] =	ssyncadd.tile.s32 @!p0 $0x1;
	_ =	shalt  }
.Lfunc_end2:
_tile_overlayer_lowered:
.L_overlay_start_2:
0xde: {  	(tag) =	ssettag $0x2  }
0xdf: {  	s0 =	rddreg [dreg:$0x0];
	s2 =	stileid.u32  }
0xe0: {  	s1 =	rddreg [dreg:$0x1];
	p0 =	sne.s32 s2, $0x0  }
0xe1: {  	s3 =	rddreg [dreg:$0x2];
	[bflag:$0x3] =	sbarrier.arrive $0xFFFF;
	s2 =	simm.s32 @!p0 $0x1C05  }
0xe2: {  	[timem:s3], [sflag:s2] =	dma.local @!p0 [hbm:s0], s1  }
0xe3: {  	s0 =	simm.s32 @!p0 $0x5  }
0xe4: {  	_ =	swait.ge @!p0 [sflag:s0], s1  }
0xe5: {  	s1 =	ssub.s32 @!p0 $0x0, s1;
	[sflag:s0] =	ssyncset.done @!p0 $0x0  }
0xe6: {  	[sflag:s0] =	ssyncadd.s32 @!p0 s1  }
0xe7: {  	[bflag:$0x3] =	sbarrier.arrive $0xFFFF  }
0xe8: {  	_ =	shalt  }

// kernel: kernel.7.cloned.1.call-start
scs
__scs_entry_jumppad:
0x0: {  	(pc) =	sbr.rel $0x88, $3  }
0x1: {  	(tag) =	ssettag $0x0;
	lr =	simm.s32 $0x1  }
0x2: {  	[smem:$0x3F9F] =	sst lr;
	_ =	strace $0xD0000000  }
0x3: {  	_ = 	snop  }
0x4: {  	_ = 	snop  }
0x5: {  	_ = 	snop  }
0x6: {  	_ = 	snop  }
0x7: {  	_ = 	snop  }
__scs_overlays_trampoline_lowered:
0x8: {  	[smem:$0x3FAE] =	sst s0  }
0x9: {  	[smem:$0x3FAF] =	sst s1  }
0xa: {  	[smem:$0x3FB0] =	sst s2  }
0xb: {  	[smem:$0x3FB1] =	sst s3  }
0xc: {  	[smem:$0x3FB2] =	sst s4  }
0xd: {  	[smem:$0x3FB3] =	sst s5  }
0xe: {  	[smem:$0x3FB4] =	sst s6  }
0xf: {  	[smem:$0x3FB5] =	sst s7  }
0x10: {  	[smem:$0x3FB6] =	sst s8  }
0x11: {  	[smem:$0x3FB7] =	sst s9;
	s0 =	simm.s32 @!p0 $0x0  }
0x12: {  	s1 =	sld [smem:$0x3F9D];
	s0 =	simm.s32 @p0 $0x1  }
0x13: {  	[smem:$0x3FB8] =	sst s0;
	s0 =	simm.s32 @!p1 $0x0  }
0x14: {  	s2 =	sld [smem:$0x3F9C];
	s0 =	simm.s32 @p1 $0x1  }
0x15: {  	[smem:$0x3FB9] =	sst s0;
	s0 =	simm.s32 @!p2 $0x0  }
0x16: {  	s3 =	sld [smem:$0x3FDB];
	s0 =	simm.s32 @p2 $0x1  }
0x17: {  	s4 =	simm.s32 $0x1BF5;
	[smem:$0x3FBB] =	sst s0  }
0x18: {  	s0 =	sld [smem:$0x3F9E];
	_ =	swait.ge [sflag:s4], $0x0  }
0x19: {  	s7 =	sld [smem:$0x3F9F]  }
0x1a: {  	s8 =	sadd.s32 $0xFFFFE003, lr  }
0x1b: {  	s9 =	sadd.s32 $0xFFFFFEF7, lr;
	s5 =	simm.s32 $0xFFFFFFFF;
	p2 =	slt.u32 s8, $0xFFFFF086  }
0x1c: {  	p1 =	slt.u32 s9, $0xF7A;
	s5 =	simm.s32 @!p2 $0x0  }
0x1d: {  	s5 =	simm.s32 @p1 $0x1;
	p0 =	seq.s32 s7, s2  }
0x1e: {  	s7 =	smul.u32 @!p0 $0xF7A, s2;
	p2 =	seq.s32 @!p0 s5, $0x0  }
0x1f: {  	s9 =	smul.u32 $0xF7A, s1;
	s8 =	simm.s32 @!p0 $0x1BF5;
	p2 =	por !p2, p0  }
0x20: {  	[sflag:s8] =	ssyncset.s32 @!p0 $0xFFFFF086;
	s6 =	sadd.s32 @!p0 s3, s7;
	s7 =	simm.s32 @!p0 $0x108  }
0x21: {  	s3 =	sadd.s32 s3, s9;
	s6 =	sadd.s32 @!p0 $0x88, s6;
	s7 =	simm.s32 @p2 $0x1082  }
0x22: {  	[simem:s7], [sflag:s8] =	dma.local @!p0 [hbm:s6], $0xF7A  }
0x23: {  	s9 =	sor.u32 $0xD0000000, s2;
	s6 =	simm.s32 $0x108;
	_ =	swait.ge @!p0 [sflag:s8], $0x0  }
0x24: {  	s3 =	sadd.s32 $0x88, s3;
	s6 =	simm.s32 @!p1 $0x1082;
	[sflag:s4] =	ssyncset.s32 $0xFFFFF086  }
0x25: {  	[simem:s6], [sflag:s4] =	dma.local [hbm:s3], $0xF7A  }
0x26: {  	[smem:$0x3F9F] =	sst s1;
	(tag) =	ssettag s2;
	_ =	strace s9  }
0x27: {  	s1 =	sld [smem:$0x3FAF]  }
0x28: {  	s2 =	sld [smem:$0x3FB0]  }
0x29: {  	s4 =	sld [smem:$0x3FB2]  }
0x2a: {  	p0 =	seq.s32 s5, $0x0;
	s5 =	sld [smem:$0x3FB3]  }
0x2b: {  	s6 =	sld [smem:$0x3FB4]  }
0x2c: {  	s7 =	sld [smem:$0x3FB5]  }
0x2d: {  	s3 =	simm.s32 $0x108;
	s8 =	sld [smem:$0x3FB6]  }
0x2e: {  	s3 =	simm.s32 @!p0 $0x1082;
	s9 =	sld [smem:$0x3FB7]  }
0x2f: {  	lr =	sadd.s32 s0, s3;
	s0 =	sld [smem:$0x3FAE]  }
0x30: {  	s3 =	sld [smem:$0x3FB1]  }
0x31: {  	[smem:$0x3FBA] =	sst s10  }
0x32: {  	s10 =	sld [smem:$0x3FB8];
	_ =	sdelay $0x3  }
0x33: {  	p0 =	seq.s32 s10, $0x1;
	s10 =	sld [smem:$0x3FBA];
	_ =	sdelay $0x3  }
0x34: {  	[smem:$0x3FBA] =	sst s10  }
0x35: {  	s10 =	sld [smem:$0x3FB9];
	_ =	sdelay $0x3  }
0x36: {  	p1 =	seq.s32 s10, $0x1;
	s10 =	sld [smem:$0x3FBA];
	_ =	sdelay $0x3  }
0x37: {  	[smem:$0x3FBA] =	sst s10  }
0x38: {  	s10 =	sld [smem:$0x3FBB]  }
0x39: {  	_ = 	snop;
	(pc) =	sbr.ind lr, $3  }
0x3a: {  	_ = 	snop  }
0x3b: {  	_ = 	snop  }
0x3c: {  	p2 =	seq.s32 s10, $0x1;
	s10 =	sld [smem:$0x3FBA]  }
0x3d: {  	_ =	shalt  }
0x3e: {  	_ =	shalt  }
0x3f: {  	_ =	shalt  }
0x40: {  	_ =	shalt  }
0x41: {  	_ =	shalt  }
0x42: {  	_ =	shalt  }
0x43: {  	_ =	shalt  }
0x44: {  	_ =	shalt  }
0x45: {  	_ =	shalt  }
0x46: {  	_ =	shalt  }
0x47: {  	_ =	shalt  }
0x48: {  	_ =	shalt  }
0x49: {  	_ =	shalt  }
0x4a: {  	_ =	shalt  }
0x4b: {  	_ =	shalt  }
0x4c: {  	_ =	shalt  }
0x4d: {  	_ =	shalt  }
0x4e: {  	_ =	shalt  }
0x4f: {  	_ =	shalt  }
0x50: {  	_ =	shalt  }
0x51: {  	_ =	shalt  }
0x52: {  	_ =	shalt  }
0x53: {  	_ =	shalt  }
0x54: {  	_ =	shalt  }
0x55: {  	_ =	shalt  }
0x56: {  	_ =	shalt  }
0x57: {  	_ =	shalt  }
0x58: {  	_ =	shalt  }
0x59: {  	_ =	shalt  }
0x5a: {  	_ =	shalt  }
0x5b: {  	_ =	shalt  }
0x5c: {  	_ =	shalt  }
0x5d: {  	_ =	shalt  }
0x5e: {  	_ =	shalt  }
0x5f: {  	_ =	shalt  }
0x60: {  	_ =	shalt  }
0x61: {  	_ =	shalt  }
0x62: {  	_ =	shalt  }
0x63: {  	_ =	shalt  }
0x64: {  	_ =	shalt  }
0x65: {  	_ =	shalt  }
0x66: {  	_ =	shalt  }
0x67: {  	_ =	shalt  }
0x68: {  	_ =	shalt  }
0x69: {  	_ =	shalt  }
0x6a: {  	_ =	shalt  }
0x6b: {  	_ =	shalt  }
0x6c: {  	_ =	shalt  }
0x6d: {  	_ =	shalt  }
0x6e: {  	_ =	shalt  }
0x6f: {  	_ =	shalt  }
0x70: {  	_ =	shalt  }
0x71: {  	_ =	shalt  }
0x72: {  	_ =	shalt  }
0x73: {  	_ =	shalt  }
0x74: {  	_ =	shalt  }
0x75: {  	_ =	shalt  }
0x76: {  	_ =	shalt  }
0x77: {  	_ =	shalt  }
0x78: {  	_ =	shalt  }
0x79: {  	_ =	shalt  }
0x7a: {  	_ =	shalt  }
0x7b: {  	_ =	shalt  }
0x7c: {  	_ =	shalt  }
0x7d: {  	_ =	shalt  }
0x7e: {  	_ =	shalt  }
0x7f: {  	_ =	shalt  }
0x80: {  	_ =	shalt  }
0x81: {  	_ =	shalt  }
0x82: {  	_ =	shalt  }
0x83: {  	_ =	shalt  }
0x84: {  	_ =	shalt  }
0x85: {  	_ =	shalt  }
0x86: {  	_ =	shalt  }
0x87: {  	_ =	shalt  }
.Lfunc_end0:
.L_simem_size_0:
called_computation.1_lowered:
.L_overlay_start_0:
0x88: {  	s2 =	sld [smem:$0x3FD9]  }
0x89: {  	s3 =	sld [smem:$0x3FFE];
	_ =	sdelay $0x1  }
0x8a: {  	s1 =	srdreg.scid  }
0x8b: {  	s0 =	sand.u32 $0x1, s1  }
0x8c: {  	s17 =	sshll.u32 s0, $0xA;
	s2 =	sadd.s32 s3, s2  }
0x8d: {  	s2 =	sadd.s32 s2, s17  }
0x8e: {  	[smem:$0x3FC6] =	sst s2  }
0x8f: {  	_ = 	snop  }
0x90: {  	s2 =	sld [smem:$0x3FC9]  }
0x91: {  	s18 =	sld [smem:$0x3FD0];
	(tm) =	ssettm $0x1  }
0x92: {  	s4 =	sld [smem:$0x3FFB];
	_ =	sdelay $0x3  }
0x93: {  	_ =	strace s4  }
0x94: {  	s4 =	sld [smem:$0x3FFC];
	_ =	sdelay $0x3  }
0x95: {  	_ =	strace s4  }
0x96: {  	s4 =	sld [smem:$0x3FFD];
	_ =	sdelay $0x3  }
0x97: {  	_ =	strace s4  }
0x98: {  	_ =	strace $0x8FFFFFFF  }
0x99: {  	s19 =	sld [smem:$0x3FDB];
	_ =	sdelay $0x1  }
0x9a: {  	s5 =	simm.s32 $_scs_section_size  }
0x9b: {  	s6 =	simm.s32 $_size__tile_overlayer_lowered;
	s7 =	simm.s32 $_tile_overlayer_lowered  }
0x9c: {  	s22 =	simm.s32 $0x1BFF;
	s21 =	sshll.u32 s7, $0x1;
	s4 =	sadd.s32 s5, s19  }
0x9d: {  	s8 =	simm.s32 $0x0;
	s20 =	sshll.u32 s6, $0x1;
	s6 =	sadd.s32 s21, s4  }
0x9e: {  	[timem:s8], [sflag:s22] =	dma.local [hbm:s6], s20  }
0x9f: {  	_ =	swait.ge [sflag:s22], s20  }
0xa0: {  	s5 =	ssub.s32 $0x0, s20;
	[sflag:s22] =	ssyncset.done $0x0  }
0xa1: {  	[sflag:s22] =	ssyncadd.s32 s5;
	_ =	sdelay $0x1  }
0xa2: {  	s23 =	simm.s32 $0x1B8B  }
0xa3: {  	_ =	swait.ge [sflag:s23], $0x1  }
0xa4: {  	[sflag:s23] =	ssyncset.done $0x0  }
0xa5: {  	s25 =	simm.s32 $0x1B8E;
	s24 =	sld [smem:$0x3FFE];
	[sflag:s23] =	ssyncadd.s32 $0xFFFFFFFF  }
0xa6: {  	s26 =	simm.s32 $execute0_lowered;
	[smem:$0x3FD2] =	sst s25  }
0xa7: {  	s6 =	sshll.u32 s26, $0x1;
	_ =	strace $0x80000049;
	[dreg:$0x1] =	wrdreg $0xFFFFFFFF  }
0xa8: {  	s28 =	simm.s32 $_size_execute0_lowered;
	s4 =	sadd.s32 s4, s6;
	[dreg:$0x0] =	wrdreg $0x0  }
0xa9: {  	s6 =	sshll.u32 s28, $0x1;
	[dreg:$0x2] =	wrdreg s4  }
0xaa: {  	[dreg:$0x3] =	wrdreg s6  }
0xab: {  	[dreg:$0x4] =	wrdreg $0xC0  }
0xac: {  	_ =	task [dreg:s8], $0x5FFFF  }
0xad: {  	[dreg:$0x1] =	wrdreg $0xFFFFFFFF  }
0xae: {  	[dreg:$0x0] =	wrdreg $0x60  }
0xaf: {  	[dreg:$0x2] =	wrdreg s24  }
0xb0: {  	[dreg:$0x3] =	wrdreg s2  }
0xb1: {  	[dreg:$0x4] =	wrdreg s18  }
0xb2: {  	[dreg:$0x5] =	wrdreg $0x9  }
0xb3: {  	_ =	task.clear_ibuf [dreg:s8], $0x6FFFF;
	_ =	strace $0x90000049  }
0xb4: {  	s29 =	simm.s32 $0x9;
	_ =	strace $0x8000004B  }
0xb5: {  	_ =	swait.ge [sflag:s29], $0x1  }
0xb6: {  	[sflag:s29] =	ssyncadd.s32 $0xFFFFFFFF  }
0xb7: {  	_ =	strace $0x9000004B  }
0xb8: {  	_ =	sfence  }
0xb9: {  	s30 =	sld [smem:$0x0];
	_ =	sdelay $0x2  }
0xba: {  	s31 =	sshll.u32 s1, $0xD;
	s1 =	sshrl.u32 s1, $0x2  }
0xbb: {  	s3 =	sand.u32 $0x4000, s31;
	s1 =	sadd.s32 s1, s30  }
0xbc: {  	s0 =	sor.u32 s3, s0;
	s1 =	sshll.u32 s1, $0x11  }
0xbd: {  	s0 =	sor.u32 s1, s0  }
0xbe: {  	s0 =	sadd.s32 $0x8F2B, s0  }
0xbf: {  	[sflag:s0] =	ssyncadd.remote.s32 $0x1  }
0xc0: {  	_ =	sfence.sel $0xFFFF  }
0xc1: {  	[dreg:$0x0] =	wrdreg $0xFFFFFFFF;
	(pc) =	sbr.abs _section_cstart, $3  }
0xc2: {  	[dreg:$0x1] =	wrdreg $0xFFFFFFFF  }
0xc3: {  	_ =	task.clear_ibuf [dreg:s8], $0x2FFFF;
	_ =	strace $0x9FFFFFFF  }
0xc4: {  	(tm) =	ssettm $0x7FFFFFFF  }
0xc5: {  	_ =	shalt  }
tec
execute0_lowered:
.L_overlay_start_1:
0x0: {  	(tag) =	ssettag $0x1  }
0x1: {  	s0 =	srdreg.scid;
	s1 =	rddreg [dreg:$0x0]  }
0x2: {  	s8 =	stileid.u32;
	s2 =	rddreg [dreg:$0x1];
	s5 =	simm.s32 $0x0  }
0x3: {  	s15 =	simm.s32 $0x400;
	s16 =	simm.s32 $0x1;
	s28 =	simm.s32 $0x16848  }
0x4: {  	s29 =	simm.s32 $0x168D0;
	s30 =	simm.s32 $0x16958;
	s10 =	smul.u32 $0x640, s8  }
0x5: {  	s31 =	simm.s32 $0x169E0;
	s19 =	simm.s32 $0x0;
	s12 =	smul.u32 $0x64000, s8  }
0x6: {  	s0 =	sand.u32 $0x1, s0;
	s3 =	sshll.u32 s8, $0x1;
	s14 =	smul.u32 $0xC800, s8  }
0x7: {  	[smem:$0x7FF] =	sst s5;
	s6 =	sadd.s32 $0x800, s1;
	s11 =	smul.u32 $0x320, s0  }
0x8: {  	s4 =	sor.u32 s0, s3;
	s3 =	rddreg [dreg:$0x2];
	s13 =	smul.u32 $0x32000, s0  }
0x9: {  	_ =	strace $0x8000004A;
	s7 =	ssub.s32 $0x2, s0;
	s0 =	smul.u32 $0x6400, s0  }
0xa: {  	s4 =	smul.u32 $0xC8, s4;
	s25 =	sshrl.u32 s7, $0x1;
	s8 =	sadd.s32 $0x2000, s3  }
0xb: {  	s9 =	sadd.s32 $0x3000, s3;
	s1 =	ssub.s32 s7, s25;
	s7 =	sadd.s32 $0x1000, s3  }
0xc: {  	s11 =	sadd.s32 s11, s10;
	s26 =	sadd.s32 s13, s12;
	s0 =	sadd.s32 s0, s14  }
0xd: {  	v0 =	vlaneseq.u32;
	s14 =	simm.s32 $0x80;
	s25 =	simm.s32 $0x3;
	s10 =	simm.s32 $0x16A68  }
0xe: {  	v0 =	vmul.u32 $0x88, v0;
	s12 =	simm.s32 $0x16AF0;
	s13 =	simm.s32 $0x16B78;
	[dreg:$0x5] =	wrdreg s26  }
0xf: {  	s1 =	smax.u32 s1, $0x1;
	[dreg:$0x6] =	wrdreg s0;
	s0 =	simm.s32 $0xE400  }
0x10: {  	v1 =	vadd.s32 $0x880, v0;
	s26 =	simm.s32 $0x12800;
	[dreg:$0x4] =	wrdreg s1;
	s1 =	simm.s32 $0x2  }
.LBB2_1:
0x11: {  	s22 =	rddreg [dreg:$0x6]  }
0x12: {  	s20 =	rddreg [dreg:$0x5]  }
0x13: {  	s18 =	sadd.s32 $0x0, s11;
	s17 =	sand.u32 $0x7FFF8000, s22;
	s24 =	sand.u32 $0x7000, s20  }
0x14: {  	[dreg:$0x7] =	wrdreg s19;
	s18 =	sand.u32 $0x380, s18;
	s17 =	sor.u32 s24, s17  }
0x15: {  	s19 =	sadd.s32 $0x1000, s20;
	s20 =	sadd.s32 $0x200, s22;
	s18 =	sor.u32 s18, s17  }
0x16: {  	s17 =	simm.s32 $0x10;
	s21 =	sshrl.u32 s18, $0x3;
	s18 =	simm.s32 $0x0  }
.LBB2_2:
0x17: {  	s22 =	sand.u32 $0x7FFF8000, s20  }
0x18: {  	s23 =	sadd.s32 s17, s11;
	s21 =	sadd.s32 s2, s21;
	p0 =	sne.s32 s17, $0x310  }
0x19: {  	[tilespmem:s18], [sflag:$0x1] =	stream.strided.gather [hbm4b:s21+s14], $0x200, s15, s14, $0x38;
	[tilespmem:$0x16C00] =	vst v63  }
.Ltmp0:
0x1a: {  	_ = 	snop;
	(pc) =	sbr.rel @p0 .LBB2_2-.Ltmp0, $4  }
0x1b: {  	s17 =	sadd.s32 $0x10, s17;
	s21 =	sand.u32 $0x7000, s19  }
0x1c: {  	s21 =	sor.u32 s21, s22;
	s22 =	sand.u32 $0x380, s23  }
0x1d: {  	s18 =	sadd.s32 $0x200, s18;
	s21 =	sor.u32 s22, s21  }
0x1e: {  	s20 =	sadd.s32 $0x200, s20;
	s19 =	sadd.s32 $0x1000, s19;
	s21 =	sshrl.u32 s21, $0x3  }
0x1f: {  	s17 =	sadd.s32 s2, s21  }
0x20: {  	[tilespmem:s18], [sflag:$0x1] =	stream.strided.gather [hbm4b:s17+s14], $0x200, s15, s14, $0x38;
	[tilespmem:$0x16C00] =	vst v63  }
0x21: {  	_ =	swait.ge [sflag:s16], $0x200  }
0x22: {  	s17 =	simm.s32 $0x31;
	[sflag:s16] =	ssyncset.done $0x0  }
.LBB2_4:
0x23: {  	p0 =	sne.s32 s17, $0x1;
	s17 =	sadd.s32 $0xFFFFFFFF, s17;
	[sflag:s16] =	ssyncadd.s32 $0xFFFFFE00  }
.Ltmp1:
0x24: {  	(pc) =	sbr.rel @p0 .LBB2_4-.Ltmp1, $3  }
0x25: {  	_ =	sdelay $0x1  }
0x26: {  	_ =	swait.ge [sflag:s16], $0x200  }
0x27: {  	[sflag:s16] =	ssyncset.done $0x0  }
0x28: {  	[sflag:s16] =	ssyncadd.s32 $0xFFFFFE00;
	s17 =	simm.s32 $0x0;
	s18 =	simm.s32 $0x6400  }
0x29: {  	[tilespmem:s18], [sflag:$0x2] =	stream.indirect.gather [hbm4b:s6+s14], $0x20, s17, s14, $0xb8;
	[tilespmem:$0x16C00] =	vst v63  }
0x2a: {  	s19 =	simm.s32 $0x7400  }
0x2b: {  	[tilespmem:s19], [sflag:$0x2] =	stream.indirect.gather [hbm4b:s6+s14], $0x20, s14, s14, $0xb8;
	[tilespmem:$0x16C00] =	vst v63  }
0x2c: {  	s20 =	simm.s32 $0x100;
	s19 =	simm.s32 $0x8400  }
0x2d: {  	[tilespmem:s19], [sflag:$0x2] =	stream.indirect.gather [hbm4b:s6+s14], $0x20, s20, s14, $0xb8;
	[tilespmem:$0x16C00] =	vst v63  }
0x2e: {  	s21 =	simm.s32 $0x180;
	s22 =	simm.s32 $0x9400  }
0x2f: {  	[tilespmem:s22], [sflag:$0x2] =	stream.indirect.gather [hbm4b:s6+s14], $0x20, s21, s14, $0xb8;
	[tilespmem:$0x16C00] =	vst v63  }
0x30: {  	s23 =	simm.s32 $0x200;
	s24 =	simm.s32 $0xA400  }
0x31: {  	[tilespmem:s24], [sflag:$0x3] =	stream.indirect.gather [hbm4b:s6+s14], $0x20, s23, s14, $0xb8;
	[tilespmem:$0x16C00] =	vst v63  }
0x32: {  	s19 =	simm.s32 $0x280;
	s20 =	simm.s32 $0xB400  }
0x33: {  	[tilespmem:s20], [sflag:$0x3] =	stream.indirect.gather [hbm4b:s6+s14], $0x20, s19, s14, $0xb8;
	[tilespmem:$0x16C00] =	vst v63  }
0x34: {  	s21 =	simm.s32 $0x300;
	s22 =	simm.s32 $0xC400  }
0x35: {  	[tilespmem:s22], [sflag:$0x3] =	stream.indirect.gather [hbm4b:s6+s14], $0x20, s21, s14, $0xb8;
	[tilespmem:$0x16C00] =	vst v63  }
0x36: {  	s18 =	simm.s32 $0x0;
	s23 =	simm.s32 $0x380;
	s24 =	simm.s32 $0xD400  }
0x37: {  	[tilespmem:s24], [sflag:$0x3] =	stream.indirect.gather [hbm4b:s6+s14], $0x20, s23, s14, $0xb8;
	[tilespmem:$0x16C00] =	vst v63  }
.LBB2_6:
0x38: {  	_ =	swait.ge [sflag:s1], $0x1000  }
0x39: {  	[sflag:s1] =	ssyncset.done $0x0  }
0x3a: {  	[sflag:s1] =	ssyncadd.s32 $0xFFFFF000  }
0x3b: {  	_ =	swait.ge [sflag:s1], $0x1000  }
0x3c: {  	[sflag:s1] =	ssyncset.done $0x0  }
0x3d: {  	[sflag:s1] =	ssyncadd.s32 $0xFFFFF000  }
0x3e: {  	_ =	swait.ge [sflag:s1], $0x1000  }
0x3f: {  	[sflag:s1] =	ssyncset.done $0x0  }
0x40: {  	s19 =	sshll.u32 s18, $0x1;
	[sflag:s1] =	ssyncadd.s32 $0xFFFFF000  }
0x41: {  	s19 =	sadd.s32 $0xFFFFFFFE, s19;
	_ =	swait.ge [sflag:s1], $0x1000  }
0x42: {  	p0 =	sgt.u32 s19, $0x31;
	[sflag:s1] =	ssyncset.done $0x0  }
0x43: {  	s19 =	simm.s32 @!p0 $0x4;
	[sflag:s1] =	ssyncadd.s32 $0xFFFFF000  }
0x44: {  	_ =	swait.ge @!p0 [sflag:s19], $0x1000  }
0x45: {  	[sflag:s19] =	ssyncset.done @!p0 $0x0  }
0x46: {  	[sflag:s19] =	ssyncadd.s32 @!p0 $0xFFFFF000  }
0x47: {  	_ =	swait.ge @!p0 [sflag:s19], $0x1000  }
0x48: {  	[sflag:s19] =	ssyncset.done @!p0 $0x0  }
0x49: {  	[sflag:s19] =	ssyncadd.s32 @!p0 $0xFFFFF000  }
0x4a: {  	s20 =	simm.s32 $0x0;
	_ =	swait.ge @!p0 [sflag:s19], $0x1000  }
0x4b: {  	v2 =	vmov s20;
	[sflag:s19] =	ssyncset.done @!p0 $0x0  }
0x4c: {  	v3 =	vmov s17;
	v2 =	vmul.u32 $0x1100, v2;
	[sflag:s19] =	ssyncadd.s32 @!p0 $0xFFFFF000  }
0x4d: {  	s24 =	simm.s32 $0x1;
	s21 =	simm.s32 $0x2;
	v6 =	vand.u32 $0x4, v3;
	v7 =	vand.u32 $0x78, v3;
	_ =	swait.ge @!p0 [sflag:s19], $0x1000  }
0x4e: {  	v3 =	vmov s24;
	v4 =	vmov s21;
	s21 =	simm.s32 $0x3;
	v8 =	vbroadcast v2, $0x0;
	[sflag:s19] =	ssyncset.done @!p0 $0x0  }
0x4f: {  	v9 =	vand.u32 $0x5, v3;
	v10 =	vand.u32 $0x6, v4;
	v2 =	vmov s21;
	[sflag:s19] =	ssyncadd.s32 @!p0 $0xFFFFF000;
	s19 =	simm.s32 $0x6440  }
0x50: {  	v11 =	vand.u32 $0x78, v3;
	v12 =	vand.u32 $0x78, v2;
	v3 =	vadd.s32 v0, v8;
	v5 =	vld [tilespmem:s19+$0x20]  }
0x51: {  	s23 =	simm.s32 $0x5;
	v13 =	vand.u32 $0x78, v4;
	v14 =	vand.u32 $0x7, v2;
	v2 =	vadd.s32 v12, v3;
	v4 =	vld [tilespmem:s19+$0xFFFFFFC0]  }
0x52: {  	v22 =	vmov s23;
	v15 =	vadd.s32 v7, v3;
	v18 =	vor.u32 v14, v2;
	v16 =	vld [tilespmem:s19+$0xFFFFFFE0]  }
0x53: {  	s24 =	simm.s32 $0x6;
	v8 =	vadd.s32 v1, v8;
	v17 =	vadd.s32 v11, v3;
	v15 =	vor.u32 v6, v15;
	v19 =	vld [tilespmem:s19+$0x0]  }
0x54: {  	v24 =	vmov s24;
	v7 =	vadd.s32 v7, v8;
	v17 =	vor.u32 v9, v17  }
0x55: {  	v12 =	vadd.s32 v12, v8;
	v2 =	vadd.s32 v13, v3;
	v21 =	vmul.f32 $5.656854150e+00, v5  }
0x56: {  	s22 =	simm.s32 $0x4;
	v11 =	vadd.s32 v11, v8;
	v20 =	vor.u32 v10, v2;
	v23 =	vmul.f32 $5.656854150e+00, v4  }
0x57: {  	s21 =	simm.s32 $0x0;
	v3 =	vmov s22;
	v12 =	vor.u32 v14, v12;
	v16 =	vmul.f32 $5.656854150e+00, v16;
	[tilespmem:v18+s0+$0x0] =	vst.idx.msk $0xffff, v21  }
0x58: {  	v14 =	vor.u32 v6, v7;
	[tilespmem:v15+s0+$0x0] =	vst.idx.msk $0xffff, v23;
	v15 =	vmul.f32 $5.656854150e+00, v19;
	v19 =	vmov s21;
	v18 =	vld [tilespmem:s19+$0x30]  }
0x59: {  	v6 =	vadd.s32 v13, v8;
	v8 =	vand.u32 $0x78, v22;
	[tilespmem:v17+s0+$0x0] =	vst.idx.msk $0xffff, v16;
	v21 =	vld [tilespmem:s19+$0xFFFFFFD0];
	v16 =	vmul.u32 $0x1100, v19  }
0x5a: {  	v7 =	vand.u32 $0x78, v24;
	v2 =	vand.u32 $0x4, v3;
	v6 =	vor.u32 v10, v6  }
0x5b: {  	s22 =	simm.s32 $0x7;
	v5 =	vand.u32 $0x78, v3;
	v19 =	vor.u32 v9, v11;
	v11 =	vld [tilespmem:s19+$0xFFFFFFF0];
	[tilespmem:v20+s0+$0x0] =	vst.idx.msk $0xffff, v15;
	v23 =	vbroadcast v16, $0x0  }
0x5c: {  	v4 =	vand.u32 $0x5, v22;
	v3 =	vand.u32 $0x6, v24;
	v9 =	vmov s22;
	v13 =	vld [tilespmem:s19+$0x10];
	s19 =	simm.s32 $0x64C0  }
0x5d: {  	v10 =	vand.u32 $0x78, v9;
	v16 =	vadd.s32 v0, v23;
	v15 =	vmul.f32 $5.656854150e+00, v18;
	v18 =	vld [tilespmem:s19+$0x20]  }
0x5e: {  	v9 =	vand.u32 $0x7, v9;
	v20 =	vmul.f32 $5.656854150e+00, v21;
	v21 =	vld [tilespmem:s19+$0xFFFFFFC0];
	v17 =	vadd.s32 v10, v16  }
0x5f: {  	v62 =	vld [tilespmem:s19+$0xFFFFFFE0];
	v22 =	vadd.s32 v5, v16;
	v25 =	vadd.s32 v8, v16;
	v26 =	vor.u32 v9, v17  }
0x60: {  	s20 =	simm.s32 $0x8;
	v63 =	vld [tilespmem:s19+$0x0];
	v16 =	vadd.s32 v7, v16;
	v27 =	vor.u32 v2, v22;
	v17 =	vor.u32 v4, v25  }
0x61: {  	s23 =	simm.s32 $0x9;
	v16 =	vor.u32 v3, v16;
	v22 =	vmul.f32 $5.656854150e+00, v11;
	[tilespmem:v12+s0+$0x0] =	vst.idx.msk $0xffff, v15;
	v12 =	vmov s20  }
0x62: {  	[tilespmem:v14+s0+$0x0] =	vst.idx.msk $0xffff, v20;
	v14 =	vmul.f32 $5.656854150e+00, v13;
	v20 =	vmov s23;
	v13 =	vmul.f32 $5.656854150e+00, v18  }
0x63: {  	s24 =	simm.s32 $0xA;
	v11 =	vand.u32 $0x4, v12;
	v15 =	vand.u32 $0x78, v12;
	[tilespmem:v19+s0+$0x0] =	vst.idx.msk $0xffff, v22;
	v18 =	vmul.f32 $5.656854150e+00, v21  }
0x64: {  	v12 =	vand.u32 $0x5, v20;
	v19 =	vmov s24;
	v22 =	vmul.f32 $5.656854150e+00, v62;
	[tilespmem:v26+s0+$0x0] =	vst.idx.msk $0xffff, v13  }
0x65: {  	s21 =	simm.s32 $0xC;
	s22 =	simm.s32 $0x0;
	v21 =	vadd.s32 v1, v23;
	v23 =	vmul.f32 $5.656854150e+00, v63;
	v13 =	vand.u32 $0x6, v19;
	[tilespmem:v27+s0+$0x0] =	vst.idx.msk $0xffff, v18;
	v18 =	vld [tilespmem:s19+$0x30]  }
.LBB2_7:
0x66: {  	p1 =	slt.u32 s21, $0x1FC;
	v24 =	vmov s22;
	v25 =	vld [tilespmem:s19+$0xFFFFFFD0];
	v26 =	vadd.s32 v5, v21;
	[tilespmem:v17+s0+$0x0] =	vst.idx.msk $0xffff, v22;
	v10 =	vadd.s32 v10, v21;
	v5 =	vmovc v15  }
0x67: {  	v8 =	vadd.s32 v8, v21;
	v15 =	vmul.u32 $0x1100, v24;
	v22 =	vld [tilespmem:s19+$0xFFFFFFF0];
	[tilespmem:v16+s0+$0x0] =	vst.idx.msk $0xffff, v23;
	v16 =	vor.u32 v9, v10  }
0x68: {  	v7 =	vadd.s32 v7, v21;
	v23 =	vor.u32 v2, v26;
	v24 =	vor.u32 v4, v8;
	v2 =	vmovc v11;
	v26 =	vld [tilespmem:s19+$0x10]  }
0x69: {  	s22 =	sadd.s32 $0x3, s20;
	s20 =	smov.u32 s21;
	v8 =	vand.u32 $0x78, v20;
	v4 =	vmovc v12;
	v21 =	vbroadcast v15, $0x0;
	[tilespmem:v6+s0+$0x0] =	vst.idx.msk $0xffff, v14;
	v6 =	vor.u32 v3, v7  }
0x6a: {  	v9 =	vmov s22;
	s19 =	sadd.s32 $0x80, s19;
	v7 =	vand.u32 $0x78, v19;
	v3 =	vmovc v13;
	v11 =	vmul.f32 $5.656854150e+00, v18  }
0x6b: {  	v10 =	vand.u32 $0x78, v9;
	v12 =	vadd.s32 v0, v21;
	v13 =	vld [tilespmem:s19+$0x20];
	v14 =	vmul.f32 $5.656854150e+00, v25  }
0x6c: {  	v9 =	vand.u32 $0x7, v9;
	v18 =	vld [tilespmem:s19+$0xFFFFFFC0];
	v15 =	vadd.s32 v5, v12;
	v17 =	vadd.s32 v10, v12;
	[tilespmem:v16+s0+$0x0] =	vst.idx.msk $0xffff, v11  }
0x6d: {  	v11 =	vadd.s32 v8, v12;
	v12 =	vadd.s32 v7, v12;
	v25 =	vld [tilespmem:s19+$0xFFFFFFE0];
	v27 =	vor.u32 v9, v17  }
0x6e: {  	v28 =	vor.u32 v2, v15;
	v17 =	vor.u32 v4, v11;
	v16 =	vor.u32 v3, v12;
	v29 =	vld [tilespmem:s19+$0x0]  }
.Ltmp2:
0x6f: {  	v19 =	vmul.f32 $5.656854150e+00, v22;
	v12 =	vmov s21;
	[tilespmem:v23+s0+$0x0] =	vst.idx.msk $0xffff, v14;
	v14 =	vmul.f32 $5.656854150e+00, v26;
	(pc) =	sbr.rel @p1 .LBB2_7-.Ltmp2, $4  }
0x70: {  	s22 =	sadd.s32 $0x1, s21;
	v11 =	vand.u32 $0x4, v12;
	v13 =	vmul.f32 $5.656854150e+00, v13  }
0x71: {  	v20 =	vmov s22;
	s22 =	sadd.s32 $0x2, s21;
	v15 =	vand.u32 $0x78, v12;
	v18 =	vmul.f32 $5.656854150e+00, v18;
	[tilespmem:v24+s0+$0x0] =	vst.idx.msk $0xffff, v19  }
0x72: {  	v12 =	vand.u32 $0x5, v20;
	v19 =	vmov s22;
	v22 =	vmul.f32 $5.656854150e+00, v25;
	[tilespmem:v27+s0+$0x0] =	vst.idx.msk $0xffff, v13  }
0x73: {  	v21 =	vadd.s32 v1, v21;
	s21 =	sadd.s32 $0x4, s21;
	s22 =	sshrl.u32 s20, $0x7;
	v13 =	vand.u32 $0x6, v19;
	[tilespmem:v28+s0+$0x0] =	vst.idx.msk $0xffff, v18;
	v23 =	vmul.f32 $5.656854150e+00, v29;
	v18 =	vld [tilespmem:s19+$0x30]  }
0x74: {  	v24 =	vmov s22  }
0x75: {  	v24 =	vmul.u32 $0x1100, v24;
	_ =	sdelay $0x1  }
0x76: {  	s20 =	sadd.s32 $0x3, s20;
	v24 =	vbroadcast v24, $0x0  }
0x77: {  	s21 =	sadd.s32 $0x80, s19;
	v25 =	vmov s20  }
0x78: {  	v27 =	vld [tilespmem:s21+$0x20];
	v28 =	vand.u32 $0x78, v25;
	v26 =	vadd.s32 v0, v24  }
0x79: {  	v29 =	vld [tilespmem:s21+$0xFFFFFFC0];
	v25 =	vand.u32 $0x7, v25;
	v30 =	vadd.s32 v28, v26  }
0x7a: {  	v20 =	vand.u32 $0x78, v20;
	v32 =	vld [tilespmem:s21+$0xFFFFFFE0];
	v31 =	vadd.s32 v15, v26;
	v30 =	vor.u32 v25, v30  }
0x7b: {  	[tilespmem:v17+s0+$0x0] =	vst.idx.msk $0xffff, v22;
	v17 =	vand.u32 $0x78, v19;
	v56 =	vld [tilespmem:s21+$0x0];
	v19 =	vadd.s32 v20, v26;
	v22 =	vor.u32 v11, v31  }
0x7c: {  	v5 =	vadd.s32 v5, v21;
	v26 =	vadd.s32 v17, v26;
	v19 =	vor.u32 v12, v19  }
0x7d: {  	v10 =	vadd.s32 v10, v21;
	[tilespmem:v16+s0+$0x0] =	vst.idx.msk $0xffff, v23;
	v16 =	vld [tilespmem:s19+$0xFFFFFFD0];
	v57 =	vmul.f32 $5.656854150e+00, v27;
	v23 =	vor.u32 v13, v26  }
0x7e: {  	[tilespmem:v6+s0+$0x0] =	vst.idx.msk $0xffff, v14;
	v8 =	vadd.s32 v8, v21;
	v6 =	vor.u32 v9, v10;
	v9 =	vld [tilespmem:s19+$0xFFFFFFF0];
	v10 =	vmul.f32 $5.656854150e+00, v29  }
0x7f: {  	v2 =	vor.u32 v2, v5;
	v4 =	vor.u32 v4, v8;
	v5 =	vld [tilespmem:s19+$0x10];
	v8 =	vmul.f32 $5.656854150e+00, v32;
	[tilespmem:v30+s0+$0x0] =	vst.idx.msk $0xffff, v57  }
0x80: {  	v7 =	vadd.s32 v7, v21;
	v14 =	vmul.f32 $5.656854150e+00, v56;
	[tilespmem:v22+s0+$0x0] =	vst.idx.msk $0xffff, v10;
	v10 =	vadd.s32 v1, v24;
	v21 =	vld [tilespmem:s21+$0x30]  }
0x81: {  	v3 =	vor.u32 v3, v7;
	v7 =	vmul.f32 $5.656854150e+00, v18;
	[tilespmem:v19+s0+$0x0] =	vst.idx.msk $0xffff, v8;
	v18 =	vld [tilespmem:s21+$0xFFFFFFD0];
	v8 =	vadd.s32 v28, v10  }
0x82: {  	v16 =	vmul.f32 $5.656854150e+00, v16;
	[tilespmem:v23+s0+$0x0] =	vst.idx.msk $0xffff, v14;
	v15 =	vadd.s32 v15, v10;
	v19 =	vld [tilespmem:s21+$0xFFFFFFF0];
	v8 =	vor.u32 v25, v8  }
0x83: {  	[tilespmem:v6+s0+$0x0] =	vst.idx.msk $0xffff, v7;
	v6 =	vmul.f32 $5.656854150e+00, v9;
	v7 =	vadd.s32 v20, v10;
	v9 =	vor.u32 v11, v15;
	v11 =	vld [tilespmem:s21+$0x10]  }
0x84: {  	[tilespmem:v2+s0+$0x0] =	vst.idx.msk $0xffff, v16;
	v2 =	vmul.f32 $5.656854150e+00, v5;
	v5 =	vor.u32 v12, v7;
	v7 =	vadd.s32 v17, v10  }
0x85: {  	[tilespmem:v4+s0+$0x0] =	vst.idx.msk $0xffff, v6;
	v4 =	vor.u32 v13, v7;
	v6 =	vmul.f32 $5.656854150e+00, v21  }
0x86: {  	[tilespmem:v3+s0+$0x0] =	vst.idx.msk $0xffff, v2;
	v2 =	vmul.f32 $5.656854150e+00, v18  }
0x87: {  	p1 =	seq.s32 s18, $0x18;
	v3 =	vmul.f32 $5.656854150e+00, v19;
	[tilespmem:v8+s0+$0x0] =	vst.idx.msk $0xffff, v6  }
0x88: {  	s19 =	sshll.u32 @!p1 s18, $0xA;
	[tilespmem:v9+s0+$0x0] =	vst.idx.msk $0xffff, v2;
	v2 =	vmul.f32 $5.656854150e+00, v11  }
0x89: {  	s19 =	sand.u32 @!p1 $0x3FFFFC00, s19;
	[tilespmem:v5+s0+$0x0] =	vst.idx.msk $0xffff, v3  }
0x8a: {  	s22 =	simm.s32 @!p1 $0x6400;
	s20 =	sadd.s32 @!p1 $0x400, s19;
	s21 =	simm.s32 @!p1 $0x80;
	[tilespmem:v4+s0+$0x0] =	vst.idx.msk $0xffff, v2  }
0x8b: {  	[tilespmem:s22], [sflag:$0x2] =	stream.indirect.gather @!p1 [hbm4b:s6+s21], $0x20, s20, s21, $0xb8;
	[tilespmem:$0x16C00] =	vst v63  }
0x8c: {  	s20 =	sadd.s32 @!p1 $0x480, s19;
	s22 =	simm.s32 @!p1 $0x7400  }
0x8d: {  	[tilespmem:s22], [sflag:$0x2] =	stream.indirect.gather @!p1 [hbm4b:s6+s21], $0x20, s20, s21, $0xb8;
	[tilespmem:$0x16C00] =	vst v63  }
0x8e: {  	s20 =	sadd.s32 @!p1 $0x500, s19;
	s22 =	simm.s32 @!p1 $0x8400  }
0x8f: {  	[tilespmem:s22], [sflag:$0x2] =	stream.indirect.gather @!p1 [hbm4b:s6+s21], $0x20, s20, s21, $0xb8;
	[tilespmem:$0x16C00] =	vst v63  }
0x90: {  	s20 =	sadd.s32 @!p1 $0x580, s19;
	s22 =	simm.s32 @!p1 $0x9400  }
0x91: {  	[tilespmem:s22], [sflag:$0x2] =	stream.indirect.gather @!p1 [hbm4b:s6+s21], $0x20, s20, s21, $0xb8;
	[tilespmem:$0x16C00] =	vst v63  }
0x92: {  	s20 =	sshll.u32 s18, $0x3  }
0x93: {  	s22 =	sadd.s32 s4, s20  }
0x94: {  	s23 =	sshll.u32 s22, $0x9;
	s21 =	sshll.u32 s22, $0x7  }
0x95: {  	s22 =	sand.u32 $0xFFFC000, s23;
	s21 =	sand.u32 $0xC00, s21  }
0x96: {  	s21 =	sor.u32 s21, s22  }
0x97: {  	s22 =	sadd.s32 s3, s21  }
0x98: {  	[hbm4b:s22+s5] =	stream.linear.scatter [tilespmem:s0], [sflag:$0x4], $0x80, $0x38;
	[tilespmem:$0x16C00] =	vst v63  }
0x99: {  	s24 =	simm.s32 $0xE488;
	s23 =	sadd.s32 $0x10, s22  }
0x9a: {  	[hbm4b:s23+s5] =	stream.linear.scatter [tilespmem:s24], [sflag:$0x4], $0x80, $0x38;
	[tilespmem:$0x16C00] =	vst v63  }
0x9b: {  	s23 =	sadd.s32 $0x20, s22;
	s24 =	simm.s32 $0xE510  }
0x9c: {  	[hbm4b:s23+s5] =	stream.linear.scatter [tilespmem:s24], [sflag:$0x4], $0x80, $0x38;
	[tilespmem:$0x16C00] =	vst v63  }
0x9d: {  	s23 =	sadd.s32 $0x30, s22;
	s24 =	simm.s32 $0xE598  }
0x9e: {  	[hbm4b:s23+s5] =	stream.linear.scatter [tilespmem:s24], [sflag:$0x4], $0x80, $0x38;
	[tilespmem:$0x16C00] =	vst v63  }
0x9f: {  	s23 =	sadd.s32 $0x40, s22;
	s24 =	simm.s32 $0xE620  }
0xa0: {  	[hbm4b:s23+s5] =	stream.linear.scatter [tilespmem:s24], [sflag:$0x4], $0x80, $0x38;
	[tilespmem:$0x16C00] =	vst v63  }
0xa1: {  	s23 =	sadd.s32 $0x50, s22;
	s24 =	simm.s32 $0xE6A8  }
0xa2: {  	[hbm4b:s23+s5] =	stream.linear.scatter [tilespmem:s24], [sflag:$0x4], $0x80, $0x38;
	[tilespmem:$0x16C00] =	vst v63  }
0xa3: {  	s23 =	sadd.s32 $0x60, s22;
	s24 =	simm.s32 $0xE730  }
0xa4: {  	[hbm4b:s23+s5] =	stream.linear.scatter [tilespmem:s24], [sflag:$0x4], $0x80, $0x38;
	[tilespmem:$0x16C00] =	vst v63  }
0xa5: {  	s23 =	sadd.s32 $0x70, s22;
	s24 =	simm.s32 $0xE7B8  }
0xa6: {  	[hbm4b:s23+s5] =	stream.linear.scatter [tilespmem:s24], [sflag:$0x4], $0x80, $0x38;
	[tilespmem:$0x16C00] =	vst v63  }
0xa7: {  	s23 =	sadd.s32 $0x80, s22;
	s24 =	simm.s32 $0xF500  }
0xa8: {  	[hbm4b:s23+s5] =	stream.linear.scatter [tilespmem:s24], [sflag:$0x4], $0x80, $0x38;
	[tilespmem:$0x16C00] =	vst v63  }
0xa9: {  	s23 =	sadd.s32 $0x90, s22;
	s24 =	simm.s32 $0xF588  }
0xaa: {  	[hbm4b:s23+s5] =	stream.linear.scatter [tilespmem:s24], [sflag:$0x4], $0x80, $0x38;
	[tilespmem:$0x16C00] =	vst v63  }
0xab: {  	s23 =	sadd.s32 $0xA0, s22;
	s24 =	simm.s32 $0xF610  }
0xac: {  	[hbm4b:s23+s5] =	stream.linear.scatter [tilespmem:s24], [sflag:$0x4], $0x80, $0x38;
	[tilespmem:$0x16C00] =	vst v63  }
0xad: {  	s23 =	sadd.s32 $0xB0, s22;
	s24 =	simm.s32 $0xF698  }
0xae: {  	[hbm4b:s23+s5] =	stream.linear.scatter [tilespmem:s24], [sflag:$0x4], $0x80, $0x38;
	[tilespmem:$0x16C00] =	vst v63  }
0xaf: {  	s23 =	sadd.s32 $0xC0, s22;
	s24 =	simm.s32 $0xF720  }
0xb0: {  	[hbm4b:s23+s5] =	stream.linear.scatter [tilespmem:s24], [sflag:$0x4], $0x80, $0x38;
	[tilespmem:$0x16C00] =	vst v63  }
0xb1: {  	s23 =	sadd.s32 $0xD0, s22;
	s24 =	simm.s32 $0xF7A8  }
0xb2: {  	[hbm4b:s23+s5] =	stream.linear.scatter [tilespmem:s24], [sflag:$0x4], $0x80, $0x38;
	[tilespmem:$0x16C00] =	vst v63  }
0xb3: {  	s23 =	sadd.s32 $0xE0, s22;
	s24 =	simm.s32 $0xF830  }
0xb4: {  	[hbm4b:s23+s5] =	stream.linear.scatter [tilespmem:s24], [sflag:$0x4], $0x80, $0x38;
	[tilespmem:$0x16C00] =	vst v63  }
0xb5: {  	s23 =	sadd.s32 $0xF0, s22;
	s24 =	simm.s32 $0xF8B8  }
0xb6: {  	[hbm4b:s23+s5] =	stream.linear.scatter [tilespmem:s24], [sflag:$0x4], $0x80, $0x38;
	[tilespmem:$0x16C00] =	vst v63  }
0xb7: {  	s23 =	sadd.s32 $0x100, s22;
	s24 =	simm.s32 $0x10600  }
0xb8: {  	[hbm4b:s23+s5] =	stream.linear.scatter [tilespmem:s24], [sflag:$0x4], $0x80, $0x38;
	[tilespmem:$0x16C00] =	vst v63  }
0xb9: {  	s23 =	sadd.s32 $0x110, s22;
	s24 =	simm.s32 $0x10688  }
0xba: {  	[hbm4b:s23+s5] =	stream.linear.scatter [tilespmem:s24], [sflag:$0x4], $0x80, $0x38;
	[tilespmem:$0x16C00] =	vst v63  }
0xbb: {  	s23 =	sadd.s32 $0x120, s22;
	s24 =	simm.s32 $0x10710  }
0xbc: {  	[hbm4b:s23+s5] =	stream.linear.scatter [tilespmem:s24], [sflag:$0x4], $0x80, $0x38;
	[tilespmem:$0x16C00] =	vst v63  }
0xbd: {  	s23 =	sadd.s32 $0x130, s22;
	s24 =	simm.s32 $0x10798  }
0xbe: {  	[hbm4b:s23+s5] =	stream.linear.scatter [tilespmem:s24], [sflag:$0x4], $0x80, $0x38;
	[tilespmem:$0x16C00] =	vst v63  }
0xbf: {  	s23 =	sadd.s32 $0x140, s22;
	s24 =	simm.s32 $0x10820  }
0xc0: {  	[hbm4b:s23+s5] =	stream.linear.scatter [tilespmem:s24], [sflag:$0x4], $0x80, $0x38;
	[tilespmem:$0x16C00] =	vst v63  }
0xc1: {  	s23 =	sadd.s32 $0x150, s22;
	s24 =	simm.s32 $0x108A8  }
0xc2: {  	[hbm4b:s23+s5] =	stream.linear.scatter [tilespmem:s24], [sflag:$0x4], $0x80, $0x38;
	[tilespmem:$0x16C00] =	vst v63  }
0xc3: {  	s23 =	sadd.s32 $0x160, s22;
	s24 =	simm.s32 $0x10930  }
0xc4: {  	[hbm4b:s23+s5] =	stream.linear.scatter [tilespmem:s24], [sflag:$0x4], $0x80, $0x38;
	[tilespmem:$0x16C00] =	vst v63  }
0xc5: {  	s23 =	sadd.s32 $0x170, s22;
	s24 =	simm.s32 $0x109B8  }
0xc6: {  	[hbm4b:s23+s5] =	stream.linear.scatter [tilespmem:s24], [sflag:$0x4], $0x80, $0x38;
	[tilespmem:$0x16C00] =	vst v63  }
0xc7: {  	s23 =	sadd.s32 $0x180, s22;
	s24 =	simm.s32 $0x11700  }
0xc8: {  	[hbm4b:s23+s5] =	stream.linear.scatter [tilespmem:s24], [sflag:$0x4], $0x80, $0x38;
	[tilespmem:$0x16C00] =	vst v63  }
0xc9: {  	s23 =	sadd.s32 $0x190, s22;
	s24 =	simm.s32 $0x11788  }
0xca: {  	[hbm4b:s23+s5] =	stream.linear.scatter [tilespmem:s24], [sflag:$0x4], $0x80, $0x38;
	[tilespmem:$0x16C00] =	vst v63  }
0xcb: {  	s23 =	sadd.s32 $0x1A0, s22;
	s24 =	simm.s32 $0x11810  }
0xcc: {  	[hbm4b:s23+s5] =	stream.linear.scatter [tilespmem:s24], [sflag:$0x4], $0x80, $0x38;
	[tilespmem:$0x16C00] =	vst v63  }
0xcd: {  	s23 =	sadd.s32 $0x1B0, s22;
	s24 =	simm.s32 $0x11898  }
0xce: {  	[hbm4b:s23+s5] =	stream.linear.scatter [tilespmem:s24], [sflag:$0x4], $0x80, $0x38;
	[tilespmem:$0x16C00] =	vst v63  }
0xcf: {  	s23 =	sadd.s32 $0x1C0, s22;
	s24 =	simm.s32 $0x11920  }
0xd0: {  	[hbm4b:s23+s5] =	stream.linear.scatter [tilespmem:s24], [sflag:$0x4], $0x80, $0x38;
	[tilespmem:$0x16C00] =	vst v63  }
0xd1: {  	s23 =	sadd.s32 $0x1D0, s22;
	s24 =	simm.s32 $0x119A8  }
0xd2: {  	[hbm4b:s23+s5] =	stream.linear.scatter [tilespmem:s24], [sflag:$0x4], $0x80, $0x38;
	[tilespmem:$0x16C00] =	vst v63  }
0xd3: {  	s23 =	sadd.s32 $0x1E0, s22;
	s24 =	simm.s32 $0x11A30  }
0xd4: {  	[hbm4b:s23+s5] =	stream.linear.scatter [tilespmem:s24], [sflag:$0x4], $0x80, $0x38;
	[tilespmem:$0x16C00] =	vst v63  }
0xd5: {  	s22 =	sadd.s32 $0x1F0, s22;
	s24 =	simm.s32 $0x11AB8  }
0xd6: {  	[hbm4b:s22+s5] =	stream.linear.scatter [tilespmem:s24], [sflag:$0x4], $0x80, $0x38;
	[tilespmem:$0x16C00] =	vst v63  }
0xd7: {  	s22 =	sadd.s32 s21, s7;
	s24 =	simm.s32 $0xE840  }
0xd8: {  	[hbm4b:s22+s5] =	stream.linear.scatter [tilespmem:s24], [sflag:$0x4], $0x80, $0x38;
	[tilespmem:$0x16C00] =	vst v63  }
0xd9: {  	s23 =	sadd.s32 $0x10, s22;
	s24 =	simm.s32 $0xE8C8  }
0xda: {  	[hbm4b:s23+s5] =	stream.linear.scatter [tilespmem:s24], [sflag:$0x4], $0x80, $0x38;
	[tilespmem:$0x16C00] =	vst v63  }
0xdb: {  	s23 =	sadd.s32 $0x20, s22;
	s24 =	simm.s32 $0xE950  }
0xdc: {  	[hbm4b:s23+s5] =	stream.linear.scatter [tilespmem:s24], [sflag:$0x4], $0x80, $0x38;
	[tilespmem:$0x16C00] =	vst v63  }
0xdd: {  	s23 =	sadd.s32 $0x30, s22;
	s24 =	simm.s32 $0xE9D8  }
0xde: {  	[hbm4b:s23+s5] =	stream.linear.scatter [tilespmem:s24], [sflag:$0x4], $0x80, $0x38;
	[tilespmem:$0x16C00] =	vst v63  }
0xdf: {  	s23 =	sadd.s32 $0x40, s22;
	s24 =	simm.s32 $0xEA60  }
0xe0: {  	[hbm4b:s23+s5] =	stream.linear.scatter [tilespmem:s24], [sflag:$0x4], $0x80, $0x38;
	[tilespmem:$0x16C00] =	vst v63  }
0xe1: {  	s23 =	sadd.s32 $0x50, s22;
	s24 =	simm.s32 $0xEAE8  }
0xe2: {  	[hbm4b:s23+s5] =	stream.linear.scatter [tilespmem:s24], [sflag:$0x4], $0x80, $0x38;
	[tilespmem:$0x16C00] =	vst v63  }
0xe3: {  	s23 =	sadd.s32 $0x60, s22;
	s24 =	simm.s32 $0xEB70  }
0xe4: {  	[hbm4b:s23+s5] =	stream.linear.scatter [tilespmem:s24], [sflag:$0x4], $0x80, $0x38;
	[tilespmem:$0x16C00] =	vst v63  }
0xe5: {  	s23 =	sadd.s32 $0x70, s22;
	s24 =	simm.s32 $0xEBF8  }
0xe6: {  	[hbm4b:s23+s5] =	stream.linear.scatter [tilespmem:s24], [sflag:$0x4], $0x80, $0x38;
	[tilespmem:$0x16C00] =	vst v63  }
0xe7: {  	s23 =	sadd.s32 $0x80, s22;
	s24 =	simm.s32 $0xF940  }
0xe8: {  	[hbm4b:s23+s5] =	stream.linear.scatter [tilespmem:s24], [sflag:$0x4], $0x80, $0x38;
	[tilespmem:$0x16C00] =	vst v63  }
0xe9: {  	s23 =	sadd.s32 $0x90, s22;
	s24 =	simm.s32 $0xF9C8  }
0xea: {  	[hbm4b:s23+s5] =	stream.linear.scatter [tilespmem:s24], [sflag:$0x4], $0x80, $0x38;
	[tilespmem:$0x16C00] =	vst v63  }
0xeb: {  	s23 =	sadd.s32 $0xA0, s22;
	s24 =	simm.s32 $0xFA50  }
0xec: {  	[hbm4b:s23+s5] =	stream.linear.scatter [tilespmem:s24], [sflag:$0x4], $0x80, $0x38;
	[tilespmem:$0x16C00] =	vst v63  }
0xed: {  	s23 =	sadd.s32 $0xB0, s22;
	s24 =	simm.s32 $0xFAD8  }
0xee: {  	[hbm4b:s23+s5] =	stream.linear.scatter [tilespmem:s24], [sflag:$0x4], $0x80, $0x38;
	[tilespmem:$0x16C00] =	vst v63  }
0xef: {  	s23 =	sadd.s32 $0xC0, s22;
	s24 =	simm.s32 $0xFB60  }
0xf0: {  	[hbm4b:s23+s5] =	stream.linear.scatter [tilespmem:s24], [sflag:$0x4], $0x80, $0x38;
	[tilespmem:$0x16C00] =	vst v63  }
0xf1: {  	s23 =	sadd.s32 $0xD0, s22;
	s24 =	simm.s32 $0xFBE8  }
0xf2: {  	[hbm4b:s23+s5] =	stream.linear.scatter [tilespmem:s24], [sflag:$0x4], $0x80, $0x38;
	[tilespmem:$0x16C00] =	vst v63  }
0xf3: {  	s23 =	sadd.s32 $0xE0, s22;
	s24 =	simm.s32 $0xFC70  }
0xf4: {  	[hbm4b:s23+s5] =	stream.linear.scatter [tilespmem:s24], [sflag:$0x4], $0x80, $0x38;
	[tilespmem:$0x16C00] =	vst v63  }
0xf5: {  	s23 =	sadd.s32 $0xF0, s22;
	s24 =	simm.s32 $0xFCF8  }
0xf6: {  	[hbm4b:s23+s5] =	stream.linear.scatter [tilespmem:s24], [sflag:$0x4], $0x80, $0x38;
	[tilespmem:$0x16C00] =	vst v63  }
0xf7: {  	s23 =	sadd.s32 $0x100, s22;
	s24 =	simm.s32 $0x10A40  }
0xf8: {  	[hbm4b:s23+s5] =	stream.linear.scatter [tilespmem:s24], [sflag:$0x4], $0x80, $0x38;
	[tilespmem:$0x16C00] =	vst v63  }
0xf9: {  	s23 =	sadd.s32 $0x110, s22;
	s24 =	simm.s32 $0x10AC8  }
0xfa: {  	[hbm4b:s23+s5] =	stream.linear.scatter [tilespmem:s24], [sflag:$0x4], $0x80, $0x38;
	[tilespmem:$0x16C00] =	vst v63  }
0xfb: {  	s23 =	sadd.s32 $0x120, s22;
	s24 =	simm.s32 $0x10B50  }
0xfc: {  	[hbm4b:s23+s5] =	stream.linear.scatter [tilespmem:s24], [sflag:$0x4], $0x80, $0x38;
	[tilespmem:$0x16C00] =	vst v63  }
0xfd: {  	s23 =	sadd.s32 $0x130, s22;
	s24 =	simm.s32 $0x10BD8  }
0xfe: {  	[hbm4b:s23+s5] =	stream.linear.scatter [tilespmem:s24], [sflag:$0x4], $0x80, $0x38;
	[tilespmem:$0x16C00] =	vst v63  }
0xff: {  	s23 =	sadd.s32 $0x140, s22;
	s24 =	simm.s32 $0x10C60  }
0x100: {  	[hbm4b:s23+s5] =	stream.linear.scatter [tilespmem:s24], [sflag:$0x4], $0x80, $0x38;
	[tilespmem:$0x16C00] =	vst v63  }
0x101: {  	s23 =	sadd.s32 $0x150, s22;
	s24 =	simm.s32 $0x10CE8  }
0x102: {  	[hbm4b:s23+s5] =	stream.linear.scatter [tilespmem:s24], [sflag:$0x4], $0x80, $0x38;
	[tilespmem:$0x16C00] =	vst v63  }
0x103: {  	s23 =	sadd.s32 $0x160, s22;
	s24 =	simm.s32 $0x10D70  }
0x104: {  	[hbm4b:s23+s5] =	stream.linear.scatter [tilespmem:s24], [sflag:$0x4], $0x80, $0x38;
	[tilespmem:$0x16C00] =	vst v63  }
0x105: {  	s23 =	sadd.s32 $0x170, s22;
	s24 =	simm.s32 $0x10DF8  }
0x106: {  	[hbm4b:s23+s5] =	stream.linear.scatter [tilespmem:s24], [sflag:$0x4], $0x80, $0x38;
	[tilespmem:$0x16C00] =	vst v63  }
0x107: {  	s23 =	sadd.s32 $0x180, s22;
	s24 =	simm.s32 $0x11B40  }
0x108: {  	[hbm4b:s23+s5] =	stream.linear.scatter [tilespmem:s24], [sflag:$0x4], $0x80, $0x38;
	[tilespmem:$0x16C00] =	vst v63  }
0x109: {  	s23 =	sadd.s32 $0x190, s22;
	s24 =	simm.s32 $0x11BC8  }
0x10a: {  	[hbm4b:s23+s5] =	stream.linear.scatter [tilespmem:s24], [sflag:$0x4], $0x80, $0x38;
	[tilespmem:$0x16C00] =	vst v63  }
0x10b: {  	s23 =	sadd.s32 $0x1A0, s22;
	s24 =	simm.s32 $0x11C50  }
0x10c: {  	[hbm4b:s23+s5] =	stream.linear.scatter [tilespmem:s24], [sflag:$0x4], $0x80, $0x38;
	[tilespmem:$0x16C00] =	vst v63  }
0x10d: {  	s23 =	sadd.s32 $0x1B0, s22;
	s24 =	simm.s32 $0x11CD8  }
0x10e: {  	[hbm4b:s23+s5] =	stream.linear.scatter [tilespmem:s24], [sflag:$0x4], $0x80, $0x38;
	[tilespmem:$0x16C00] =	vst v63  }
0x10f: {  	s23 =	sadd.s32 $0x1C0, s22;
	s24 =	simm.s32 $0x11D60  }
0x110: {  	[hbm4b:s23+s5] =	stream.linear.scatter [tilespmem:s24], [sflag:$0x4], $0x80, $0x38;
	[tilespmem:$0x16C00] =	vst v63  }
0x111: {  	s23 =	sadd.s32 $0x1D0, s22;
	s24 =	simm.s32 $0x11DE8  }
0x112: {  	[hbm4b:s23+s5] =	stream.linear.scatter [tilespmem:s24], [sflag:$0x4], $0x80, $0x38;
	[tilespmem:$0x16C00] =	vst v63  }
0x113: {  	s23 =	sadd.s32 $0x1E0, s22;
	s24 =	simm.s32 $0x11E70  }
0x114: {  	[hbm4b:s23+s5] =	stream.linear.scatter [tilespmem:s24], [sflag:$0x4], $0x80, $0x38;
	[tilespmem:$0x16C00] =	vst v63  }
0x115: {  	s22 =	sadd.s32 $0x1F0, s22;
	s24 =	simm.s32 $0x11EF8  }
0x116: {  	[hbm4b:s22+s5] =	stream.linear.scatter [tilespmem:s24], [sflag:$0x4], $0x80, $0x38;
	[tilespmem:$0x16C00] =	vst v63  }
0x117: {  	s22 =	sadd.s32 s21, s8;
	s24 =	simm.s32 $0xEC80  }
0x118: {  	[hbm4b:s22+s5] =	stream.linear.scatter [tilespmem:s24], [sflag:$0x4], $0x80, $0x38;
	[tilespmem:$0x16C00] =	vst v63  }
0x119: {  	s23 =	sadd.s32 $0x10, s22;
	s24 =	simm.s32 $0xED08  }
0x11a: {  	[hbm4b:s23+s5] =	stream.linear.scatter [tilespmem:s24], [sflag:$0x4], $0x80, $0x38;
	[tilespmem:$0x16C00] =	vst v63  }
0x11b: {  	s23 =	sadd.s32 $0x20, s22;
	s24 =	simm.s32 $0xED90  }
0x11c: {  	[hbm4b:s23+s5] =	stream.linear.scatter [tilespmem:s24], [sflag:$0x4], $0x80, $0x38;
	[tilespmem:$0x16C00] =	vst v63  }
0x11d: {  	s23 =	sadd.s32 $0x30, s22;
	s24 =	simm.s32 $0xEE18  }
0x11e: {  	[hbm4b:s23+s5] =	stream.linear.scatter [tilespmem:s24], [sflag:$0x4], $0x80, $0x38;
	[tilespmem:$0x16C00] =	vst v63  }
0x11f: {  	s23 =	sadd.s32 $0x40, s22;
	s24 =	simm.s32 $0xEEA0  }
0x120: {  	[hbm4b:s23+s5] =	stream.linear.scatter [tilespmem:s24], [sflag:$0x4], $0x80, $0x38;
	[tilespmem:$0x16C00] =	vst v63  }
0x121: {  	s23 =	sadd.s32 $0x50, s22;
	s24 =	simm.s32 $0xEF28  }
0x122: {  	[hbm4b:s23+s5] =	stream.linear.scatter [tilespmem:s24], [sflag:$0x4], $0x80, $0x38;
	[tilespmem:$0x16C00] =	vst v63  }
0x123: {  	s23 =	sadd.s32 $0x60, s22;
	s24 =	simm.s32 $0xEFB0  }
0x124: {  	[hbm4b:s23+s5] =	stream.linear.scatter [tilespmem:s24], [sflag:$0x4], $0x80, $0x38;
	[tilespmem:$0x16C00] =	vst v63  }
0x125: {  	s23 =	sadd.s32 $0x70, s22;
	s24 =	simm.s32 $0xF038  }
0x126: {  	[hbm4b:s23+s5] =	stream.linear.scatter [tilespmem:s24], [sflag:$0x4], $0x80, $0x38;
	[tilespmem:$0x16C00] =	vst v63  }
0x127: {  	s23 =	sadd.s32 $0x80, s22;
	s24 =	simm.s32 $0xFD80  }
0x128: {  	[hbm4b:s23+s5] =	stream.linear.scatter [tilespmem:s24], [sflag:$0x4], $0x80, $0x38;
	[tilespmem:$0x16C00] =	vst v63  }
0x129: {  	s23 =	sadd.s32 $0x90, s22;
	s24 =	simm.s32 $0xFE08  }
0x12a: {  	[hbm4b:s23+s5] =	stream.linear.scatter [tilespmem:s24], [sflag:$0x4], $0x80, $0x38;
	[tilespmem:$0x16C00] =	vst v63  }
0x12b: {  	s23 =	sadd.s32 $0xA0, s22;
	s24 =	simm.s32 $0xFE90  }
0x12c: {  	[hbm4b:s23+s5] =	stream.linear.scatter [tilespmem:s24], [sflag:$0x4], $0x80, $0x38;
	[tilespmem:$0x16C00] =	vst v63  }
0x12d: {  	s23 =	sadd.s32 $0xB0, s22;
	s24 =	simm.s32 $0xFF18  }
0x12e: {  	[hbm4b:s23+s5] =	stream.linear.scatter [tilespmem:s24], [sflag:$0x4], $0x80, $0x38;
	[tilespmem:$0x16C00] =	vst v63  }
0x12f: {  	s23 =	sadd.s32 $0xC0, s22;
	s24 =	simm.s32 $0xFFA0  }
0x130: {  	[hbm4b:s23+s5] =	stream.linear.scatter [tilespmem:s24], [sflag:$0x4], $0x80, $0x38;
	[tilespmem:$0x16C00] =	vst v63  }
0x131: {  	s23 =	sadd.s32 $0xD0, s22;
	s24 =	simm.s32 $0x10028  }
0x132: {  	[hbm4b:s23+s5] =	stream.linear.scatter [tilespmem:s24], [sflag:$0x4], $0x80, $0x38;
	[tilespmem:$0x16C00] =	vst v63  }
0x133: {  	s23 =	sadd.s32 $0xE0, s22;
	s24 =	simm.s32 $0x100B0  }
0x134: {  	[hbm4b:s23+s5] =	stream.linear.scatter [tilespmem:s24], [sflag:$0x4], $0x80, $0x38;
	[tilespmem:$0x16C00] =	vst v63  }
0x135: {  	s23 =	sadd.s32 $0xF0, s22;
	s24 =	simm.s32 $0x10138  }
0x136: {  	[hbm4b:s23+s5] =	stream.linear.scatter [tilespmem:s24], [sflag:$0x4], $0x80, $0x38;
	[tilespmem:$0x16C00] =	vst v63  }
0x137: {  	s23 =	sadd.s32 $0x100, s22;
	s24 =	simm.s32 $0x10E80  }
0x138: {  	[hbm4b:s23+s5] =	stream.linear.scatter [tilespmem:s24], [sflag:$0x4], $0x80, $0x38;
	[tilespmem:$0x16C00] =	vst v63  }
0x139: {  	s23 =	sadd.s32 $0x110, s22;
	s24 =	simm.s32 $0x10F08  }
0x13a: {  	[hbm4b:s23+s5] =	stream.linear.scatter [tilespmem:s24], [sflag:$0x4], $0x80, $0x38;
	[tilespmem:$0x16C00] =	vst v63  }
0x13b: {  	s23 =	sadd.s32 $0x120, s22;
	s24 =	simm.s32 $0x10F90  }
0x13c: {  	[hbm4b:s23+s5] =	stream.linear.scatter [tilespmem:s24], [sflag:$0x4], $0x80, $0x38;
	[tilespmem:$0x16C00] =	vst v63  }
0x13d: {  	s23 =	sadd.s32 $0x130, s22;
	s24 =	simm.s32 $0x11018  }
0x13e: {  	[hbm4b:s23+s5] =	stream.linear.scatter [tilespmem:s24], [sflag:$0x4], $0x80, $0x38;
	[tilespmem:$0x16C00] =	vst v63  }
0x13f: {  	s23 =	sadd.s32 $0x140, s22;
	s24 =	simm.s32 $0x110A0  }
0x140: {  	[hbm4b:s23+s5] =	stream.linear.scatter [tilespmem:s24], [sflag:$0x4], $0x80, $0x38;
	[tilespmem:$0x16C00] =	vst v63  }
0x141: {  	s23 =	sadd.s32 $0x150, s22;
	s24 =	simm.s32 $0x11128  }
0x142: {  	[hbm4b:s23+s5] =	stream.linear.scatter [tilespmem:s24], [sflag:$0x4], $0x80, $0x38;
	[tilespmem:$0x16C00] =	vst v63  }
0x143: {  	s23 =	sadd.s32 $0x160, s22;
	s24 =	simm.s32 $0x111B0  }
0x144: {  	[hbm4b:s23+s5] =	stream.linear.scatter [tilespmem:s24], [sflag:$0x4], $0x80, $0x38;
	[tilespmem:$0x16C00] =	vst v63  }
0x145: {  	s23 =	sadd.s32 $0x170, s22;
	s24 =	simm.s32 $0x11238  }
0x146: {  	[hbm4b:s23+s5] =	stream.linear.scatter [tilespmem:s24], [sflag:$0x4], $0x80, $0x38;
	[tilespmem:$0x16C00] =	vst v63  }
0x147: {  	s23 =	sadd.s32 $0x180, s22;
	s24 =	simm.s32 $0x11F80  }
0x148: {  	[hbm4b:s23+s5] =	stream.linear.scatter [tilespmem:s24], [sflag:$0x4], $0x80, $0x38;
	[tilespmem:$0x16C00] =	vst v63  }
0x149: {  	s23 =	sadd.s32 $0x190, s22;
	s24 =	simm.s32 $0x12008  }
0x14a: {  	[hbm4b:s23+s5] =	stream.linear.scatter [tilespmem:s24], [sflag:$0x4], $0x80, $0x38;
	[tilespmem:$0x16C00] =	vst v63  }
0x14b: {  	s23 =	sadd.s32 $0x1A0, s22;
	s24 =	simm.s32 $0x12090  }
0x14c: {  	[hbm4b:s23+s5] =	stream.linear.scatter [tilespmem:s24], [sflag:$0x4], $0x80, $0x38;
	[tilespmem:$0x16C00] =	vst v63  }
0x14d: {  	s23 =	sadd.s32 $0x1B0, s22;
	s24 =	simm.s32 $0x12118  }
0x14e: {  	[hbm4b:s23+s5] =	stream.linear.scatter [tilespmem:s24], [sflag:$0x4], $0x80, $0x38;
	[tilespmem:$0x16C00] =	vst v63  }
0x14f: {  	s23 =	sadd.s32 $0x1C0, s22;
	s24 =	simm.s32 $0x121A0  }
0x150: {  	[hbm4b:s23+s5] =	stream.linear.scatter [tilespmem:s24], [sflag:$0x4], $0x80, $0x38;
	[tilespmem:$0x16C00] =	vst v63  }
0x151: {  	s23 =	sadd.s32 $0x1D0, s22;
	s24 =	simm.s32 $0x12228  }
0x152: {  	[hbm4b:s23+s5] =	stream.linear.scatter [tilespmem:s24], [sflag:$0x4], $0x80, $0x38;
	[tilespmem:$0x16C00] =	vst v63  }
0x153: {  	s23 =	sadd.s32 $0x1E0, s22;
	s24 =	simm.s32 $0x122B0  }
0x154: {  	[hbm4b:s23+s5] =	stream.linear.scatter [tilespmem:s24], [sflag:$0x4], $0x80, $0x38;
	[tilespmem:$0x16C00] =	vst v63  }
0x155: {  	s22 =	sadd.s32 $0x1F0, s22;
	s24 =	simm.s32 $0x12338  }
0x156: {  	[hbm4b:s22+s5] =	stream.linear.scatter [tilespmem:s24], [sflag:$0x4], $0x80, $0x38;
	[tilespmem:$0x16C00] =	vst v63  }
0x157: {  	s21 =	sadd.s32 s21, s9;
	s24 =	simm.s32 $0xF0C0  }
0x158: {  	[hbm4b:s21+s5] =	stream.linear.scatter [tilespmem:s24], [sflag:$0x4], $0x80, $0x38;
	[tilespmem:$0x16C00] =	vst v63  }
0x159: {  	s23 =	sadd.s32 $0x10, s21;
	s24 =	simm.s32 $0xF148  }
0x15a: {  	[hbm4b:s23+s5] =	stream.linear.scatter [tilespmem:s24], [sflag:$0x4], $0x80, $0x38;
	[tilespmem:$0x16C00] =	vst v63  }
0x15b: {  	s23 =	sadd.s32 $0x20, s21;
	s24 =	simm.s32 $0xF1D0  }
0x15c: {  	[hbm4b:s23+s5] =	stream.linear.scatter [tilespmem:s24], [sflag:$0x4], $0x80, $0x38;
	[tilespmem:$0x16C00] =	vst v63  }
0x15d: {  	s23 =	sadd.s32 $0x30, s21;
	s24 =	simm.s32 $0xF258  }
0x15e: {  	[hbm4b:s23+s5] =	stream.linear.scatter [tilespmem:s24], [sflag:$0x4], $0x80, $0x38;
	[tilespmem:$0x16C00] =	vst v63  }
0x15f: {  	s23 =	sadd.s32 $0x40, s21;
	s24 =	simm.s32 $0xF2E0  }
0x160: {  	[hbm4b:s23+s5] =	stream.linear.scatter [tilespmem:s24], [sflag:$0x4], $0x80, $0x38;
	[tilespmem:$0x16C00] =	vst v63  }
0x161: {  	s23 =	sadd.s32 $0x50, s21;
	s24 =	simm.s32 $0xF368  }
0x162: {  	[hbm4b:s23+s5] =	stream.linear.scatter [tilespmem:s24], [sflag:$0x4], $0x80, $0x38;
	[tilespmem:$0x16C00] =	vst v63  }
0x163: {  	s23 =	sadd.s32 $0x60, s21;
	s24 =	simm.s32 $0xF3F0  }
0x164: {  	[hbm4b:s23+s5] =	stream.linear.scatter [tilespmem:s24], [sflag:$0x4], $0x80, $0x38;
	[tilespmem:$0x16C00] =	vst v63  }
0x165: {  	s23 =	sadd.s32 $0x70, s21;
	s24 =	simm.s32 $0xF478  }
0x166: {  	[hbm4b:s23+s5] =	stream.linear.scatter [tilespmem:s24], [sflag:$0x4], $0x80, $0x38;
	[tilespmem:$0x16C00] =	vst v63  }
0x167: {  	s23 =	sadd.s32 $0x80, s21;
	s24 =	simm.s32 $0x101C0  }
0x168: {  	[hbm4b:s23+s5] =	stream.linear.scatter [tilespmem:s24], [sflag:$0x4], $0x80, $0x38;
	[tilespmem:$0x16C00] =	vst v63  }
0x169: {  	s23 =	sadd.s32 $0x90, s21;
	s24 =	simm.s32 $0x10248  }
0x16a: {  	[hbm4b:s23+s5] =	stream.linear.scatter [tilespmem:s24], [sflag:$0x4], $0x80, $0x38;
	[tilespmem:$0x16C00] =	vst v63  }
0x16b: {  	s23 =	sadd.s32 $0xA0, s21;
	s24 =	simm.s32 $0x102D0  }
0x16c: {  	[hbm4b:s23+s5] =	stream.linear.scatter [tilespmem:s24], [sflag:$0x4], $0x80, $0x38;
	[tilespmem:$0x16C00] =	vst v63  }
0x16d: {  	s23 =	sadd.s32 $0xB0, s21;
	s24 =	simm.s32 $0x10358  }
0x16e: {  	[hbm4b:s23+s5] =	stream.linear.scatter [tilespmem:s24], [sflag:$0x4], $0x80, $0x38;
	[tilespmem:$0x16C00] =	vst v63  }
0x16f: {  	s23 =	sadd.s32 $0xC0, s21;
	s24 =	simm.s32 $0x103E0  }
0x170: {  	[hbm4b:s23+s5] =	stream.linear.scatter [tilespmem:s24], [sflag:$0x4], $0x80, $0x38;
	[tilespmem:$0x16C00] =	vst v63  }
0x171: {  	s23 =	sadd.s32 $0xD0, s21;
	s24 =	simm.s32 $0x10468  }
0x172: {  	[hbm4b:s23+s5] =	stream.linear.scatter [tilespmem:s24], [sflag:$0x4], $0x80, $0x38;
	[tilespmem:$0x16C00] =	vst v63  }
0x173: {  	s23 =	sadd.s32 $0xE0, s21;
	s24 =	simm.s32 $0x104F0  }
0x174: {  	[hbm4b:s23+s5] =	stream.linear.scatter [tilespmem:s24], [sflag:$0x4], $0x80, $0x38;
	[tilespmem:$0x16C00] =	vst v63  }
0x175: {  	s23 =	sadd.s32 $0xF0, s21;
	s24 =	simm.s32 $0x10578  }
0x176: {  	[hbm4b:s23+s5] =	stream.linear.scatter [tilespmem:s24], [sflag:$0x4], $0x80, $0x38;
	[tilespmem:$0x16C00] =	vst v63  }
0x177: {  	s23 =	sadd.s32 $0x100, s21;
	s24 =	simm.s32 $0x112C0  }
0x178: {  	[hbm4b:s23+s5] =	stream.linear.scatter [tilespmem:s24], [sflag:$0x4], $0x80, $0x38;
	[tilespmem:$0x16C00] =	vst v63  }
0x179: {  	s23 =	sadd.s32 $0x110, s21;
	s24 =	simm.s32 $0x11348  }
0x17a: {  	[hbm4b:s23+s5] =	stream.linear.scatter [tilespmem:s24], [sflag:$0x4], $0x80, $0x38;
	[tilespmem:$0x16C00] =	vst v63  }
0x17b: {  	s23 =	sadd.s32 $0x120, s21;
	s24 =	simm.s32 $0x113D0  }
0x17c: {  	[hbm4b:s23+s5] =	stream.linear.scatter [tilespmem:s24], [sflag:$0x4], $0x80, $0x38;
	[tilespmem:$0x16C00] =	vst v63  }
0x17d: {  	s23 =	sadd.s32 $0x130, s21;
	s24 =	simm.s32 $0x11458  }
0x17e: {  	[hbm4b:s23+s5] =	stream.linear.scatter [tilespmem:s24], [sflag:$0x4], $0x80, $0x38;
	[tilespmem:$0x16C00] =	vst v63  }
0x17f: {  	s23 =	sadd.s32 $0x140, s21;
	s24 =	simm.s32 $0x114E0  }
0x180: {  	[hbm4b:s23+s5] =	stream.linear.scatter [tilespmem:s24], [sflag:$0x4], $0x80, $0x38;
	[tilespmem:$0x16C00] =	vst v63  }
0x181: {  	s23 =	sadd.s32 $0x150, s21;
	s24 =	simm.s32 $0x11568  }
0x182: {  	[hbm4b:s23+s5] =	stream.linear.scatter [tilespmem:s24], [sflag:$0x4], $0x80, $0x38;
	[tilespmem:$0x16C00] =	vst v63  }
0x183: {  	s23 =	sadd.s32 $0x160, s21;
	s24 =	simm.s32 $0x115F0  }
0x184: {  	[hbm4b:s23+s5] =	stream.linear.scatter [tilespmem:s24], [sflag:$0x4], $0x80, $0x38;
	[tilespmem:$0x16C00] =	vst v63  }
0x185: {  	s23 =	sadd.s32 $0x170, s21;
	s24 =	simm.s32 $0x11678  }
0x186: {  	[hbm4b:s23+s5] =	stream.linear.scatter [tilespmem:s24], [sflag:$0x4], $0x80, $0x38;
	[tilespmem:$0x16C00] =	vst v63  }
0x187: {  	s23 =	sadd.s32 $0x180, s21;
	s24 =	simm.s32 $0x123C0  }
0x188: {  	[hbm4b:s23+s5] =	stream.linear.scatter [tilespmem:s24], [sflag:$0x4], $0x80, $0x38;
	[tilespmem:$0x16C00] =	vst v63  }
0x189: {  	s23 =	sadd.s32 $0x190, s21;
	s24 =	simm.s32 $0x12448  }
0x18a: {  	[hbm4b:s23+s5] =	stream.linear.scatter [tilespmem:s24], [sflag:$0x4], $0x80, $0x38;
	[tilespmem:$0x16C00] =	vst v63  }
0x18b: {  	s23 =	sadd.s32 $0x1A0, s21;
	s24 =	simm.s32 $0x124D0  }
0x18c: {  	[hbm4b:s23+s5] =	stream.linear.scatter [tilespmem:s24], [sflag:$0x4], $0x80, $0x38;
	[tilespmem:$0x16C00] =	vst v63  }
0x18d: {  	s23 =	sadd.s32 $0x1B0, s21;
	s24 =	simm.s32 $0x12558  }
0x18e: {  	[hbm4b:s23+s5] =	stream.linear.scatter [tilespmem:s24], [sflag:$0x4], $0x80, $0x38;
	[tilespmem:$0x16C00] =	vst v63  }
0x18f: {  	s23 =	sadd.s32 $0x1C0, s21;
	s24 =	simm.s32 $0x125E0  }
0x190: {  	[hbm4b:s23+s5] =	stream.linear.scatter [tilespmem:s24], [sflag:$0x4], $0x80, $0x38;
	[tilespmem:$0x16C00] =	vst v63  }
0x191: {  	s23 =	sadd.s32 $0x1D0, s21;
	s24 =	simm.s32 $0x12668  }
0x192: {  	[hbm4b:s23+s5] =	stream.linear.scatter [tilespmem:s24], [sflag:$0x4], $0x80, $0x38;
	[tilespmem:$0x16C00] =	vst v63  }
0x193: {  	s23 =	sadd.s32 $0x1E0, s21;
	s24 =	simm.s32 $0x126F0  }
0x194: {  	[hbm4b:s23+s5] =	stream.linear.scatter [tilespmem:s24], [sflag:$0x4], $0x80, $0x38;
	[tilespmem:$0x16C00] =	vst v63  }
0x195: {  	s21 =	sadd.s32 $0x1F0, s21;
	s24 =	simm.s32 $0x12778  }
0x196: {  	[hbm4b:s21+s5] =	stream.linear.scatter [tilespmem:s24], [sflag:$0x4], $0x80, $0x38;
	[tilespmem:$0x16C00] =	vst v63  }
0x197: {  	_ =	swait.ge [sflag:s25], $0x1000  }
0x198: {  	[sflag:s25] =	ssyncset.done $0x0  }
0x199: {  	[sflag:s25] =	ssyncadd.s32 $0xFFFFF000  }
0x19a: {  	_ =	swait.ge [sflag:s25], $0x1000  }
0x19b: {  	[sflag:s25] =	ssyncset.done $0x0  }
0x19c: {  	[sflag:s25] =	ssyncadd.s32 $0xFFFFF000  }
0x19d: {  	_ =	swait.ge [sflag:s25], $0x1000  }
0x19e: {  	[sflag:s25] =	ssyncset.done $0x0  }
0x19f: {  	[sflag:s25] =	ssyncadd.s32 $0xFFFFF000  }
0x1a0: {  	_ =	swait.ge [sflag:s25], $0x1000  }
0x1a1: {  	[sflag:s25] =	ssyncset.done $0x0  }
0x1a2: {  	s21 =	simm.s32 @!p0 $0x5;
	[sflag:s25] =	ssyncadd.s32 $0xFFFFF000  }
0x1a3: {  	_ =	swait.ge @!p0 [sflag:s21], $0x1000  }
0x1a4: {  	[sflag:s21] =	ssyncset.done @!p0 $0x0  }
0x1a5: {  	[sflag:s21] =	ssyncadd.s32 @!p0 $0xFFFFF000  }
0x1a6: {  	_ =	swait.ge @!p0 [sflag:s21], $0x1000  }
0x1a7: {  	[sflag:s21] =	ssyncset.done @!p0 $0x0  }
0x1a8: {  	[sflag:s21] =	ssyncadd.s32 @!p0 $0xFFFFF000  }
0x1a9: {  	s23 =	simm.s32 $0x0;
	_ =	swait.ge @!p0 [sflag:s21], $0x1000  }
0x1aa: {  	v2 =	vmov s23;
	s24 =	simm.s32 $0x0;
	[sflag:s21] =	ssyncset.done @!p0 $0x0  }
0x1ab: {  	v2 =	vmul.u32 $0x1100, v2;
	v3 =	vmov s24;
	[sflag:s21] =	ssyncadd.s32 @!p0 $0xFFFFF000  }
0x1ac: {  	s23 =	simm.s32 $0x1;
	s24 =	simm.s32 $0x2;
	v6 =	vand.u32 $0x4, v3;
	v7 =	vand.u32 $0x78, v3;
	_ =	swait.ge @!p0 [sflag:s21], $0x1000  }
0x1ad: {  	v3 =	vmov s23;
	v4 =	vmov s24;
	v8 =	vbroadcast v2, $0x0;
	s24 =	simm.s32 $0x3;
	[sflag:s21] =	ssyncset.done @!p0 $0x0  }
0x1ae: {  	v9 =	vand.u32 $0x5, v3;
	v10 =	vand.u32 $0x6, v4;
	v2 =	vmov s24;
	[sflag:s21] =	ssyncadd.s32 @!p0 $0xFFFFF000;
	s21 =	simm.s32 $0xA440  }
0x1af: {  	v11 =	vand.u32 $0x78, v3;
	v3 =	vadd.s32 v0, v8;
	v12 =	vand.u32 $0x78, v2;
	v5 =	vld [tilespmem:s21+$0x20]  }
0x1b0: {  	v13 =	vand.u32 $0x78, v4;
	s24 =	simm.s32 $0x5;
	v14 =	vand.u32 $0x7, v2;
	v2 =	vadd.s32 v12, v3;
	v4 =	vld [tilespmem:s21+$0xFFFFFFC0]  }
0x1b1: {  	v22 =	vmov s24;
	v15 =	vadd.s32 v7, v3;
	v18 =	vor.u32 v14, v2;
	v16 =	vld [tilespmem:s21+$0xFFFFFFE0]  }
0x1b2: {  	v8 =	vadd.s32 v1, v8;
	v17 =	vadd.s32 v11, v3;
	v15 =	vor.u32 v6, v15;
	v19 =	vld [tilespmem:s21+$0x0]  }
0x1b3: {  	v7 =	vadd.s32 v7, v8;
	v12 =	vadd.s32 v12, v8;
	v17 =	vor.u32 v9, v17  }
0x1b4: {  	s23 =	simm.s32 $0x4;
	v11 =	vadd.s32 v11, v8;
	v2 =	vadd.s32 v13, v3;
	v21 =	vmul.f32 $5.656854150e+00, v5  }
0x1b5: {  	v3 =	vmov s23;
	v20 =	vor.u32 v10, v2;
	v23 =	vmul.f32 $5.656854150e+00, v4  }
0x1b6: {  	s24 =	simm.s32 $0x0;
	v12 =	vor.u32 v14, v12;
	v14 =	vor.u32 v6, v7;
	v16 =	vmul.f32 $5.656854150e+00, v16;
	[tilespmem:v18+s26+$0x0] =	vst.idx.msk $0xffff, v21  }
0x1b7: {  	s23 =	simm.s32 $0x6;
	v6 =	vadd.s32 v13, v8;
	[tilespmem:v15+s26+$0x0] =	vst.idx.msk $0xffff, v23;
	v15 =	vmul.f32 $5.656854150e+00, v19;
	v19 =	vmov s24;
	v18 =	vld [tilespmem:s21+$0x30]  }
0x1b8: {  	v8 =	vand.u32 $0x78, v22;
	v58 =	vmov s23;
	[tilespmem:v17+s26+$0x0] =	vst.idx.msk $0xffff, v16;
	v21 =	vld [tilespmem:s21+$0xFFFFFFD0];
	v16 =	vmul.u32 $0x1100, v19  }
0x1b9: {  	v2 =	vand.u32 $0x4, v3;
	v6 =	vor.u32 v10, v6;
	v7 =	vand.u32 $0x78, v58  }
0x1ba: {  	s23 =	simm.s32 $0x7;
	v5 =	vand.u32 $0x78, v3;
	v19 =	vor.u32 v9, v11;
	v11 =	vld [tilespmem:s21+$0xFFFFFFF0];
	[tilespmem:v20+s26+$0x0] =	vst.idx.msk $0xffff, v15;
	v23 =	vbroadcast v16, $0x0  }
0x1bb: {  	v4 =	vand.u32 $0x5, v22;
	v3 =	vand.u32 $0x6, v58;
	v9 =	vmov s23;
	v13 =	vld [tilespmem:s21+$0x10];
	s21 =	simm.s32 $0xA4C0  }
0x1bc: {  	v10 =	vand.u32 $0x78, v9;
	v16 =	vadd.s32 v0, v23;
	v15 =	vmul.f32 $5.656854150e+00, v18;
	v18 =	vld [tilespmem:s21+$0x20]  }
0x1bd: {  	v9 =	vand.u32 $0x7, v9;
	v20 =	vmul.f32 $5.656854150e+00, v21;
	v21 =	vld [tilespmem:s21+$0xFFFFFFC0];
	v17 =	vadd.s32 v10, v16  }
0x1be: {  	v59 =	vld [tilespmem:s21+$0xFFFFFFE0];
	v22 =	vadd.s32 v5, v16;
	v60 =	vadd.s32 v8, v16;
	v61 =	vor.u32 v9, v17  }
0x1bf: {  	s22 =	simm.s32 $0x8;
	v63 =	vld [tilespmem:s21+$0x0];
	v16 =	vadd.s32 v7, v16;
	v62 =	vor.u32 v2, v22;
	v17 =	vor.u32 v4, v60  }
0x1c0: {  	s24 =	simm.s32 $0x9;
	v16 =	vor.u32 v3, v16;
	v22 =	vmul.f32 $5.656854150e+00, v11;
	[tilespmem:v12+s26+$0x0] =	vst.idx.msk $0xffff, v15;
	v12 =	vmov s22  }
0x1c1: {  	[tilespmem:v14+s26+$0x0] =	vst.idx.msk $0xffff, v20;
	v14 =	vmul.f32 $5.656854150e+00, v13;
	v20 =	vmov s24;
	v13 =	vmul.f32 $5.656854150e+00, v18  }
0x1c2: {  	s24 =	simm.s32 $0xA;
	v11 =	vand.u32 $0x4, v12;
	v15 =	vand.u32 $0x78, v12;
	[tilespmem:v19+s26+$0x0] =	vst.idx.msk $0xffff, v22;
	v18 =	vmul.f32 $5.656854150e+00, v21  }
0x1c3: {  	v12 =	vand.u32 $0x5, v20;
	v19 =	vmov s24;
	v22 =	vmul.f32 $5.656854150e+00, v59;
	[tilespmem:v61+s26+$0x0] =	vst.idx.msk $0xffff, v13  }
0x1c4: {  	s23 =	simm.s32 $0xC;
	s24 =	simm.s32 $0x0;
	v21 =	vadd.s32 v1, v23;
	v23 =	vmul.f32 $5.656854150e+00, v63;
	v13 =	vand.u32 $0x6, v19;
	[tilespmem:v62+s26+$0x0] =	vst.idx.msk $0xffff, v18;
	v18 =	vld [tilespmem:s21+$0x30]  }
.LBB2_9:
0x1c5: {  	p0 =	slt.u32 s23, $0x1FC;
	v24 =	vmov s24;
	v25 =	vld [tilespmem:s21+$0xFFFFFFD0];
	v26 =	vadd.s32 v5, v21;
	[tilespmem:v17+s26+$0x0] =	vst.idx.msk $0xffff, v22;
	v10 =	vadd.s32 v10, v21;
	v5 =	vmovc v15  }
0x1c6: {  	v8 =	vadd.s32 v8, v21;
	v15 =	vmul.u32 $0x1100, v24;
	v22 =	vld [tilespmem:s21+$0xFFFFFFF0];
	[tilespmem:v16+s26+$0x0] =	vst.idx.msk $0xffff, v23;
	v16 =	vor.u32 v9, v10  }
0x1c7: {  	v7 =	vadd.s32 v7, v21;
	v23 =	vor.u32 v2, v26;
	v24 =	vor.u32 v4, v8;
	v2 =	vmovc v11;
	v26 =	vld [tilespmem:s21+$0x10]  }
0x1c8: {  	s24 =	sadd.s32 $0x3, s22;
	s22 =	smov.u32 s23;
	v8 =	vand.u32 $0x78, v20;
	v4 =	vmovc v12;
	v21 =	vbroadcast v15, $0x0;
	[tilespmem:v6+s26+$0x0] =	vst.idx.msk $0xffff, v14;
	v6 =	vor.u32 v3, v7  }
0x1c9: {  	v9 =	vmov s24;
	s21 =	sadd.s32 $0x80, s21;
	v7 =	vand.u32 $0x78, v19;
	v3 =	vmovc v13;
	v11 =	vmul.f32 $5.656854150e+00, v18  }
0x1ca: {  	v10 =	vand.u32 $0x78, v9;
	v12 =	vadd.s32 v0, v21;
	v13 =	vld [tilespmem:s21+$0x20];
	v14 =	vmul.f32 $5.656854150e+00, v25  }
0x1cb: {  	v9 =	vand.u32 $0x7, v9;
	v18 =	vld [tilespmem:s21+$0xFFFFFFC0];
	v15 =	vadd.s32 v5, v12;
	v17 =	vadd.s32 v10, v12;
	[tilespmem:v16+s26+$0x0] =	vst.idx.msk $0xffff, v11  }
0x1cc: {  	v11 =	vadd.s32 v8, v12;
	v12 =	vadd.s32 v7, v12;
	v25 =	vld [tilespmem:s21+$0xFFFFFFE0];
	v27 =	vor.u32 v9, v17  }
0x1cd: {  	v28 =	vor.u32 v2, v15;
	v17 =	vor.u32 v4, v11;
	v16 =	vor.u32 v3, v12;
	v29 =	vld [tilespmem:s21+$0x0]  }
.Ltmp3:
0x1ce: {  	v19 =	vmul.f32 $5.656854150e+00, v22;
	v12 =	vmov s23;
	[tilespmem:v23+s26+$0x0] =	vst.idx.msk $0xffff, v14;
	v14 =	vmul.f32 $5.656854150e+00, v26;
	(pc) =	sbr.rel @p0 .LBB2_9-.Ltmp3, $4  }
0x1cf: {  	s24 =	sadd.s32 $0x1, s23;
	v11 =	vand.u32 $0x4, v12;
	v13 =	vmul.f32 $5.656854150e+00, v13  }
0x1d0: {  	v20 =	vmov s24;
	s24 =	sadd.s32 $0x2, s23;
	v15 =	vand.u32 $0x78, v12;
	v18 =	vmul.f32 $5.656854150e+00, v18;
	[tilespmem:v24+s26+$0x0] =	vst.idx.msk $0xffff, v19  }
0x1d1: {  	v12 =	vand.u32 $0x5, v20;
	v19 =	vmov s24;
	v22 =	vmul.f32 $5.656854150e+00, v25;
	[tilespmem:v27+s26+$0x0] =	vst.idx.msk $0xffff, v13  }
0x1d2: {  	v21 =	vadd.s32 v1, v21;
	s23 =	sadd.s32 $0x4, s23;
	s24 =	sshrl.u32 s22, $0x7;
	v13 =	vand.u32 $0x6, v19;
	[tilespmem:v28+s26+$0x0] =	vst.idx.msk $0xffff, v18;
	v23 =	vmul.f32 $5.656854150e+00, v29;
	v18 =	vld [tilespmem:s21+$0x30]  }
0x1d3: {  	v24 =	vmov s24  }
0x1d4: {  	v24 =	vmul.u32 $0x1100, v24;
	_ =	sdelay $0x1  }
0x1d5: {  	s22 =	sadd.s32 $0x3, s22;
	v24 =	vbroadcast v24, $0x0  }
0x1d6: {  	s24 =	sadd.s32 $0x80, s21;
	v25 =	vmov s22  }
0x1d7: {  	v27 =	vld [tilespmem:s24+$0x20];
	v28 =	vand.u32 $0x78, v25;
	v26 =	vadd.s32 v0, v24  }
0x1d8: {  	v29 =	vld [tilespmem:s24+$0xFFFFFFC0];
	v25 =	vand.u32 $0x7, v25;
	v30 =	vadd.s32 v28, v26  }
0x1d9: {  	v20 =	vand.u32 $0x78, v20;
	v32 =	vld [tilespmem:s24+$0xFFFFFFE0];
	v31 =	vadd.s32 v15, v26;
	v30 =	vor.u32 v25, v30  }
0x1da: {  	[tilespmem:v17+s26+$0x0] =	vst.idx.msk $0xffff, v22;
	v37 =	vand.u32 $0x78, v19;
	v40 =	vld [tilespmem:s24+$0x0];
	v38 =	vadd.s32 v20, v26;
	v39 =	vor.u32 v11, v31  }
0x1db: {  	v5 =	vadd.s32 v5, v21;
	v26 =	vadd.s32 v37, v26;
	v19 =	vor.u32 v12, v38  }
0x1dc: {  	v41 =	vld [tilespmem:s21+$0xFFFFFFD0];
	v10 =	vadd.s32 v10, v21;
	[tilespmem:v6+s26+$0x0] =	vst.idx.msk $0xffff, v14;
	v43 =	vmul.f32 $5.656854150e+00, v27;
	v42 =	vor.u32 v13, v26  }
0x1dd: {  	v8 =	vadd.s32 v8, v21;
	[tilespmem:v16+s26+$0x0] =	vst.idx.msk $0xffff, v23;
	v44 =	vor.u32 v9, v10;
	v45 =	vld [tilespmem:s21+$0xFFFFFFF0];
	v46 =	vmul.f32 $5.656854150e+00, v29  }
0x1de: {  	v7 =	vadd.s32 v7, v21;
	v2 =	vor.u32 v2, v5;
	v47 =	vld [tilespmem:s21+$0x10];
	v48 =	vmul.f32 $5.656854150e+00, v32;
	[tilespmem:v30+s26+$0x0] =	vst.idx.msk $0xffff, v43  }
0x1df: {  	v4 =	vor.u32 v4, v8;
	v49 =	vadd.s32 v1, v24;
	v50 =	vmul.f32 $5.656854150e+00, v40;
	[tilespmem:v39+s26+$0x0] =	vst.idx.msk $0xffff, v46;
	v51 =	vld [tilespmem:s24+$0x30]  }
0x1e0: {  	v3 =	vor.u32 v3, v7;
	v52 =	vmul.f32 $5.656854150e+00, v18;
	v54 =	vadd.s32 v28, v49;
	[tilespmem:v19+s26+$0x0] =	vst.idx.msk $0xffff, v48;
	v53 =	vld [tilespmem:s24+$0xFFFFFFD0]  }
0x1e1: {  	v16 =	vmul.f32 $5.656854150e+00, v41;
	v55 =	vadd.s32 v15, v49;
	v8 =	vor.u32 v25, v54;
	[tilespmem:v42+s26+$0x0] =	vst.idx.msk $0xffff, v50;
	v19 =	vld [tilespmem:s24+$0xFFFFFFF0]  }
0x1e2: {  	[tilespmem:v44+s26+$0x0] =	vst.idx.msk $0xffff, v52;
	v56 =	vmul.f32 $5.656854150e+00, v45;
	v57 =	vadd.s32 v20, v49;
	v58 =	vor.u32 v11, v55;
	v59 =	vld [tilespmem:s24+$0x10]  }
0x1e3: {  	v61 =	vadd.s32 v37, v49;
	[tilespmem:v2+s26+$0x0] =	vst.idx.msk $0xffff, v16;
	v2 =	vmul.f32 $5.656854150e+00, v47;
	v60 =	vor.u32 v12, v57  }
0x1e4: {  	v62 =	vor.u32 v13, v61;
	[tilespmem:v4+s26+$0x0] =	vst.idx.msk $0xffff, v56;
	v63 =	vmul.f32 $5.656854150e+00, v51  }
0x1e5: {  	[tilespmem:v3+s26+$0x0] =	vst.idx.msk $0xffff, v2;
	v2 =	vmul.f32 $5.656854150e+00, v53  }
0x1e6: {  	v3 =	vmul.f32 $5.656854150e+00, v19;
	[tilespmem:v8+s26+$0x0] =	vst.idx.msk $0xffff, v63  }
0x1e7: {  	[tilespmem:v58+s26+$0x0] =	vst.idx.msk $0xffff, v2;
	v2 =	vmul.f32 $5.656854150e+00, v59  }
0x1e8: {  	[tilespmem:v60+s26+$0x0] =	vst.idx.msk $0xffff, v3  }
0x1e9: {  	s23 =	simm.s32 @!p1 $0xA400;
	s22 =	simm.s32 @!p1 $0x80;
	s21 =	sadd.s32 @!p1 $0x600, s19;
	[tilespmem:v62+s26+$0x0] =	vst.idx.msk $0xffff, v2  }
0x1ea: {  	[tilespmem:s23], [sflag:$0x3] =	stream.indirect.gather @!p1 [hbm4b:s6+s22], $0x20, s21, s22, $0xb8;
	[tilespmem:$0x16C00] =	vst v63  }
0x1eb: {  	s21 =	sadd.s32 @!p1 $0x680, s19;
	s23 =	simm.s32 @!p1 $0xB400  }
0x1ec: {  	[tilespmem:s23], [sflag:$0x3] =	stream.indirect.gather @!p1 [hbm4b:s6+s22], $0x20, s21, s22, $0xb8;
	[tilespmem:$0x16C00] =	vst v63  }
0x1ed: {  	s21 =	sadd.s32 @!p1 $0x700, s19;
	s23 =	simm.s32 @!p1 $0xC400  }
0x1ee: {  	[tilespmem:s23], [sflag:$0x3] =	stream.indirect.gather @!p1 [hbm4b:s6+s22], $0x20, s21, s22, $0xb8;
	[tilespmem:$0x16C00] =	vst v63  }
0x1ef: {  	s19 =	sadd.s32 @!p1 $0x780, s19;
	s21 =	simm.s32 @!p1 $0xD400  }
0x1f0: {  	[tilespmem:s21], [sflag:$0x3] =	stream.indirect.gather @!p1 [hbm4b:s6+s22], $0x20, s19, s22, $0xb8;
	[tilespmem:$0x16C00] =	vst v63  }
0x1f1: {  	s21 =	sadd.s32 s20, s4  }
0x1f2: {  	s19 =	sadd.s32 $0x4, s21  }
0x1f3: {  	s22 =	sshll.u32 s19, $0x9;
	s19 =	sshll.u32 s19, $0x7  }
0x1f4: {  	s20 =	sand.u32 $0xFFFC000, s22;
	s19 =	sand.u32 $0xE00, s19  }
0x1f5: {  	s19 =	sor.u32 s19, s20  }
0x1f6: {  	s20 =	sadd.s32 s3, s19  }
0x1f7: {  	[hbm4b:s20+s5] =	stream.linear.scatter [tilespmem:s26], [sflag:$0x5], $0x80, $0x38;
	[tilespmem:$0x16C00] =	vst v63  }
0x1f8: {  	s24 =	simm.s32 $0x12888;
	s23 =	sadd.s32 $0x10, s20  }
0x1f9: {  	[hbm4b:s23+s5] =	stream.linear.scatter [tilespmem:s24], [sflag:$0x5], $0x80, $0x38;
	[tilespmem:$0x16C00] =	vst v63  }
0x1fa: {  	s23 =	sadd.s32 $0x20, s20;
	s24 =	simm.s32 $0x12910  }
0x1fb: {  	[hbm4b:s23+s5] =	stream.linear.scatter [tilespmem:s24], [sflag:$0x5], $0x80, $0x38;
	[tilespmem:$0x16C00] =	vst v63  }
0x1fc: {  	s23 =	sadd.s32 $0x30, s20;
	s24 =	simm.s32 $0x12998  }
0x1fd: {  	[hbm4b:s23+s5] =	stream.linear.scatter [tilespmem:s24], [sflag:$0x5], $0x80, $0x38;
	[tilespmem:$0x16C00] =	vst v63  }
0x1fe: {  	s23 =	sadd.s32 $0x40, s20;
	s24 =	simm.s32 $0x12A20  }
0x1ff: {  	[hbm4b:s23+s5] =	stream.linear.scatter [tilespmem:s24], [sflag:$0x5], $0x80, $0x38;
	[tilespmem:$0x16C00] =	vst v63  }
0x200: {  	s23 =	sadd.s32 $0x50, s20;
	s24 =	simm.s32 $0x12AA8  }
0x201: {  	[hbm4b:s23+s5] =	stream.linear.scatter [tilespmem:s24], [sflag:$0x5], $0x80, $0x38;
	[tilespmem:$0x16C00] =	vst v63  }
0x202: {  	s23 =	sadd.s32 $0x60, s20;
	s24 =	simm.s32 $0x12B30  }
0x203: {  	[hbm4b:s23+s5] =	stream.linear.scatter [tilespmem:s24], [sflag:$0x5], $0x80, $0x38;
	[tilespmem:$0x16C00] =	vst v63  }
0x204: {  	s23 =	sadd.s32 $0x70, s20;
	s24 =	simm.s32 $0x12BB8  }
0x205: {  	[hbm4b:s23+s5] =	stream.linear.scatter [tilespmem:s24], [sflag:$0x5], $0x80, $0x38;
	[tilespmem:$0x16C00] =	vst v63  }
0x206: {  	s23 =	sadd.s32 $0x80, s20;
	s24 =	simm.s32 $0x13900  }
0x207: {  	[hbm4b:s23+s5] =	stream.linear.scatter [tilespmem:s24], [sflag:$0x5], $0x80, $0x38;
	[tilespmem:$0x16C00] =	vst v63  }
0x208: {  	s23 =	sadd.s32 $0x90, s20;
	s24 =	simm.s32 $0x13988  }
0x209: {  	[hbm4b:s23+s5] =	stream.linear.scatter [tilespmem:s24], [sflag:$0x5], $0x80, $0x38;
	[tilespmem:$0x16C00] =	vst v63  }
0x20a: {  	s23 =	sadd.s32 $0xA0, s20;
	s24 =	simm.s32 $0x13A10  }
0x20b: {  	[hbm4b:s23+s5] =	stream.linear.scatter [tilespmem:s24], [sflag:$0x5], $0x80, $0x38;
	[tilespmem:$0x16C00] =	vst v63  }
0x20c: {  	s23 =	sadd.s32 $0xB0, s20;
	s24 =	simm.s32 $0x13A98  }
0x20d: {  	[hbm4b:s23+s5] =	stream.linear.scatter [tilespmem:s24], [sflag:$0x5], $0x80, $0x38;
	[tilespmem:$0x16C00] =	vst v63  }
0x20e: {  	s23 =	sadd.s32 $0xC0, s20;
	s24 =	simm.s32 $0x13B20  }
0x20f: {  	[hbm4b:s23+s5] =	stream.linear.scatter [tilespmem:s24], [sflag:$0x5], $0x80, $0x38;
	[tilespmem:$0x16C00] =	vst v63  }
0x210: {  	s23 =	sadd.s32 $0xD0, s20;
	s24 =	simm.s32 $0x13BA8  }
0x211: {  	[hbm4b:s23+s5] =	stream.linear.scatter [tilespmem:s24], [sflag:$0x5], $0x80, $0x38;
	[tilespmem:$0x16C00] =	vst v63  }
0x212: {  	s23 =	sadd.s32 $0xE0, s20;
	s24 =	simm.s32 $0x13C30  }
0x213: {  	[hbm4b:s23+s5] =	stream.linear.scatter [tilespmem:s24], [sflag:$0x5], $0x80, $0x38;
	[tilespmem:$0x16C00] =	vst v63  }
0x214: {  	s23 =	sadd.s32 $0xF0, s20;
	s24 =	simm.s32 $0x13CB8  }
0x215: {  	[hbm4b:s23+s5] =	stream.linear.scatter [tilespmem:s24], [sflag:$0x5], $0x80, $0x38;
	[tilespmem:$0x16C00] =	vst v63  }
0x216: {  	s23 =	sadd.s32 $0x100, s20;
	s24 =	simm.s32 $0x14A00  }
0x217: {  	[hbm4b:s23+s5] =	stream.linear.scatter [tilespmem:s24], [sflag:$0x5], $0x80, $0x38;
	[tilespmem:$0x16C00] =	vst v63  }
0x218: {  	s23 =	sadd.s32 $0x110, s20;
	s24 =	simm.s32 $0x14A88  }
0x219: {  	[hbm4b:s23+s5] =	stream.linear.scatter [tilespmem:s24], [sflag:$0x5], $0x80, $0x38;
	[tilespmem:$0x16C00] =	vst v63  }
0x21a: {  	s23 =	sadd.s32 $0x120, s20;
	s24 =	simm.s32 $0x14B10  }
0x21b: {  	[hbm4b:s23+s5] =	stream.linear.scatter [tilespmem:s24], [sflag:$0x5], $0x80, $0x38;
	[tilespmem:$0x16C00] =	vst v63  }
0x21c: {  	s23 =	sadd.s32 $0x130, s20;
	s24 =	simm.s32 $0x14B98  }
0x21d: {  	[hbm4b:s23+s5] =	stream.linear.scatter [tilespmem:s24], [sflag:$0x5], $0x80, $0x38;
	[tilespmem:$0x16C00] =	vst v63  }
0x21e: {  	s23 =	sadd.s32 $0x140, s20;
	s24 =	simm.s32 $0x14C20  }
0x21f: {  	[hbm4b:s23+s5] =	stream.linear.scatter [tilespmem:s24], [sflag:$0x5], $0x80, $0x38;
	[tilespmem:$0x16C00] =	vst v63  }
0x220: {  	s23 =	sadd.s32 $0x150, s20;
	s24 =	simm.s32 $0x14CA8  }
0x221: {  	[hbm4b:s23+s5] =	stream.linear.scatter [tilespmem:s24], [sflag:$0x5], $0x80, $0x38;
	[tilespmem:$0x16C00] =	vst v63  }
0x222: {  	s23 =	sadd.s32 $0x160, s20;
	s24 =	simm.s32 $0x14D30  }
0x223: {  	[hbm4b:s23+s5] =	stream.linear.scatter [tilespmem:s24], [sflag:$0x5], $0x80, $0x38;
	[tilespmem:$0x16C00] =	vst v63  }
0x224: {  	s23 =	sadd.s32 $0x170, s20;
	s24 =	simm.s32 $0x14DB8  }
0x225: {  	[hbm4b:s23+s5] =	stream.linear.scatter [tilespmem:s24], [sflag:$0x5], $0x80, $0x38;
	[tilespmem:$0x16C00] =	vst v63  }
0x226: {  	s23 =	sadd.s32 $0x180, s20;
	s24 =	simm.s32 $0x15B00  }
0x227: {  	[hbm4b:s23+s5] =	stream.linear.scatter [tilespmem:s24], [sflag:$0x5], $0x80, $0x38;
	[tilespmem:$0x16C00] =	vst v63  }
0x228: {  	s23 =	sadd.s32 $0x190, s20;
	s24 =	simm.s32 $0x15B88  }
0x229: {  	[hbm4b:s23+s5] =	stream.linear.scatter [tilespmem:s24], [sflag:$0x5], $0x80, $0x38;
	[tilespmem:$0x16C00] =	vst v63  }
0x22a: {  	s23 =	sadd.s32 $0x1A0, s20;
	s24 =	simm.s32 $0x15C10  }
0x22b: {  	[hbm4b:s23+s5] =	stream.linear.scatter [tilespmem:s24], [sflag:$0x5], $0x80, $0x38;
	[tilespmem:$0x16C00] =	vst v63  }
0x22c: {  	s23 =	sadd.s32 $0x1B0, s20;
	s24 =	simm.s32 $0x15C98  }
0x22d: {  	[hbm4b:s23+s5] =	stream.linear.scatter [tilespmem:s24], [sflag:$0x5], $0x80, $0x38;
	[tilespmem:$0x16C00] =	vst v63  }
0x22e: {  	s23 =	sadd.s32 $0x1C0, s20;
	s24 =	simm.s32 $0x15D20  }
0x22f: {  	[hbm4b:s23+s5] =	stream.linear.scatter [tilespmem:s24], [sflag:$0x5], $0x80, $0x38;
	[tilespmem:$0x16C00] =	vst v63  }
0x230: {  	s23 =	sadd.s32 $0x1D0, s20;
	s24 =	simm.s32 $0x15DA8  }
0x231: {  	[hbm4b:s23+s5] =	stream.linear.scatter [tilespmem:s24], [sflag:$0x5], $0x80, $0x38;
	[tilespmem:$0x16C00] =	vst v63  }
0x232: {  	s22 =	sadd.s32 $0x1E0, s20;
	s23 =	simm.s32 $0x15E30  }
0x233: {  	[hbm4b:s22+s5] =	stream.linear.scatter [tilespmem:s23], [sflag:$0x5], $0x80, $0x38;
	[tilespmem:$0x16C00] =	vst v63  }
0x234: {  	s20 =	sadd.s32 $0x1F0, s20;
	s24 =	simm.s32 $0x15EB8  }
0x235: {  	[hbm4b:s20+s5] =	stream.linear.scatter [tilespmem:s24], [sflag:$0x5], $0x80, $0x38;
	[tilespmem:$0x16C00] =	vst v63  }
0x236: {  	s22 =	simm.s32 $0x12C40;
	s20 =	sadd.s32 s19, s7  }
0x237: {  	[hbm4b:s20+s5] =	stream.linear.scatter [tilespmem:s22], [sflag:$0x5], $0x80, $0x38;
	[tilespmem:$0x16C00] =	vst v63  }
0x238: {  	s24 =	simm.s32 $0x12CC8;
	s23 =	sadd.s32 $0x10, s20  }
0x239: {  	[hbm4b:s23+s5] =	stream.linear.scatter [tilespmem:s24], [sflag:$0x5], $0x80, $0x38;
	[tilespmem:$0x16C00] =	vst v63  }
0x23a: {  	s23 =	sadd.s32 $0x20, s20;
	s24 =	simm.s32 $0x12D50  }
0x23b: {  	[hbm4b:s23+s5] =	stream.linear.scatter [tilespmem:s24], [sflag:$0x5], $0x80, $0x38;
	[tilespmem:$0x16C00] =	vst v63  }
0x23c: {  	s23 =	sadd.s32 $0x30, s20;
	s24 =	simm.s32 $0x12DD8  }
0x23d: {  	[hbm4b:s23+s5] =	stream.linear.scatter [tilespmem:s24], [sflag:$0x5], $0x80, $0x38;
	[tilespmem:$0x16C00] =	vst v63  }
0x23e: {  	s23 =	sadd.s32 $0x40, s20;
	s24 =	simm.s32 $0x12E60  }
0x23f: {  	[hbm4b:s23+s5] =	stream.linear.scatter [tilespmem:s24], [sflag:$0x5], $0x80, $0x38;
	[tilespmem:$0x16C00] =	vst v63  }
0x240: {  	s23 =	sadd.s32 $0x50, s20;
	s24 =	simm.s32 $0x12EE8  }
0x241: {  	[hbm4b:s23+s5] =	stream.linear.scatter [tilespmem:s24], [sflag:$0x5], $0x80, $0x38;
	[tilespmem:$0x16C00] =	vst v63  }
0x242: {  	s23 =	sadd.s32 $0x60, s20;
	s24 =	simm.s32 $0x12F70  }
0x243: {  	[hbm4b:s23+s5] =	stream.linear.scatter [tilespmem:s24], [sflag:$0x5], $0x80, $0x38;
	[tilespmem:$0x16C00] =	vst v63  }
0x244: {  	s23 =	sadd.s32 $0x70, s20;
	s24 =	simm.s32 $0x12FF8  }
0x245: {  	[hbm4b:s23+s5] =	stream.linear.scatter [tilespmem:s24], [sflag:$0x5], $0x80, $0x38;
	[tilespmem:$0x16C00] =	vst v63  }
0x246: {  	s23 =	sadd.s32 $0x80, s20;
	s24 =	simm.s32 $0x13D40  }
0x247: {  	[hbm4b:s23+s5] =	stream.linear.scatter [tilespmem:s24], [sflag:$0x5], $0x80, $0x38;
	[tilespmem:$0x16C00] =	vst v63  }
0x248: {  	s23 =	sadd.s32 $0x90, s20;
	s24 =	simm.s32 $0x13DC8  }
0x249: {  	[hbm4b:s23+s5] =	stream.linear.scatter [tilespmem:s24], [sflag:$0x5], $0x80, $0x38;
	[tilespmem:$0x16C00] =	vst v63  }
0x24a: {  	s23 =	sadd.s32 $0xA0, s20;
	s24 =	simm.s32 $0x13E50  }
0x24b: {  	[hbm4b:s23+s5] =	stream.linear.scatter [tilespmem:s24], [sflag:$0x5], $0x80, $0x38;
	[tilespmem:$0x16C00] =	vst v63  }
0x24c: {  	s23 =	sadd.s32 $0xB0, s20;
	s24 =	simm.s32 $0x13ED8  }
0x24d: {  	[hbm4b:s23+s5] =	stream.linear.scatter [tilespmem:s24], [sflag:$0x5], $0x80, $0x38;
	[tilespmem:$0x16C00] =	vst v63  }
0x24e: {  	s23 =	sadd.s32 $0xC0, s20;
	s24 =	simm.s32 $0x13F60  }
0x24f: {  	[hbm4b:s23+s5] =	stream.linear.scatter [tilespmem:s24], [sflag:$0x5], $0x80, $0x38;
	[tilespmem:$0x16C00] =	vst v63  }
0x250: {  	s23 =	sadd.s32 $0xD0, s20;
	s24 =	simm.s32 $0x13FE8  }
0x251: {  	[hbm4b:s23+s5] =	stream.linear.scatter [tilespmem:s24], [sflag:$0x5], $0x80, $0x38;
	[tilespmem:$0x16C00] =	vst v63  }
0x252: {  	s23 =	sadd.s32 $0xE0, s20;
	s24 =	simm.s32 $0x14070  }
0x253: {  	[hbm4b:s23+s5] =	stream.linear.scatter [tilespmem:s24], [sflag:$0x5], $0x80, $0x38;
	[tilespmem:$0x16C00] =	vst v63  }
0x254: {  	s23 =	sadd.s32 $0xF0, s20;
	s24 =	simm.s32 $0x140F8  }
0x255: {  	[hbm4b:s23+s5] =	stream.linear.scatter [tilespmem:s24], [sflag:$0x5], $0x80, $0x38;
	[tilespmem:$0x16C00] =	vst v63  }
0x256: {  	s23 =	sadd.s32 $0x100, s20;
	s24 =	simm.s32 $0x14E40  }
0x257: {  	[hbm4b:s23+s5] =	stream.linear.scatter [tilespmem:s24], [sflag:$0x5], $0x80, $0x38;
	[tilespmem:$0x16C00] =	vst v63  }
0x258: {  	s23 =	sadd.s32 $0x110, s20;
	s24 =	simm.s32 $0x14EC8  }
0x259: {  	[hbm4b:s23+s5] =	stream.linear.scatter [tilespmem:s24], [sflag:$0x5], $0x80, $0x38;
	[tilespmem:$0x16C00] =	vst v63  }
0x25a: {  	s23 =	sadd.s32 $0x120, s20;
	s24 =	simm.s32 $0x14F50  }
0x25b: {  	[hbm4b:s23+s5] =	stream.linear.scatter [tilespmem:s24], [sflag:$0x5], $0x80, $0x38;
	[tilespmem:$0x16C00] =	vst v63  }
0x25c: {  	s23 =	sadd.s32 $0x130, s20;
	s24 =	simm.s32 $0x14FD8  }
0x25d: {  	[hbm4b:s23+s5] =	stream.linear.scatter [tilespmem:s24], [sflag:$0x5], $0x80, $0x38;
	[tilespmem:$0x16C00] =	vst v63  }
0x25e: {  	s23 =	sadd.s32 $0x140, s20;
	s24 =	simm.s32 $0x15060  }
0x25f: {  	[hbm4b:s23+s5] =	stream.linear.scatter [tilespmem:s24], [sflag:$0x5], $0x80, $0x38;
	[tilespmem:$0x16C00] =	vst v63  }
0x260: {  	s23 =	sadd.s32 $0x150, s20;
	s24 =	simm.s32 $0x150E8  }
0x261: {  	[hbm4b:s23+s5] =	stream.linear.scatter [tilespmem:s24], [sflag:$0x5], $0x80, $0x38;
	[tilespmem:$0x16C00] =	vst v63  }
0x262: {  	s23 =	sadd.s32 $0x160, s20;
	s24 =	simm.s32 $0x15170  }
0x263: {  	[hbm4b:s23+s5] =	stream.linear.scatter [tilespmem:s24], [sflag:$0x5], $0x80, $0x38;
	[tilespmem:$0x16C00] =	vst v63  }
0x264: {  	s23 =	sadd.s32 $0x170, s20;
	s24 =	simm.s32 $0x151F8  }
0x265: {  	[hbm4b:s23+s5] =	stream.linear.scatter [tilespmem:s24], [sflag:$0x5], $0x80, $0x38;
	[tilespmem:$0x16C00] =	vst v63  }
0x266: {  	s23 =	sadd.s32 $0x180, s20;
	s24 =	simm.s32 $0x15F40  }
0x267: {  	[hbm4b:s23+s5] =	stream.linear.scatter [tilespmem:s24], [sflag:$0x5], $0x80, $0x38;
	[tilespmem:$0x16C00] =	vst v63  }
0x268: {  	s23 =	sadd.s32 $0x190, s20;
	s24 =	simm.s32 $0x15FC8  }
0x269: {  	[hbm4b:s23+s5] =	stream.linear.scatter [tilespmem:s24], [sflag:$0x5], $0x80, $0x38;
	[tilespmem:$0x16C00] =	vst v63  }
0x26a: {  	s23 =	sadd.s32 $0x1A0, s20;
	s24 =	simm.s32 $0x16050  }
0x26b: {  	[hbm4b:s23+s5] =	stream.linear.scatter [tilespmem:s24], [sflag:$0x5], $0x80, $0x38;
	[tilespmem:$0x16C00] =	vst v63  }
0x26c: {  	s23 =	sadd.s32 $0x1B0, s20;
	s24 =	simm.s32 $0x160D8  }
0x26d: {  	[hbm4b:s23+s5] =	stream.linear.scatter [tilespmem:s24], [sflag:$0x5], $0x80, $0x38;
	[tilespmem:$0x16C00] =	vst v63  }
0x26e: {  	s23 =	sadd.s32 $0x1C0, s20;
	s24 =	simm.s32 $0x16160  }
0x26f: {  	[hbm4b:s23+s5] =	stream.linear.scatter [tilespmem:s24], [sflag:$0x5], $0x80, $0x38;
	[tilespmem:$0x16C00] =	vst v63  }
0x270: {  	s23 =	sadd.s32 $0x1D0, s20;
	s24 =	simm.s32 $0x161E8  }
0x271: {  	[hbm4b:s23+s5] =	stream.linear.scatter [tilespmem:s24], [sflag:$0x5], $0x80, $0x38;
	[tilespmem:$0x16C00] =	vst v63  }
0x272: {  	s22 =	sadd.s32 $0x1E0, s20;
	s23 =	simm.s32 $0x16270  }
0x273: {  	[hbm4b:s22+s5] =	stream.linear.scatter [tilespmem:s23], [sflag:$0x5], $0x80, $0x38;
	[tilespmem:$0x16C00] =	vst v63  }
0x274: {  	s20 =	sadd.s32 $0x1F0, s20;
	s24 =	simm.s32 $0x162F8  }
0x275: {  	[hbm4b:s20+s5] =	stream.linear.scatter [tilespmem:s24], [sflag:$0x5], $0x80, $0x38;
	[tilespmem:$0x16C00] =	vst v63  }
0x276: {  	s22 =	simm.s32 $0x13080;
	s20 =	sadd.s32 s19, s8  }
0x277: {  	[hbm4b:s20+s5] =	stream.linear.scatter [tilespmem:s22], [sflag:$0x5], $0x80, $0x38;
	[tilespmem:$0x16C00] =	vst v63  }
0x278: {  	s24 =	simm.s32 $0x13108;
	s23 =	sadd.s32 $0x10, s20  }
0x279: {  	[hbm4b:s23+s5] =	stream.linear.scatter [tilespmem:s24], [sflag:$0x5], $0x80, $0x38;
	[tilespmem:$0x16C00] =	vst v63  }
0x27a: {  	s23 =	sadd.s32 $0x20, s20;
	s24 =	simm.s32 $0x13190  }
0x27b: {  	[hbm4b:s23+s5] =	stream.linear.scatter [tilespmem:s24], [sflag:$0x5], $0x80, $0x38;
	[tilespmem:$0x16C00] =	vst v63  }
0x27c: {  	s23 =	sadd.s32 $0x30, s20;
	s24 =	simm.s32 $0x13218  }
0x27d: {  	[hbm4b:s23+s5] =	stream.linear.scatter [tilespmem:s24], [sflag:$0x5], $0x80, $0x38;
	[tilespmem:$0x16C00] =	vst v63  }
0x27e: {  	s23 =	sadd.s32 $0x40, s20;
	s24 =	simm.s32 $0x132A0  }
0x27f: {  	[hbm4b:s23+s5] =	stream.linear.scatter [tilespmem:s24], [sflag:$0x5], $0x80, $0x38;
	[tilespmem:$0x16C00] =	vst v63  }
0x280: {  	s23 =	sadd.s32 $0x50, s20;
	s24 =	simm.s32 $0x13328  }
0x281: {  	[hbm4b:s23+s5] =	stream.linear.scatter [tilespmem:s24], [sflag:$0x5], $0x80, $0x38;
	[tilespmem:$0x16C00] =	vst v63  }
0x282: {  	s23 =	sadd.s32 $0x60, s20;
	s24 =	simm.s32 $0x133B0  }
0x283: {  	[hbm4b:s23+s5] =	stream.linear.scatter [tilespmem:s24], [sflag:$0x5], $0x80, $0x38;
	[tilespmem:$0x16C00] =	vst v63  }
0x284: {  	s23 =	sadd.s32 $0x70, s20;
	s24 =	simm.s32 $0x13438  }
0x285: {  	[hbm4b:s23+s5] =	stream.linear.scatter [tilespmem:s24], [sflag:$0x5], $0x80, $0x38;
	[tilespmem:$0x16C00] =	vst v63  }
0x286: {  	s23 =	sadd.s32 $0x80, s20;
	s24 =	simm.s32 $0x14180  }
0x287: {  	[hbm4b:s23+s5] =	stream.linear.scatter [tilespmem:s24], [sflag:$0x5], $0x80, $0x38;
	[tilespmem:$0x16C00] =	vst v63  }
0x288: {  	s23 =	sadd.s32 $0x90, s20;
	s24 =	simm.s32 $0x14208  }
0x289: {  	[hbm4b:s23+s5] =	stream.linear.scatter [tilespmem:s24], [sflag:$0x5], $0x80, $0x38;
	[tilespmem:$0x16C00] =	vst v63  }
0x28a: {  	s23 =	sadd.s32 $0xA0, s20;
	s24 =	simm.s32 $0x14290  }
0x28b: {  	[hbm4b:s23+s5] =	stream.linear.scatter [tilespmem:s24], [sflag:$0x5], $0x80, $0x38;
	[tilespmem:$0x16C00] =	vst v63  }
0x28c: {  	s23 =	sadd.s32 $0xB0, s20;
	s24 =	simm.s32 $0x14318  }
0x28d: {  	[hbm4b:s23+s5] =	stream.linear.scatter [tilespmem:s24], [sflag:$0x5], $0x80, $0x38;
	[tilespmem:$0x16C00] =	vst v63  }
0x28e: {  	s23 =	sadd.s32 $0xC0, s20;
	s24 =	simm.s32 $0x143A0  }
0x28f: {  	[hbm4b:s23+s5] =	stream.linear.scatter [tilespmem:s24], [sflag:$0x5], $0x80, $0x38;
	[tilespmem:$0x16C00] =	vst v63  }
0x290: {  	s23 =	sadd.s32 $0xD0, s20;
	s24 =	simm.s32 $0x14428  }
0x291: {  	[hbm4b:s23+s5] =	stream.linear.scatter [tilespmem:s24], [sflag:$0x5], $0x80, $0x38;
	[tilespmem:$0x16C00] =	vst v63  }
0x292: {  	s23 =	sadd.s32 $0xE0, s20;
	s24 =	simm.s32 $0x144B0  }
0x293: {  	[hbm4b:s23+s5] =	stream.linear.scatter [tilespmem:s24], [sflag:$0x5], $0x80, $0x38;
	[tilespmem:$0x16C00] =	vst v63  }
0x294: {  	s23 =	sadd.s32 $0xF0, s20;
	s24 =	simm.s32 $0x14538  }
0x295: {  	[hbm4b:s23+s5] =	stream.linear.scatter [tilespmem:s24], [sflag:$0x5], $0x80, $0x38;
	[tilespmem:$0x16C00] =	vst v63  }
0x296: {  	s23 =	sadd.s32 $0x100, s20;
	s24 =	simm.s32 $0x15280  }
0x297: {  	[hbm4b:s23+s5] =	stream.linear.scatter [tilespmem:s24], [sflag:$0x5], $0x80, $0x38;
	[tilespmem:$0x16C00] =	vst v63  }
0x298: {  	s23 =	sadd.s32 $0x110, s20;
	s24 =	simm.s32 $0x15308  }
0x299: {  	[hbm4b:s23+s5] =	stream.linear.scatter [tilespmem:s24], [sflag:$0x5], $0x80, $0x38;
	[tilespmem:$0x16C00] =	vst v63  }
0x29a: {  	s23 =	sadd.s32 $0x120, s20;
	s24 =	simm.s32 $0x15390  }
0x29b: {  	[hbm4b:s23+s5] =	stream.linear.scatter [tilespmem:s24], [sflag:$0x5], $0x80, $0x38;
	[tilespmem:$0x16C00] =	vst v63  }
0x29c: {  	s23 =	sadd.s32 $0x130, s20;
	s24 =	simm.s32 $0x15418  }
0x29d: {  	[hbm4b:s23+s5] =	stream.linear.scatter [tilespmem:s24], [sflag:$0x5], $0x80, $0x38;
	[tilespmem:$0x16C00] =	vst v63  }
0x29e: {  	s23 =	sadd.s32 $0x140, s20;
	s24 =	simm.s32 $0x154A0  }
0x29f: {  	[hbm4b:s23+s5] =	stream.linear.scatter [tilespmem:s24], [sflag:$0x5], $0x80, $0x38;
	[tilespmem:$0x16C00] =	vst v63  }
0x2a0: {  	s23 =	sadd.s32 $0x150, s20;
	s24 =	simm.s32 $0x15528  }
0x2a1: {  	[hbm4b:s23+s5] =	stream.linear.scatter [tilespmem:s24], [sflag:$0x5], $0x80, $0x38;
	[tilespmem:$0x16C00] =	vst v63  }
0x2a2: {  	s23 =	sadd.s32 $0x160, s20;
	s24 =	simm.s32 $0x155B0  }
0x2a3: {  	[hbm4b:s23+s5] =	stream.linear.scatter [tilespmem:s24], [sflag:$0x5], $0x80, $0x38;
	[tilespmem:$0x16C00] =	vst v63  }
0x2a4: {  	s23 =	sadd.s32 $0x170, s20;
	s24 =	simm.s32 $0x15638  }
0x2a5: {  	[hbm4b:s23+s5] =	stream.linear.scatter [tilespmem:s24], [sflag:$0x5], $0x80, $0x38;
	[tilespmem:$0x16C00] =	vst v63  }
0x2a6: {  	s23 =	sadd.s32 $0x180, s20;
	s24 =	simm.s32 $0x16380  }
0x2a7: {  	[hbm4b:s23+s5] =	stream.linear.scatter [tilespmem:s24], [sflag:$0x5], $0x80, $0x38;
	[tilespmem:$0x16C00] =	vst v63  }
0x2a8: {  	s23 =	sadd.s32 $0x190, s20;
	s24 =	simm.s32 $0x16408  }
0x2a9: {  	[hbm4b:s23+s5] =	stream.linear.scatter [tilespmem:s24], [sflag:$0x5], $0x80, $0x38;
	[tilespmem:$0x16C00] =	vst v63  }
0x2aa: {  	s23 =	sadd.s32 $0x1A0, s20;
	s24 =	simm.s32 $0x16490  }
0x2ab: {  	[hbm4b:s23+s5] =	stream.linear.scatter [tilespmem:s24], [sflag:$0x5], $0x80, $0x38;
	[tilespmem:$0x16C00] =	vst v63  }
0x2ac: {  	s23 =	sadd.s32 $0x1B0, s20;
	s24 =	simm.s32 $0x16518  }
0x2ad: {  	[hbm4b:s23+s5] =	stream.linear.scatter [tilespmem:s24], [sflag:$0x5], $0x80, $0x38;
	[tilespmem:$0x16C00] =	vst v63  }
0x2ae: {  	s23 =	sadd.s32 $0x1C0, s20;
	s24 =	simm.s32 $0x165A0  }
0x2af: {  	[hbm4b:s23+s5] =	stream.linear.scatter [tilespmem:s24], [sflag:$0x5], $0x80, $0x38;
	[tilespmem:$0x16C00] =	vst v63  }
0x2b0: {  	s23 =	sadd.s32 $0x1D0, s20;
	s24 =	simm.s32 $0x16628  }
0x2b1: {  	[hbm4b:s23+s5] =	stream.linear.scatter [tilespmem:s24], [sflag:$0x5], $0x80, $0x38;
	[tilespmem:$0x16C00] =	vst v63  }
0x2b2: {  	s22 =	sadd.s32 $0x1E0, s20;
	s23 =	simm.s32 $0x166B0  }
0x2b3: {  	[hbm4b:s22+s5] =	stream.linear.scatter [tilespmem:s23], [sflag:$0x5], $0x80, $0x38;
	[tilespmem:$0x16C00] =	vst v63  }
0x2b4: {  	s20 =	sadd.s32 $0x1F0, s20;
	s24 =	simm.s32 $0x16738  }
0x2b5: {  	[hbm4b:s20+s5] =	stream.linear.scatter [tilespmem:s24], [sflag:$0x5], $0x80, $0x38;
	[tilespmem:$0x16C00] =	vst v63  }
0x2b6: {  	s19 =	sadd.s32 s19, s9;
	s22 =	simm.s32 $0x134C0  }
0x2b7: {  	[hbm4b:s19+s5] =	stream.linear.scatter [tilespmem:s22], [sflag:$0x5], $0x80, $0x38;
	[tilespmem:$0x16C00] =	vst v63  }
0x2b8: {  	s23 =	sadd.s32 $0x10, s19;
	s24 =	simm.s32 $0x13548  }
0x2b9: {  	[hbm4b:s23+s5] =	stream.linear.scatter [tilespmem:s24], [sflag:$0x5], $0x80, $0x38;
	[tilespmem:$0x16C00] =	vst v63  }
0x2ba: {  	s21 =	sadd.s32 $0x20, s19;
	s22 =	simm.s32 $0x135D0  }
0x2bb: {  	[hbm4b:s21+s5] =	stream.linear.scatter [tilespmem:s22], [sflag:$0x5], $0x80, $0x38;
	[tilespmem:$0x16C00] =	vst v63  }
0x2bc: {  	s23 =	sadd.s32 $0x30, s19;
	s24 =	simm.s32 $0x13658  }
0x2bd: {  	[hbm4b:s23+s5] =	stream.linear.scatter [tilespmem:s24], [sflag:$0x5], $0x80, $0x38;
	[tilespmem:$0x16C00] =	vst v63  }
0x2be: {  	s21 =	sadd.s32 $0x40, s19;
	s22 =	simm.s32 $0x136E0  }
0x2bf: {  	[hbm4b:s21+s5] =	stream.linear.scatter [tilespmem:s22], [sflag:$0x5], $0x80, $0x38;
	[tilespmem:$0x16C00] =	vst v63  }
0x2c0: {  	s23 =	sadd.s32 $0x50, s19;
	s24 =	simm.s32 $0x13768  }
0x2c1: {  	[hbm4b:s23+s5] =	stream.linear.scatter [tilespmem:s24], [sflag:$0x5], $0x80, $0x38;
	[tilespmem:$0x16C00] =	vst v63  }
0x2c2: {  	s21 =	sadd.s32 $0x60, s19;
	s22 =	simm.s32 $0x137F0  }
0x2c3: {  	[hbm4b:s21+s5] =	stream.linear.scatter [tilespmem:s22], [sflag:$0x5], $0x80, $0x38;
	[tilespmem:$0x16C00] =	vst v63  }
0x2c4: {  	s23 =	sadd.s32 $0x70, s19;
	s24 =	simm.s32 $0x13878  }
0x2c5: {  	[hbm4b:s23+s5] =	stream.linear.scatter [tilespmem:s24], [sflag:$0x5], $0x80, $0x38;
	[tilespmem:$0x16C00] =	vst v63  }
0x2c6: {  	s21 =	sadd.s32 $0x80, s19;
	s22 =	simm.s32 $0x145C0  }
0x2c7: {  	[hbm4b:s21+s5] =	stream.linear.scatter [tilespmem:s22], [sflag:$0x5], $0x80, $0x38;
	[tilespmem:$0x16C00] =	vst v63  }
0x2c8: {  	s23 =	sadd.s32 $0x90, s19;
	s24 =	simm.s32 $0x14648  }
0x2c9: {  	[hbm4b:s23+s5] =	stream.linear.scatter [tilespmem:s24], [sflag:$0x5], $0x80, $0x38;
	[tilespmem:$0x16C00] =	vst v63  }
0x2ca: {  	s21 =	sadd.s32 $0xA0, s19;
	s22 =	simm.s32 $0x146D0  }
0x2cb: {  	[hbm4b:s21+s5] =	stream.linear.scatter [tilespmem:s22], [sflag:$0x5], $0x80, $0x38;
	[tilespmem:$0x16C00] =	vst v63  }
0x2cc: {  	s23 =	sadd.s32 $0xB0, s19;
	s24 =	simm.s32 $0x14758  }
0x2cd: {  	[hbm4b:s23+s5] =	stream.linear.scatter [tilespmem:s24], [sflag:$0x5], $0x80, $0x38;
	[tilespmem:$0x16C00] =	vst v63  }
0x2ce: {  	s21 =	sadd.s32 $0xC0, s19;
	s22 =	simm.s32 $0x147E0  }
0x2cf: {  	[hbm4b:s21+s5] =	stream.linear.scatter [tilespmem:s22], [sflag:$0x5], $0x80, $0x38;
	[tilespmem:$0x16C00] =	vst v63  }
0x2d0: {  	s23 =	sadd.s32 $0xD0, s19;
	s24 =	simm.s32 $0x14868  }
0x2d1: {  	[hbm4b:s23+s5] =	stream.linear.scatter [tilespmem:s24], [sflag:$0x5], $0x80, $0x38;
	[tilespmem:$0x16C00] =	vst v63  }
0x2d2: {  	s21 =	sadd.s32 $0xE0, s19;
	s22 =	simm.s32 $0x148F0  }
0x2d3: {  	[hbm4b:s21+s5] =	stream.linear.scatter [tilespmem:s22], [sflag:$0x5], $0x80, $0x38;
	[tilespmem:$0x16C00] =	vst v63  }
0x2d4: {  	s23 =	sadd.s32 $0xF0, s19;
	s24 =	simm.s32 $0x14978  }
0x2d5: {  	[hbm4b:s23+s5] =	stream.linear.scatter [tilespmem:s24], [sflag:$0x5], $0x80, $0x38;
	[tilespmem:$0x16C00] =	vst v63  }
0x2d6: {  	s21 =	sadd.s32 $0x100, s19;
	s22 =	simm.s32 $0x156C0  }
0x2d7: {  	[hbm4b:s21+s5] =	stream.linear.scatter [tilespmem:s22], [sflag:$0x5], $0x80, $0x38;
	[tilespmem:$0x16C00] =	vst v63  }
0x2d8: {  	s23 =	sadd.s32 $0x110, s19;
	s24 =	simm.s32 $0x15748  }
0x2d9: {  	[hbm4b:s23+s5] =	stream.linear.scatter [tilespmem:s24], [sflag:$0x5], $0x80, $0x38;
	[tilespmem:$0x16C00] =	vst v63  }
0x2da: {  	s21 =	sadd.s32 $0x120, s19;
	s22 =	simm.s32 $0x157D0  }
0x2db: {  	[hbm4b:s21+s5] =	stream.linear.scatter [tilespmem:s22], [sflag:$0x5], $0x80, $0x38;
	[tilespmem:$0x16C00] =	vst v63  }
0x2dc: {  	s23 =	sadd.s32 $0x130, s19;
	s24 =	simm.s32 $0x15858  }
0x2dd: {  	[hbm4b:s23+s5] =	stream.linear.scatter [tilespmem:s24], [sflag:$0x5], $0x80, $0x38;
	[tilespmem:$0x16C00] =	vst v63  }
0x2de: {  	s21 =	sadd.s32 $0x140, s19;
	s22 =	simm.s32 $0x158E0  }
0x2df: {  	[hbm4b:s21+s5] =	stream.linear.scatter [tilespmem:s22], [sflag:$0x5], $0x80, $0x38;
	[tilespmem:$0x16C00] =	vst v63  }
0x2e0: {  	s23 =	sadd.s32 $0x150, s19;
	s24 =	simm.s32 $0x15968  }
0x2e1: {  	[hbm4b:s23+s5] =	stream.linear.scatter [tilespmem:s24], [sflag:$0x5], $0x80, $0x38;
	[tilespmem:$0x16C00] =	vst v63  }
0x2e2: {  	s21 =	sadd.s32 $0x160, s19;
	s22 =	simm.s32 $0x159F0  }
0x2e3: {  	[hbm4b:s21+s5] =	stream.linear.scatter [tilespmem:s22], [sflag:$0x5], $0x80, $0x38;
	[tilespmem:$0x16C00] =	vst v63  }
0x2e4: {  	s23 =	sadd.s32 $0x170, s19;
	s24 =	simm.s32 $0x15A78  }
0x2e5: {  	[hbm4b:s23+s5] =	stream.linear.scatter [tilespmem:s24], [sflag:$0x5], $0x80, $0x38;
	[tilespmem:$0x16C00] =	vst v63  }
0x2e6: {  	s21 =	sadd.s32 $0x180, s19;
	s22 =	simm.s32 $0x167C0  }
0x2e7: {  	[hbm4b:s21+s5] =	stream.linear.scatter [tilespmem:s22], [sflag:$0x5], $0x80, $0x38;
	[tilespmem:$0x16C00] =	vst v63  }
0x2e8: {  	s23 =	sadd.s32 $0x190, s19  }
0x2e9: {  	[hbm4b:s23+s5] =	stream.linear.scatter [tilespmem:s28], [sflag:$0x5], $0x80, $0x38;
	[tilespmem:$0x16C00] =	vst v63  }
0x2ea: {  	s24 =	sadd.s32 $0x1A0, s19  }
0x2eb: {  	[hbm4b:s24+s5] =	stream.linear.scatter [tilespmem:s29], [sflag:$0x5], $0x80, $0x38;
	[tilespmem:$0x16C00] =	vst v63  }
0x2ec: {  	s21 =	sadd.s32 $0x1B0, s19  }
0x2ed: {  	[hbm4b:s21+s5] =	stream.linear.scatter [tilespmem:s30], [sflag:$0x5], $0x80, $0x38;
	[tilespmem:$0x16C00] =	vst v63  }
0x2ee: {  	s18 =	sadd.s32 $0x1, s18;
	s22 =	sadd.s32 $0x1C0, s19  }
0x2ef: {  	[hbm4b:s22+s5] =	stream.linear.scatter [tilespmem:s31], [sflag:$0x5], $0x80, $0x38;
	[tilespmem:$0x16C00] =	vst v63  }
0x2f0: {  	p0 =	sne.s32 s18, $0x19;
	s23 =	sadd.s32 $0x1D0, s19  }
0x2f1: {  	[hbm4b:s23+s5] =	stream.linear.scatter [tilespmem:s10], [sflag:$0x5], $0x80, $0x38;
	[tilespmem:$0x16C00] =	vst v63  }
.Ltmp4:
0x2f2: {  	_ = 	snop;
	(pc) =	sbr.rel @p0 .LBB2_6-.Ltmp4, $4  }
0x2f3: {  	s24 =	sadd.s32 $0x1E0, s19  }
0x2f4: {  	[hbm4b:s24+s5] =	stream.linear.scatter [tilespmem:s12], [sflag:$0x5], $0x80, $0x38;
	[tilespmem:$0x16C00] =	vst v63  }
0x2f5: {  	s19 =	sadd.s32 $0x1F0, s19  }
0x2f6: {  	[hbm4b:s19+s5] =	stream.linear.scatter [tilespmem:s13], [sflag:$0x5], $0x80, $0x38;
	[tilespmem:$0x16C00] =	vst v63  }
0x2f7: {  	s17 =	simm.s32 $0x4  }
0x2f8: {  	_ =	swait.ge [sflag:s17], $0x1000  }
0x2f9: {  	[sflag:s17] =	ssyncset.done $0x0  }
0x2fa: {  	[sflag:s17] =	ssyncadd.s32 $0xFFFFF000  }
0x2fb: {  	_ =	swait.ge [sflag:s17], $0x1000  }
0x2fc: {  	[sflag:s17] =	ssyncset.done $0x0  }
0x2fd: {  	[sflag:s17] =	ssyncadd.s32 $0xFFFFF000  }
0x2fe: {  	_ =	swait.ge [sflag:s17], $0x1000  }
0x2ff: {  	[sflag:s17] =	ssyncset.done $0x0  }
0x300: {  	[sflag:s17] =	ssyncadd.s32 $0xFFFFF000  }
0x301: {  	_ =	swait.ge [sflag:s17], $0x1000  }
0x302: {  	[sflag:s17] =	ssyncset.done $0x0  }
0x303: {  	s18 =	simm.s32 $0x5;
	[sflag:s17] =	ssyncadd.s32 $0xFFFFF000  }
0x304: {  	_ =	swait.ge [sflag:s18], $0x1000  }
0x305: {  	[sflag:s18] =	ssyncset.done $0x0  }
0x306: {  	[sflag:s18] =	ssyncadd.s32 $0xFFFFF000  }
0x307: {  	_ =	swait.ge [sflag:s18], $0x1000  }
0x308: {  	[sflag:s18] =	ssyncset.done $0x0  }
0x309: {  	[sflag:s18] =	ssyncadd.s32 $0xFFFFF000  }
0x30a: {  	_ =	swait.ge [sflag:s18], $0x1000  }
0x30b: {  	[sflag:s18] =	ssyncset.done $0x0  }
0x30c: {  	[sflag:s18] =	ssyncadd.s32 $0xFFFFF000  }
0x30d: {  	_ =	swait.ge [sflag:s18], $0x1000  }
0x30e: {  	s19 =	rddreg [dreg:$0x7]  }
0x30f: {  	s24 =	rddreg [dreg:$0x4];
	s19 =	sadd.s32 $0x1, s19  }
0x310: {  	p0 =	sne.s32 s19, s24  }
.Ltmp5:
0x311: {  	_ = 	snop;
	(pc) =	sbr.rel @p0 .LBB2_1-.Ltmp5, $3  }
0x312: {  	_ =	sdelay $0x1  }
0x313: {  	[sflag:s18] =	ssyncset.done $0x0  }
0x314: {  	[sflag:s18] =	ssyncadd.s32 $0xFFFFF000  }
0x315: {  	_ =	sfence.sel $0x180000  }
0x316: {  	[bflag:$0x0] =	sbarrier.arrive $0xFFFF  }
0x317: {  	_ =	strace $0x9000004A  }
0x318: {  	s0 =	stileid.u32;
	[bflag:$0x2] =	sbarrier.arrive $0xFFFF  }
0x319: {  	p0 =	sne.s32 s0, $0x0;
	s0 =	rddreg [dreg:$0x3]  }
0x31a: {  	s0 =	sadd.s32 @!p0 $0x100000, s0  }
0x31b: {  	[sflag:s0] =	ssyncadd.tile.s32 @!p0 $0x1;
	_ =	shalt  }
.Lfunc_end2:
_tile_overlayer_lowered:
.L_overlay_start_2:
0x31c: {  	(tag) =	ssettag $0x2  }
0x31d: {  	s0 =	rddreg [dreg:$0x0];
	s2 =	stileid.u32  }
0x31e: {  	s1 =	rddreg [dreg:$0x1];
	p0 =	sne.s32 s2, $0x0  }
0x31f: {  	s3 =	rddreg [dreg:$0x2];
	[bflag:$0x3] =	sbarrier.arrive $0xFFFF;
	s2 =	simm.s32 @!p0 $0x1C06  }
0x320: {  	[timem:s3], [sflag:s2] =	dma.local @!p0 [hbm:s0], s1  }
0x321: {  	s0 =	simm.s32 @!p0 $0x6  }
0x322: {  	_ =	swait.ge @!p0 [sflag:s0], s1  }
0x323: {  	s1 =	ssub.s32 @!p0 $0x0, s1;
	[sflag:s0] =	ssyncset.done @!p0 $0x0  }
0x324: {  	[sflag:s0] =	ssyncadd.s32 @!p0 s1  }
0x325: {  	[bflag:$0x3] =	sbarrier.arrive $0xFFFF  }
0x326: {  	_ =	shalt  }

</sc_bundles>
